<compile_context>
chip_gen: v7x
topology: tpu7x:2x2x1
jax: 0.10.2.dev20260603
libtpu: 0.0.44.dev20260713+nightly
codegen_flags: <defaults>
</compile_context>

<pallas_src>
import numpy as np
import jax
import jax.numpy as jnp
from jax.experimental import pallas as pl
from jax.experimental.pallas import tpu as pltpu

K = 4
d = 8
D = K * d
T = 12
NUM_HIS = 12
NUM_PRED = 12
N = 512
B = 2
E = 8192
WINDOW = 3
EMB = 64
MAXN = 40
TN = T * N
_INV_SQRT_HD = 1.0 / (d ** 0.5)
_NEG_BIG = -3e38
_HI = jax.lax.Precision.HIGHEST


def _fc(x, p):
    return x @ p["w"] + p["b"]


def _dotT(a, b, precision=None):
    return jax.lax.dot_general(a, b, (((0,), (0,)), ((), ())),
                               preferred_element_type=jnp.float32,
                               precision=precision)


def _dotR(a, b, precision=None):
    return jax.lax.dot_general(a, b, (((1,), (1,)), ((), ())),
                               preferred_element_type=jnp.float32,
                               precision=precision)


def _layer_kernel(x_ref, ste_ref,
                  a_add, l_add,
                  a_wq, a_bq, a_wk, a_bk, a_wv, a_bv, a_wo, a_bo, a_lg, a_lb,
                  l_wq, l_bq, l_wk, l_bk, l_wv, l_bv, l_wo, l_bo, l_lg, l_lb,
                  f_ws, f_wt, f_b, f_w1, f_b1, f_w2, f_b2,
                  o_ref,
                  qc_s, kc_s, v_s, hsA, hsL):
    xT = x_ref[0]
    sT = ste_ref[0]
    ones8 = jnp.ones((d, N), jnp.float32)
    d4 = 4 * d

    for g in range(2):
        wq, bq = (a_wq, a_bq) if g == 0 else (l_wq, l_bq)
        wk, bk = (a_wk, a_bk) if g == 0 else (l_wk, l_bk)
        wv, bv = (a_wv, a_bv) if g == 0 else (l_wv, l_bv)
        add_ref = a_add if g == 0 else l_add
        hs_ref = hsA if g == 0 else hsL

        q = (_dotT(wq[:D], xT) + _dotT(wq[D:], sT)
             + bq[...]) * _INV_SQRT_HD
        k = _dotT(wk[:D], xT) + _dotT(wk[D:], sT) + bk[...]
        v_s[...] = _dotT(wv[:D], xT) + _dotT(wv[D:], sT) + bv[...]
        q_lo = q - q.astype(jnp.bfloat16).astype(jnp.float32)
        k_lo = k - k.astype(jnp.bfloat16).astype(jnp.float32)
        zero8 = jnp.zeros((d, TN), jnp.float32)
        qparts = []
        kparts = []
        for kk in range(K):
            hsl = slice(kk * d, (kk + 1) * d)
            qparts += [q[hsl], q[hsl], q_lo[hsl], zero8]
            kparts += [k[hsl], k_lo[hsl], k[hsl], zero8]
        qc_s[...] = jnp.concatenate(qparts, axis=0).astype(jnp.bfloat16)
        kc_s[...] = jnp.concatenate(kparts, axis=0).astype(jnp.bfloat16)

        def att_body(t, _):
            st0 = jnp.where(t == 0, 2, t - 1)
            st2 = jnp.where(t == T - 1, T - WINDOW, t + 1)
            JT = 128
            for kk in range(K):
                for jt in range(N // JT):
                    qs = qc_s[kk * d4:(kk + 1) * d4,
                              pl.ds(t * N + jt * JT, JT)]
                    adt = add_ref[jt * JT:(jt + 1) * JT, :]
                    acc = jnp.zeros((d, JT), jnp.float32)
                    for st in (st0, t, st2):
                        ks = kc_s[kk * d4:(kk + 1) * d4, pl.ds(st * N, N)]
                        vs = v_s[kk * d:(kk + 1) * d, pl.ds(st * N, N)]
                        sm = _dotT(qs, ks) + adt
                        m = jnp.maximum(jnp.max(sm, axis=1, keepdims=True),
                                        -1e30)
                        e = jnp.exp(sm - m)
                        den = _dotR(ones8, e)[0:1, :] + 1e-16
                        h = _dotR(vs, e)
                        acc = acc + h / den
                    hs_ref[kk * d:(kk + 1) * d,
                           pl.ds(t * N + jt * JT, JT)] = acc * (1.0 / 3)
            return 0

        jax.lax.fori_loop(0, T, att_body, 0)

    def ep_body(t, _):
        sl = pl.ds(t * N, N)
        x_t = x_ref[0, :, sl]
        ra = _dotT(a_wo[...], hsA[:, sl]) + a_bo[...] + x_t
        mu = jnp.mean(ra, axis=0, keepdims=True)
        xc = ra - mu
        var = jnp.mean(xc * xc, axis=0, keepdims=True)
        hA = xc / jnp.sqrt(var + 1e-5) * a_lg[...] + a_lb[...]
        rl = _dotT(l_wo[...], hsL[:, sl]) + l_bo[...] + x_t
        mu2 = jnp.mean(rl, axis=0, keepdims=True)
        xc2 = rl - mu2
        var2 = jnp.mean(xc2 * xc2, axis=0, keepdims=True)
        hL = xc2 / jnp.sqrt(var2 + 1e-5) * l_lg[...] + l_lb[...]
        z = jax.nn.sigmoid(_dotT(f_ws[...], hA) + _dotT(f_wt[...], hL)
                           + f_b[...])
        hf = z * hA + (1.0 - z) * hL
        out = (_dotT(f_w2[...],
                     jax.nn.relu(_dotT(f_w1[...], hf) + f_b1[...]))
               + f_b2[...])
        o_ref[0, :, sl] = out
        return 0

    jax.lax.fori_loop(0, T, ep_body, 0)


def _col(a):
    return a.reshape(-1, 1)


def _st_layer_call(lp, xT, steT, l_add):
    a_add = _adp_maskset(lp["adp"]["nodevec1"], lp["adp"]["nodevec2"])
    ap, lo = lp["adp"], lp["loc"]
    args = (
        xT, steT, a_add, l_add,
        ap["FC_q"]["w"], _col(ap["FC_q"]["b"]),
        ap["FC_k"]["w"], _col(ap["FC_k"]["b"]),
        ap["FC_v"]["w"], _col(ap["FC_v"]["b"]),
        ap["out"]["w"], _col(ap["out"]["b"]),
        _col(ap["ln_g"]), _col(ap["ln_b"]),
        lo["FC_q"]["w"], _col(lo["FC_q"]["b"]),
        lo["FC_k"]["w"], _col(lo["FC_k"]["b"]),
        lo["FC_v"]["w"], _col(lo["FC_v"]["b"]),
        lo["out"]["w"], _col(lo["out"]["b"]),
        _col(lo["ln_g"]), _col(lo["ln_b"]),
        lp["fus_ws"], lp["fus_wt"], _col(lp["fus_b"]),
        lp["fus_fc1"]["w"], _col(lp["fus_fc1"]["b"]),
        lp["fus_fc2"]["w"], _col(lp["fus_fc2"]["b"]),
    )

    def _full(a):
        nd = a.ndim
        return pl.BlockSpec(a.shape, lambda b, _nd=nd: (0,) * _nd)

    return pl.pallas_call(
        _layer_kernel,
        grid=(B,),
        in_specs=[
            pl.BlockSpec((1, D, TN), lambda b: (b, 0, 0)),
            pl.BlockSpec((1, D, TN), lambda b: (b, 0, 0)),
        ] + [_full(a) for a in args[2:]],
        out_specs=pl.BlockSpec((1, D, TN), lambda b: (b, 0, 0)),
        out_shape=jax.ShapeDtypeStruct((B, D, TN), jnp.float32),
        scratch_shapes=[pltpu.VMEM((4 * D, TN), jnp.bfloat16)] * 2
        + [pltpu.VMEM((D, TN), jnp.float32)] * 3,
    )(*args)


def _adp_maskset(nv1, nv2):
    a = jax.nn.softmax(jax.nn.relu(nv1 @ nv2), axis=1)
    vals, _ = jax.lax.top_k(a, MAXN)
    kth = vals[:, MAXN - 1]
    exist = (a >= kth[:, None]).T
    valid = (a > (1.0 / N)).T
    addc = jnp.where(exist,
                     jnp.where(valid, 0.0, -1e9),
                     _NEG_BIG).astype(jnp.float32)
    return addc


def _loc_maskset(edge_index):
    lsrc = edge_index[0]
    ldst = edge_index[1]
    cnt = jnp.zeros((N, N), jnp.float32).at[ldst, lsrc].add(1.0)
    addc = jnp.where(cnt > 0, jnp.log(jnp.maximum(cnt, 1.0)), _NEG_BIG)
    return addc.astype(jnp.float32)


def _st_embedding(p, TE):
    se = _fc(jax.nn.relu(_fc(p["SE"], p["ste_se1"])), p["ste_se2"])
    dow = jax.nn.one_hot(TE[..., 0], 7, dtype=jnp.float32)
    tod = jax.nn.one_hot(TE[..., 1], 288, dtype=jnp.float32)
    te = jnp.concatenate([dow, tod], -1)
    te = _fc(jax.nn.relu(_fc(te, p["ste_te1"])), p["ste_te2"])
    return se[None, None, :, :] + te[:, :, None, :]


def _transform_attention(p, X, STE_his, STE_pred):
    q = jax.nn.relu(_fc(STE_pred, p["ta_q"])).reshape(B, NUM_PRED, N, K, d)
    k = jax.nn.relu(_fc(STE_his, p["ta_k"])).reshape(B, NUM_HIS, N, K, d)
    v = jax.nn.relu(_fc(X, p["ta_v"])).reshape(B, NUM_HIS, N, K, d)
    attn = jnp.einsum('bpnkh,bsnkh->bnkps', q, k) / (d ** 0.5)
    attn = jax.nn.softmax(attn, axis=-1)
    out = jnp.einsum('bnkps,bsnkh->bpnkh', attn, v).reshape(B, NUM_PRED, N, D)
    return _fc(out, p["ta_o"])


def _to_cm(x):
    return x.reshape(B, TN, D).swapaxes(1, 2)


def _from_cm(xT):
    return xT.swapaxes(1, 2).reshape(B, T, N, D)


def kernel(X, TE, edge_index, params):
    h = X[..., None]
    h = _fc(jax.nn.relu(_fc(h, params["mlp1_1"])), params["mlp1_2"])
    STE = _st_embedding(params, TE)
    STE_his = STE[:, :NUM_HIS]
    STE_pred = STE[:, NUM_HIS:]
    l_add = _loc_maskset(edge_index)
    hT = _to_cm(h)
    steh = _to_cm(STE_his)
    step = _to_cm(STE_pred)
    for lp in params["block1"]:
        hT = _st_layer_call(lp, hT, steh, l_add)
    h = _transform_attention(params, _from_cm(hT), STE_his, STE_pred)
    hT = _to_cm(h)
    for lp in params["block2"]:
        hT = _st_layer_call(lp, hT, step, l_add)
    h = _from_cm(hT)
    h = _fc(jax.nn.relu(_fc(h, params["mlp2_1"])), params["mlp2_2"])
    return jnp.squeeze(h, 3)

# --- scband reference (transcript-rebuilt; emitter-appended) ---
"""Pipeline reference for scband-model-both-46222438039983 (READ-ONLY COPY).

The authoritative reference and input builder live on the scoring server;
editing this copy changes nothing except your own understanding.
"""

import jax, jax.numpy as jnp
import numpy as np

K = 4; d = 8; D = K * d; L = 1
T = 12; NUM_HIS = 12; NUM_PRED = 12
N = 512; B = 2; E = 8192
WINDOW = 3; EMB = 64; MAXN = 40

def get_shift_list(T, window_size):
    idxs = np.arange(T)
    window_list = np.arange(-(window_size - 1) // 2, (window_size - 1) // 2 + 1, 1)
    shift_list = []
    for i in window_list:
        tmp = idxs + i
        tmp[tmp < 0] = tmp[tmp < 0] + window_size
        tmp[tmp > T - 1] = tmp[tmp > T - 1] - window_size
        shift_list.append(tmp)
    return np.array(shift_list)

SHIFTS = get_shift_list(T, WINDOW)

def dense_p(k, i, o):
    return {"w": jax.random.normal(k, (i, o), jnp.float32) * 0.05, "b": jnp.zeros((o,), jnp.float32)}

def attn_p(k):
    ks = jax.random.split(k, 6)
    return {"FC_q": dense_p(ks[0], 2 * D, D), "FC_k": dense_p(ks[1], 2 * D, D),
            "FC_v": dense_p(ks[2], 2 * D, D),
            "nodevec1": jax.random.normal(ks[3], (N, 20), jnp.float32),
            "nodevec2": jax.random.normal(ks[4], (20, N), jnp.float32),
            "out": dense_p(ks[5], D, D),
            "ln_g": jnp.ones((D,), jnp.float32), "ln_b": jnp.zeros((D,), jnp.float32)}

def layer_p(k):
    ks = jax.random.split(k, 6)
    return {"adp": attn_p(ks[0]), "loc": attn_p(ks[1]),
            "fus_ws": jax.random.normal(ks[2], (D, D), jnp.float32) * 0.05,
            "fus_wt": jax.random.normal(ks[3], (D, D), jnp.float32) * 0.05,
            "fus_b": jnp.zeros((D,), jnp.float32),
            "fus_fc1": dense_p(ks[4], D, D), "fus_fc2": dense_p(ks[5], D, D)}

def make_params(key):
    ks = jax.random.split(key, 16)
    return {
        "SE": jax.random.normal(ks[0], (N, EMB), jnp.float32),
        "ste_se1": dense_p(ks[1], EMB, D), "ste_se2": dense_p(ks[2], D, D),
        "ste_te1": dense_p(ks[3], 295, D), "ste_te2": dense_p(ks[4], D, D),
        "block1": [layer_p(ks[5])],
        "block2": [layer_p(ks[6])],
        "ta_q": dense_p(ks[7], D, D), "ta_k": dense_p(ks[8], D, D),
        "ta_v": dense_p(ks[9], D, D), "ta_o": dense_p(ks[10], D, D),
        "mlp1_1": dense_p(ks[11], 1, D), "mlp1_2": dense_p(ks[12], D, D),
        "mlp2_1": dense_p(ks[13], D, D), "mlp2_2": dense_p(ks[14], D, 1),
    }

def fc(x, p):
    return x @ p["w"] + p["b"]

def layer_norm(x, g, b, eps=1e-5):
    m = jnp.mean(x, -1, keepdims=True)
    v = jnp.var(x, -1, keepdims=True)
    return (x - m) / jnp.sqrt(v + eps) * g + b

def st_embedding(p, TE):
    se = fc(jax.nn.relu(fc(p["SE"], p["ste_se1"])), p["ste_se2"])
    dow = jax.nn.one_hot(TE[..., 0], 7, dtype=jnp.float32)
    tod = jax.nn.one_hot(TE[..., 1], 288, dtype=jnp.float32)
    te = jnp.concatenate([dow, tod], -1)
    te = fc(jax.nn.relu(fc(te, p["ste_te1"])), p["ste_te2"])
    return se[None, None, :, :] + te[:, :, None, :]

def get_adp_graph(nv1, nv2):
    # softmax(relu(nv1 @ nv2)) thresholded to top max_num_neigh entries per row (kthvalue mask in torch)
    adp_A = jax.nn.softmax(jax.nn.relu(nv1 @ nv2), axis=1)
    vals, cols = jax.lax.top_k(adp_A, MAXN)
    src = jnp.repeat(jnp.arange(N), MAXN)
    dst = cols.reshape(-1)
    valid = (vals > (1.0 / N)).reshape(-1)
    return src, dst, valid

def st_attention(p, X, STE, src, dst, valid):
    # DGL message passing: u_dot_v(k,q) -> edge_softmax over dst -> u_mul_e(v,score) -> segment_sum
    x_ste = jnp.concatenate([X, STE], -1)
    hd = D // K
    q = fc(x_ste, p["FC_q"]).reshape(B, T, N, K, hd).transpose(2, 0, 1, 3, 4)
    k = fc(x_ste, p["FC_k"]).reshape(B, T, N, K, hd).transpose(2, 0, 1, 3, 4)
    v = fc(x_ste, p["FC_v"]).reshape(B, T, N, K, hd).transpose(2, 0, 1, 3, 4)
    q = q / (hd ** 0.5)
    res = 0.0
    for ti in range(SHIFTS.shape[0]):
        kn = k[:, :, SHIFTS[ti]]
        vn = v[:, :, SHIFTS[ti]]
        score = jnp.sum(kn[src] * q[dst], axis=-1)  # [Eg, B, T, K]
        if valid is not None:
            score = jnp.where(valid[:, None, None, None], score, -1e9)
        smax = jax.ops.segment_max(score, dst, num_segments=N)
        sexp = jnp.exp(score - smax[dst])
        ssum = jax.ops.segment_sum(sexp, dst, num_segments=N)
        attn_w = sexp / (ssum[dst] + 1e-16)
        # dropout p=0.1 is identity in eval mode
        h = jax.ops.segment_sum(vn[src] * attn_w[..., None], dst, num_segments=N)
        res = res + h.transpose(1, 2, 0, 3, 4).reshape(B, T, N, D)
    res = res / SHIFTS.shape[0]
    # TransformerSelfOutput: dense + LayerNorm(residual)
    return layer_norm(fc(res, p["out"]) + X, p["ln_g"], p["ln_b"])

def gated_fusion(p, HS, HT):
    z = jax.nn.sigmoid(HS @ p["fus_ws"] + HT @ p["fus_wt"] + p["fus_b"])
    H = z * HS + (1.0 - z) * HT
    return fc(jax.nn.relu(fc(H, p["fus_fc1"])), p["fus_fc2"])

def st_layer(p, X, STE, lsrc, ldst):
    asrc, adst, avalid = get_adp_graph(p["adp"]["nodevec1"], p["adp"]["nodevec2"])
    hs_adp = st_attention(p["adp"], X, STE, asrc, adst, avalid)
    hs_loc = st_attention(p["loc"], X, STE, lsrc, ldst, None)
    return gated_fusion(p, hs_adp, hs_loc)

def transform_attention(p, X, STE_his, STE_pred):
    hd = D // K
    q = jax.nn.relu(fc(STE_pred, p["ta_q"])).reshape(B, NUM_PRED, N, K, hd)
    k = jax.nn.relu(fc(STE_his, p["ta_k"])).reshape(B, NUM_HIS, N, K, hd)
    v = jax.nn.relu(fc(X, p["ta_v"])).reshape(B, NUM_HIS, N, K, hd)
    attn = jnp.einsum('bpnkh,bsnkh->bnkps', q, k) / (hd ** 0.5)
    attn = jax.nn.softmax(attn, axis=-1)
    out = jnp.einsum('bnkps,bsnkh->bpnkh', attn, v).reshape(B, NUM_PRED, N, D)
    return fc(out, p["ta_o"])

def forward(X, TE, edge_index, params):
    h = X[..., None]
    h = fc(jax.nn.relu(fc(h, params["mlp1_1"])), params["mlp1_2"])
    STE = st_embedding(params, TE)
    STE_his = STE[:, :NUM_HIS]
    STE_pred = STE[:, NUM_HIS:]
    lsrc = edge_index[0]
    ldst = edge_index[1]
    for lp in params["block1"]:
        h = st_layer(lp, h, STE_his, lsrc, ldst)
    h = transform_attention(params, h, STE_his, STE_pred)
    for lp in params["block2"]:
        h = st_layer(lp, h, STE_pred, lsrc, ldst)
    h = fc(jax.nn.relu(fc(h, params["mlp2_1"])), params["mlp2_2"])
    return jnp.squeeze(h, 3)

def setup_inputs(seed: int = 0):
    key = jax.random.key(seed)
    k1, k2, k3, k4 = jax.random.split(key, 4)
    X = jax.random.normal(k1, (B, NUM_HIS, N), jnp.float32)
    TE = jax.random.randint(k2, (B, NUM_HIS + NUM_PRED, 2), 0, 7)
    edge_index = jax.random.randint(k3, (2, E), 0, N)
    params = make_params(k4)
    return {"X": X, "TE": TE, "edge_index": edge_index, "params": params}

def reference(X, TE, edge_index, params):
    return forward(X, TE, edge_index, params)

if __name__ == "__main__":
    import jax
    _d = setup_inputs()
    print(jax.jit(kernel)(*tuple(_d.values())))

</pallas_src>

<mosaic_0001>
module attributes {stable_mosaic.version = 14 : i64} {
  func.func @_layer_kernel(%arg0: i32, %arg1: memref<1x32x6144xf32, #tpu.memory_space<vmem>>, %arg2: memref<1x32x6144xf32, #tpu.memory_space<vmem>>, %arg3: memref<512x512xf32, #tpu.memory_space<vmem>>, %arg4: memref<512x512xf32, #tpu.memory_space<vmem>>, %arg5: memref<64x32xf32, #tpu.memory_space<vmem>>, %arg6: memref<32x1xf32, #tpu.memory_space<vmem>>, %arg7: memref<64x32xf32, #tpu.memory_space<vmem>>, %arg8: memref<32x1xf32, #tpu.memory_space<vmem>>, %arg9: memref<64x32xf32, #tpu.memory_space<vmem>>, %arg10: memref<32x1xf32, #tpu.memory_space<vmem>>, %arg11: memref<32x32xf32, #tpu.memory_space<vmem>>, %arg12: memref<32x1xf32, #tpu.memory_space<vmem>>, %arg13: memref<32x1xf32, #tpu.memory_space<vmem>>, %arg14: memref<32x1xf32, #tpu.memory_space<vmem>>, %arg15: memref<64x32xf32, #tpu.memory_space<vmem>>, %arg16: memref<32x1xf32, #tpu.memory_space<vmem>>, %arg17: memref<64x32xf32, #tpu.memory_space<vmem>>, %arg18: memref<32x1xf32, #tpu.memory_space<vmem>>, %arg19: memref<64x32xf32, #tpu.memory_space<vmem>>, %arg20: memref<32x1xf32, #tpu.memory_space<vmem>>, %arg21: memref<32x32xf32, #tpu.memory_space<vmem>>, %arg22: memref<32x1xf32, #tpu.memory_space<vmem>>, %arg23: memref<32x1xf32, #tpu.memory_space<vmem>>, %arg24: memref<32x1xf32, #tpu.memory_space<vmem>>, %arg25: memref<32x32xf32, #tpu.memory_space<vmem>>, %arg26: memref<32x32xf32, #tpu.memory_space<vmem>>, %arg27: memref<32x1xf32, #tpu.memory_space<vmem>>, %arg28: memref<32x32xf32, #tpu.memory_space<vmem>>, %arg29: memref<32x1xf32, #tpu.memory_space<vmem>>, %arg30: memref<32x32xf32, #tpu.memory_space<vmem>>, %arg31: memref<32x1xf32, #tpu.memory_space<vmem>>, %arg32: memref<1x32x6144xf32, #tpu.memory_space<vmem>>, %arg33: memref<128x6144xbf16, #tpu.memory_space<vmem>>, %arg34: memref<128x6144xbf16, #tpu.memory_space<vmem>>, %arg35: memref<32x6144xf32, #tpu.memory_space<vmem>>, %arg36: memref<32x6144xf32, #tpu.memory_space<vmem>>, %arg37: memref<32x6144xf32, #tpu.memory_space<vmem>>) attributes {dimension_semantics = [#tpu.dimension_semantics<arbitrary>], iteration_bounds = array<i64: 2>, scalar_prefetch = 0 : i64, scratch_operands = 5 : i64, tpu.core_type = #tpu.core_type<tc>, window_params = [{transform_indices = @transform_0, window_bounds = array<i64: 1, 32, 6144>}, {transform_indices = @transform_1, window_bounds = array<i64: 1, 32, 6144>}, {pipeline_mode = #tpu.pipeline_mode<synchronous>, transform_indices = @transform_2, window_bounds = array<i64: 512, 512>}, {pipeline_mode = #tpu.pipeline_mode<synchronous>, transform_indices = @transform_3, window_bounds = array<i64: 512, 512>}, {pipeline_mode = #tpu.pipeline_mode<synchronous>, transform_indices = @transform_4, window_bounds = array<i64: 64, 32>}, {pipeline_mode = #tpu.pipeline_mode<synchronous>, transform_indices = @transform_5, window_bounds = array<i64: 32, 1>}, {pipeline_mode = #tpu.pipeline_mode<synchronous>, transform_indices = @transform_6, window_bounds = array<i64: 64, 32>}, {pipeline_mode = #tpu.pipeline_mode<synchronous>, transform_indices = @transform_7, window_bounds = array<i64: 32, 1>}, {pipeline_mode = #tpu.pipeline_mode<synchronous>, transform_indices = @transform_8, window_bounds = array<i64: 64, 32>}, {pipeline_mode = #tpu.pipeline_mode<synchronous>, transform_indices = @transform_9, window_bounds = array<i64: 32, 1>}, {pipeline_mode = #tpu.pipeline_mode<synchronous>, transform_indices = @transform_10, window_bounds = array<i64: 32, 32>}, {pipeline_mode = #tpu.pipeline_mode<synchronous>, transform_indices = @transform_11, window_bounds = array<i64: 32, 1>}, {pipeline_mode = #tpu.pipeline_mode<synchronous>, transform_indices = @transform_12, window_bounds = array<i64: 32, 1>}, {pipeline_mode = #tpu.pipeline_mode<synchronous>, transform_indices = @transform_13, window_bounds = array<i64: 32, 1>}, {pipeline_mode = #tpu.pipeline_mode<synchronous>, transform_indices = @transform_14, window_bounds = array<i64: 64, 32>}, {pipeline_mode = #tpu.pipeline_mode<synchronous>, transform_indices = @transform_15, window_bounds = array<i64: 32, 1>}, {pipeline_mode = #tpu.pipeline_mode<synchronous>, transform_indices = @transform_16, window_bounds = array<i64: 64, 32>}, {pipeline_mode = #tpu.pipeline_mode<synchronous>, transform_indices = @transform_17, window_bounds = array<i64: 32, 1>}, {pipeline_mode = #tpu.pipeline_mode<synchronous>, transform_indices = @transform_18, window_bounds = array<i64: 64, 32>}, {pipeline_mode = #tpu.pipeline_mode<synchronous>, transform_indices = @transform_19, window_bounds = array<i64: 32, 1>}, {pipeline_mode = #tpu.pipeline_mode<synchronous>, transform_indices = @transform_20, window_bounds = array<i64: 32, 32>}, {pipeline_mode = #tpu.pipeline_mode<synchronous>, transform_indices = @transform_21, window_bounds = array<i64: 32, 1>}, {pipeline_mode = #tpu.pipeline_mode<synchronous>, transform_indices = @transform_22, window_bounds = array<i64: 32, 1>}, {pipeline_mode = #tpu.pipeline_mode<synchronous>, transform_indices = @transform_23, window_bounds = array<i64: 32, 1>}, {pipeline_mode = #tpu.pipeline_mode<synchronous>, transform_indices = @transform_24, window_bounds = array<i64: 32, 32>}, {pipeline_mode = #tpu.pipeline_mode<synchronous>, transform_indices = @transform_25, window_bounds = array<i64: 32, 32>}, {pipeline_mode = #tpu.pipeline_mode<synchronous>, transform_indices = @transform_26, window_bounds = array<i64: 32, 1>}, {pipeline_mode = #tpu.pipeline_mode<synchronous>, transform_indices = @transform_27, window_bounds = array<i64: 32, 32>}, {pipeline_mode = #tpu.pipeline_mode<synchronous>, transform_indices = @transform_28, window_bounds = array<i64: 32, 1>}, {pipeline_mode = #tpu.pipeline_mode<synchronous>, transform_indices = @transform_29, window_bounds = array<i64: 32, 32>}, {pipeline_mode = #tpu.pipeline_mode<synchronous>, transform_indices = @transform_30, window_bounds = array<i64: 32, 1>}, {transform_indices = @transform_31, window_bounds = array<i64: 1, 32, 6144>}]} {
    %get3A = arith.constant 0 : index
    %get3A_0 = arith.constant 0 : index
    %get3A_1 = arith.constant 0 : index
    %get3A_2 = vector.load %arg1[%get3A, %get3A_0, %get3A_1] : memref<1x32x6144xf32, #tpu.memory_space<vmem>>, vector<1x32x6144xf32>
    %get3A_3 = vector.shape_cast %get3A_2 : vector<1x32x6144xf32> to vector<32x6144xf32>
    %get3A_4 = arith.constant 0 : index
    %get3A_5 = arith.constant 0 : index
    %get3A_6 = arith.constant 0 : index
    %get3A_7 = vector.load %arg2[%get3A_4, %get3A_5, %get3A_6] : memref<1x32x6144xf32, #tpu.memory_space<vmem>>, vector<1x32x6144xf32>
    %get3A_8 = vector.shape_cast %get3A_7 : vector<1x32x6144xf32> to vector<32x6144xf32>
    %broadcast_in_dim3A = arith.constant 1.000000e+00 : f32
    %broadcast_in_dim3A_9 = vector.broadcast %broadcast_in_dim3A : f32 to vector<8x512xf32>
    %get3A_10 = arith.constant 0 : index
    %get3A_11 = arith.constant 0 : index
    %get3A_12 = vector.load %arg5[%get3A_10, %get3A_11] : memref<64x32xf32, #tpu.memory_space<vmem>>, vector<32x32xf32>
    %dot_general3A = arith.constant dense<0.000000e+00> : vector<32x6144xf32>
    %dot_general3A_13 = tpu.matmul %get3A_12, %get3A_3, %dot_general3A {dimension_numbers = #tpu.dot_dimension_numbers<[0], [0], [1], [1], [0, 1, 1, 1], [], []>, transpose_lhs_hint = false} : vector<32x32xf32>, vector<32x6144xf32>, vector<32x6144xf32> -> vector<32x6144xf32>
    %get3A_14 = arith.constant 32 : index
    %get3A_15 = arith.constant 0 : index
    %get3A_16 = vector.load %arg5[%get3A_14, %get3A_15] : memref<64x32xf32, #tpu.memory_space<vmem>>, vector<32x32xf32>
    %dot_general3A_17 = arith.constant dense<0.000000e+00> : vector<32x6144xf32>
    %dot_general3A_18 = tpu.matmul %get3A_16, %get3A_8, %dot_general3A_17 {dimension_numbers = #tpu.dot_dimension_numbers<[0], [0], [1], [1], [0, 1, 1, 1], [], []>, transpose_lhs_hint = false} : vector<32x32xf32>, vector<32x6144xf32>, vector<32x6144xf32> -> vector<32x6144xf32>
    %add3A = arith.addf %dot_general3A_13, %dot_general3A_18 : vector<32x6144xf32>
    %get3A_19 = arith.constant 0 : index
    %get3A_20 = arith.constant 0 : index
    %get3A_21 = vector.load %arg6[%get3A_19, %get3A_20] : memref<32x1xf32, #tpu.memory_space<vmem>>, vector<32x1xf32>
    %add3A_22 = vector.broadcast %get3A_21 : vector<32x1xf32> to vector<32x6144xf32>
    %add3A_23 = arith.addf %add3A, %add3A_22 : vector<32x6144xf32>
    %mul3A = arith.constant 0.353553385 : f32
    %mul3A_24 = vector.broadcast %mul3A : f32 to vector<32x6144xf32>
    %mul3A_25 = arith.mulf %add3A_23, %mul3A_24 : vector<32x6144xf32>
    %get3A_26 = arith.constant 0 : index
    %get3A_27 = arith.constant 0 : index
    %get3A_28 = vector.load %arg7[%get3A_26, %get3A_27] : memref<64x32xf32, #tpu.memory_space<vmem>>, vector<32x32xf32>
    %dot_general3A_29 = arith.constant dense<0.000000e+00> : vector<32x6144xf32>
    %dot_general3A_30 = tpu.matmul %get3A_28, %get3A_3, %dot_general3A_29 {dimension_numbers = #tpu.dot_dimension_numbers<[0], [0], [1], [1], [0, 1, 1, 1], [], []>, transpose_lhs_hint = false} : vector<32x32xf32>, vector<32x6144xf32>, vector<32x6144xf32> -> vector<32x6144xf32>
    %get3A_31 = arith.constant 32 : index
    %get3A_32 = arith.constant 0 : index
    %get3A_33 = vector.load %arg7[%get3A_31, %get3A_32] : memref<64x32xf32, #tpu.memory_space<vmem>>, vector<32x32xf32>
    %dot_general3A_34 = arith.constant dense<0.000000e+00> : vector<32x6144xf32>
    %dot_general3A_35 = tpu.matmul %get3A_33, %get3A_8, %dot_general3A_34 {dimension_numbers = #tpu.dot_dimension_numbers<[0], [0], [1], [1], [0, 1, 1, 1], [], []>, transpose_lhs_hint = false} : vector<32x32xf32>, vector<32x6144xf32>, vector<32x6144xf32> -> vector<32x6144xf32>
    %add3A_36 = arith.addf %dot_general3A_30, %dot_general3A_35 : vector<32x6144xf32>
    %get3A_37 = arith.constant 0 : index
    %get3A_38 = arith.constant 0 : index
    %get3A_39 = vector.load %arg8[%get3A_37, %get3A_38] : memref<32x1xf32, #tpu.memory_space<vmem>>, vector<32x1xf32>
    %add3A_40 = vector.broadcast %get3A_39 : vector<32x1xf32> to vector<32x6144xf32>
    %add3A_41 = arith.addf %add3A_36, %add3A_40 : vector<32x6144xf32>
    %get3A_42 = arith.constant 0 : index
    %get3A_43 = arith.constant 0 : index
    %get3A_44 = vector.load %arg9[%get3A_42, %get3A_43] : memref<64x32xf32, #tpu.memory_space<vmem>>, vector<32x32xf32>
    %dot_general3A_45 = arith.constant dense<0.000000e+00> : vector<32x6144xf32>
    %dot_general3A_46 = tpu.matmul %get3A_44, %get3A_3, %dot_general3A_45 {dimension_numbers = #tpu.dot_dimension_numbers<[0], [0], [1], [1], [0, 1, 1, 1], [], []>, transpose_lhs_hint = false} : vector<32x32xf32>, vector<32x6144xf32>, vector<32x6144xf32> -> vector<32x6144xf32>
    %get3A_47 = arith.constant 32 : index
    %get3A_48 = arith.constant 0 : index
    %get3A_49 = vector.load %arg9[%get3A_47, %get3A_48] : memref<64x32xf32, #tpu.memory_space<vmem>>, vector<32x32xf32>
    %dot_general3A_50 = arith.constant dense<0.000000e+00> : vector<32x6144xf32>
    %dot_general3A_51 = tpu.matmul %get3A_49, %get3A_8, %dot_general3A_50 {dimension_numbers = #tpu.dot_dimension_numbers<[0], [0], [1], [1], [0, 1, 1, 1], [], []>, transpose_lhs_hint = false} : vector<32x32xf32>, vector<32x6144xf32>, vector<32x6144xf32> -> vector<32x6144xf32>
    %add3A_52 = arith.addf %dot_general3A_46, %dot_general3A_51 : vector<32x6144xf32>
    %get3A_53 = arith.constant 0 : index
    %get3A_54 = arith.constant 0 : index
    %get3A_55 = vector.load %arg10[%get3A_53, %get3A_54] : memref<32x1xf32, #tpu.memory_space<vmem>>, vector<32x1xf32>
    %add3A_56 = vector.broadcast %get3A_55 : vector<32x1xf32> to vector<32x6144xf32>
    %add3A_57 = arith.addf %add3A_52, %add3A_56 : vector<32x6144xf32>
    %swap3A = arith.constant 0 : index
    %swap3A_58 = arith.constant 0 : index
    %swap3A_59 = vector.load %arg35[%swap3A, %swap3A_58] : memref<32x6144xf32, #tpu.memory_space<vmem>>, vector<32x6144xf32>
    tpu.vector_store %arg35[%swap3A, %swap3A_58], %add3A_57 {strides = array<i32>} : memref<32x6144xf32, #tpu.memory_space<vmem>>, vector<32x6144xf32>,
    %convert_element_type3A = arith.truncf %mul3A_25 : vector<32x6144xf32> to vector<32x6144xbf16>
    %convert_element_type3A_60 = arith.extf %convert_element_type3A : vector<32x6144xbf16> to vector<32x6144xf32>
    %sub3A = arith.subf %mul3A_25, %convert_element_type3A_60 : vector<32x6144xf32>
    %convert_element_type3A_61 = arith.truncf %add3A_41 : vector<32x6144xf32> to vector<32x6144xbf16>
    %convert_element_type3A_62 = arith.extf %convert_element_type3A_61 : vector<32x6144xbf16> to vector<32x6144xf32>
    %sub3A_63 = arith.subf %add3A_41, %convert_element_type3A_62 : vector<32x6144xf32>
    %broadcast_in_dim3A_64 = arith.constant 0.000000e+00 : f32
    %broadcast_in_dim3A_65 = vector.broadcast %broadcast_in_dim3A_64 : f32 to vector<8x6144xf32>
    %slice3A = vector.extract_strided_slice %mul3A_25 {offsets = [0, 0], sizes = [8, 6144], strides = [1, 1]} : vector<32x6144xf32> to vector<8x6144xf32>
    %slice3A_66 = vector.extract_strided_slice %mul3A_25 {offsets = [0, 0], sizes = [8, 6144], strides = [1, 1]} : vector<32x6144xf32> to vector<8x6144xf32>
    %slice3A_67 = vector.extract_strided_slice %sub3A {offsets = [0, 0], sizes = [8, 6144], strides = [1, 1]} : vector<32x6144xf32> to vector<8x6144xf32>
    %slice3A_68 = vector.extract_strided_slice %add3A_41 {offsets = [0, 0], sizes = [8, 6144], strides = [1, 1]} : vector<32x6144xf32> to vector<8x6144xf32>
    %slice3A_69 = vector.extract_strided_slice %sub3A_63 {offsets = [0, 0], sizes = [8, 6144], strides = [1, 1]} : vector<32x6144xf32> to vector<8x6144xf32>
    %slice3A_70 = vector.extract_strided_slice %add3A_41 {offsets = [0, 0], sizes = [8, 6144], strides = [1, 1]} : vector<32x6144xf32> to vector<8x6144xf32>
    %slice3A_71 = vector.extract_strided_slice %mul3A_25 {offsets = [8, 0], sizes = [8, 6144], strides = [1, 1]} : vector<32x6144xf32> to vector<8x6144xf32>
    %slice3A_72 = vector.extract_strided_slice %mul3A_25 {offsets = [8, 0], sizes = [8, 6144], strides = [1, 1]} : vector<32x6144xf32> to vector<8x6144xf32>
    %slice3A_73 = vector.extract_strided_slice %sub3A {offsets = [8, 0], sizes = [8, 6144], strides = [1, 1]} : vector<32x6144xf32> to vector<8x6144xf32>
    %slice3A_74 = vector.extract_strided_slice %add3A_41 {offsets = [8, 0], sizes = [8, 6144], strides = [1, 1]} : vector<32x6144xf32> to vector<8x6144xf32>
    %slice3A_75 = vector.extract_strided_slice %sub3A_63 {offsets = [8, 0], sizes = [8, 6144], strides = [1, 1]} : vector<32x6144xf32> to vector<8x6144xf32>
    %slice3A_76 = vector.extract_strided_slice %add3A_41 {offsets = [8, 0], sizes = [8, 6144], strides = [1, 1]} : vector<32x6144xf32> to vector<8x6144xf32>
    %slice3A_77 = vector.extract_strided_slice %mul3A_25 {offsets = [16, 0], sizes = [8, 6144], strides = [1, 1]} : vector<32x6144xf32> to vector<8x6144xf32>
    %slice3A_78 = vector.extract_strided_slice %mul3A_25 {offsets = [16, 0], sizes = [8, 6144], strides = [1, 1]} : vector<32x6144xf32> to vector<8x6144xf32>
    %slice3A_79 = vector.extract_strided_slice %sub3A {offsets = [16, 0], sizes = [8, 6144], strides = [1, 1]} : vector<32x6144xf32> to vector<8x6144xf32>
    %slice3A_80 = vector.extract_strided_slice %add3A_41 {offsets = [16, 0], sizes = [8, 6144], strides = [1, 1]} : vector<32x6144xf32> to vector<8x6144xf32>
    %slice3A_81 = vector.extract_strided_slice %sub3A_63 {offsets = [16, 0], sizes = [8, 6144], strides = [1, 1]} : vector<32x6144xf32> to vector<8x6144xf32>
    %slice3A_82 = vector.extract_strided_slice %add3A_41 {offsets = [16, 0], sizes = [8, 6144], strides = [1, 1]} : vector<32x6144xf32> to vector<8x6144xf32>
    %slice3A_83 = vector.extract_strided_slice %mul3A_25 {offsets = [24, 0], sizes = [8, 6144], strides = [1, 1]} : vector<32x6144xf32> to vector<8x6144xf32>
    %slice3A_84 = vector.extract_strided_slice %mul3A_25 {offsets = [24, 0], sizes = [8, 6144], strides = [1, 1]} : vector<32x6144xf32> to vector<8x6144xf32>
    %slice3A_85 = vector.extract_strided_slice %sub3A {offsets = [24, 0], sizes = [8, 6144], strides = [1, 1]} : vector<32x6144xf32> to vector<8x6144xf32>
    %slice3A_86 = vector.extract_strided_slice %add3A_41 {offsets = [24, 0], sizes = [8, 6144], strides = [1, 1]} : vector<32x6144xf32> to vector<8x6144xf32>
    %slice3A_87 = vector.extract_strided_slice %sub3A_63 {offsets = [24, 0], sizes = [8, 6144], strides = [1, 1]} : vector<32x6144xf32> to vector<8x6144xf32>
    %slice3A_88 = vector.extract_strided_slice %add3A_41 {offsets = [24, 0], sizes = [8, 6144], strides = [1, 1]} : vector<32x6144xf32> to vector<8x6144xf32>
    %concatenate3A = tpu.concatenate %slice3A, %slice3A_66, %slice3A_67, %broadcast_in_dim3A_65, %slice3A_71, %slice3A_72, %slice3A_73, %broadcast_in_dim3A_65, %slice3A_77, %slice3A_78, %slice3A_79, %broadcast_in_dim3A_65, %slice3A_83, %slice3A_84, %slice3A_85, %broadcast_in_dim3A_65 in 0 : vector<8x6144xf32>, vector<8x6144xf32>, vector<8x6144xf32>, vector<8x6144xf32>, vector<8x6144xf32>, vector<8x6144xf32>, vector<8x6144xf32>, vector<8x6144xf32>, vector<8x6144xf32>, vector<8x6144xf32>, vector<8x6144xf32>, vector<8x6144xf32>, vector<8x6144xf32>, vector<8x6144xf32>, vector<8x6144xf32>, vector<8x6144xf32> -> vector<128x6144xf32>
    %convert_element_type3A_89 = arith.truncf %concatenate3A : vector<128x6144xf32> to vector<128x6144xbf16>
    %swap3A_90 = arith.constant 0 : index
    %swap3A_91 = arith.constant 0 : index
    %swap3A_92 = vector.load %arg33[%swap3A_90, %swap3A_91] : memref<128x6144xbf16, #tpu.memory_space<vmem>>, vector<128x6144xbf16>
    tpu.vector_store %arg33[%swap3A_90, %swap3A_91], %convert_element_type3A_89 {strides = array<i32>} : memref<128x6144xbf16, #tpu.memory_space<vmem>>, vector<128x6144xbf16>,
    %concatenate3A_93 = tpu.concatenate %slice3A_68, %slice3A_69, %slice3A_70, %broadcast_in_dim3A_65, %slice3A_74, %slice3A_75, %slice3A_76, %broadcast_in_dim3A_65, %slice3A_80, %slice3A_81, %slice3A_82, %broadcast_in_dim3A_65, %slice3A_86, %slice3A_87, %slice3A_88, %broadcast_in_dim3A_65 in 0 : vector<8x6144xf32>, vector<8x6144xf32>, vector<8x6144xf32>, vector<8x6144xf32>, vector<8x6144xf32>, vector<8x6144xf32>, vector<8x6144xf32>, vector<8x6144xf32>, vector<8x6144xf32>, vector<8x6144xf32>, vector<8x6144xf32>, vector<8x6144xf32>, vector<8x6144xf32>, vector<8x6144xf32>, vector<8x6144xf32>, vector<8x6144xf32> -> vector<128x6144xf32>
    %convert_element_type3A_94 = arith.truncf %concatenate3A_93 : vector<128x6144xf32> to vector<128x6144xbf16>
    %swap3A_95 = arith.constant 0 : index
    %swap3A_96 = arith.constant 0 : index
    %swap3A_97 = vector.load %arg34[%swap3A_95, %swap3A_96] : memref<128x6144xbf16, #tpu.memory_space<vmem>>, vector<128x6144xbf16>
    tpu.vector_store %arg34[%swap3A_95, %swap3A_96], %convert_element_type3A_94 {strides = array<i32>} : memref<128x6144xbf16, #tpu.memory_space<vmem>>, vector<128x6144xbf16>,
    %scan3A = arith.constant 0 : i32
    %scan3A_98 = arith.constant 12 : i32
    %scan3A_99 = arith.addi %scan3A, %scan3A_98 : i32
    %scan3A_100 = arith.constant 1 : i32
    scf.for %scan3A_208 = %scan3A to %scan3A_99 step %scan3A_100  : i32 {
      %eq3A = arith.constant 0 : i32
      %eq3A_209 = arith.cmpi eq, %scan3A_208, %eq3A : i32
      %sub3A_210 = arith.constant 1 : i32
      %sub3A_211 = arith.subi %scan3A_208, %sub3A_210 : i32
      %jit3A = arith.constant 2 : i32
      %select_n3A = arith.select %eq3A_209, %jit3A, %sub3A_211 : i32
      %eq3A_212 = arith.constant 11 : i32
      %eq3A_213 = arith.cmpi eq, %scan3A_208, %eq3A_212 : i32
      %add3A_214 = arith.constant 1 : i32
      %add3A_215 = arith.addi %scan3A_208, %add3A_214 : i32
      %jit3A_216 = arith.constant 9 : i32
      %select_n3A_217 = arith.select %eq3A_213, %jit3A_216, %add3A_215 : i32
      %mul3A_218 = arith.constant 512 : i32
      %mul3A_219 = arith.muli %scan3A_208, %mul3A_218 : i32
      %add3A_220 = arith.constant 0 : i32
      %add3A_221 = arith.addi %mul3A_219, %add3A_220 : i32
      %get3A_222 = arith.constant 0 : index
      %get3A_223 = arith.index_cast %add3A_221 : i32 to index
      %get3A_224 = vector.load %arg33[%get3A_222, %get3A_223] : memref<128x6144xbf16, #tpu.memory_space<vmem>>, vector<32x128xbf16>
      %get3A_225 = arith.constant 0 : index
      %get3A_226 = arith.constant 0 : index
      %get3A_227 = vector.load %arg3[%get3A_225, %get3A_226] : memref<512x512xf32, #tpu.memory_space<vmem>>, vector<128x512xf32>
      %broadcast_in_dim3A_228 = arith.constant 0.000000e+00 : f32
      %broadcast_in_dim3A_229 = vector.broadcast %broadcast_in_dim3A_228 : f32 to vector<8x128xf32>
      %mul3A_230 = arith.constant 512 : i32
      %mul3A_231 = arith.muli %select_n3A, %mul3A_230 : i32
      %get3A_232 = arith.constant 0 : index
      %get3A_233 = arith.index_cast %mul3A_231 : i32 to index
      %get3A_234 = vector.load %arg34[%get3A_232, %get3A_233] : memref<128x6144xbf16, #tpu.memory_space<vmem>>, vector<32x512xbf16>
      %mul3A_235 = arith.constant 512 : i32
      %mul3A_236 = arith.muli %select_n3A, %mul3A_235 : i32
      %get3A_237 = arith.constant 0 : index
      %get3A_238 = arith.index_cast %mul3A_236 : i32 to index
      %get3A_239 = vector.load %arg35[%get3A_237, %get3A_238] : memref<32x6144xf32, #tpu.memory_space<vmem>>, vector<8x512xf32>
      %dot_general3A_240 = arith.constant dense<0.000000e+00> : vector<128x512xf32>
      %dot_general3A_241 = tpu.matmul %get3A_224, %get3A_234, %dot_general3A_240 {dimension_numbers = #tpu.dot_dimension_numbers<[0], [0], [1], [1], [0, 1, 1, 1], [], []>, transpose_lhs_hint = false} : vector<32x128xbf16>, vector<32x512xbf16>, vector<128x512xf32> -> vector<128x512xf32>
      %add3A_242 = arith.addf %dot_general3A_241, %get3A_227 : vector<128x512xf32>
      %reduce_max3A = arith.constant dense<0xFF800000> : vector<128xf32>
      %reduce_max3A_243 = vector.multi_reduction <maximumf>, %add3A_242, %reduce_max3A [1] : vector<128x512xf32> to vector<128xf32>
      %broadcast_in_dim3A_244 = vector.shape_cast %reduce_max3A_243 : vector<128xf32> to vector<128x1xf32>
      %max3A = arith.constant -1.000000e+30 : f32
      %max3A_245 = vector.broadcast %max3A : f32 to vector<128x1xf32>
      %max3A_246 = arith.maximumf %broadcast_in_dim3A_244, %max3A_245 : vector<128x1xf32>
      %sub3A_247 = vector.broadcast %max3A_246 : vector<128x1xf32> to vector<128x512xf32>
      %sub3A_248 = arith.subf %add3A_242, %sub3A_247 : vector<128x512xf32>
      %exp3A = math.exp %sub3A_248 : vector<128x512xf32>
      %dot_general3A_249 = arith.constant dense<0.000000e+00> : vector<8x128xf32>
      %dot_general3A_250 = tpu.matmul %broadcast_in_dim3A_9, %exp3A, %dot_general3A_249 {dimension_numbers = #tpu.dot_dimension_numbers<[1], [1], [0], [0], [0, 0, 1, 0], [], []>, transpose_lhs_hint = false} : vector<8x512xf32>, vector<128x512xf32>, vector<8x128xf32> -> vector<8x128xf32>
      %slice3A_251 = vector.extract_strided_slice %dot_general3A_250 {offsets = [0, 0], sizes = [1, 128], strides = [1, 1]} : vector<8x128xf32> to vector<1x128xf32>
      %add3A_252 = arith.constant 1.000000e-16 : f32
      %add3A_253 = vector.broadcast %add3A_252 : f32 to vector<1x128xf32>
      %add3A_254 = arith.addf %slice3A_251, %add3A_253 : vector<1x128xf32>
      %dot_general3A_255 = arith.constant dense<0.000000e+00> : vector<8x128xf32>
      %dot_general3A_256 = tpu.matmul %get3A_239, %exp3A, %dot_general3A_255 {dimension_numbers = #tpu.dot_dimension_numbers<[1], [1], [0], [0], [0, 0, 1, 0], [], []>, transpose_lhs_hint = false} : vector<8x512xf32>, vector<128x512xf32>, vector<8x128xf32> -> vector<8x128xf32>
      %div3A = vector.broadcast %add3A_254 : vector<1x128xf32> to vector<8x128xf32>
      %div3A_257 = arith.divf %dot_general3A_256, %div3A : vector<8x128xf32>
      %add3A_258 = arith.addf %broadcast_in_dim3A_229, %div3A_257 : vector<8x128xf32>
      %mul3A_259 = arith.constant 512 : i32
      %mul3A_260 = arith.muli %scan3A_208, %mul3A_259 : i32
      %get3A_261 = arith.constant 0 : index
      %get3A_262 = arith.index_cast %mul3A_260 : i32 to index
      %get3A_263 = vector.load %arg34[%get3A_261, %get3A_262] : memref<128x6144xbf16, #tpu.memory_space<vmem>>, vector<32x512xbf16>
      %mul3A_264 = arith.constant 512 : i32
      %mul3A_265 = arith.muli %scan3A_208, %mul3A_264 : i32
      %get3A_266 = arith.constant 0 : index
      %get3A_267 = arith.index_cast %mul3A_265 : i32 to index
      %get3A_268 = vector.load %arg35[%get3A_266, %get3A_267] : memref<32x6144xf32, #tpu.memory_space<vmem>>, vector<8x512xf32>
      %dot_general3A_269 = arith.constant dense<0.000000e+00> : vector<128x512xf32>
      %dot_general3A_270 = tpu.matmul %get3A_224, %get3A_263, %dot_general3A_269 {dimension_numbers = #tpu.dot_dimension_numbers<[0], [0], [1], [1], [0, 1, 1, 1], [], []>, transpose_lhs_hint = false} : vector<32x128xbf16>, vector<32x512xbf16>, vector<128x512xf32> -> vector<128x512xf32>
      %add3A_271 = arith.addf %dot_general3A_270, %get3A_227 : vector<128x512xf32>
      %reduce_max3A_272 = arith.constant dense<0xFF800000> : vector<128xf32>
      %reduce_max3A_273 = vector.multi_reduction <maximumf>, %add3A_271, %reduce_max3A_272 [1] : vector<128x512xf32> to vector<128xf32>
      %broadcast_in_dim3A_274 = vector.shape_cast %reduce_max3A_273 : vector<128xf32> to vector<128x1xf32>
      %max3A_275 = arith.constant -1.000000e+30 : f32
      %max3A_276 = vector.broadcast %max3A_275 : f32 to vector<128x1xf32>
      %max3A_277 = arith.maximumf %broadcast_in_dim3A_274, %max3A_276 : vector<128x1xf32>
      %sub3A_278 = vector.broadcast %max3A_277 : vector<128x1xf32> to vector<128x512xf32>
      %sub3A_279 = arith.subf %add3A_271, %sub3A_278 : vector<128x512xf32>
      %exp3A_280 = math.exp %sub3A_279 : vector<128x512xf32>
      %dot_general3A_281 = arith.constant dense<0.000000e+00> : vector<8x128xf32>
      %dot_general3A_282 = tpu.matmul %broadcast_in_dim3A_9, %exp3A_280, %dot_general3A_281 {dimension_numbers = #tpu.dot_dimension_numbers<[1], [1], [0], [0], [0, 0, 1, 0], [], []>, transpose_lhs_hint = false} : vector<8x512xf32>, vector<128x512xf32>, vector<8x128xf32> -> vector<8x128xf32>
      %slice3A_283 = vector.extract_strided_slice %dot_general3A_282 {offsets = [0, 0], sizes = [1, 128], strides = [1, 1]} : vector<8x128xf32> to vector<1x128xf32>
      %add3A_284 = arith.constant 1.000000e-16 : f32
      %add3A_285 = vector.broadcast %add3A_284 : f32 to vector<1x128xf32>
      %add3A_286 = arith.addf %slice3A_283, %add3A_285 : vector<1x128xf32>
      %dot_general3A_287 = arith.constant dense<0.000000e+00> : vector<8x128xf32>
      %dot_general3A_288 = tpu.matmul %get3A_268, %exp3A_280, %dot_general3A_287 {dimension_numbers = #tpu.dot_dimension_numbers<[1], [1], [0], [0], [0, 0, 1, 0], [], []>, transpose_lhs_hint = false} : vector<8x512xf32>, vector<128x512xf32>, vector<8x128xf32> -> vector<8x128xf32>
      %div3A_289 = vector.broadcast %add3A_286 : vector<1x128xf32> to vector<8x128xf32>
      %div3A_290 = arith.divf %dot_general3A_288, %div3A_289 : vector<8x128xf32>
      %add3A_291 = arith.addf %add3A_258, %div3A_290 : vector<8x128xf32>
      %mul3A_292 = arith.constant 512 : i32
      %mul3A_293 = arith.muli %select_n3A_217, %mul3A_292 : i32
      %get3A_294 = arith.constant 0 : index
      %get3A_295 = arith.index_cast %mul3A_293 : i32 to index
      %get3A_296 = vector.load %arg34[%get3A_294, %get3A_295] : memref<128x6144xbf16, #tpu.memory_space<vmem>>, vector<32x512xbf16>
      %mul3A_297 = arith.constant 512 : i32
      %mul3A_298 = arith.muli %select_n3A_217, %mul3A_297 : i32
      %get3A_299 = arith.constant 0 : index
      %get3A_300 = arith.index_cast %mul3A_298 : i32 to index
      %get3A_301 = vector.load %arg35[%get3A_299, %get3A_300] : memref<32x6144xf32, #tpu.memory_space<vmem>>, vector<8x512xf32>
      %dot_general3A_302 = arith.constant dense<0.000000e+00> : vector<128x512xf32>
      %dot_general3A_303 = tpu.matmul %get3A_224, %get3A_296, %dot_general3A_302 {dimension_numbers = #tpu.dot_dimension_numbers<[0], [0], [1], [1], [0, 1, 1, 1], [], []>, transpose_lhs_hint = false} : vector<32x128xbf16>, vector<32x512xbf16>, vector<128x512xf32> -> vector<128x512xf32>
      %add3A_304 = arith.addf %dot_general3A_303, %get3A_227 : vector<128x512xf32>
      %reduce_max3A_305 = arith.constant dense<0xFF800000> : vector<128xf32>
      %reduce_max3A_306 = vector.multi_reduction <maximumf>, %add3A_304, %reduce_max3A_305 [1] : vector<128x512xf32> to vector<128xf32>
      %broadcast_in_dim3A_307 = vector.shape_cast %reduce_max3A_306 : vector<128xf32> to vector<128x1xf32>
      %max3A_308 = arith.constant -1.000000e+30 : f32
      %max3A_309 = vector.broadcast %max3A_308 : f32 to vector<128x1xf32>
      %max3A_310 = arith.maximumf %broadcast_in_dim3A_307, %max3A_309 : vector<128x1xf32>
      %sub3A_311 = vector.broadcast %max3A_310 : vector<128x1xf32> to vector<128x512xf32>
      %sub3A_312 = arith.subf %add3A_304, %sub3A_311 : vector<128x512xf32>
      %exp3A_313 = math.exp %sub3A_312 : vector<128x512xf32>
      %dot_general3A_314 = arith.constant dense<0.000000e+00> : vector<8x128xf32>
      %dot_general3A_315 = tpu.matmul %broadcast_in_dim3A_9, %exp3A_313, %dot_general3A_314 {dimension_numbers = #tpu.dot_dimension_numbers<[1], [1], [0], [0], [0, 0, 1, 0], [], []>, transpose_lhs_hint = false} : vector<8x512xf32>, vector<128x512xf32>, vector<8x128xf32> -> vector<8x128xf32>
      %slice3A_316 = vector.extract_strided_slice %dot_general3A_315 {offsets = [0, 0], sizes = [1, 128], strides = [1, 1]} : vector<8x128xf32> to vector<1x128xf32>
      %add3A_317 = arith.constant 1.000000e-16 : f32
      %add3A_318 = vector.broadcast %add3A_317 : f32 to vector<1x128xf32>
      %add3A_319 = arith.addf %slice3A_316, %add3A_318 : vector<1x128xf32>
      %dot_general3A_320 = arith.constant dense<0.000000e+00> : vector<8x128xf32>
      %dot_general3A_321 = tpu.matmul %get3A_301, %exp3A_313, %dot_general3A_320 {dimension_numbers = #tpu.dot_dimension_numbers<[1], [1], [0], [0], [0, 0, 1, 0], [], []>, transpose_lhs_hint = false} : vector<8x512xf32>, vector<128x512xf32>, vector<8x128xf32> -> vector<8x128xf32>
      %div3A_322 = vector.broadcast %add3A_319 : vector<1x128xf32> to vector<8x128xf32>
      %div3A_323 = arith.divf %dot_general3A_321, %div3A_322 : vector<8x128xf32>
      %add3A_324 = arith.addf %add3A_291, %div3A_323 : vector<8x128xf32>
      %mul3A_325 = arith.constant 0.333333343 : f32
      %mul3A_326 = vector.broadcast %mul3A_325 : f32 to vector<8x128xf32>
      %mul3A_327 = arith.mulf %add3A_324, %mul3A_326 : vector<8x128xf32>
      %mul3A_328 = arith.constant 512 : i32
      %mul3A_329 = arith.muli %scan3A_208, %mul3A_328 : i32
      %add3A_330 = arith.constant 0 : i32
      %add3A_331 = arith.addi %mul3A_329, %add3A_330 : i32
      %swap3A_332 = arith.constant 0 : index
      %swap3A_333 = arith.index_cast %add3A_331 : i32 to index
      %swap3A_334 = vector.load %arg36[%swap3A_332, %swap3A_333] : memref<32x6144xf32, #tpu.memory_space<vmem>>, vector<8x128xf32>
      tpu.vector_store %arg36[%swap3A_332, %swap3A_333], %mul3A_327 {strides = array<i32>} : memref<32x6144xf32, #tpu.memory_space<vmem>>, vector<8x128xf32>,
      %mul3A_335 = arith.constant 512 : i32
      %mul3A_336 = arith.muli %scan3A_208, %mul3A_335 : i32
      %add3A_337 = arith.constant 128 : i32
      %add3A_338 = arith.addi %mul3A_336, %add3A_337 : i32
      %get3A_339 = arith.constant 0 : index
      %get3A_340 = arith.index_cast %add3A_338 : i32 to index
      %get3A_341 = vector.load %arg33[%get3A_339, %get3A_340] : memref<128x6144xbf16, #tpu.memory_space<vmem>>, vector<32x128xbf16>
      %get3A_342 = arith.constant 128 : index
      %get3A_343 = arith.constant 0 : index
      %get3A_344 = vector.load %arg3[%get3A_342, %get3A_343] : memref<512x512xf32, #tpu.memory_space<vmem>>, vector<128x512xf32>
      %broadcast_in_dim3A_345 = arith.constant 0.000000e+00 : f32
      %broadcast_in_dim3A_346 = vector.broadcast %broadcast_in_dim3A_345 : f32 to vector<8x128xf32>
      %mul3A_347 = arith.constant 512 : i32
      %mul3A_348 = arith.muli %select_n3A, %mul3A_347 : i32
      %get3A_349 = arith.constant 0 : index
      %get3A_350 = arith.index_cast %mul3A_348 : i32 to index
      %get3A_351 = vector.load %arg34[%get3A_349, %get3A_350] : memref<128x6144xbf16, #tpu.memory_space<vmem>>, vector<32x512xbf16>
      %mul3A_352 = arith.constant 512 : i32
      %mul3A_353 = arith.muli %select_n3A, %mul3A_352 : i32
      %get3A_354 = arith.constant 0 : index
      %get3A_355 = arith.index_cast %mul3A_353 : i32 to index
      %get3A_356 = vector.load %arg35[%get3A_354, %get3A_355] : memref<32x6144xf32, #tpu.memory_space<vmem>>, vector<8x512xf32>
      %dot_general3A_357 = arith.constant dense<0.000000e+00> : vector<128x512xf32>
      %dot_general3A_358 = tpu.matmul %get3A_341, %get3A_351, %dot_general3A_357 {dimension_numbers = #tpu.dot_dimension_numbers<[0], [0], [1], [1], [0, 1, 1, 1], [], []>, transpose_lhs_hint = false} : vector<32x128xbf16>, vector<32x512xbf16>, vector<128x512xf32> -> vector<128x512xf32>
      %add3A_359 = arith.addf %dot_general3A_358, %get3A_344 : vector<128x512xf32>
      %reduce_max3A_360 = arith.constant dense<0xFF800000> : vector<128xf32>
      %reduce_max3A_361 = vector.multi_reduction <maximumf>, %add3A_359, %reduce_max3A_360 [1] : vector<128x512xf32> to vector<128xf32>
      %broadcast_in_dim3A_362 = vector.shape_cast %reduce_max3A_361 : vector<128xf32> to vector<128x1xf32>
      %max3A_363 = arith.constant -1.000000e+30 : f32
      %max3A_364 = vector.broadcast %max3A_363 : f32 to vector<128x1xf32>
      %max3A_365 = arith.maximumf %broadcast_in_dim3A_362, %max3A_364 : vector<128x1xf32>
      %sub3A_366 = vector.broadcast %max3A_365 : vector<128x1xf32> to vector<128x512xf32>
      %sub3A_367 = arith.subf %add3A_359, %sub3A_366 : vector<128x512xf32>
      %exp3A_368 = math.exp %sub3A_367 : vector<128x512xf32>
      %dot_general3A_369 = arith.constant dense<0.000000e+00> : vector<8x128xf32>
      %dot_general3A_370 = tpu.matmul %broadcast_in_dim3A_9, %exp3A_368, %dot_general3A_369 {dimension_numbers = #tpu.dot_dimension_numbers<[1], [1], [0], [0], [0, 0, 1, 0], [], []>, transpose_lhs_hint = false} : vector<8x512xf32>, vector<128x512xf32>, vector<8x128xf32> -> vector<8x128xf32>
      %slice3A_371 = vector.extract_strided_slice %dot_general3A_370 {offsets = [0, 0], sizes = [1, 128], strides = [1, 1]} : vector<8x128xf32> to vector<1x128xf32>
      %add3A_372 = arith.constant 1.000000e-16 : f32
      %add3A_373 = vector.broadcast %add3A_372 : f32 to vector<1x128xf32>
      %add3A_374 = arith.addf %slice3A_371, %add3A_373 : vector<1x128xf32>
      %dot_general3A_375 = arith.constant dense<0.000000e+00> : vector<8x128xf32>
      %dot_general3A_376 = tpu.matmul %get3A_356, %exp3A_368, %dot_general3A_375 {dimension_numbers = #tpu.dot_dimension_numbers<[1], [1], [0], [0], [0, 0, 1, 0], [], []>, transpose_lhs_hint = false} : vector<8x512xf32>, vector<128x512xf32>, vector<8x128xf32> -> vector<8x128xf32>
      %div3A_377 = vector.broadcast %add3A_374 : vector<1x128xf32> to vector<8x128xf32>
      %div3A_378 = arith.divf %dot_general3A_376, %div3A_377 : vector<8x128xf32>
      %add3A_379 = arith.addf %broadcast_in_dim3A_346, %div3A_378 : vector<8x128xf32>
      %mul3A_380 = arith.constant 512 : i32
      %mul3A_381 = arith.muli %scan3A_208, %mul3A_380 : i32
      %get3A_382 = arith.constant 0 : index
      %get3A_383 = arith.index_cast %mul3A_381 : i32 to index
      %get3A_384 = vector.load %arg34[%get3A_382, %get3A_383] : memref<128x6144xbf16, #tpu.memory_space<vmem>>, vector<32x512xbf16>
      %mul3A_385 = arith.constant 512 : i32
      %mul3A_386 = arith.muli %scan3A_208, %mul3A_385 : i32
      %get3A_387 = arith.constant 0 : index
      %get3A_388 = arith.index_cast %mul3A_386 : i32 to index
      %get3A_389 = vector.load %arg35[%get3A_387, %get3A_388] : memref<32x6144xf32, #tpu.memory_space<vmem>>, vector<8x512xf32>
      %dot_general3A_390 = arith.constant dense<0.000000e+00> : vector<128x512xf32>
      %dot_general3A_391 = tpu.matmul %get3A_341, %get3A_384, %dot_general3A_390 {dimension_numbers = #tpu.dot_dimension_numbers<[0], [0], [1], [1], [0, 1, 1, 1], [], []>, transpose_lhs_hint = false} : vector<32x128xbf16>, vector<32x512xbf16>, vector<128x512xf32> -> vector<128x512xf32>
      %add3A_392 = arith.addf %dot_general3A_391, %get3A_344 : vector<128x512xf32>
      %reduce_max3A_393 = arith.constant dense<0xFF800000> : vector<128xf32>
      %reduce_max3A_394 = vector.multi_reduction <maximumf>, %add3A_392, %reduce_max3A_393 [1] : vector<128x512xf32> to vector<128xf32>
      %broadcast_in_dim3A_395 = vector.shape_cast %reduce_max3A_394 : vector<128xf32> to vector<128x1xf32>
      %max3A_396 = arith.constant -1.000000e+30 : f32
      %max3A_397 = vector.broadcast %max3A_396 : f32 to vector<128x1xf32>
      %max3A_398 = arith.maximumf %broadcast_in_dim3A_395, %max3A_397 : vector<128x1xf32>
      %sub3A_399 = vector.broadcast %max3A_398 : vector<128x1xf32> to vector<128x512xf32>
      %sub3A_400 = arith.subf %add3A_392, %sub3A_399 : vector<128x512xf32>
      %exp3A_401 = math.exp %sub3A_400 : vector<128x512xf32>
      %dot_general3A_402 = arith.constant dense<0.000000e+00> : vector<8x128xf32>
      %dot_general3A_403 = tpu.matmul %broadcast_in_dim3A_9, %exp3A_401, %dot_general3A_402 {dimension_numbers = #tpu.dot_dimension_numbers<[1], [1], [0], [0], [0, 0, 1, 0], [], []>, transpose_lhs_hint = false} : vector<8x512xf32>, vector<128x512xf32>, vector<8x128xf32> -> vector<8x128xf32>
      %slice3A_404 = vector.extract_strided_slice %dot_general3A_403 {offsets = [0, 0], sizes = [1, 128], strides = [1, 1]} : vector<8x128xf32> to vector<1x128xf32>
      %add3A_405 = arith.constant 1.000000e-16 : f32
      %add3A_406 = vector.broadcast %add3A_405 : f32 to vector<1x128xf32>
      %add3A_407 = arith.addf %slice3A_404, %add3A_406 : vector<1x128xf32>
      %dot_general3A_408 = arith.constant dense<0.000000e+00> : vector<8x128xf32>
      %dot_general3A_409 = tpu.matmul %get3A_389, %exp3A_401, %dot_general3A_408 {dimension_numbers = #tpu.dot_dimension_numbers<[1], [1], [0], [0], [0, 0, 1, 0], [], []>, transpose_lhs_hint = false} : vector<8x512xf32>, vector<128x512xf32>, vector<8x128xf32> -> vector<8x128xf32>
      %div3A_410 = vector.broadcast %add3A_407 : vector<1x128xf32> to vector<8x128xf32>
      %div3A_411 = arith.divf %dot_general3A_409, %div3A_410 : vector<8x128xf32>
      %add3A_412 = arith.addf %add3A_379, %div3A_411 : vector<8x128xf32>
      %mul3A_413 = arith.constant 512 : i32
      %mul3A_414 = arith.muli %select_n3A_217, %mul3A_413 : i32
      %get3A_415 = arith.constant 0 : index
      %get3A_416 = arith.index_cast %mul3A_414 : i32 to index
      %get3A_417 = vector.load %arg34[%get3A_415, %get3A_416] : memref<128x6144xbf16, #tpu.memory_space<vmem>>, vector<32x512xbf16>
      %mul3A_418 = arith.constant 512 : i32
      %mul3A_419 = arith.muli %select_n3A_217, %mul3A_418 : i32
      %get3A_420 = arith.constant 0 : index
      %get3A_421 = arith.index_cast %mul3A_419 : i32 to index
      %get3A_422 = vector.load %arg35[%get3A_420, %get3A_421] : memref<32x6144xf32, #tpu.memory_space<vmem>>, vector<8x512xf32>
      %dot_general3A_423 = arith.constant dense<0.000000e+00> : vector<128x512xf32>
      %dot_general3A_424 = tpu.matmul %get3A_341, %get3A_417, %dot_general3A_423 {dimension_numbers = #tpu.dot_dimension_numbers<[0], [0], [1], [1], [0, 1, 1, 1], [], []>, transpose_lhs_hint = false} : vector<32x128xbf16>, vector<32x512xbf16>, vector<128x512xf32> -> vector<128x512xf32>
      %add3A_425 = arith.addf %dot_general3A_424, %get3A_344 : vector<128x512xf32>
      %reduce_max3A_426 = arith.constant dense<0xFF800000> : vector<128xf32>
      %reduce_max3A_427 = vector.multi_reduction <maximumf>, %add3A_425, %reduce_max3A_426 [1] : vector<128x512xf32> to vector<128xf32>
      %broadcast_in_dim3A_428 = vector.shape_cast %reduce_max3A_427 : vector<128xf32> to vector<128x1xf32>
      %max3A_429 = arith.constant -1.000000e+30 : f32
      %max3A_430 = vector.broadcast %max3A_429 : f32 to vector<128x1xf32>
      %max3A_431 = arith.maximumf %broadcast_in_dim3A_428, %max3A_430 : vector<128x1xf32>
      %sub3A_432 = vector.broadcast %max3A_431 : vector<128x1xf32> to vector<128x512xf32>
      %sub3A_433 = arith.subf %add3A_425, %sub3A_432 : vector<128x512xf32>
      %exp3A_434 = math.exp %sub3A_433 : vector<128x512xf32>
      %dot_general3A_435 = arith.constant dense<0.000000e+00> : vector<8x128xf32>
      %dot_general3A_436 = tpu.matmul %broadcast_in_dim3A_9, %exp3A_434, %dot_general3A_435 {dimension_numbers = #tpu.dot_dimension_numbers<[1], [1], [0], [0], [0, 0, 1, 0], [], []>, transpose_lhs_hint = false} : vector<8x512xf32>, vector<128x512xf32>, vector<8x128xf32> -> vector<8x128xf32>
      %slice3A_437 = vector.extract_strided_slice %dot_general3A_436 {offsets = [0, 0], sizes = [1, 128], strides = [1, 1]} : vector<8x128xf32> to vector<1x128xf32>
      %add3A_438 = arith.constant 1.000000e-16 : f32
      %add3A_439 = vector.broadcast %add3A_438 : f32 to vector<1x128xf32>
      %add3A_440 = arith.addf %slice3A_437, %add3A_439 : vector<1x128xf32>
      %dot_general3A_441 = arith.constant dense<0.000000e+00> : vector<8x128xf32>
      %dot_general3A_442 = tpu.matmul %get3A_422, %exp3A_434, %dot_general3A_441 {dimension_numbers = #tpu.dot_dimension_numbers<[1], [1], [0], [0], [0, 0, 1, 0], [], []>, transpose_lhs_hint = false} : vector<8x512xf32>, vector<128x512xf32>, vector<8x128xf32> -> vector<8x128xf32>
      %div3A_443 = vector.broadcast %add3A_440 : vector<1x128xf32> to vector<8x128xf32>
      %div3A_444 = arith.divf %dot_general3A_442, %div3A_443 : vector<8x128xf32>
      %add3A_445 = arith.addf %add3A_412, %div3A_444 : vector<8x128xf32>
      %mul3A_446 = arith.constant 0.333333343 : f32
      %mul3A_447 = vector.broadcast %mul3A_446 : f32 to vector<8x128xf32>
      %mul3A_448 = arith.mulf %add3A_445, %mul3A_447 : vector<8x128xf32>
      %mul3A_449 = arith.constant 512 : i32
      %mul3A_450 = arith.muli %scan3A_208, %mul3A_449 : i32
      %add3A_451 = arith.constant 128 : i32
      %add3A_452 = arith.addi %mul3A_450, %add3A_451 : i32
      %swap3A_453 = arith.constant 0 : index
      %swap3A_454 = arith.index_cast %add3A_452 : i32 to index
      %swap3A_455 = vector.load %arg36[%swap3A_453, %swap3A_454] : memref<32x6144xf32, #tpu.memory_space<vmem>>, vector<8x128xf32>
      tpu.vector_store %arg36[%swap3A_453, %swap3A_454], %mul3A_448 {strides = array<i32>} : memref<32x6144xf32, #tpu.memory_space<vmem>>, vector<8x128xf32>,
      %mul3A_456 = arith.constant 512 : i32
      %mul3A_457 = arith.muli %scan3A_208, %mul3A_456 : i32
      %add3A_458 = arith.constant 256 : i32
      %add3A_459 = arith.addi %mul3A_457, %add3A_458 : i32
      %get3A_460 = arith.constant 0 : index
      %get3A_461 = arith.index_cast %add3A_459 : i32 to index
      %get3A_462 = vector.load %arg33[%get3A_460, %get3A_461] : memref<128x6144xbf16, #tpu.memory_space<vmem>>, vector<32x128xbf16>
      %get3A_463 = arith.constant 256 : index
      %get3A_464 = arith.constant 0 : index
      %get3A_465 = vector.load %arg3[%get3A_463, %get3A_464] : memref<512x512xf32, #tpu.memory_space<vmem>>, vector<128x512xf32>
      %broadcast_in_dim3A_466 = arith.constant 0.000000e+00 : f32
      %broadcast_in_dim3A_467 = vector.broadcast %broadcast_in_dim3A_466 : f32 to vector<8x128xf32>
      %mul3A_468 = arith.constant 512 : i32
      %mul3A_469 = arith.muli %select_n3A, %mul3A_468 : i32
      %get3A_470 = arith.constant 0 : index
      %get3A_471 = arith.index_cast %mul3A_469 : i32 to index
      %get3A_472 = vector.load %arg34[%get3A_470, %get3A_471] : memref<128x6144xbf16, #tpu.memory_space<vmem>>, vector<32x512xbf16>
      %mul3A_473 = arith.constant 512 : i32
      %mul3A_474 = arith.muli %select_n3A, %mul3A_473 : i32
      %get3A_475 = arith.constant 0 : index
      %get3A_476 = arith.index_cast %mul3A_474 : i32 to index
      %get3A_477 = vector.load %arg35[%get3A_475, %get3A_476] : memref<32x6144xf32, #tpu.memory_space<vmem>>, vector<8x512xf32>
      %dot_general3A_478 = arith.constant dense<0.000000e+00> : vector<128x512xf32>
      %dot_general3A_479 = tpu.matmul %get3A_462, %get3A_472, %dot_general3A_478 {dimension_numbers = #tpu.dot_dimension_numbers<[0], [0], [1], [1], [0, 1, 1, 1], [], []>, transpose_lhs_hint = false} : vector<32x128xbf16>, vector<32x512xbf16>, vector<128x512xf32> -> vector<128x512xf32>
      %add3A_480 = arith.addf %dot_general3A_479, %get3A_465 : vector<128x512xf32>
      %reduce_max3A_481 = arith.constant dense<0xFF800000> : vector<128xf32>
      %reduce_max3A_482 = vector.multi_reduction <maximumf>, %add3A_480, %reduce_max3A_481 [1] : vector<128x512xf32> to vector<128xf32>
      %broadcast_in_dim3A_483 = vector.shape_cast %reduce_max3A_482 : vector<128xf32> to vector<128x1xf32>
      %max3A_484 = arith.constant -1.000000e+30 : f32
      %max3A_485 = vector.broadcast %max3A_484 : f32 to vector<128x1xf32>
      %max3A_486 = arith.maximumf %broadcast_in_dim3A_483, %max3A_485 : vector<128x1xf32>
      %sub3A_487 = vector.broadcast %max3A_486 : vector<128x1xf32> to vector<128x512xf32>
      %sub3A_488 = arith.subf %add3A_480, %sub3A_487 : vector<128x512xf32>
      %exp3A_489 = math.exp %sub3A_488 : vector<128x512xf32>
      %dot_general3A_490 = arith.constant dense<0.000000e+00> : vector<8x128xf32>
      %dot_general3A_491 = tpu.matmul %broadcast_in_dim3A_9, %exp3A_489, %dot_general3A_490 {dimension_numbers = #tpu.dot_dimension_numbers<[1], [1], [0], [0], [0, 0, 1, 0], [], []>, transpose_lhs_hint = false} : vector<8x512xf32>, vector<128x512xf32>, vector<8x128xf32> -> vector<8x128xf32>
      %slice3A_492 = vector.extract_strided_slice %dot_general3A_491 {offsets = [0, 0], sizes = [1, 128], strides = [1, 1]} : vector<8x128xf32> to vector<1x128xf32>
      %add3A_493 = arith.constant 1.000000e-16 : f32
      %add3A_494 = vector.broadcast %add3A_493 : f32 to vector<1x128xf32>
      %add3A_495 = arith.addf %slice3A_492, %add3A_494 : vector<1x128xf32>
      %dot_general3A_496 = arith.constant dense<0.000000e+00> : vector<8x128xf32>
      %dot_general3A_497 = tpu.matmul %get3A_477, %exp3A_489, %dot_general3A_496 {dimension_numbers = #tpu.dot_dimension_numbers<[1], [1], [0], [0], [0, 0, 1, 0], [], []>, transpose_lhs_hint = false} : vector<8x512xf32>, vector<128x512xf32>, vector<8x128xf32> -> vector<8x128xf32>
      %div3A_498 = vector.broadcast %add3A_495 : vector<1x128xf32> to vector<8x128xf32>
      %div3A_499 = arith.divf %dot_general3A_497, %div3A_498 : vector<8x128xf32>
      %add3A_500 = arith.addf %broadcast_in_dim3A_467, %div3A_499 : vector<8x128xf32>
      %mul3A_501 = arith.constant 512 : i32
      %mul3A_502 = arith.muli %scan3A_208, %mul3A_501 : i32
      %get3A_503 = arith.constant 0 : index
      %get3A_504 = arith.index_cast %mul3A_502 : i32 to index
      %get3A_505 = vector.load %arg34[%get3A_503, %get3A_504] : memref<128x6144xbf16, #tpu.memory_space<vmem>>, vector<32x512xbf16>
      %mul3A_506 = arith.constant 512 : i32
      %mul3A_507 = arith.muli %scan3A_208, %mul3A_506 : i32
      %get3A_508 = arith.constant 0 : index
      %get3A_509 = arith.index_cast %mul3A_507 : i32 to index
      %get3A_510 = vector.load %arg35[%get3A_508, %get3A_509] : memref<32x6144xf32, #tpu.memory_space<vmem>>, vector<8x512xf32>
      %dot_general3A_511 = arith.constant dense<0.000000e+00> : vector<128x512xf32>
      %dot_general3A_512 = tpu.matmul %get3A_462, %get3A_505, %dot_general3A_511 {dimension_numbers = #tpu.dot_dimension_numbers<[0], [0], [1], [1], [0, 1, 1, 1], [], []>, transpose_lhs_hint = false} : vector<32x128xbf16>, vector<32x512xbf16>, vector<128x512xf32> -> vector<128x512xf32>
      %add3A_513 = arith.addf %dot_general3A_512, %get3A_465 : vector<128x512xf32>
      %reduce_max3A_514 = arith.constant dense<0xFF800000> : vector<128xf32>
      %reduce_max3A_515 = vector.multi_reduction <maximumf>, %add3A_513, %reduce_max3A_514 [1] : vector<128x512xf32> to vector<128xf32>
      %broadcast_in_dim3A_516 = vector.shape_cast %reduce_max3A_515 : vector<128xf32> to vector<128x1xf32>
      %max3A_517 = arith.constant -1.000000e+30 : f32
      %max3A_518 = vector.broadcast %max3A_517 : f32 to vector<128x1xf32>
      %max3A_519 = arith.maximumf %broadcast_in_dim3A_516, %max3A_518 : vector<128x1xf32>
      %sub3A_520 = vector.broadcast %max3A_519 : vector<128x1xf32> to vector<128x512xf32>
      %sub3A_521 = arith.subf %add3A_513, %sub3A_520 : vector<128x512xf32>
      %exp3A_522 = math.exp %sub3A_521 : vector<128x512xf32>
      %dot_general3A_523 = arith.constant dense<0.000000e+00> : vector<8x128xf32>
      %dot_general3A_524 = tpu.matmul %broadcast_in_dim3A_9, %exp3A_522, %dot_general3A_523 {dimension_numbers = #tpu.dot_dimension_numbers<[1], [1], [0], [0], [0, 0, 1, 0], [], []>, transpose_lhs_hint = false} : vector<8x512xf32>, vector<128x512xf32>, vector<8x128xf32> -> vector<8x128xf32>
      %slice3A_525 = vector.extract_strided_slice %dot_general3A_524 {offsets = [0, 0], sizes = [1, 128], strides = [1, 1]} : vector<8x128xf32> to vector<1x128xf32>
      %add3A_526 = arith.constant 1.000000e-16 : f32
      %add3A_527 = vector.broadcast %add3A_526 : f32 to vector<1x128xf32>
      %add3A_528 = arith.addf %slice3A_525, %add3A_527 : vector<1x128xf32>
      %dot_general3A_529 = arith.constant dense<0.000000e+00> : vector<8x128xf32>
      %dot_general3A_530 = tpu.matmul %get3A_510, %exp3A_522, %dot_general3A_529 {dimension_numbers = #tpu.dot_dimension_numbers<[1], [1], [0], [0], [0, 0, 1, 0], [], []>, transpose_lhs_hint = false} : vector<8x512xf32>, vector<128x512xf32>, vector<8x128xf32> -> vector<8x128xf32>
      %div3A_531 = vector.broadcast %add3A_528 : vector<1x128xf32> to vector<8x128xf32>
      %div3A_532 = arith.divf %dot_general3A_530, %div3A_531 : vector<8x128xf32>
      %add3A_533 = arith.addf %add3A_500, %div3A_532 : vector<8x128xf32>
      %mul3A_534 = arith.constant 512 : i32
      %mul3A_535 = arith.muli %select_n3A_217, %mul3A_534 : i32
      %get3A_536 = arith.constant 0 : index
      %get3A_537 = arith.index_cast %mul3A_535 : i32 to index
      %get3A_538 = vector.load %arg34[%get3A_536, %get3A_537] : memref<128x6144xbf16, #tpu.memory_space<vmem>>, vector<32x512xbf16>
      %mul3A_539 = arith.constant 512 : i32
      %mul3A_540 = arith.muli %select_n3A_217, %mul3A_539 : i32
      %get3A_541 = arith.constant 0 : index
      %get3A_542 = arith.index_cast %mul3A_540 : i32 to index
      %get3A_543 = vector.load %arg35[%get3A_541, %get3A_542] : memref<32x6144xf32, #tpu.memory_space<vmem>>, vector<8x512xf32>
      %dot_general3A_544 = arith.constant dense<0.000000e+00> : vector<128x512xf32>
      %dot_general3A_545 = tpu.matmul %get3A_462, %get3A_538, %dot_general3A_544 {dimension_numbers = #tpu.dot_dimension_numbers<[0], [0], [1], [1], [0, 1, 1, 1], [], []>, transpose_lhs_hint = false} : vector<32x128xbf16>, vector<32x512xbf16>, vector<128x512xf32> -> vector<128x512xf32>
      %add3A_546 = arith.addf %dot_general3A_545, %get3A_465 : vector<128x512xf32>
      %reduce_max3A_547 = arith.constant dense<0xFF800000> : vector<128xf32>
      %reduce_max3A_548 = vector.multi_reduction <maximumf>, %add3A_546, %reduce_max3A_547 [1] : vector<128x512xf32> to vector<128xf32>
      %broadcast_in_dim3A_549 = vector.shape_cast %reduce_max3A_548 : vector<128xf32> to vector<128x1xf32>
      %max3A_550 = arith.constant -1.000000e+30 : f32
      %max3A_551 = vector.broadcast %max3A_550 : f32 to vector<128x1xf32>
      %max3A_552 = arith.maximumf %broadcast_in_dim3A_549, %max3A_551 : vector<128x1xf32>
      %sub3A_553 = vector.broadcast %max3A_552 : vector<128x1xf32> to vector<128x512xf32>
      %sub3A_554 = arith.subf %add3A_546, %sub3A_553 : vector<128x512xf32>
      %exp3A_555 = math.exp %sub3A_554 : vector<128x512xf32>
      %dot_general3A_556 = arith.constant dense<0.000000e+00> : vector<8x128xf32>
      %dot_general3A_557 = tpu.matmul %broadcast_in_dim3A_9, %exp3A_555, %dot_general3A_556 {dimension_numbers = #tpu.dot_dimension_numbers<[1], [1], [0], [0], [0, 0, 1, 0], [], []>, transpose_lhs_hint = false} : vector<8x512xf32>, vector<128x512xf32>, vector<8x128xf32> -> vector<8x128xf32>
      %slice3A_558 = vector.extract_strided_slice %dot_general3A_557 {offsets = [0, 0], sizes = [1, 128], strides = [1, 1]} : vector<8x128xf32> to vector<1x128xf32>
      %add3A_559 = arith.constant 1.000000e-16 : f32
      %add3A_560 = vector.broadcast %add3A_559 : f32 to vector<1x128xf32>
      %add3A_561 = arith.addf %slice3A_558, %add3A_560 : vector<1x128xf32>
      %dot_general3A_562 = arith.constant dense<0.000000e+00> : vector<8x128xf32>
      %dot_general3A_563 = tpu.matmul %get3A_543, %exp3A_555, %dot_general3A_562 {dimension_numbers = #tpu.dot_dimension_numbers<[1], [1], [0], [0], [0, 0, 1, 0], [], []>, transpose_lhs_hint = false} : vector<8x512xf32>, vector<128x512xf32>, vector<8x128xf32> -> vector<8x128xf32>
      %div3A_564 = vector.broadcast %add3A_561 : vector<1x128xf32> to vector<8x128xf32>
      %div3A_565 = arith.divf %dot_general3A_563, %div3A_564 : vector<8x128xf32>
      %add3A_566 = arith.addf %add3A_533, %div3A_565 : vector<8x128xf32>
      %mul3A_567 = arith.constant 0.333333343 : f32
      %mul3A_568 = vector.broadcast %mul3A_567 : f32 to vector<8x128xf32>
      %mul3A_569 = arith.mulf %add3A_566, %mul3A_568 : vector<8x128xf32>
      %mul3A_570 = arith.constant 512 : i32
      %mul3A_571 = arith.muli %scan3A_208, %mul3A_570 : i32
      %add3A_572 = arith.constant 256 : i32
      %add3A_573 = arith.addi %mul3A_571, %add3A_572 : i32
      %swap3A_574 = arith.constant 0 : index
      %swap3A_575 = arith.index_cast %add3A_573 : i32 to index
      %swap3A_576 = vector.load %arg36[%swap3A_574, %swap3A_575] : memref<32x6144xf32, #tpu.memory_space<vmem>>, vector<8x128xf32>
      tpu.vector_store %arg36[%swap3A_574, %swap3A_575], %mul3A_569 {strides = array<i32>} : memref<32x6144xf32, #tpu.memory_space<vmem>>, vector<8x128xf32>,
      %mul3A_577 = arith.constant 512 : i32
      %mul3A_578 = arith.muli %scan3A_208, %mul3A_577 : i32
      %add3A_579 = arith.constant 384 : i32
      %add3A_580 = arith.addi %mul3A_578, %add3A_579 : i32
      %get3A_581 = arith.constant 0 : index
      %get3A_582 = arith.index_cast %add3A_580 : i32 to index
      %get3A_583 = vector.load %arg33[%get3A_581, %get3A_582] : memref<128x6144xbf16, #tpu.memory_space<vmem>>, vector<32x128xbf16>
      %get3A_584 = arith.constant 384 : index
      %get3A_585 = arith.constant 0 : index
      %get3A_586 = vector.load %arg3[%get3A_584, %get3A_585] : memref<512x512xf32, #tpu.memory_space<vmem>>, vector<128x512xf32>
      %broadcast_in_dim3A_587 = arith.constant 0.000000e+00 : f32
      %broadcast_in_dim3A_588 = vector.broadcast %broadcast_in_dim3A_587 : f32 to vector<8x128xf32>
      %mul3A_589 = arith.constant 512 : i32
      %mul3A_590 = arith.muli %select_n3A, %mul3A_589 : i32
      %get3A_591 = arith.constant 0 : index
      %get3A_592 = arith.index_cast %mul3A_590 : i32 to index
      %get3A_593 = vector.load %arg34[%get3A_591, %get3A_592] : memref<128x6144xbf16, #tpu.memory_space<vmem>>, vector<32x512xbf16>
      %mul3A_594 = arith.constant 512 : i32
      %mul3A_595 = arith.muli %select_n3A, %mul3A_594 : i32
      %get3A_596 = arith.constant 0 : index
      %get3A_597 = arith.index_cast %mul3A_595 : i32 to index
      %get3A_598 = vector.load %arg35[%get3A_596, %get3A_597] : memref<32x6144xf32, #tpu.memory_space<vmem>>, vector<8x512xf32>
      %dot_general3A_599 = arith.constant dense<0.000000e+00> : vector<128x512xf32>
      %dot_general3A_600 = tpu.matmul %get3A_583, %get3A_593, %dot_general3A_599 {dimension_numbers = #tpu.dot_dimension_numbers<[0], [0], [1], [1], [0, 1, 1, 1], [], []>, transpose_lhs_hint = false} : vector<32x128xbf16>, vector<32x512xbf16>, vector<128x512xf32> -> vector<128x512xf32>
      %add3A_601 = arith.addf %dot_general3A_600, %get3A_586 : vector<128x512xf32>
      %reduce_max3A_602 = arith.constant dense<0xFF800000> : vector<128xf32>
      %reduce_max3A_603 = vector.multi_reduction <maximumf>, %add3A_601, %reduce_max3A_602 [1] : vector<128x512xf32> to vector<128xf32>
      %broadcast_in_dim3A_604 = vector.shape_cast %reduce_max3A_603 : vector<128xf32> to vector<128x1xf32>
      %max3A_605 = arith.constant -1.000000e+30 : f32
      %max3A_606 = vector.broadcast %max3A_605 : f32 to vector<128x1xf32>
      %max3A_607 = arith.maximumf %broadcast_in_dim3A_604, %max3A_606 : vector<128x1xf32>
      %sub3A_608 = vector.broadcast %max3A_607 : vector<128x1xf32> to vector<128x512xf32>
      %sub3A_609 = arith.subf %add3A_601, %sub3A_608 : vector<128x512xf32>
      %exp3A_610 = math.exp %sub3A_609 : vector<128x512xf32>
      %dot_general3A_611 = arith.constant dense<0.000000e+00> : vector<8x128xf32>
      %dot_general3A_612 = tpu.matmul %broadcast_in_dim3A_9, %exp3A_610, %dot_general3A_611 {dimension_numbers = #tpu.dot_dimension_numbers<[1], [1], [0], [0], [0, 0, 1, 0], [], []>, transpose_lhs_hint = false} : vector<8x512xf32>, vector<128x512xf32>, vector<8x128xf32> -> vector<8x128xf32>
      %slice3A_613 = vector.extract_strided_slice %dot_general3A_612 {offsets = [0, 0], sizes = [1, 128], strides = [1, 1]} : vector<8x128xf32> to vector<1x128xf32>
      %add3A_614 = arith.constant 1.000000e-16 : f32
      %add3A_615 = vector.broadcast %add3A_614 : f32 to vector<1x128xf32>
      %add3A_616 = arith.addf %slice3A_613, %add3A_615 : vector<1x128xf32>
      %dot_general3A_617 = arith.constant dense<0.000000e+00> : vector<8x128xf32>
      %dot_general3A_618 = tpu.matmul %get3A_598, %exp3A_610, %dot_general3A_617 {dimension_numbers = #tpu.dot_dimension_numbers<[1], [1], [0], [0], [0, 0, 1, 0], [], []>, transpose_lhs_hint = false} : vector<8x512xf32>, vector<128x512xf32>, vector<8x128xf32> -> vector<8x128xf32>
      %div3A_619 = vector.broadcast %add3A_616 : vector<1x128xf32> to vector<8x128xf32>
      %div3A_620 = arith.divf %dot_general3A_618, %div3A_619 : vector<8x128xf32>
      %add3A_621 = arith.addf %broadcast_in_dim3A_588, %div3A_620 : vector<8x128xf32>
      %mul3A_622 = arith.constant 512 : i32
      %mul3A_623 = arith.muli %scan3A_208, %mul3A_622 : i32
      %get3A_624 = arith.constant 0 : index
      %get3A_625 = arith.index_cast %mul3A_623 : i32 to index
      %get3A_626 = vector.load %arg34[%get3A_624, %get3A_625] : memref<128x6144xbf16, #tpu.memory_space<vmem>>, vector<32x512xbf16>
      %mul3A_627 = arith.constant 512 : i32
      %mul3A_628 = arith.muli %scan3A_208, %mul3A_627 : i32
      %get3A_629 = arith.constant 0 : index
      %get3A_630 = arith.index_cast %mul3A_628 : i32 to index
      %get3A_631 = vector.load %arg35[%get3A_629, %get3A_630] : memref<32x6144xf32, #tpu.memory_space<vmem>>, vector<8x512xf32>
      %dot_general3A_632 = arith.constant dense<0.000000e+00> : vector<128x512xf32>
      %dot_general3A_633 = tpu.matmul %get3A_583, %get3A_626, %dot_general3A_632 {dimension_numbers = #tpu.dot_dimension_numbers<[0], [0], [1], [1], [0, 1, 1, 1], [], []>, transpose_lhs_hint = false} : vector<32x128xbf16>, vector<32x512xbf16>, vector<128x512xf32> -> vector<128x512xf32>
      %add3A_634 = arith.addf %dot_general3A_633, %get3A_586 : vector<128x512xf32>
      %reduce_max3A_635 = arith.constant dense<0xFF800000> : vector<128xf32>
      %reduce_max3A_636 = vector.multi_reduction <maximumf>, %add3A_634, %reduce_max3A_635 [1] : vector<128x512xf32> to vector<128xf32>
      %broadcast_in_dim3A_637 = vector.shape_cast %reduce_max3A_636 : vector<128xf32> to vector<128x1xf32>
      %max3A_638 = arith.constant -1.000000e+30 : f32
      %max3A_639 = vector.broadcast %max3A_638 : f32 to vector<128x1xf32>
      %max3A_640 = arith.maximumf %broadcast_in_dim3A_637, %max3A_639 : vector<128x1xf32>
      %sub3A_641 = vector.broadcast %max3A_640 : vector<128x1xf32> to vector<128x512xf32>
      %sub3A_642 = arith.subf %add3A_634, %sub3A_641 : vector<128x512xf32>
      %exp3A_643 = math.exp %sub3A_642 : vector<128x512xf32>
      %dot_general3A_644 = arith.constant dense<0.000000e+00> : vector<8x128xf32>
      %dot_general3A_645 = tpu.matmul %broadcast_in_dim3A_9, %exp3A_643, %dot_general3A_644 {dimension_numbers = #tpu.dot_dimension_numbers<[1], [1], [0], [0], [0, 0, 1, 0], [], []>, transpose_lhs_hint = false} : vector<8x512xf32>, vector<128x512xf32>, vector<8x128xf32> -> vector<8x128xf32>
      %slice3A_646 = vector.extract_strided_slice %dot_general3A_645 {offsets = [0, 0], sizes = [1, 128], strides = [1, 1]} : vector<8x128xf32> to vector<1x128xf32>
      %add3A_647 = arith.constant 1.000000e-16 : f32
      %add3A_648 = vector.broadcast %add3A_647 : f32 to vector<1x128xf32>
      %add3A_649 = arith.addf %slice3A_646, %add3A_648 : vector<1x128xf32>
      %dot_general3A_650 = arith.constant dense<0.000000e+00> : vector<8x128xf32>
      %dot_general3A_651 = tpu.matmul %get3A_631, %exp3A_643, %dot_general3A_650 {dimension_numbers = #tpu.dot_dimension_numbers<[1], [1], [0], [0], [0, 0, 1, 0], [], []>, transpose_lhs_hint = false} : vector<8x512xf32>, vector<128x512xf32>, vector<8x128xf32> -> vector<8x128xf32>
      %div3A_652 = vector.broadcast %add3A_649 : vector<1x128xf32> to vector<8x128xf32>
      %div3A_653 = arith.divf %dot_general3A_651, %div3A_652 : vector<8x128xf32>
      %add3A_654 = arith.addf %add3A_621, %div3A_653 : vector<8x128xf32>
      %mul3A_655 = arith.constant 512 : i32
      %mul3A_656 = arith.muli %select_n3A_217, %mul3A_655 : i32
      %get3A_657 = arith.constant 0 : index
      %get3A_658 = arith.index_cast %mul3A_656 : i32 to index
      %get3A_659 = vector.load %arg34[%get3A_657, %get3A_658] : memref<128x6144xbf16, #tpu.memory_space<vmem>>, vector<32x512xbf16>
      %mul3A_660 = arith.constant 512 : i32
      %mul3A_661 = arith.muli %select_n3A_217, %mul3A_660 : i32
      %get3A_662 = arith.constant 0 : index
      %get3A_663 = arith.index_cast %mul3A_661 : i32 to index
      %get3A_664 = vector.load %arg35[%get3A_662, %get3A_663] : memref<32x6144xf32, #tpu.memory_space<vmem>>, vector<8x512xf32>
      %dot_general3A_665 = arith.constant dense<0.000000e+00> : vector<128x512xf32>
      %dot_general3A_666 = tpu.matmul %get3A_583, %get3A_659, %dot_general3A_665 {dimension_numbers = #tpu.dot_dimension_numbers<[0], [0], [1], [1], [0, 1, 1, 1], [], []>, transpose_lhs_hint = false} : vector<32x128xbf16>, vector<32x512xbf16>, vector<128x512xf32> -> vector<128x512xf32>
      %add3A_667 = arith.addf %dot_general3A_666, %get3A_586 : vector<128x512xf32>
      %reduce_max3A_668 = arith.constant dense<0xFF800000> : vector<128xf32>
      %reduce_max3A_669 = vector.multi_reduction <maximumf>, %add3A_667, %reduce_max3A_668 [1] : vector<128x512xf32> to vector<128xf32>
      %broadcast_in_dim3A_670 = vector.shape_cast %reduce_max3A_669 : vector<128xf32> to vector<128x1xf32>
      %max3A_671 = arith.constant -1.000000e+30 : f32
      %max3A_672 = vector.broadcast %max3A_671 : f32 to vector<128x1xf32>
      %max3A_673 = arith.maximumf %broadcast_in_dim3A_670, %max3A_672 : vector<128x1xf32>
      %sub3A_674 = vector.broadcast %max3A_673 : vector<128x1xf32> to vector<128x512xf32>
      %sub3A_675 = arith.subf %add3A_667, %sub3A_674 : vector<128x512xf32>
      %exp3A_676 = math.exp %sub3A_675 : vector<128x512xf32>
      %dot_general3A_677 = arith.constant dense<0.000000e+00> : vector<8x128xf32>
      %dot_general3A_678 = tpu.matmul %broadcast_in_dim3A_9, %exp3A_676, %dot_general3A_677 {dimension_numbers = #tpu.dot_dimension_numbers<[1], [1], [0], [0], [0, 0, 1, 0], [], []>, transpose_lhs_hint = false} : vector<8x512xf32>, vector<128x512xf32>, vector<8x128xf32> -> vector<8x128xf32>
      %slice3A_679 = vector.extract_strided_slice %dot_general3A_678 {offsets = [0, 0], sizes = [1, 128], strides = [1, 1]} : vector<8x128xf32> to vector<1x128xf32>
      %add3A_680 = arith.constant 1.000000e-16 : f32
      %add3A_681 = vector.broadcast %add3A_680 : f32 to vector<1x128xf32>
      %add3A_682 = arith.addf %slice3A_679, %add3A_681 : vector<1x128xf32>
      %dot_general3A_683 = arith.constant dense<0.000000e+00> : vector<8x128xf32>
      %dot_general3A_684 = tpu.matmul %get3A_664, %exp3A_676, %dot_general3A_683 {dimension_numbers = #tpu.dot_dimension_numbers<[1], [1], [0], [0], [0, 0, 1, 0], [], []>, transpose_lhs_hint = false} : vector<8x512xf32>, vector<128x512xf32>, vector<8x128xf32> -> vector<8x128xf32>
      %div3A_685 = vector.broadcast %add3A_682 : vector<1x128xf32> to vector<8x128xf32>
      %div3A_686 = arith.divf %dot_general3A_684, %div3A_685 : vector<8x128xf32>
      %add3A_687 = arith.addf %add3A_654, %div3A_686 : vector<8x128xf32>
      %mul3A_688 = arith.constant 0.333333343 : f32
      %mul3A_689 = vector.broadcast %mul3A_688 : f32 to vector<8x128xf32>
      %mul3A_690 = arith.mulf %add3A_687, %mul3A_689 : vector<8x128xf32>
      %mul3A_691 = arith.constant 512 : i32
      %mul3A_692 = arith.muli %scan3A_208, %mul3A_691 : i32
      %add3A_693 = arith.constant 384 : i32
      %add3A_694 = arith.addi %mul3A_692, %add3A_693 : i32
      %swap3A_695 = arith.constant 0 : index
      %swap3A_696 = arith.index_cast %add3A_694 : i32 to index
      %swap3A_697 = vector.load %arg36[%swap3A_695, %swap3A_696] : memref<32x6144xf32, #tpu.memory_space<vmem>>, vector<8x128xf32>
      tpu.vector_store %arg36[%swap3A_695, %swap3A_696], %mul3A_690 {strides = array<i32>} : memref<32x6144xf32, #tpu.memory_space<vmem>>, vector<8x128xf32>,
      %mul3A_698 = arith.constant 512 : i32
      %mul3A_699 = arith.muli %scan3A_208, %mul3A_698 : i32
      %add3A_700 = arith.constant 0 : i32
      %add3A_701 = arith.addi %mul3A_699, %add3A_700 : i32
      %get3A_702 = arith.constant 32 : index
      %get3A_703 = arith.index_cast %add3A_701 : i32 to index
      %get3A_704 = vector.load %arg33[%get3A_702, %get3A_703] : memref<128x6144xbf16, #tpu.memory_space<vmem>>, vector<32x128xbf16>
      %get3A_705 = arith.constant 0 : index
      %get3A_706 = arith.constant 0 : index
      %get3A_707 = vector.load %arg3[%get3A_705, %get3A_706] : memref<512x512xf32, #tpu.memory_space<vmem>>, vector<128x512xf32>
      %broadcast_in_dim3A_708 = arith.constant 0.000000e+00 : f32
      %broadcast_in_dim3A_709 = vector.broadcast %broadcast_in_dim3A_708 : f32 to vector<8x128xf32>
      %mul3A_710 = arith.constant 512 : i32
      %mul3A_711 = arith.muli %select_n3A, %mul3A_710 : i32
      %get3A_712 = arith.constant 32 : index
      %get3A_713 = arith.index_cast %mul3A_711 : i32 to index
      %get3A_714 = vector.load %arg34[%get3A_712, %get3A_713] : memref<128x6144xbf16, #tpu.memory_space<vmem>>, vector<32x512xbf16>
      %mul3A_715 = arith.constant 512 : i32
      %mul3A_716 = arith.muli %select_n3A, %mul3A_715 : i32
      %get3A_717 = arith.constant 8 : index
      %get3A_718 = arith.index_cast %mul3A_716 : i32 to index
      %get3A_719 = vector.load %arg35[%get3A_717, %get3A_718] : memref<32x6144xf32, #tpu.memory_space<vmem>>, vector<8x512xf32>
      %dot_general3A_720 = arith.constant dense<0.000000e+00> : vector<128x512xf32>
      %dot_general3A_721 = tpu.matmul %get3A_704, %get3A_714, %dot_general3A_720 {dimension_numbers = #tpu.dot_dimension_numbers<[0], [0], [1], [1], [0, 1, 1, 1], [], []>, transpose_lhs_hint = false} : vector<32x128xbf16>, vector<32x512xbf16>, vector<128x512xf32> -> vector<128x512xf32>
      %add3A_722 = arith.addf %dot_general3A_721, %get3A_707 : vector<128x512xf32>
      %reduce_max3A_723 = arith.constant dense<0xFF800000> : vector<128xf32>
      %reduce_max3A_724 = vector.multi_reduction <maximumf>, %add3A_722, %reduce_max3A_723 [1] : vector<128x512xf32> to vector<128xf32>
      %broadcast_in_dim3A_725 = vector.shape_cast %reduce_max3A_724 : vector<128xf32> to vector<128x1xf32>
      %max3A_726 = arith.constant -1.000000e+30 : f32
      %max3A_727 = vector.broadcast %max3A_726 : f32 to vector<128x1xf32>
      %max3A_728 = arith.maximumf %broadcast_in_dim3A_725, %max3A_727 : vector<128x1xf32>
      %sub3A_729 = vector.broadcast %max3A_728 : vector<128x1xf32> to vector<128x512xf32>
      %sub3A_730 = arith.subf %add3A_722, %sub3A_729 : vector<128x512xf32>
      %exp3A_731 = math.exp %sub3A_730 : vector<128x512xf32>
      %dot_general3A_732 = arith.constant dense<0.000000e+00> : vector<8x128xf32>
      %dot_general3A_733 = tpu.matmul %broadcast_in_dim3A_9, %exp3A_731, %dot_general3A_732 {dimension_numbers = #tpu.dot_dimension_numbers<[1], [1], [0], [0], [0, 0, 1, 0], [], []>, transpose_lhs_hint = false} : vector<8x512xf32>, vector<128x512xf32>, vector<8x128xf32> -> vector<8x128xf32>
      %slice3A_734 = vector.extract_strided_slice %dot_general3A_733 {offsets = [0, 0], sizes = [1, 128], strides = [1, 1]} : vector<8x128xf32> to vector<1x128xf32>
      %add3A_735 = arith.constant 1.000000e-16 : f32
      %add3A_736 = vector.broadcast %add3A_735 : f32 to vector<1x128xf32>
      %add3A_737 = arith.addf %slice3A_734, %add3A_736 : vector<1x128xf32>
      %dot_general3A_738 = arith.constant dense<0.000000e+00> : vector<8x128xf32>
      %dot_general3A_739 = tpu.matmul %get3A_719, %exp3A_731, %dot_general3A_738 {dimension_numbers = #tpu.dot_dimension_numbers<[1], [1], [0], [0], [0, 0, 1, 0], [], []>, transpose_lhs_hint = false} : vector<8x512xf32>, vector<128x512xf32>, vector<8x128xf32> -> vector<8x128xf32>
      %div3A_740 = vector.broadcast %add3A_737 : vector<1x128xf32> to vector<8x128xf32>
      %div3A_741 = arith.divf %dot_general3A_739, %div3A_740 : vector<8x128xf32>
      %add3A_742 = arith.addf %broadcast_in_dim3A_709, %div3A_741 : vector<8x128xf32>
      %mul3A_743 = arith.constant 512 : i32
      %mul3A_744 = arith.muli %scan3A_208, %mul3A_743 : i32
      %get3A_745 = arith.constant 32 : index
      %get3A_746 = arith.index_cast %mul3A_744 : i32 to index
      %get3A_747 = vector.load %arg34[%get3A_745, %get3A_746] : memref<128x6144xbf16, #tpu.memory_space<vmem>>, vector<32x512xbf16>
      %mul3A_748 = arith.constant 512 : i32
      %mul3A_749 = arith.muli %scan3A_208, %mul3A_748 : i32
      %get3A_750 = arith.constant 8 : index
      %get3A_751 = arith.index_cast %mul3A_749 : i32 to index
      %get3A_752 = vector.load %arg35[%get3A_750, %get3A_751] : memref<32x6144xf32, #tpu.memory_space<vmem>>, vector<8x512xf32>
      %dot_general3A_753 = arith.constant dense<0.000000e+00> : vector<128x512xf32>
      %dot_general3A_754 = tpu.matmul %get3A_704, %get3A_747, %dot_general3A_753 {dimension_numbers = #tpu.dot_dimension_numbers<[0], [0], [1], [1], [0, 1, 1, 1], [], []>, transpose_lhs_hint = false} : vector<32x128xbf16>, vector<32x512xbf16>, vector<128x512xf32> -> vector<128x512xf32>
      %add3A_755 = arith.addf %dot_general3A_754, %get3A_707 : vector<128x512xf32>
      %reduce_max3A_756 = arith.constant dense<0xFF800000> : vector<128xf32>
      %reduce_max3A_757 = vector.multi_reduction <maximumf>, %add3A_755, %reduce_max3A_756 [1] : vector<128x512xf32> to vector<128xf32>
      %broadcast_in_dim3A_758 = vector.shape_cast %reduce_max3A_757 : vector<128xf32> to vector<128x1xf32>
      %max3A_759 = arith.constant -1.000000e+30 : f32
      %max3A_760 = vector.broadcast %max3A_759 : f32 to vector<128x1xf32>
      %max3A_761 = arith.maximumf %broadcast_in_dim3A_758, %max3A_760 : vector<128x1xf32>
      %sub3A_762 = vector.broadcast %max3A_761 : vector<128x1xf32> to vector<128x512xf32>
      %sub3A_763 = arith.subf %add3A_755, %sub3A_762 : vector<128x512xf32>
      %exp3A_764 = math.exp %sub3A_763 : vector<128x512xf32>
      %dot_general3A_765 = arith.constant dense<0.000000e+00> : vector<8x128xf32>
      %dot_general3A_766 = tpu.matmul %broadcast_in_dim3A_9, %exp3A_764, %dot_general3A_765 {dimension_numbers = #tpu.dot_dimension_numbers<[1], [1], [0], [0], [0, 0, 1, 0], [], []>, transpose_lhs_hint = false} : vector<8x512xf32>, vector<128x512xf32>, vector<8x128xf32> -> vector<8x128xf32>
      %slice3A_767 = vector.extract_strided_slice %dot_general3A_766 {offsets = [0, 0], sizes = [1, 128], strides = [1, 1]} : vector<8x128xf32> to vector<1x128xf32>
      %add3A_768 = arith.constant 1.000000e-16 : f32
      %add3A_769 = vector.broadcast %add3A_768 : f32 to vector<1x128xf32>
      %add3A_770 = arith.addf %slice3A_767, %add3A_769 : vector<1x128xf32>
      %dot_general3A_771 = arith.constant dense<0.000000e+00> : vector<8x128xf32>
      %dot_general3A_772 = tpu.matmul %get3A_752, %exp3A_764, %dot_general3A_771 {dimension_numbers = #tpu.dot_dimension_numbers<[1], [1], [0], [0], [0, 0, 1, 0], [], []>, transpose_lhs_hint = false} : vector<8x512xf32>, vector<128x512xf32>, vector<8x128xf32> -> vector<8x128xf32>
      %div3A_773 = vector.broadcast %add3A_770 : vector<1x128xf32> to vector<8x128xf32>
      %div3A_774 = arith.divf %dot_general3A_772, %div3A_773 : vector<8x128xf32>
      %add3A_775 = arith.addf %add3A_742, %div3A_774 : vector<8x128xf32>
      %mul3A_776 = arith.constant 512 : i32
      %mul3A_777 = arith.muli %select_n3A_217, %mul3A_776 : i32
      %get3A_778 = arith.constant 32 : index
      %get3A_779 = arith.index_cast %mul3A_777 : i32 to index
      %get3A_780 = vector.load %arg34[%get3A_778, %get3A_779] : memref<128x6144xbf16, #tpu.memory_space<vmem>>, vector<32x512xbf16>
      %mul3A_781 = arith.constant 512 : i32
      %mul3A_782 = arith.muli %select_n3A_217, %mul3A_781 : i32
      %get3A_783 = arith.constant 8 : index
      %get3A_784 = arith.index_cast %mul3A_782 : i32 to index
      %get3A_785 = vector.load %arg35[%get3A_783, %get3A_784] : memref<32x6144xf32, #tpu.memory_space<vmem>>, vector<8x512xf32>
      %dot_general3A_786 = arith.constant dense<0.000000e+00> : vector<128x512xf32>
      %dot_general3A_787 = tpu.matmul %get3A_704, %get3A_780, %dot_general3A_786 {dimension_numbers = #tpu.dot_dimension_numbers<[0], [0], [1], [1], [0, 1, 1, 1], [], []>, transpose_lhs_hint = false} : vector<32x128xbf16>, vector<32x512xbf16>, vector<128x512xf32> -> vector<128x512xf32>
      %add3A_788 = arith.addf %dot_general3A_787, %get3A_707 : vector<128x512xf32>
      %reduce_max3A_789 = arith.constant dense<0xFF800000> : vector<128xf32>
      %reduce_max3A_790 = vector.multi_reduction <maximumf>, %add3A_788, %reduce_max3A_789 [1] : vector<128x512xf32> to vector<128xf32>
      %broadcast_in_dim3A_791 = vector.shape_cast %reduce_max3A_790 : vector<128xf32> to vector<128x1xf32>
      %max3A_792 = arith.constant -1.000000e+30 : f32
      %max3A_793 = vector.broadcast %max3A_792 : f32 to vector<128x1xf32>
      %max3A_794 = arith.maximumf %broadcast_in_dim3A_791, %max3A_793 : vector<128x1xf32>
      %sub3A_795 = vector.broadcast %max3A_794 : vector<128x1xf32> to vector<128x512xf32>
      %sub3A_796 = arith.subf %add3A_788, %sub3A_795 : vector<128x512xf32>
      %exp3A_797 = math.exp %sub3A_796 : vector<128x512xf32>
      %dot_general3A_798 = arith.constant dense<0.000000e+00> : vector<8x128xf32>
      %dot_general3A_799 = tpu.matmul %broadcast_in_dim3A_9, %exp3A_797, %dot_general3A_798 {dimension_numbers = #tpu.dot_dimension_numbers<[1], [1], [0], [0], [0, 0, 1, 0], [], []>, transpose_lhs_hint = false} : vector<8x512xf32>, vector<128x512xf32>, vector<8x128xf32> -> vector<8x128xf32>
      %slice3A_800 = vector.extract_strided_slice %dot_general3A_799 {offsets = [0, 0], sizes = [1, 128], strides = [1, 1]} : vector<8x128xf32> to vector<1x128xf32>
      %add3A_801 = arith.constant 1.000000e-16 : f32
      %add3A_802 = vector.broadcast %add3A_801 : f32 to vector<1x128xf32>
      %add3A_803 = arith.addf %slice3A_800, %add3A_802 : vector<1x128xf32>
      %dot_general3A_804 = arith.constant dense<0.000000e+00> : vector<8x128xf32>
      %dot_general3A_805 = tpu.matmul %get3A_785, %exp3A_797, %dot_general3A_804 {dimension_numbers = #tpu.dot_dimension_numbers<[1], [1], [0], [0], [0, 0, 1, 0], [], []>, transpose_lhs_hint = false} : vector<8x512xf32>, vector<128x512xf32>, vector<8x128xf32> -> vector<8x128xf32>
      %div3A_806 = vector.broadcast %add3A_803 : vector<1x128xf32> to vector<8x128xf32>
      %div3A_807 = arith.divf %dot_general3A_805, %div3A_806 : vector<8x128xf32>
      %add3A_808 = arith.addf %add3A_775, %div3A_807 : vector<8x128xf32>
      %mul3A_809 = arith.constant 0.333333343 : f32
      %mul3A_810 = vector.broadcast %mul3A_809 : f32 to vector<8x128xf32>
      %mul3A_811 = arith.mulf %add3A_808, %mul3A_810 : vector<8x128xf32>
      %mul3A_812 = arith.constant 512 : i32
      %mul3A_813 = arith.muli %scan3A_208, %mul3A_812 : i32
      %add3A_814 = arith.constant 0 : i32
      %add3A_815 = arith.addi %mul3A_813, %add3A_814 : i32
      %swap3A_816 = arith.constant 8 : index
      %swap3A_817 = arith.index_cast %add3A_815 : i32 to index
      %swap3A_818 = vector.load %arg36[%swap3A_816, %swap3A_817] : memref<32x6144xf32, #tpu.memory_space<vmem>>, vector<8x128xf32>
      tpu.vector_store %arg36[%swap3A_816, %swap3A_817], %mul3A_811 {strides = array<i32>} : memref<32x6144xf32, #tpu.memory_space<vmem>>, vector<8x128xf32>,
      %mul3A_819 = arith.constant 512 : i32
      %mul3A_820 = arith.muli %scan3A_208, %mul3A_819 : i32
      %add3A_821 = arith.constant 128 : i32
      %add3A_822 = arith.addi %mul3A_820, %add3A_821 : i32
      %get3A_823 = arith.constant 32 : index
      %get3A_824 = arith.index_cast %add3A_822 : i32 to index
      %get3A_825 = vector.load %arg33[%get3A_823, %get3A_824] : memref<128x6144xbf16, #tpu.memory_space<vmem>>, vector<32x128xbf16>
      %get3A_826 = arith.constant 128 : index
      %get3A_827 = arith.constant 0 : index
      %get3A_828 = vector.load %arg3[%get3A_826, %get3A_827] : memref<512x512xf32, #tpu.memory_space<vmem>>, vector<128x512xf32>
      %broadcast_in_dim3A_829 = arith.constant 0.000000e+00 : f32
      %broadcast_in_dim3A_830 = vector.broadcast %broadcast_in_dim3A_829 : f32 to vector<8x128xf32>
      %mul3A_831 = arith.constant 512 : i32
      %mul3A_832 = arith.muli %select_n3A, %mul3A_831 : i32
      %get3A_833 = arith.constant 32 : index
      %get3A_834 = arith.index_cast %mul3A_832 : i32 to index
      %get3A_835 = vector.load %arg34[%get3A_833, %get3A_834] : memref<128x6144xbf16, #tpu.memory_space<vmem>>, vector<32x512xbf16>
      %mul3A_836 = arith.constant 512 : i32
      %mul3A_837 = arith.muli %select_n3A, %mul3A_836 : i32
      %get3A_838 = arith.constant 8 : index
      %get3A_839 = arith.index_cast %mul3A_837 : i32 to index
      %get3A_840 = vector.load %arg35[%get3A_838, %get3A_839] : memref<32x6144xf32, #tpu.memory_space<vmem>>, vector<8x512xf32>
      %dot_general3A_841 = arith.constant dense<0.000000e+00> : vector<128x512xf32>
      %dot_general3A_842 = tpu.matmul %get3A_825, %get3A_835, %dot_general3A_841 {dimension_numbers = #tpu.dot_dimension_numbers<[0], [0], [1], [1], [0, 1, 1, 1], [], []>, transpose_lhs_hint = false} : vector<32x128xbf16>, vector<32x512xbf16>, vector<128x512xf32> -> vector<128x512xf32>
      %add3A_843 = arith.addf %dot_general3A_842, %get3A_828 : vector<128x512xf32>
      %reduce_max3A_844 = arith.constant dense<0xFF800000> : vector<128xf32>
      %reduce_max3A_845 = vector.multi_reduction <maximumf>, %add3A_843, %reduce_max3A_844 [1] : vector<128x512xf32> to vector<128xf32>
      %broadcast_in_dim3A_846 = vector.shape_cast %reduce_max3A_845 : vector<128xf32> to vector<128x1xf32>
      %max3A_847 = arith.constant -1.000000e+30 : f32
      %max3A_848 = vector.broadcast %max3A_847 : f32 to vector<128x1xf32>
      %max3A_849 = arith.maximumf %broadcast_in_dim3A_846, %max3A_848 : vector<128x1xf32>
      %sub3A_850 = vector.broadcast %max3A_849 : vector<128x1xf32> to vector<128x512xf32>
      %sub3A_851 = arith.subf %add3A_843, %sub3A_850 : vector<128x512xf32>
      %exp3A_852 = math.exp %sub3A_851 : vector<128x512xf32>
      %dot_general3A_853 = arith.constant dense<0.000000e+00> : vector<8x128xf32>
      %dot_general3A_854 = tpu.matmul %broadcast_in_dim3A_9, %exp3A_852, %dot_general3A_853 {dimension_numbers = #tpu.dot_dimension_numbers<[1], [1], [0], [0], [0, 0, 1, 0], [], []>, transpose_lhs_hint = false} : vector<8x512xf32>, vector<128x512xf32>, vector<8x128xf32> -> vector<8x128xf32>
      %slice3A_855 = vector.extract_strided_slice %dot_general3A_854 {offsets = [0, 0], sizes = [1, 128], strides = [1, 1]} : vector<8x128xf32> to vector<1x128xf32>
      %add3A_856 = arith.constant 1.000000e-16 : f32
      %add3A_857 = vector.broadcast %add3A_856 : f32 to vector<1x128xf32>
      %add3A_858 = arith.addf %slice3A_855, %add3A_857 : vector<1x128xf32>
      %dot_general3A_859 = arith.constant dense<0.000000e+00> : vector<8x128xf32>
      %dot_general3A_860 = tpu.matmul %get3A_840, %exp3A_852, %dot_general3A_859 {dimension_numbers = #tpu.dot_dimension_numbers<[1], [1], [0], [0], [0, 0, 1, 0], [], []>, transpose_lhs_hint = false} : vector<8x512xf32>, vector<128x512xf32>, vector<8x128xf32> -> vector<8x128xf32>
      %div3A_861 = vector.broadcast %add3A_858 : vector<1x128xf32> to vector<8x128xf32>
      %div3A_862 = arith.divf %dot_general3A_860, %div3A_861 : vector<8x128xf32>
      %add3A_863 = arith.addf %broadcast_in_dim3A_830, %div3A_862 : vector<8x128xf32>
      %mul3A_864 = arith.constant 512 : i32
      %mul3A_865 = arith.muli %scan3A_208, %mul3A_864 : i32
      %get3A_866 = arith.constant 32 : index
      %get3A_867 = arith.index_cast %mul3A_865 : i32 to index
      %get3A_868 = vector.load %arg34[%get3A_866, %get3A_867] : memref<128x6144xbf16, #tpu.memory_space<vmem>>, vector<32x512xbf16>
      %mul3A_869 = arith.constant 512 : i32
      %mul3A_870 = arith.muli %scan3A_208, %mul3A_869 : i32
      %get3A_871 = arith.constant 8 : index
      %get3A_872 = arith.index_cast %mul3A_870 : i32 to index
      %get3A_873 = vector.load %arg35[%get3A_871, %get3A_872] : memref<32x6144xf32, #tpu.memory_space<vmem>>, vector<8x512xf32>
      %dot_general3A_874 = arith.constant dense<0.000000e+00> : vector<128x512xf32>
      %dot_general3A_875 = tpu.matmul %get3A_825, %get3A_868, %dot_general3A_874 {dimension_numbers = #tpu.dot_dimension_numbers<[0], [0], [1], [1], [0, 1, 1, 1], [], []>, transpose_lhs_hint = false} : vector<32x128xbf16>, vector<32x512xbf16>, vector<128x512xf32> -> vector<128x512xf32>
      %add3A_876 = arith.addf %dot_general3A_875, %get3A_828 : vector<128x512xf32>
      %reduce_max3A_877 = arith.constant dense<0xFF800000> : vector<128xf32>
      %reduce_max3A_878 = vector.multi_reduction <maximumf>, %add3A_876, %reduce_max3A_877 [1] : vector<128x512xf32> to vector<128xf32>
      %broadcast_in_dim3A_879 = vector.shape_cast %reduce_max3A_878 : vector<128xf32> to vector<128x1xf32>
      %max3A_880 = arith.constant -1.000000e+30 : f32
      %max3A_881 = vector.broadcast %max3A_880 : f32 to vector<128x1xf32>
      %max3A_882 = arith.maximumf %broadcast_in_dim3A_879, %max3A_881 : vector<128x1xf32>
      %sub3A_883 = vector.broadcast %max3A_882 : vector<128x1xf32> to vector<128x512xf32>
      %sub3A_884 = arith.subf %add3A_876, %sub3A_883 : vector<128x512xf32>
      %exp3A_885 = math.exp %sub3A_884 : vector<128x512xf32>
      %dot_general3A_886 = arith.constant dense<0.000000e+00> : vector<8x128xf32>
      %dot_general3A_887 = tpu.matmul %broadcast_in_dim3A_9, %exp3A_885, %dot_general3A_886 {dimension_numbers = #tpu.dot_dimension_numbers<[1], [1], [0], [0], [0, 0, 1, 0], [], []>, transpose_lhs_hint = false} : vector<8x512xf32>, vector<128x512xf32>, vector<8x128xf32> -> vector<8x128xf32>
      %slice3A_888 = vector.extract_strided_slice %dot_general3A_887 {offsets = [0, 0], sizes = [1, 128], strides = [1, 1]} : vector<8x128xf32> to vector<1x128xf32>
      %add3A_889 = arith.constant 1.000000e-16 : f32
      %add3A_890 = vector.broadcast %add3A_889 : f32 to vector<1x128xf32>
      %add3A_891 = arith.addf %slice3A_888, %add3A_890 : vector<1x128xf32>
      %dot_general3A_892 = arith.constant dense<0.000000e+00> : vector<8x128xf32>
      %dot_general3A_893 = tpu.matmul %get3A_873, %exp3A_885, %dot_general3A_892 {dimension_numbers = #tpu.dot_dimension_numbers<[1], [1], [0], [0], [0, 0, 1, 0], [], []>, transpose_lhs_hint = false} : vector<8x512xf32>, vector<128x512xf32>, vector<8x128xf32> -> vector<8x128xf32>
      %div3A_894 = vector.broadcast %add3A_891 : vector<1x128xf32> to vector<8x128xf32>
      %div3A_895 = arith.divf %dot_general3A_893, %div3A_894 : vector<8x128xf32>
      %add3A_896 = arith.addf %add3A_863, %div3A_895 : vector<8x128xf32>
      %mul3A_897 = arith.constant 512 : i32
      %mul3A_898 = arith.muli %select_n3A_217, %mul3A_897 : i32
      %get3A_899 = arith.constant 32 : index
      %get3A_900 = arith.index_cast %mul3A_898 : i32 to index
      %get3A_901 = vector.load %arg34[%get3A_899, %get3A_900] : memref<128x6144xbf16, #tpu.memory_space<vmem>>, vector<32x512xbf16>
      %mul3A_902 = arith.constant 512 : i32
      %mul3A_903 = arith.muli %select_n3A_217, %mul3A_902 : i32
      %get3A_904 = arith.constant 8 : index
      %get3A_905 = arith.index_cast %mul3A_903 : i32 to index
      %get3A_906 = vector.load %arg35[%get3A_904, %get3A_905] : memref<32x6144xf32, #tpu.memory_space<vmem>>, vector<8x512xf32>
      %dot_general3A_907 = arith.constant dense<0.000000e+00> : vector<128x512xf32>
      %dot_general3A_908 = tpu.matmul %get3A_825, %get3A_901, %dot_general3A_907 {dimension_numbers = #tpu.dot_dimension_numbers<[0], [0], [1], [1], [0, 1, 1, 1], [], []>, transpose_lhs_hint = false} : vector<32x128xbf16>, vector<32x512xbf16>, vector<128x512xf32> -> vector<128x512xf32>
      %add3A_909 = arith.addf %dot_general3A_908, %get3A_828 : vector<128x512xf32>
      %reduce_max3A_910 = arith.constant dense<0xFF800000> : vector<128xf32>
      %reduce_max3A_911 = vector.multi_reduction <maximumf>, %add3A_909, %reduce_max3A_910 [1] : vector<128x512xf32> to vector<128xf32>
      %broadcast_in_dim3A_912 = vector.shape_cast %reduce_max3A_911 : vector<128xf32> to vector<128x1xf32>
      %max3A_913 = arith.constant -1.000000e+30 : f32
      %max3A_914 = vector.broadcast %max3A_913 : f32 to vector<128x1xf32>
      %max3A_915 = arith.maximumf %broadcast_in_dim3A_912, %max3A_914 : vector<128x1xf32>
      %sub3A_916 = vector.broadcast %max3A_915 : vector<128x1xf32> to vector<128x512xf32>
      %sub3A_917 = arith.subf %add3A_909, %sub3A_916 : vector<128x512xf32>
      %exp3A_918 = math.exp %sub3A_917 : vector<128x512xf32>
      %dot_general3A_919 = arith.constant dense<0.000000e+00> : vector<8x128xf32>
      %dot_general3A_920 = tpu.matmul %broadcast_in_dim3A_9, %exp3A_918, %dot_general3A_919 {dimension_numbers = #tpu.dot_dimension_numbers<[1], [1], [0], [0], [0, 0, 1, 0], [], []>, transpose_lhs_hint = false} : vector<8x512xf32>, vector<128x512xf32>, vector<8x128xf32> -> vector<8x128xf32>
      %slice3A_921 = vector.extract_strided_slice %dot_general3A_920 {offsets = [0, 0], sizes = [1, 128], strides = [1, 1]} : vector<8x128xf32> to vector<1x128xf32>
      %add3A_922 = arith.constant 1.000000e-16 : f32
      %add3A_923 = vector.broadcast %add3A_922 : f32 to vector<1x128xf32>
      %add3A_924 = arith.addf %slice3A_921, %add3A_923 : vector<1x128xf32>
      %dot_general3A_925 = arith.constant dense<0.000000e+00> : vector<8x128xf32>
      %dot_general3A_926 = tpu.matmul %get3A_906, %exp3A_918, %dot_general3A_925 {dimension_numbers = #tpu.dot_dimension_numbers<[1], [1], [0], [0], [0, 0, 1, 0], [], []>, transpose_lhs_hint = false} : vector<8x512xf32>, vector<128x512xf32>, vector<8x128xf32> -> vector<8x128xf32>
      %div3A_927 = vector.broadcast %add3A_924 : vector<1x128xf32> to vector<8x128xf32>
      %div3A_928 = arith.divf %dot_general3A_926, %div3A_927 : vector<8x128xf32>
      %add3A_929 = arith.addf %add3A_896, %div3A_928 : vector<8x128xf32>
      %mul3A_930 = arith.constant 0.333333343 : f32
      %mul3A_931 = vector.broadcast %mul3A_930 : f32 to vector<8x128xf32>
      %mul3A_932 = arith.mulf %add3A_929, %mul3A_931 : vector<8x128xf32>
      %mul3A_933 = arith.constant 512 : i32
      %mul3A_934 = arith.muli %scan3A_208, %mul3A_933 : i32
      %add3A_935 = arith.constant 128 : i32
      %add3A_936 = arith.addi %mul3A_934, %add3A_935 : i32
      %swap3A_937 = arith.constant 8 : index
      %swap3A_938 = arith.index_cast %add3A_936 : i32 to index
      %swap3A_939 = vector.load %arg36[%swap3A_937, %swap3A_938] : memref<32x6144xf32, #tpu.memory_space<vmem>>, vector<8x128xf32>
      tpu.vector_store %arg36[%swap3A_937, %swap3A_938], %mul3A_932 {strides = array<i32>} : memref<32x6144xf32, #tpu.memory_space<vmem>>, vector<8x128xf32>,
      %mul3A_940 = arith.constant 512 : i32
      %mul3A_941 = arith.muli %scan3A_208, %mul3A_940 : i32
      %add3A_942 = arith.constant 256 : i32
      %add3A_943 = arith.addi %mul3A_941, %add3A_942 : i32
      %get3A_944 = arith.constant 32 : index
      %get3A_945 = arith.index_cast %add3A_943 : i32 to index
      %get3A_946 = vector.load %arg33[%get3A_944, %get3A_945] : memref<128x6144xbf16, #tpu.memory_space<vmem>>, vector<32x128xbf16>
      %get3A_947 = arith.constant 256 : index
      %get3A_948 = arith.constant 0 : index
      %get3A_949 = vector.load %arg3[%get3A_947, %get3A_948] : memref<512x512xf32, #tpu.memory_space<vmem>>, vector<128x512xf32>
      %broadcast_in_dim3A_950 = arith.constant 0.000000e+00 : f32
      %broadcast_in_dim3A_951 = vector.broadcast %broadcast_in_dim3A_950 : f32 to vector<8x128xf32>
      %mul3A_952 = arith.constant 512 : i32
      %mul3A_953 = arith.muli %select_n3A, %mul3A_952 : i32
      %get3A_954 = arith.constant 32 : index
      %get3A_955 = arith.index_cast %mul3A_953 : i32 to index
      %get3A_956 = vector.load %arg34[%get3A_954, %get3A_955] : memref<128x6144xbf16, #tpu.memory_space<vmem>>, vector<32x512xbf16>
      %mul3A_957 = arith.constant 512 : i32
      %mul3A_958 = arith.muli %select_n3A, %mul3A_957 : i32
      %get3A_959 = arith.constant 8 : index
      %get3A_960 = arith.index_cast %mul3A_958 : i32 to index
      %get3A_961 = vector.load %arg35[%get3A_959, %get3A_960] : memref<32x6144xf32, #tpu.memory_space<vmem>>, vector<8x512xf32>
      %dot_general3A_962 = arith.constant dense<0.000000e+00> : vector<128x512xf32>
      %dot_general3A_963 = tpu.matmul %get3A_946, %get3A_956, %dot_general3A_962 {dimension_numbers = #tpu.dot_dimension_numbers<[0], [0], [1], [1], [0, 1, 1, 1], [], []>, transpose_lhs_hint = false} : vector<32x128xbf16>, vector<32x512xbf16>, vector<128x512xf32> -> vector<128x512xf32>
      %add3A_964 = arith.addf %dot_general3A_963, %get3A_949 : vector<128x512xf32>
      %reduce_max3A_965 = arith.constant dense<0xFF800000> : vector<128xf32>
      %reduce_max3A_966 = vector.multi_reduction <maximumf>, %add3A_964, %reduce_max3A_965 [1] : vector<128x512xf32> to vector<128xf32>
      %broadcast_in_dim3A_967 = vector.shape_cast %reduce_max3A_966 : vector<128xf32> to vector<128x1xf32>
      %max3A_968 = arith.constant -1.000000e+30 : f32
      %max3A_969 = vector.broadcast %max3A_968 : f32 to vector<128x1xf32>
      %max3A_970 = arith.maximumf %broadcast_in_dim3A_967, %max3A_969 : vector<128x1xf32>
      %sub3A_971 = vector.broadcast %max3A_970 : vector<128x1xf32> to vector<128x512xf32>
      %sub3A_972 = arith.subf %add3A_964, %sub3A_971 : vector<128x512xf32>
      %exp3A_973 = math.exp %sub3A_972 : vector<128x512xf32>
      %dot_general3A_974 = arith.constant dense<0.000000e+00> : vector<8x128xf32>
      %dot_general3A_975 = tpu.matmul %broadcast_in_dim3A_9, %exp3A_973, %dot_general3A_974 {dimension_numbers = #tpu.dot_dimension_numbers<[1], [1], [0], [0], [0, 0, 1, 0], [], []>, transpose_lhs_hint = false} : vector<8x512xf32>, vector<128x512xf32>, vector<8x128xf32> -> vector<8x128xf32>
      %slice3A_976 = vector.extract_strided_slice %dot_general3A_975 {offsets = [0, 0], sizes = [1, 128], strides = [1, 1]} : vector<8x128xf32> to vector<1x128xf32>
      %add3A_977 = arith.constant 1.000000e-16 : f32
      %add3A_978 = vector.broadcast %add3A_977 : f32 to vector<1x128xf32>
      %add3A_979 = arith.addf %slice3A_976, %add3A_978 : vector<1x128xf32>
      %dot_general3A_980 = arith.constant dense<0.000000e+00> : vector<8x128xf32>
      %dot_general3A_981 = tpu.matmul %get3A_961, %exp3A_973, %dot_general3A_980 {dimension_numbers = #tpu.dot_dimension_numbers<[1], [1], [0], [0], [0, 0, 1, 0], [], []>, transpose_lhs_hint = false} : vector<8x512xf32>, vector<128x512xf32>, vector<8x128xf32> -> vector<8x128xf32>
      %div3A_982 = vector.broadcast %add3A_979 : vector<1x128xf32> to vector<8x128xf32>
      %div3A_983 = arith.divf %dot_general3A_981, %div3A_982 : vector<8x128xf32>
      %add3A_984 = arith.addf %broadcast_in_dim3A_951, %div3A_983 : vector<8x128xf32>
      %mul3A_985 = arith.constant 512 : i32
      %mul3A_986 = arith.muli %scan3A_208, %mul3A_985 : i32
      %get3A_987 = arith.constant 32 : index
      %get3A_988 = arith.index_cast %mul3A_986 : i32 to index
      %get3A_989 = vector.load %arg34[%get3A_987, %get3A_988] : memref<128x6144xbf16, #tpu.memory_space<vmem>>, vector<32x512xbf16>
      %mul3A_990 = arith.constant 512 : i32
      %mul3A_991 = arith.muli %scan3A_208, %mul3A_990 : i32
      %get3A_992 = arith.constant 8 : index
      %get3A_993 = arith.index_cast %mul3A_991 : i32 to index
      %get3A_994 = vector.load %arg35[%get3A_992, %get3A_993] : memref<32x6144xf32, #tpu.memory_space<vmem>>, vector<8x512xf32>
      %dot_general3A_995 = arith.constant dense<0.000000e+00> : vector<128x512xf32>
      %dot_general3A_996 = tpu.matmul %get3A_946, %get3A_989, %dot_general3A_995 {dimension_numbers = #tpu.dot_dimension_numbers<[0], [0], [1], [1], [0, 1, 1, 1], [], []>, transpose_lhs_hint = false} : vector<32x128xbf16>, vector<32x512xbf16>, vector<128x512xf32> -> vector<128x512xf32>
      %add3A_997 = arith.addf %dot_general3A_996, %get3A_949 : vector<128x512xf32>
      %reduce_max3A_998 = arith.constant dense<0xFF800000> : vector<128xf32>
      %reduce_max3A_999 = vector.multi_reduction <maximumf>, %add3A_997, %reduce_max3A_998 [1] : vector<128x512xf32> to vector<128xf32>
      %broadcast_in_dim3A_1000 = vector.shape_cast %reduce_max3A_999 : vector<128xf32> to vector<128x1xf32>
      %max3A_1001 = arith.constant -1.000000e+30 : f32
      %max3A_1002 = vector.broadcast %max3A_1001 : f32 to vector<128x1xf32>
      %max3A_1003 = arith.maximumf %broadcast_in_dim3A_1000, %max3A_1002 : vector<128x1xf32>
      %sub3A_1004 = vector.broadcast %max3A_1003 : vector<128x1xf32> to vector<128x512xf32>
      %sub3A_1005 = arith.subf %add3A_997, %sub3A_1004 : vector<128x512xf32>
      %exp3A_1006 = math.exp %sub3A_1005 : vector<128x512xf32>
      %dot_general3A_1007 = arith.constant dense<0.000000e+00> : vector<8x128xf32>
      %dot_general3A_1008 = tpu.matmul %broadcast_in_dim3A_9, %exp3A_1006, %dot_general3A_1007 {dimension_numbers = #tpu.dot_dimension_numbers<[1], [1], [0], [0], [0, 0, 1, 0], [], []>, transpose_lhs_hint = false} : vector<8x512xf32>, vector<128x512xf32>, vector<8x128xf32> -> vector<8x128xf32>
      %slice3A_1009 = vector.extract_strided_slice %dot_general3A_1008 {offsets = [0, 0], sizes = [1, 128], strides = [1, 1]} : vector<8x128xf32> to vector<1x128xf32>
      %add3A_1010 = arith.constant 1.000000e-16 : f32
      %add3A_1011 = vector.broadcast %add3A_1010 : f32 to vector<1x128xf32>
      %add3A_1012 = arith.addf %slice3A_1009, %add3A_1011 : vector<1x128xf32>
      %dot_general3A_1013 = arith.constant dense<0.000000e+00> : vector<8x128xf32>
      %dot_general3A_1014 = tpu.matmul %get3A_994, %exp3A_1006, %dot_general3A_1013 {dimension_numbers = #tpu.dot_dimension_numbers<[1], [1], [0], [0], [0, 0, 1, 0], [], []>, transpose_lhs_hint = false} : vector<8x512xf32>, vector<128x512xf32>, vector<8x128xf32> -> vector<8x128xf32>
      %div3A_1015 = vector.broadcast %add3A_1012 : vector<1x128xf32> to vector<8x128xf32>
      %div3A_1016 = arith.divf %dot_general3A_1014, %div3A_1015 : vector<8x128xf32>
      %add3A_1017 = arith.addf %add3A_984, %div3A_1016 : vector<8x128xf32>
      %mul3A_1018 = arith.constant 512 : i32
      %mul3A_1019 = arith.muli %select_n3A_217, %mul3A_1018 : i32
      %get3A_1020 = arith.constant 32 : index
      %get3A_1021 = arith.index_cast %mul3A_1019 : i32 to index
      %get3A_1022 = vector.load %arg34[%get3A_1020, %get3A_1021] : memref<128x6144xbf16, #tpu.memory_space<vmem>>, vector<32x512xbf16>
      %mul3A_1023 = arith.constant 512 : i32
      %mul3A_1024 = arith.muli %select_n3A_217, %mul3A_1023 : i32
      %get3A_1025 = arith.constant 8 : index
      %get3A_1026 = arith.index_cast %mul3A_1024 : i32 to index
      %get3A_1027 = vector.load %arg35[%get3A_1025, %get3A_1026] : memref<32x6144xf32, #tpu.memory_space<vmem>>, vector<8x512xf32>
      %dot_general3A_1028 = arith.constant dense<0.000000e+00> : vector<128x512xf32>
      %dot_general3A_1029 = tpu.matmul %get3A_946, %get3A_1022, %dot_general3A_1028 {dimension_numbers = #tpu.dot_dimension_numbers<[0], [0], [1], [1], [0, 1, 1, 1], [], []>, transpose_lhs_hint = false} : vector<32x128xbf16>, vector<32x512xbf16>, vector<128x512xf32> -> vector<128x512xf32>
      %add3A_1030 = arith.addf %dot_general3A_1029, %get3A_949 : vector<128x512xf32>
      %reduce_max3A_1031 = arith.constant dense<0xFF800000> : vector<128xf32>
      %reduce_max3A_1032 = vector.multi_reduction <maximumf>, %add3A_1030, %reduce_max3A_1031 [1] : vector<128x512xf32> to vector<128xf32>
      %broadcast_in_dim3A_1033 = vector.shape_cast %reduce_max3A_1032 : vector<128xf32> to vector<128x1xf32>
      %max3A_1034 = arith.constant -1.000000e+30 : f32
      %max3A_1035 = vector.broadcast %max3A_1034 : f32 to vector<128x1xf32>
      %max3A_1036 = arith.maximumf %broadcast_in_dim3A_1033, %max3A_1035 : vector<128x1xf32>
      %sub3A_1037 = vector.broadcast %max3A_1036 : vector<128x1xf32> to vector<128x512xf32>
      %sub3A_1038 = arith.subf %add3A_1030, %sub3A_1037 : vector<128x512xf32>
      %exp3A_1039 = math.exp %sub3A_1038 : vector<128x512xf32>
      %dot_general3A_1040 = arith.constant dense<0.000000e+00> : vector<8x128xf32>
      %dot_general3A_1041 = tpu.matmul %broadcast_in_dim3A_9, %exp3A_1039, %dot_general3A_1040 {dimension_numbers = #tpu.dot_dimension_numbers<[1], [1], [0], [0], [0, 0, 1, 0], [], []>, transpose_lhs_hint = false} : vector<8x512xf32>, vector<128x512xf32>, vector<8x128xf32> -> vector<8x128xf32>
      %slice3A_1042 = vector.extract_strided_slice %dot_general3A_1041 {offsets = [0, 0], sizes = [1, 128], strides = [1, 1]} : vector<8x128xf32> to vector<1x128xf32>
      %add3A_1043 = arith.constant 1.000000e-16 : f32
      %add3A_1044 = vector.broadcast %add3A_1043 : f32 to vector<1x128xf32>
      %add3A_1045 = arith.addf %slice3A_1042, %add3A_1044 : vector<1x128xf32>
      %dot_general3A_1046 = arith.constant dense<0.000000e+00> : vector<8x128xf32>
      %dot_general3A_1047 = tpu.matmul %get3A_1027, %exp3A_1039, %dot_general3A_1046 {dimension_numbers = #tpu.dot_dimension_numbers<[1], [1], [0], [0], [0, 0, 1, 0], [], []>, transpose_lhs_hint = false} : vector<8x512xf32>, vector<128x512xf32>, vector<8x128xf32> -> vector<8x128xf32>
      %div3A_1048 = vector.broadcast %add3A_1045 : vector<1x128xf32> to vector<8x128xf32>
      %div3A_1049 = arith.divf %dot_general3A_1047, %div3A_1048 : vector<8x128xf32>
      %add3A_1050 = arith.addf %add3A_1017, %div3A_1049 : vector<8x128xf32>
      %mul3A_1051 = arith.constant 0.333333343 : f32
      %mul3A_1052 = vector.broadcast %mul3A_1051 : f32 to vector<8x128xf32>
      %mul3A_1053 = arith.mulf %add3A_1050, %mul3A_1052 : vector<8x128xf32>
      %mul3A_1054 = arith.constant 512 : i32
      %mul3A_1055 = arith.muli %scan3A_208, %mul3A_1054 : i32
      %add3A_1056 = arith.constant 256 : i32
      %add3A_1057 = arith.addi %mul3A_1055, %add3A_1056 : i32
      %swap3A_1058 = arith.constant 8 : index
      %swap3A_1059 = arith.index_cast %add3A_1057 : i32 to index
      %swap3A_1060 = vector.load %arg36[%swap3A_1058, %swap3A_1059] : memref<32x6144xf32, #tpu.memory_space<vmem>>, vector<8x128xf32>
      tpu.vector_store %arg36[%swap3A_1058, %swap3A_1059], %mul3A_1053 {strides = array<i32>} : memref<32x6144xf32, #tpu.memory_space<vmem>>, vector<8x128xf32>,
      %mul3A_1061 = arith.constant 512 : i32
      %mul3A_1062 = arith.muli %scan3A_208, %mul3A_1061 : i32
      %add3A_1063 = arith.constant 384 : i32
      %add3A_1064 = arith.addi %mul3A_1062, %add3A_1063 : i32
      %get3A_1065 = arith.constant 32 : index
      %get3A_1066 = arith.index_cast %add3A_1064 : i32 to index
      %get3A_1067 = vector.load %arg33[%get3A_1065, %get3A_1066] : memref<128x6144xbf16, #tpu.memory_space<vmem>>, vector<32x128xbf16>
      %get3A_1068 = arith.constant 384 : index
      %get3A_1069 = arith.constant 0 : index
      %get3A_1070 = vector.load %arg3[%get3A_1068, %get3A_1069] : memref<512x512xf32, #tpu.memory_space<vmem>>, vector<128x512xf32>
      %broadcast_in_dim3A_1071 = arith.constant 0.000000e+00 : f32
      %broadcast_in_dim3A_1072 = vector.broadcast %broadcast_in_dim3A_1071 : f32 to vector<8x128xf32>
      %mul3A_1073 = arith.constant 512 : i32
      %mul3A_1074 = arith.muli %select_n3A, %mul3A_1073 : i32
      %get3A_1075 = arith.constant 32 : index
      %get3A_1076 = arith.index_cast %mul3A_1074 : i32 to index
      %get3A_1077 = vector.load %arg34[%get3A_1075, %get3A_1076] : memref<128x6144xbf16, #tpu.memory_space<vmem>>, vector<32x512xbf16>
      %mul3A_1078 = arith.constant 512 : i32
      %mul3A_1079 = arith.muli %select_n3A, %mul3A_1078 : i32
      %get3A_1080 = arith.constant 8 : index
      %get3A_1081 = arith.index_cast %mul3A_1079 : i32 to index
      %get3A_1082 = vector.load %arg35[%get3A_1080, %get3A_1081] : memref<32x6144xf32, #tpu.memory_space<vmem>>, vector<8x512xf32>
      %dot_general3A_1083 = arith.constant dense<0.000000e+00> : vector<128x512xf32>
      %dot_general3A_1084 = tpu.matmul %get3A_1067, %get3A_1077, %dot_general3A_1083 {dimension_numbers = #tpu.dot_dimension_numbers<[0], [0], [1], [1], [0, 1, 1, 1], [], []>, transpose_lhs_hint = false} : vector<32x128xbf16>, vector<32x512xbf16>, vector<128x512xf32> -> vector<128x512xf32>
      %add3A_1085 = arith.addf %dot_general3A_1084, %get3A_1070 : vector<128x512xf32>
      %reduce_max3A_1086 = arith.constant dense<0xFF800000> : vector<128xf32>
      %reduce_max3A_1087 = vector.multi_reduction <maximumf>, %add3A_1085, %reduce_max3A_1086 [1] : vector<128x512xf32> to vector<128xf32>
      %broadcast_in_dim3A_1088 = vector.shape_cast %reduce_max3A_1087 : vector<128xf32> to vector<128x1xf32>
      %max3A_1089 = arith.constant -1.000000e+30 : f32
      %max3A_1090 = vector.broadcast %max3A_1089 : f32 to vector<128x1xf32>
      %max3A_1091 = arith.maximumf %broadcast_in_dim3A_1088, %max3A_1090 : vector<128x1xf32>
      %sub3A_1092 = vector.broadcast %max3A_1091 : vector<128x1xf32> to vector<128x512xf32>
      %sub3A_1093 = arith.subf %add3A_1085, %sub3A_1092 : vector<128x512xf32>
      %exp3A_1094 = math.exp %sub3A_1093 : vector<128x512xf32>
      %dot_general3A_1095 = arith.constant dense<0.000000e+00> : vector<8x128xf32>
      %dot_general3A_1096 = tpu.matmul %broadcast_in_dim3A_9, %exp3A_1094, %dot_general3A_1095 {dimension_numbers = #tpu.dot_dimension_numbers<[1], [1], [0], [0], [0, 0, 1, 0], [], []>, transpose_lhs_hint = false} : vector<8x512xf32>, vector<128x512xf32>, vector<8x128xf32> -> vector<8x128xf32>
      %slice3A_1097 = vector.extract_strided_slice %dot_general3A_1096 {offsets = [0, 0], sizes = [1, 128], strides = [1, 1]} : vector<8x128xf32> to vector<1x128xf32>
      %add3A_1098 = arith.constant 1.000000e-16 : f32
      %add3A_1099 = vector.broadcast %add3A_1098 : f32 to vector<1x128xf32>
      %add3A_1100 = arith.addf %slice3A_1097, %add3A_1099 : vector<1x128xf32>
      %dot_general3A_1101 = arith.constant dense<0.000000e+00> : vector<8x128xf32>
      %dot_general3A_1102 = tpu.matmul %get3A_1082, %exp3A_1094, %dot_general3A_1101 {dimension_numbers = #tpu.dot_dimension_numbers<[1], [1], [0], [0], [0, 0, 1, 0], [], []>, transpose_lhs_hint = false} : vector<8x512xf32>, vector<128x512xf32>, vector<8x128xf32> -> vector<8x128xf32>
      %div3A_1103 = vector.broadcast %add3A_1100 : vector<1x128xf32> to vector<8x128xf32>
      %div3A_1104 = arith.divf %dot_general3A_1102, %div3A_1103 : vector<8x128xf32>
      %add3A_1105 = arith.addf %broadcast_in_dim3A_1072, %div3A_1104 : vector<8x128xf32>
      %mul3A_1106 = arith.constant 512 : i32
      %mul3A_1107 = arith.muli %scan3A_208, %mul3A_1106 : i32
      %get3A_1108 = arith.constant 32 : index
      %get3A_1109 = arith.index_cast %mul3A_1107 : i32 to index
      %get3A_1110 = vector.load %arg34[%get3A_1108, %get3A_1109] : memref<128x6144xbf16, #tpu.memory_space<vmem>>, vector<32x512xbf16>
      %mul3A_1111 = arith.constant 512 : i32
      %mul3A_1112 = arith.muli %scan3A_208, %mul3A_1111 : i32
      %get3A_1113 = arith.constant 8 : index
      %get3A_1114 = arith.index_cast %mul3A_1112 : i32 to index
      %get3A_1115 = vector.load %arg35[%get3A_1113, %get3A_1114] : memref<32x6144xf32, #tpu.memory_space<vmem>>, vector<8x512xf32>
      %dot_general3A_1116 = arith.constant dense<0.000000e+00> : vector<128x512xf32>
      %dot_general3A_1117 = tpu.matmul %get3A_1067, %get3A_1110, %dot_general3A_1116 {dimension_numbers = #tpu.dot_dimension_numbers<[0], [0], [1], [1], [0, 1, 1, 1], [], []>, transpose_lhs_hint = false} : vector<32x128xbf16>, vector<32x512xbf16>, vector<128x512xf32> -> vector<128x512xf32>
      %add3A_1118 = arith.addf %dot_general3A_1117, %get3A_1070 : vector<128x512xf32>
      %reduce_max3A_1119 = arith.constant dense<0xFF800000> : vector<128xf32>
      %reduce_max3A_1120 = vector.multi_reduction <maximumf>, %add3A_1118, %reduce_max3A_1119 [1] : vector<128x512xf32> to vector<128xf32>
      %broadcast_in_dim3A_1121 = vector.shape_cast %reduce_max3A_1120 : vector<128xf32> to vector<128x1xf32>
      %max3A_1122 = arith.constant -1.000000e+30 : f32
      %max3A_1123 = vector.broadcast %max3A_1122 : f32 to vector<128x1xf32>
      %max3A_1124 = arith.maximumf %broadcast_in_dim3A_1121, %max3A_1123 : vector<128x1xf32>
      %sub3A_1125 = vector.broadcast %max3A_1124 : vector<128x1xf32> to vector<128x512xf32>
      %sub3A_1126 = arith.subf %add3A_1118, %sub3A_1125 : vector<128x512xf32>
      %exp3A_1127 = math.exp %sub3A_1126 : vector<128x512xf32>
      %dot_general3A_1128 = arith.constant dense<0.000000e+00> : vector<8x128xf32>
      %dot_general3A_1129 = tpu.matmul %broadcast_in_dim3A_9, %exp3A_1127, %dot_general3A_1128 {dimension_numbers = #tpu.dot_dimension_numbers<[1], [1], [0], [0], [0, 0, 1, 0], [], []>, transpose_lhs_hint = false} : vector<8x512xf32>, vector<128x512xf32>, vector<8x128xf32> -> vector<8x128xf32>
      %slice3A_1130 = vector.extract_strided_slice %dot_general3A_1129 {offsets = [0, 0], sizes = [1, 128], strides = [1, 1]} : vector<8x128xf32> to vector<1x128xf32>
      %add3A_1131 = arith.constant 1.000000e-16 : f32
      %add3A_1132 = vector.broadcast %add3A_1131 : f32 to vector<1x128xf32>
      %add3A_1133 = arith.addf %slice3A_1130, %add3A_1132 : vector<1x128xf32>
      %dot_general3A_1134 = arith.constant dense<0.000000e+00> : vector<8x128xf32>
      %dot_general3A_1135 = tpu.matmul %get3A_1115, %exp3A_1127, %dot_general3A_1134 {dimension_numbers = #tpu.dot_dimension_numbers<[1], [1], [0], [0], [0, 0, 1, 0], [], []>, transpose_lhs_hint = false} : vector<8x512xf32>, vector<128x512xf32>, vector<8x128xf32> -> vector<8x128xf32>
      %div3A_1136 = vector.broadcast %add3A_1133 : vector<1x128xf32> to vector<8x128xf32>
      %div3A_1137 = arith.divf %dot_general3A_1135, %div3A_1136 : vector<8x128xf32>
      %add3A_1138 = arith.addf %add3A_1105, %div3A_1137 : vector<8x128xf32>
      %mul3A_1139 = arith.constant 512 : i32
      %mul3A_1140 = arith.muli %select_n3A_217, %mul3A_1139 : i32
      %get3A_1141 = arith.constant 32 : index
      %get3A_1142 = arith.index_cast %mul3A_1140 : i32 to index
      %get3A_1143 = vector.load %arg34[%get3A_1141, %get3A_1142] : memref<128x6144xbf16, #tpu.memory_space<vmem>>, vector<32x512xbf16>
      %mul3A_1144 = arith.constant 512 : i32
      %mul3A_1145 = arith.muli %select_n3A_217, %mul3A_1144 : i32
      %get3A_1146 = arith.constant 8 : index
      %get3A_1147 = arith.index_cast %mul3A_1145 : i32 to index
      %get3A_1148 = vector.load %arg35[%get3A_1146, %get3A_1147] : memref<32x6144xf32, #tpu.memory_space<vmem>>, vector<8x512xf32>
      %dot_general3A_1149 = arith.constant dense<0.000000e+00> : vector<128x512xf32>
      %dot_general3A_1150 = tpu.matmul %get3A_1067, %get3A_1143, %dot_general3A_1149 {dimension_numbers = #tpu.dot_dimension_numbers<[0], [0], [1], [1], [0, 1, 1, 1], [], []>, transpose_lhs_hint = false} : vector<32x128xbf16>, vector<32x512xbf16>, vector<128x512xf32> -> vector<128x512xf32>
      %add3A_1151 = arith.addf %dot_general3A_1150, %get3A_1070 : vector<128x512xf32>
      %reduce_max3A_1152 = arith.constant dense<0xFF800000> : vector<128xf32>
      %reduce_max3A_1153 = vector.multi_reduction <maximumf>, %add3A_1151, %reduce_max3A_1152 [1] : vector<128x512xf32> to vector<128xf32>
      %broadcast_in_dim3A_1154 = vector.shape_cast %reduce_max3A_1153 : vector<128xf32> to vector<128x1xf32>
      %max3A_1155 = arith.constant -1.000000e+30 : f32
      %max3A_1156 = vector.broadcast %max3A_1155 : f32 to vector<128x1xf32>
      %max3A_1157 = arith.maximumf %broadcast_in_dim3A_1154, %max3A_1156 : vector<128x1xf32>
      %sub3A_1158 = vector.broadcast %max3A_1157 : vector<128x1xf32> to vector<128x512xf32>
      %sub3A_1159 = arith.subf %add3A_1151, %sub3A_1158 : vector<128x512xf32>
      %exp3A_1160 = math.exp %sub3A_1159 : vector<128x512xf32>
      %dot_general3A_1161 = arith.constant dense<0.000000e+00> : vector<8x128xf32>
      %dot_general3A_1162 = tpu.matmul %broadcast_in_dim3A_9, %exp3A_1160, %dot_general3A_1161 {dimension_numbers = #tpu.dot_dimension_numbers<[1], [1], [0], [0], [0, 0, 1, 0], [], []>, transpose_lhs_hint = false} : vector<8x512xf32>, vector<128x512xf32>, vector<8x128xf32> -> vector<8x128xf32>
      %slice3A_1163 = vector.extract_strided_slice %dot_general3A_1162 {offsets = [0, 0], sizes = [1, 128], strides = [1, 1]} : vector<8x128xf32> to vector<1x128xf32>
      %add3A_1164 = arith.constant 1.000000e-16 : f32
      %add3A_1165 = vector.broadcast %add3A_1164 : f32 to vector<1x128xf32>
      %add3A_1166 = arith.addf %slice3A_1163, %add3A_1165 : vector<1x128xf32>
      %dot_general3A_1167 = arith.constant dense<0.000000e+00> : vector<8x128xf32>
      %dot_general3A_1168 = tpu.matmul %get3A_1148, %exp3A_1160, %dot_general3A_1167 {dimension_numbers = #tpu.dot_dimension_numbers<[1], [1], [0], [0], [0, 0, 1, 0], [], []>, transpose_lhs_hint = false} : vector<8x512xf32>, vector<128x512xf32>, vector<8x128xf32> -> vector<8x128xf32>
      %div3A_1169 = vector.broadcast %add3A_1166 : vector<1x128xf32> to vector<8x128xf32>
      %div3A_1170 = arith.divf %dot_general3A_1168, %div3A_1169 : vector<8x128xf32>
      %add3A_1171 = arith.addf %add3A_1138, %div3A_1170 : vector<8x128xf32>
      %mul3A_1172 = arith.constant 0.333333343 : f32
      %mul3A_1173 = vector.broadcast %mul3A_1172 : f32 to vector<8x128xf32>
      %mul3A_1174 = arith.mulf %add3A_1171, %mul3A_1173 : vector<8x128xf32>
      %mul3A_1175 = arith.constant 512 : i32
      %mul3A_1176 = arith.muli %scan3A_208, %mul3A_1175 : i32
      %add3A_1177 = arith.constant 384 : i32
      %add3A_1178 = arith.addi %mul3A_1176, %add3A_1177 : i32
      %swap3A_1179 = arith.constant 8 : index
      %swap3A_1180 = arith.index_cast %add3A_1178 : i32 to index
      %swap3A_1181 = vector.load %arg36[%swap3A_1179, %swap3A_1180] : memref<32x6144xf32, #tpu.memory_space<vmem>>, vector<8x128xf32>
      tpu.vector_store %arg36[%swap3A_1179, %swap3A_1180], %mul3A_1174 {strides = array<i32>} : memref<32x6144xf32, #tpu.memory_space<vmem>>, vector<8x128xf32>,
      %mul3A_1182 = arith.constant 512 : i32
      %mul3A_1183 = arith.muli %scan3A_208, %mul3A_1182 : i32
      %add3A_1184 = arith.constant 0 : i32
      %add3A_1185 = arith.addi %mul3A_1183, %add3A_1184 : i32
      %get3A_1186 = arith.constant 64 : index
      %get3A_1187 = arith.index_cast %add3A_1185 : i32 to index
      %get3A_1188 = vector.load %arg33[%get3A_1186, %get3A_1187] : memref<128x6144xbf16, #tpu.memory_space<vmem>>, vector<32x128xbf16>
      %get3A_1189 = arith.constant 0 : index
      %get3A_1190 = arith.constant 0 : index
      %get3A_1191 = vector.load %arg3[%get3A_1189, %get3A_1190] : memref<512x512xf32, #tpu.memory_space<vmem>>, vector<128x512xf32>
      %broadcast_in_dim3A_1192 = arith.constant 0.000000e+00 : f32
      %broadcast_in_dim3A_1193 = vector.broadcast %broadcast_in_dim3A_1192 : f32 to vector<8x128xf32>
      %mul3A_1194 = arith.constant 512 : i32
      %mul3A_1195 = arith.muli %select_n3A, %mul3A_1194 : i32
      %get3A_1196 = arith.constant 64 : index
      %get3A_1197 = arith.index_cast %mul3A_1195 : i32 to index
      %get3A_1198 = vector.load %arg34[%get3A_1196, %get3A_1197] : memref<128x6144xbf16, #tpu.memory_space<vmem>>, vector<32x512xbf16>
      %mul3A_1199 = arith.constant 512 : i32
      %mul3A_1200 = arith.muli %select_n3A, %mul3A_1199 : i32
      %get3A_1201 = arith.constant 16 : index
      %get3A_1202 = arith.index_cast %mul3A_1200 : i32 to index
      %get3A_1203 = vector.load %arg35[%get3A_1201, %get3A_1202] : memref<32x6144xf32, #tpu.memory_space<vmem>>, vector<8x512xf32>
      %dot_general3A_1204 = arith.constant dense<0.000000e+00> : vector<128x512xf32>
      %dot_general3A_1205 = tpu.matmul %get3A_1188, %get3A_1198, %dot_general3A_1204 {dimension_numbers = #tpu.dot_dimension_numbers<[0], [0], [1], [1], [0, 1, 1, 1], [], []>, transpose_lhs_hint = false} : vector<32x128xbf16>, vector<32x512xbf16>, vector<128x512xf32> -> vector<128x512xf32>
      %add3A_1206 = arith.addf %dot_general3A_1205, %get3A_1191 : vector<128x512xf32>
      %reduce_max3A_1207 = arith.constant dense<0xFF800000> : vector<128xf32>
      %reduce_max3A_1208 = vector.multi_reduction <maximumf>, %add3A_1206, %reduce_max3A_1207 [1] : vector<128x512xf32> to vector<128xf32>
      %broadcast_in_dim3A_1209 = vector.shape_cast %reduce_max3A_1208 : vector<128xf32> to vector<128x1xf32>
      %max3A_1210 = arith.constant -1.000000e+30 : f32
      %max3A_1211 = vector.broadcast %max3A_1210 : f32 to vector<128x1xf32>
      %max3A_1212 = arith.maximumf %broadcast_in_dim3A_1209, %max3A_1211 : vector<128x1xf32>
      %sub3A_1213 = vector.broadcast %max3A_1212 : vector<128x1xf32> to vector<128x512xf32>
      %sub3A_1214 = arith.subf %add3A_1206, %sub3A_1213 : vector<128x512xf32>
      %exp3A_1215 = math.exp %sub3A_1214 : vector<128x512xf32>
      %dot_general3A_1216 = arith.constant dense<0.000000e+00> : vector<8x128xf32>
      %dot_general3A_1217 = tpu.matmul %broadcast_in_dim3A_9, %exp3A_1215, %dot_general3A_1216 {dimension_numbers = #tpu.dot_dimension_numbers<[1], [1], [0], [0], [0, 0, 1, 0], [], []>, transpose_lhs_hint = false} : vector<8x512xf32>, vector<128x512xf32>, vector<8x128xf32> -> vector<8x128xf32>
      %slice3A_1218 = vector.extract_strided_slice %dot_general3A_1217 {offsets = [0, 0], sizes = [1, 128], strides = [1, 1]} : vector<8x128xf32> to vector<1x128xf32>
      %add3A_1219 = arith.constant 1.000000e-16 : f32
      %add3A_1220 = vector.broadcast %add3A_1219 : f32 to vector<1x128xf32>
      %add3A_1221 = arith.addf %slice3A_1218, %add3A_1220 : vector<1x128xf32>
      %dot_general3A_1222 = arith.constant dense<0.000000e+00> : vector<8x128xf32>
      %dot_general3A_1223 = tpu.matmul %get3A_1203, %exp3A_1215, %dot_general3A_1222 {dimension_numbers = #tpu.dot_dimension_numbers<[1], [1], [0], [0], [0, 0, 1, 0], [], []>, transpose_lhs_hint = false} : vector<8x512xf32>, vector<128x512xf32>, vector<8x128xf32> -> vector<8x128xf32>
      %div3A_1224 = vector.broadcast %add3A_1221 : vector<1x128xf32> to vector<8x128xf32>
      %div3A_1225 = arith.divf %dot_general3A_1223, %div3A_1224 : vector<8x128xf32>
      %add3A_1226 = arith.addf %broadcast_in_dim3A_1193, %div3A_1225 : vector<8x128xf32>
      %mul3A_1227 = arith.constant 512 : i32
      %mul3A_1228 = arith.muli %scan3A_208, %mul3A_1227 : i32
      %get3A_1229 = arith.constant 64 : index
      %get3A_1230 = arith.index_cast %mul3A_1228 : i32 to index
      %get3A_1231 = vector.load %arg34[%get3A_1229, %get3A_1230] : memref<128x6144xbf16, #tpu.memory_space<vmem>>, vector<32x512xbf16>
      %mul3A_1232 = arith.constant 512 : i32
      %mul3A_1233 = arith.muli %scan3A_208, %mul3A_1232 : i32
      %get3A_1234 = arith.constant 16 : index
      %get3A_1235 = arith.index_cast %mul3A_1233 : i32 to index
      %get3A_1236 = vector.load %arg35[%get3A_1234, %get3A_1235] : memref<32x6144xf32, #tpu.memory_space<vmem>>, vector<8x512xf32>
      %dot_general3A_1237 = arith.constant dense<0.000000e+00> : vector<128x512xf32>
      %dot_general3A_1238 = tpu.matmul %get3A_1188, %get3A_1231, %dot_general3A_1237 {dimension_numbers = #tpu.dot_dimension_numbers<[0], [0], [1], [1], [0, 1, 1, 1], [], []>, transpose_lhs_hint = false} : vector<32x128xbf16>, vector<32x512xbf16>, vector<128x512xf32> -> vector<128x512xf32>
      %add3A_1239 = arith.addf %dot_general3A_1238, %get3A_1191 : vector<128x512xf32>
      %reduce_max3A_1240 = arith.constant dense<0xFF800000> : vector<128xf32>
      %reduce_max3A_1241 = vector.multi_reduction <maximumf>, %add3A_1239, %reduce_max3A_1240 [1] : vector<128x512xf32> to vector<128xf32>
      %broadcast_in_dim3A_1242 = vector.shape_cast %reduce_max3A_1241 : vector<128xf32> to vector<128x1xf32>
      %max3A_1243 = arith.constant -1.000000e+30 : f32
      %max3A_1244 = vector.broadcast %max3A_1243 : f32 to vector<128x1xf32>
      %max3A_1245 = arith.maximumf %broadcast_in_dim3A_1242, %max3A_1244 : vector<128x1xf32>
      %sub3A_1246 = vector.broadcast %max3A_1245 : vector<128x1xf32> to vector<128x512xf32>
      %sub3A_1247 = arith.subf %add3A_1239, %sub3A_1246 : vector<128x512xf32>
      %exp3A_1248 = math.exp %sub3A_1247 : vector<128x512xf32>
      %dot_general3A_1249 = arith.constant dense<0.000000e+00> : vector<8x128xf32>
      %dot_general3A_1250 = tpu.matmul %broadcast_in_dim3A_9, %exp3A_1248, %dot_general3A_1249 {dimension_numbers = #tpu.dot_dimension_numbers<[1], [1], [0], [0], [0, 0, 1, 0], [], []>, transpose_lhs_hint = false} : vector<8x512xf32>, vector<128x512xf32>, vector<8x128xf32> -> vector<8x128xf32>
      %slice3A_1251 = vector.extract_strided_slice %dot_general3A_1250 {offsets = [0, 0], sizes = [1, 128], strides = [1, 1]} : vector<8x128xf32> to vector<1x128xf32>
      %add3A_1252 = arith.constant 1.000000e-16 : f32
      %add3A_1253 = vector.broadcast %add3A_1252 : f32 to vector<1x128xf32>
      %add3A_1254 = arith.addf %slice3A_1251, %add3A_1253 : vector<1x128xf32>
      %dot_general3A_1255 = arith.constant dense<0.000000e+00> : vector<8x128xf32>
      %dot_general3A_1256 = tpu.matmul %get3A_1236, %exp3A_1248, %dot_general3A_1255 {dimension_numbers = #tpu.dot_dimension_numbers<[1], [1], [0], [0], [0, 0, 1, 0], [], []>, transpose_lhs_hint = false} : vector<8x512xf32>, vector<128x512xf32>, vector<8x128xf32> -> vector<8x128xf32>
      %div3A_1257 = vector.broadcast %add3A_1254 : vector<1x128xf32> to vector<8x128xf32>
      %div3A_1258 = arith.divf %dot_general3A_1256, %div3A_1257 : vector<8x128xf32>
      %add3A_1259 = arith.addf %add3A_1226, %div3A_1258 : vector<8x128xf32>
      %mul3A_1260 = arith.constant 512 : i32
      %mul3A_1261 = arith.muli %select_n3A_217, %mul3A_1260 : i32
      %get3A_1262 = arith.constant 64 : index
      %get3A_1263 = arith.index_cast %mul3A_1261 : i32 to index
      %get3A_1264 = vector.load %arg34[%get3A_1262, %get3A_1263] : memref<128x6144xbf16, #tpu.memory_space<vmem>>, vector<32x512xbf16>
      %mul3A_1265 = arith.constant 512 : i32
      %mul3A_1266 = arith.muli %select_n3A_217, %mul3A_1265 : i32
      %get3A_1267 = arith.constant 16 : index
      %get3A_1268 = arith.index_cast %mul3A_1266 : i32 to index
      %get3A_1269 = vector.load %arg35[%get3A_1267, %get3A_1268] : memref<32x6144xf32, #tpu.memory_space<vmem>>, vector<8x512xf32>
      %dot_general3A_1270 = arith.constant dense<0.000000e+00> : vector<128x512xf32>
      %dot_general3A_1271 = tpu.matmul %get3A_1188, %get3A_1264, %dot_general3A_1270 {dimension_numbers = #tpu.dot_dimension_numbers<[0], [0], [1], [1], [0, 1, 1, 1], [], []>, transpose_lhs_hint = false} : vector<32x128xbf16>, vector<32x512xbf16>, vector<128x512xf32> -> vector<128x512xf32>
      %add3A_1272 = arith.addf %dot_general3A_1271, %get3A_1191 : vector<128x512xf32>
      %reduce_max3A_1273 = arith.constant dense<0xFF800000> : vector<128xf32>
      %reduce_max3A_1274 = vector.multi_reduction <maximumf>, %add3A_1272, %reduce_max3A_1273 [1] : vector<128x512xf32> to vector<128xf32>
      %broadcast_in_dim3A_1275 = vector.shape_cast %reduce_max3A_1274 : vector<128xf32> to vector<128x1xf32>
      %max3A_1276 = arith.constant -1.000000e+30 : f32
      %max3A_1277 = vector.broadcast %max3A_1276 : f32 to vector<128x1xf32>
      %max3A_1278 = arith.maximumf %broadcast_in_dim3A_1275, %max3A_1277 : vector<128x1xf32>
      %sub3A_1279 = vector.broadcast %max3A_1278 : vector<128x1xf32> to vector<128x512xf32>
      %sub3A_1280 = arith.subf %add3A_1272, %sub3A_1279 : vector<128x512xf32>
      %exp3A_1281 = math.exp %sub3A_1280 : vector<128x512xf32>
      %dot_general3A_1282 = arith.constant dense<0.000000e+00> : vector<8x128xf32>
      %dot_general3A_1283 = tpu.matmul %broadcast_in_dim3A_9, %exp3A_1281, %dot_general3A_1282 {dimension_numbers = #tpu.dot_dimension_numbers<[1], [1], [0], [0], [0, 0, 1, 0], [], []>, transpose_lhs_hint = false} : vector<8x512xf32>, vector<128x512xf32>, vector<8x128xf32> -> vector<8x128xf32>
      %slice3A_1284 = vector.extract_strided_slice %dot_general3A_1283 {offsets = [0, 0], sizes = [1, 128], strides = [1, 1]} : vector<8x128xf32> to vector<1x128xf32>
      %add3A_1285 = arith.constant 1.000000e-16 : f32
      %add3A_1286 = vector.broadcast %add3A_1285 : f32 to vector<1x128xf32>
      %add3A_1287 = arith.addf %slice3A_1284, %add3A_1286 : vector<1x128xf32>
      %dot_general3A_1288 = arith.constant dense<0.000000e+00> : vector<8x128xf32>
      %dot_general3A_1289 = tpu.matmul %get3A_1269, %exp3A_1281, %dot_general3A_1288 {dimension_numbers = #tpu.dot_dimension_numbers<[1], [1], [0], [0], [0, 0, 1, 0], [], []>, transpose_lhs_hint = false} : vector<8x512xf32>, vector<128x512xf32>, vector<8x128xf32> -> vector<8x128xf32>
      %div3A_1290 = vector.broadcast %add3A_1287 : vector<1x128xf32> to vector<8x128xf32>
      %div3A_1291 = arith.divf %dot_general3A_1289, %div3A_1290 : vector<8x128xf32>
      %add3A_1292 = arith.addf %add3A_1259, %div3A_1291 : vector<8x128xf32>
      %mul3A_1293 = arith.constant 0.333333343 : f32
      %mul3A_1294 = vector.broadcast %mul3A_1293 : f32 to vector<8x128xf32>
      %mul3A_1295 = arith.mulf %add3A_1292, %mul3A_1294 : vector<8x128xf32>
      %mul3A_1296 = arith.constant 512 : i32
      %mul3A_1297 = arith.muli %scan3A_208, %mul3A_1296 : i32
      %add3A_1298 = arith.constant 0 : i32
      %add3A_1299 = arith.addi %mul3A_1297, %add3A_1298 : i32
      %swap3A_1300 = arith.constant 16 : index
      %swap3A_1301 = arith.index_cast %add3A_1299 : i32 to index
      %swap3A_1302 = vector.load %arg36[%swap3A_1300, %swap3A_1301] : memref<32x6144xf32, #tpu.memory_space<vmem>>, vector<8x128xf32>
      tpu.vector_store %arg36[%swap3A_1300, %swap3A_1301], %mul3A_1295 {strides = array<i32>} : memref<32x6144xf32, #tpu.memory_space<vmem>>, vector<8x128xf32>,
      %mul3A_1303 = arith.constant 512 : i32
      %mul3A_1304 = arith.muli %scan3A_208, %mul3A_1303 : i32
      %add3A_1305 = arith.constant 128 : i32
      %add3A_1306 = arith.addi %mul3A_1304, %add3A_1305 : i32
      %get3A_1307 = arith.constant 64 : index
      %get3A_1308 = arith.index_cast %add3A_1306 : i32 to index
      %get3A_1309 = vector.load %arg33[%get3A_1307, %get3A_1308] : memref<128x6144xbf16, #tpu.memory_space<vmem>>, vector<32x128xbf16>
      %get3A_1310 = arith.constant 128 : index
      %get3A_1311 = arith.constant 0 : index
      %get3A_1312 = vector.load %arg3[%get3A_1310, %get3A_1311] : memref<512x512xf32, #tpu.memory_space<vmem>>, vector<128x512xf32>
      %broadcast_in_dim3A_1313 = arith.constant 0.000000e+00 : f32
      %broadcast_in_dim3A_1314 = vector.broadcast %broadcast_in_dim3A_1313 : f32 to vector<8x128xf32>
      %mul3A_1315 = arith.constant 512 : i32
      %mul3A_1316 = arith.muli %select_n3A, %mul3A_1315 : i32
      %get3A_1317 = arith.constant 64 : index
      %get3A_1318 = arith.index_cast %mul3A_1316 : i32 to index
      %get3A_1319 = vector.load %arg34[%get3A_1317, %get3A_1318] : memref<128x6144xbf16, #tpu.memory_space<vmem>>, vector<32x512xbf16>
      %mul3A_1320 = arith.constant 512 : i32
      %mul3A_1321 = arith.muli %select_n3A, %mul3A_1320 : i32
      %get3A_1322 = arith.constant 16 : index
      %get3A_1323 = arith.index_cast %mul3A_1321 : i32 to index
      %get3A_1324 = vector.load %arg35[%get3A_1322, %get3A_1323] : memref<32x6144xf32, #tpu.memory_space<vmem>>, vector<8x512xf32>
      %dot_general3A_1325 = arith.constant dense<0.000000e+00> : vector<128x512xf32>
      %dot_general3A_1326 = tpu.matmul %get3A_1309, %get3A_1319, %dot_general3A_1325 {dimension_numbers = #tpu.dot_dimension_numbers<[0], [0], [1], [1], [0, 1, 1, 1], [], []>, transpose_lhs_hint = false} : vector<32x128xbf16>, vector<32x512xbf16>, vector<128x512xf32> -> vector<128x512xf32>
      %add3A_1327 = arith.addf %dot_general3A_1326, %get3A_1312 : vector<128x512xf32>
      %reduce_max3A_1328 = arith.constant dense<0xFF800000> : vector<128xf32>
      %reduce_max3A_1329 = vector.multi_reduction <maximumf>, %add3A_1327, %reduce_max3A_1328 [1] : vector<128x512xf32> to vector<128xf32>
      %broadcast_in_dim3A_1330 = vector.shape_cast %reduce_max3A_1329 : vector<128xf32> to vector<128x1xf32>
      %max3A_1331 = arith.constant -1.000000e+30 : f32
      %max3A_1332 = vector.broadcast %max3A_1331 : f32 to vector<128x1xf32>
      %max3A_1333 = arith.maximumf %broadcast_in_dim3A_1330, %max3A_1332 : vector<128x1xf32>
      %sub3A_1334 = vector.broadcast %max3A_1333 : vector<128x1xf32> to vector<128x512xf32>
      %sub3A_1335 = arith.subf %add3A_1327, %sub3A_1334 : vector<128x512xf32>
      %exp3A_1336 = math.exp %sub3A_1335 : vector<128x512xf32>
      %dot_general3A_1337 = arith.constant dense<0.000000e+00> : vector<8x128xf32>
      %dot_general3A_1338 = tpu.matmul %broadcast_in_dim3A_9, %exp3A_1336, %dot_general3A_1337 {dimension_numbers = #tpu.dot_dimension_numbers<[1], [1], [0], [0], [0, 0, 1, 0], [], []>, transpose_lhs_hint = false} : vector<8x512xf32>, vector<128x512xf32>, vector<8x128xf32> -> vector<8x128xf32>
      %slice3A_1339 = vector.extract_strided_slice %dot_general3A_1338 {offsets = [0, 0], sizes = [1, 128], strides = [1, 1]} : vector<8x128xf32> to vector<1x128xf32>
      %add3A_1340 = arith.constant 1.000000e-16 : f32
      %add3A_1341 = vector.broadcast %add3A_1340 : f32 to vector<1x128xf32>
      %add3A_1342 = arith.addf %slice3A_1339, %add3A_1341 : vector<1x128xf32>
      %dot_general3A_1343 = arith.constant dense<0.000000e+00> : vector<8x128xf32>
      %dot_general3A_1344 = tpu.matmul %get3A_1324, %exp3A_1336, %dot_general3A_1343 {dimension_numbers = #tpu.dot_dimension_numbers<[1], [1], [0], [0], [0, 0, 1, 0], [], []>, transpose_lhs_hint = false} : vector<8x512xf32>, vector<128x512xf32>, vector<8x128xf32> -> vector<8x128xf32>
      %div3A_1345 = vector.broadcast %add3A_1342 : vector<1x128xf32> to vector<8x128xf32>
      %div3A_1346 = arith.divf %dot_general3A_1344, %div3A_1345 : vector<8x128xf32>
      %add3A_1347 = arith.addf %broadcast_in_dim3A_1314, %div3A_1346 : vector<8x128xf32>
      %mul3A_1348 = arith.constant 512 : i32
      %mul3A_1349 = arith.muli %scan3A_208, %mul3A_1348 : i32
      %get3A_1350 = arith.constant 64 : index
      %get3A_1351 = arith.index_cast %mul3A_1349 : i32 to index
      %get3A_1352 = vector.load %arg34[%get3A_1350, %get3A_1351] : memref<128x6144xbf16, #tpu.memory_space<vmem>>, vector<32x512xbf16>
      %mul3A_1353 = arith.constant 512 : i32
      %mul3A_1354 = arith.muli %scan3A_208, %mul3A_1353 : i32
      %get3A_1355 = arith.constant 16 : index
      %get3A_1356 = arith.index_cast %mul3A_1354 : i32 to index
      %get3A_1357 = vector.load %arg35[%get3A_1355, %get3A_1356] : memref<32x6144xf32, #tpu.memory_space<vmem>>, vector<8x512xf32>
      %dot_general3A_1358 = arith.constant dense<0.000000e+00> : vector<128x512xf32>
      %dot_general3A_1359 = tpu.matmul %get3A_1309, %get3A_1352, %dot_general3A_1358 {dimension_numbers = #tpu.dot_dimension_numbers<[0], [0], [1], [1], [0, 1, 1, 1], [], []>, transpose_lhs_hint = false} : vector<32x128xbf16>, vector<32x512xbf16>, vector<128x512xf32> -> vector<128x512xf32>
      %add3A_1360 = arith.addf %dot_general3A_1359, %get3A_1312 : vector<128x512xf32>
      %reduce_max3A_1361 = arith.constant dense<0xFF800000> : vector<128xf32>
      %reduce_max3A_1362 = vector.multi_reduction <maximumf>, %add3A_1360, %reduce_max3A_1361 [1] : vector<128x512xf32> to vector<128xf32>
      %broadcast_in_dim3A_1363 = vector.shape_cast %reduce_max3A_1362 : vector<128xf32> to vector<128x1xf32>
      %max3A_1364 = arith.constant -1.000000e+30 : f32
      %max3A_1365 = vector.broadcast %max3A_1364 : f32 to vector<128x1xf32>
      %max3A_1366 = arith.maximumf %broadcast_in_dim3A_1363, %max3A_1365 : vector<128x1xf32>
      %sub3A_1367 = vector.broadcast %max3A_1366 : vector<128x1xf32> to vector<128x512xf32>
      %sub3A_1368 = arith.subf %add3A_1360, %sub3A_1367 : vector<128x512xf32>
      %exp3A_1369 = math.exp %sub3A_1368 : vector<128x512xf32>
      %dot_general3A_1370 = arith.constant dense<0.000000e+00> : vector<8x128xf32>
      %dot_general3A_1371 = tpu.matmul %broadcast_in_dim3A_9, %exp3A_1369, %dot_general3A_1370 {dimension_numbers = #tpu.dot_dimension_numbers<[1], [1], [0], [0], [0, 0, 1, 0], [], []>, transpose_lhs_hint = false} : vector<8x512xf32>, vector<128x512xf32>, vector<8x128xf32> -> vector<8x128xf32>
      %slice3A_1372 = vector.extract_strided_slice %dot_general3A_1371 {offsets = [0, 0], sizes = [1, 128], strides = [1, 1]} : vector<8x128xf32> to vector<1x128xf32>
      %add3A_1373 = arith.constant 1.000000e-16 : f32
      %add3A_1374 = vector.broadcast %add3A_1373 : f32 to vector<1x128xf32>
      %add3A_1375 = arith.addf %slice3A_1372, %add3A_1374 : vector<1x128xf32>
      %dot_general3A_1376 = arith.constant dense<0.000000e+00> : vector<8x128xf32>
      %dot_general3A_1377 = tpu.matmul %get3A_1357, %exp3A_1369, %dot_general3A_1376 {dimension_numbers = #tpu.dot_dimension_numbers<[1], [1], [0], [0], [0, 0, 1, 0], [], []>, transpose_lhs_hint = false} : vector<8x512xf32>, vector<128x512xf32>, vector<8x128xf32> -> vector<8x128xf32>
      %div3A_1378 = vector.broadcast %add3A_1375 : vector<1x128xf32> to vector<8x128xf32>
      %div3A_1379 = arith.divf %dot_general3A_1377, %div3A_1378 : vector<8x128xf32>
      %add3A_1380 = arith.addf %add3A_1347, %div3A_1379 : vector<8x128xf32>
      %mul3A_1381 = arith.constant 512 : i32
      %mul3A_1382 = arith.muli %select_n3A_217, %mul3A_1381 : i32
      %get3A_1383 = arith.constant 64 : index
      %get3A_1384 = arith.index_cast %mul3A_1382 : i32 to index
      %get3A_1385 = vector.load %arg34[%get3A_1383, %get3A_1384] : memref<128x6144xbf16, #tpu.memory_space<vmem>>, vector<32x512xbf16>
      %mul3A_1386 = arith.constant 512 : i32
      %mul3A_1387 = arith.muli %select_n3A_217, %mul3A_1386 : i32
      %get3A_1388 = arith.constant 16 : index
      %get3A_1389 = arith.index_cast %mul3A_1387 : i32 to index
      %get3A_1390 = vector.load %arg35[%get3A_1388, %get3A_1389] : memref<32x6144xf32, #tpu.memory_space<vmem>>, vector<8x512xf32>
      %dot_general3A_1391 = arith.constant dense<0.000000e+00> : vector<128x512xf32>
      %dot_general3A_1392 = tpu.matmul %get3A_1309, %get3A_1385, %dot_general3A_1391 {dimension_numbers = #tpu.dot_dimension_numbers<[0], [0], [1], [1], [0, 1, 1, 1], [], []>, transpose_lhs_hint = false} : vector<32x128xbf16>, vector<32x512xbf16>, vector<128x512xf32> -> vector<128x512xf32>
      %add3A_1393 = arith.addf %dot_general3A_1392, %get3A_1312 : vector<128x512xf32>
      %reduce_max3A_1394 = arith.constant dense<0xFF800000> : vector<128xf32>
      %reduce_max3A_1395 = vector.multi_reduction <maximumf>, %add3A_1393, %reduce_max3A_1394 [1] : vector<128x512xf32> to vector<128xf32>
      %broadcast_in_dim3A_1396 = vector.shape_cast %reduce_max3A_1395 : vector<128xf32> to vector<128x1xf32>
      %max3A_1397 = arith.constant -1.000000e+30 : f32
      %max3A_1398 = vector.broadcast %max3A_1397 : f32 to vector<128x1xf32>
      %max3A_1399 = arith.maximumf %broadcast_in_dim3A_1396, %max3A_1398 : vector<128x1xf32>
      %sub3A_1400 = vector.broadcast %max3A_1399 : vector<128x1xf32> to vector<128x512xf32>
      %sub3A_1401 = arith.subf %add3A_1393, %sub3A_1400 : vector<128x512xf32>
      %exp3A_1402 = math.exp %sub3A_1401 : vector<128x512xf32>
      %dot_general3A_1403 = arith.constant dense<0.000000e+00> : vector<8x128xf32>
      %dot_general3A_1404 = tpu.matmul %broadcast_in_dim3A_9, %exp3A_1402, %dot_general3A_1403 {dimension_numbers = #tpu.dot_dimension_numbers<[1], [1], [0], [0], [0, 0, 1, 0], [], []>, transpose_lhs_hint = false} : vector<8x512xf32>, vector<128x512xf32>, vector<8x128xf32> -> vector<8x128xf32>
      %slice3A_1405 = vector.extract_strided_slice %dot_general3A_1404 {offsets = [0, 0], sizes = [1, 128], strides = [1, 1]} : vector<8x128xf32> to vector<1x128xf32>
      %add3A_1406 = arith.constant 1.000000e-16 : f32
      %add3A_1407 = vector.broadcast %add3A_1406 : f32 to vector<1x128xf32>
      %add3A_1408 = arith.addf %slice3A_1405, %add3A_1407 : vector<1x128xf32>
      %dot_general3A_1409 = arith.constant dense<0.000000e+00> : vector<8x128xf32>
      %dot_general3A_1410 = tpu.matmul %get3A_1390, %exp3A_1402, %dot_general3A_1409 {dimension_numbers = #tpu.dot_dimension_numbers<[1], [1], [0], [0], [0, 0, 1, 0], [], []>, transpose_lhs_hint = false} : vector<8x512xf32>, vector<128x512xf32>, vector<8x128xf32> -> vector<8x128xf32>
      %div3A_1411 = vector.broadcast %add3A_1408 : vector<1x128xf32> to vector<8x128xf32>
      %div3A_1412 = arith.divf %dot_general3A_1410, %div3A_1411 : vector<8x128xf32>
      %add3A_1413 = arith.addf %add3A_1380, %div3A_1412 : vector<8x128xf32>
      %mul3A_1414 = arith.constant 0.333333343 : f32
      %mul3A_1415 = vector.broadcast %mul3A_1414 : f32 to vector<8x128xf32>
      %mul3A_1416 = arith.mulf %add3A_1413, %mul3A_1415 : vector<8x128xf32>
      %mul3A_1417 = arith.constant 512 : i32
      %mul3A_1418 = arith.muli %scan3A_208, %mul3A_1417 : i32
      %add3A_1419 = arith.constant 128 : i32
      %add3A_1420 = arith.addi %mul3A_1418, %add3A_1419 : i32
      %swap3A_1421 = arith.constant 16 : index
      %swap3A_1422 = arith.index_cast %add3A_1420 : i32 to index
      %swap3A_1423 = vector.load %arg36[%swap3A_1421, %swap3A_1422] : memref<32x6144xf32, #tpu.memory_space<vmem>>, vector<8x128xf32>
      tpu.vector_store %arg36[%swap3A_1421, %swap3A_1422], %mul3A_1416 {strides = array<i32>} : memref<32x6144xf32, #tpu.memory_space<vmem>>, vector<8x128xf32>,
      %mul3A_1424 = arith.constant 512 : i32
      %mul3A_1425 = arith.muli %scan3A_208, %mul3A_1424 : i32
      %add3A_1426 = arith.constant 256 : i32
      %add3A_1427 = arith.addi %mul3A_1425, %add3A_1426 : i32
      %get3A_1428 = arith.constant 64 : index
      %get3A_1429 = arith.index_cast %add3A_1427 : i32 to index
      %get3A_1430 = vector.load %arg33[%get3A_1428, %get3A_1429] : memref<128x6144xbf16, #tpu.memory_space<vmem>>, vector<32x128xbf16>
      %get3A_1431 = arith.constant 256 : index
      %get3A_1432 = arith.constant 0 : index
      %get3A_1433 = vector.load %arg3[%get3A_1431, %get3A_1432] : memref<512x512xf32, #tpu.memory_space<vmem>>, vector<128x512xf32>
      %broadcast_in_dim3A_1434 = arith.constant 0.000000e+00 : f32
      %broadcast_in_dim3A_1435 = vector.broadcast %broadcast_in_dim3A_1434 : f32 to vector<8x128xf32>
      %mul3A_1436 = arith.constant 512 : i32
      %mul3A_1437 = arith.muli %select_n3A, %mul3A_1436 : i32
      %get3A_1438 = arith.constant 64 : index
      %get3A_1439 = arith.index_cast %mul3A_1437 : i32 to index
      %get3A_1440 = vector.load %arg34[%get3A_1438, %get3A_1439] : memref<128x6144xbf16, #tpu.memory_space<vmem>>, vector<32x512xbf16>
      %mul3A_1441 = arith.constant 512 : i32
      %mul3A_1442 = arith.muli %select_n3A, %mul3A_1441 : i32
      %get3A_1443 = arith.constant 16 : index
      %get3A_1444 = arith.index_cast %mul3A_1442 : i32 to index
      %get3A_1445 = vector.load %arg35[%get3A_1443, %get3A_1444] : memref<32x6144xf32, #tpu.memory_space<vmem>>, vector<8x512xf32>
      %dot_general3A_1446 = arith.constant dense<0.000000e+00> : vector<128x512xf32>
      %dot_general3A_1447 = tpu.matmul %get3A_1430, %get3A_1440, %dot_general3A_1446 {dimension_numbers = #tpu.dot_dimension_numbers<[0], [0], [1], [1], [0, 1, 1, 1], [], []>, transpose_lhs_hint = false} : vector<32x128xbf16>, vector<32x512xbf16>, vector<128x512xf32> -> vector<128x512xf32>
      %add3A_1448 = arith.addf %dot_general3A_1447, %get3A_1433 : vector<128x512xf32>
      %reduce_max3A_1449 = arith.constant dense<0xFF800000> : vector<128xf32>
      %reduce_max3A_1450 = vector.multi_reduction <maximumf>, %add3A_1448, %reduce_max3A_1449 [1] : vector<128x512xf32> to vector<128xf32>
      %broadcast_in_dim3A_1451 = vector.shape_cast %reduce_max3A_1450 : vector<128xf32> to vector<128x1xf32>
      %max3A_1452 = arith.constant -1.000000e+30 : f32
      %max3A_1453 = vector.broadcast %max3A_1452 : f32 to vector<128x1xf32>
      %max3A_1454 = arith.maximumf %broadcast_in_dim3A_1451, %max3A_1453 : vector<128x1xf32>
      %sub3A_1455 = vector.broadcast %max3A_1454 : vector<128x1xf32> to vector<128x512xf32>
      %sub3A_1456 = arith.subf %add3A_1448, %sub3A_1455 : vector<128x512xf32>
      %exp3A_1457 = math.exp %sub3A_1456 : vector<128x512xf32>
      %dot_general3A_1458 = arith.constant dense<0.000000e+00> : vector<8x128xf32>
      %dot_general3A_1459 = tpu.matmul %broadcast_in_dim3A_9, %exp3A_1457, %dot_general3A_1458 {dimension_numbers = #tpu.dot_dimension_numbers<[1], [1], [0], [0], [0, 0, 1, 0], [], []>, transpose_lhs_hint = false} : vector<8x512xf32>, vector<128x512xf32>, vector<8x128xf32> -> vector<8x128xf32>
      %slice3A_1460 = vector.extract_strided_slice %dot_general3A_1459 {offsets = [0, 0], sizes = [1, 128], strides = [1, 1]} : vector<8x128xf32> to vector<1x128xf32>
      %add3A_1461 = arith.constant 1.000000e-16 : f32
      %add3A_1462 = vector.broadcast %add3A_1461 : f32 to vector<1x128xf32>
      %add3A_1463 = arith.addf %slice3A_1460, %add3A_1462 : vector<1x128xf32>
      %dot_general3A_1464 = arith.constant dense<0.000000e+00> : vector<8x128xf32>
      %dot_general3A_1465 = tpu.matmul %get3A_1445, %exp3A_1457, %dot_general3A_1464 {dimension_numbers = #tpu.dot_dimension_numbers<[1], [1], [0], [0], [0, 0, 1, 0], [], []>, transpose_lhs_hint = false} : vector<8x512xf32>, vector<128x512xf32>, vector<8x128xf32> -> vector<8x128xf32>
      %div3A_1466 = vector.broadcast %add3A_1463 : vector<1x128xf32> to vector<8x128xf32>
      %div3A_1467 = arith.divf %dot_general3A_1465, %div3A_1466 : vector<8x128xf32>
      %add3A_1468 = arith.addf %broadcast_in_dim3A_1435, %div3A_1467 : vector<8x128xf32>
      %mul3A_1469 = arith.constant 512 : i32
      %mul3A_1470 = arith.muli %scan3A_208, %mul3A_1469 : i32
      %get3A_1471 = arith.constant 64 : index
      %get3A_1472 = arith.index_cast %mul3A_1470 : i32 to index
      %get3A_1473 = vector.load %arg34[%get3A_1471, %get3A_1472] : memref<128x6144xbf16, #tpu.memory_space<vmem>>, vector<32x512xbf16>
      %mul3A_1474 = arith.constant 512 : i32
      %mul3A_1475 = arith.muli %scan3A_208, %mul3A_1474 : i32
      %get3A_1476 = arith.constant 16 : index
      %get3A_1477 = arith.index_cast %mul3A_1475 : i32 to index
      %get3A_1478 = vector.load %arg35[%get3A_1476, %get3A_1477] : memref<32x6144xf32, #tpu.memory_space<vmem>>, vector<8x512xf32>
      %dot_general3A_1479 = arith.constant dense<0.000000e+00> : vector<128x512xf32>
      %dot_general3A_1480 = tpu.matmul %get3A_1430, %get3A_1473, %dot_general3A_1479 {dimension_numbers = #tpu.dot_dimension_numbers<[0], [0], [1], [1], [0, 1, 1, 1], [], []>, transpose_lhs_hint = false} : vector<32x128xbf16>, vector<32x512xbf16>, vector<128x512xf32> -> vector<128x512xf32>
      %add3A_1481 = arith.addf %dot_general3A_1480, %get3A_1433 : vector<128x512xf32>
      %reduce_max3A_1482 = arith.constant dense<0xFF800000> : vector<128xf32>
      %reduce_max3A_1483 = vector.multi_reduction <maximumf>, %add3A_1481, %reduce_max3A_1482 [1] : vector<128x512xf32> to vector<128xf32>
      %broadcast_in_dim3A_1484 = vector.shape_cast %reduce_max3A_1483 : vector<128xf32> to vector<128x1xf32>
      %max3A_1485 = arith.constant -1.000000e+30 : f32
      %max3A_1486 = vector.broadcast %max3A_1485 : f32 to vector<128x1xf32>
      %max3A_1487 = arith.maximumf %broadcast_in_dim3A_1484, %max3A_1486 : vector<128x1xf32>
      %sub3A_1488 = vector.broadcast %max3A_1487 : vector<128x1xf32> to vector<128x512xf32>
      %sub3A_1489 = arith.subf %add3A_1481, %sub3A_1488 : vector<128x512xf32>
      %exp3A_1490 = math.exp %sub3A_1489 : vector<128x512xf32>
      %dot_general3A_1491 = arith.constant dense<0.000000e+00> : vector<8x128xf32>
      %dot_general3A_1492 = tpu.matmul %broadcast_in_dim3A_9, %exp3A_1490, %dot_general3A_1491 {dimension_numbers = #tpu.dot_dimension_numbers<[1], [1], [0], [0], [0, 0, 1, 0], [], []>, transpose_lhs_hint = false} : vector<8x512xf32>, vector<128x512xf32>, vector<8x128xf32> -> vector<8x128xf32>
      %slice3A_1493 = vector.extract_strided_slice %dot_general3A_1492 {offsets = [0, 0], sizes = [1, 128], strides = [1, 1]} : vector<8x128xf32> to vector<1x128xf32>
      %add3A_1494 = arith.constant 1.000000e-16 : f32
      %add3A_1495 = vector.broadcast %add3A_1494 : f32 to vector<1x128xf32>
      %add3A_1496 = arith.addf %slice3A_1493, %add3A_1495 : vector<1x128xf32>
      %dot_general3A_1497 = arith.constant dense<0.000000e+00> : vector<8x128xf32>
      %dot_general3A_1498 = tpu.matmul %get3A_1478, %exp3A_1490, %dot_general3A_1497 {dimension_numbers = #tpu.dot_dimension_numbers<[1], [1], [0], [0], [0, 0, 1, 0], [], []>, transpose_lhs_hint = false} : vector<8x512xf32>, vector<128x512xf32>, vector<8x128xf32> -> vector<8x128xf32>
      %div3A_1499 = vector.broadcast %add3A_1496 : vector<1x128xf32> to vector<8x128xf32>
      %div3A_1500 = arith.divf %dot_general3A_1498, %div3A_1499 : vector<8x128xf32>
      %add3A_1501 = arith.addf %add3A_1468, %div3A_1500 : vector<8x128xf32>
      %mul3A_1502 = arith.constant 512 : i32
      %mul3A_1503 = arith.muli %select_n3A_217, %mul3A_1502 : i32
      %get3A_1504 = arith.constant 64 : index
      %get3A_1505 = arith.index_cast %mul3A_1503 : i32 to index
      %get3A_1506 = vector.load %arg34[%get3A_1504, %get3A_1505] : memref<128x6144xbf16, #tpu.memory_space<vmem>>, vector<32x512xbf16>
      %mul3A_1507 = arith.constant 512 : i32
      %mul3A_1508 = arith.muli %select_n3A_217, %mul3A_1507 : i32
      %get3A_1509 = arith.constant 16 : index
      %get3A_1510 = arith.index_cast %mul3A_1508 : i32 to index
      %get3A_1511 = vector.load %arg35[%get3A_1509, %get3A_1510] : memref<32x6144xf32, #tpu.memory_space<vmem>>, vector<8x512xf32>
      %dot_general3A_1512 = arith.constant dense<0.000000e+00> : vector<128x512xf32>
      %dot_general3A_1513 = tpu.matmul %get3A_1430, %get3A_1506, %dot_general3A_1512 {dimension_numbers = #tpu.dot_dimension_numbers<[0], [0], [1], [1], [0, 1, 1, 1], [], []>, transpose_lhs_hint = false} : vector<32x128xbf16>, vector<32x512xbf16>, vector<128x512xf32> -> vector<128x512xf32>
      %add3A_1514 = arith.addf %dot_general3A_1513, %get3A_1433 : vector<128x512xf32>
      %reduce_max3A_1515 = arith.constant dense<0xFF800000> : vector<128xf32>
      %reduce_max3A_1516 = vector.multi_reduction <maximumf>, %add3A_1514, %reduce_max3A_1515 [1] : vector<128x512xf32> to vector<128xf32>
      %broadcast_in_dim3A_1517 = vector.shape_cast %reduce_max3A_1516 : vector<128xf32> to vector<128x1xf32>
      %max3A_1518 = arith.constant -1.000000e+30 : f32
      %max3A_1519 = vector.broadcast %max3A_1518 : f32 to vector<128x1xf32>
      %max3A_1520 = arith.maximumf %broadcast_in_dim3A_1517, %max3A_1519 : vector<128x1xf32>
      %sub3A_1521 = vector.broadcast %max3A_1520 : vector<128x1xf32> to vector<128x512xf32>
      %sub3A_1522 = arith.subf %add3A_1514, %sub3A_1521 : vector<128x512xf32>
      %exp3A_1523 = math.exp %sub3A_1522 : vector<128x512xf32>
      %dot_general3A_1524 = arith.constant dense<0.000000e+00> : vector<8x128xf32>
      %dot_general3A_1525 = tpu.matmul %broadcast_in_dim3A_9, %exp3A_1523, %dot_general3A_1524 {dimension_numbers = #tpu.dot_dimension_numbers<[1], [1], [0], [0], [0, 0, 1, 0], [], []>, transpose_lhs_hint = false} : vector<8x512xf32>, vector<128x512xf32>, vector<8x128xf32> -> vector<8x128xf32>
      %slice3A_1526 = vector.extract_strided_slice %dot_general3A_1525 {offsets = [0, 0], sizes = [1, 128], strides = [1, 1]} : vector<8x128xf32> to vector<1x128xf32>
      %add3A_1527 = arith.constant 1.000000e-16 : f32
      %add3A_1528 = vector.broadcast %add3A_1527 : f32 to vector<1x128xf32>
      %add3A_1529 = arith.addf %slice3A_1526, %add3A_1528 : vector<1x128xf32>
      %dot_general3A_1530 = arith.constant dense<0.000000e+00> : vector<8x128xf32>
      %dot_general3A_1531 = tpu.matmul %get3A_1511, %exp3A_1523, %dot_general3A_1530 {dimension_numbers = #tpu.dot_dimension_numbers<[1], [1], [0], [0], [0, 0, 1, 0], [], []>, transpose_lhs_hint = false} : vector<8x512xf32>, vector<128x512xf32>, vector<8x128xf32> -> vector<8x128xf32>
      %div3A_1532 = vector.broadcast %add3A_1529 : vector<1x128xf32> to vector<8x128xf32>
      %div3A_1533 = arith.divf %dot_general3A_1531, %div3A_1532 : vector<8x128xf32>
      %add3A_1534 = arith.addf %add3A_1501, %div3A_1533 : vector<8x128xf32>
      %mul3A_1535 = arith.constant 0.333333343 : f32
      %mul3A_1536 = vector.broadcast %mul3A_1535 : f32 to vector<8x128xf32>
      %mul3A_1537 = arith.mulf %add3A_1534, %mul3A_1536 : vector<8x128xf32>
      %mul3A_1538 = arith.constant 512 : i32
      %mul3A_1539 = arith.muli %scan3A_208, %mul3A_1538 : i32
      %add3A_1540 = arith.constant 256 : i32
      %add3A_1541 = arith.addi %mul3A_1539, %add3A_1540 : i32
      %swap3A_1542 = arith.constant 16 : index
      %swap3A_1543 = arith.index_cast %add3A_1541 : i32 to index
      %swap3A_1544 = vector.load %arg36[%swap3A_1542, %swap3A_1543] : memref<32x6144xf32, #tpu.memory_space<vmem>>, vector<8x128xf32>
      tpu.vector_store %arg36[%swap3A_1542, %swap3A_1543], %mul3A_1537 {strides = array<i32>} : memref<32x6144xf32, #tpu.memory_space<vmem>>, vector<8x128xf32>,
      %mul3A_1545 = arith.constant 512 : i32
      %mul3A_1546 = arith.muli %scan3A_208, %mul3A_1545 : i32
      %add3A_1547 = arith.constant 384 : i32
      %add3A_1548 = arith.addi %mul3A_1546, %add3A_1547 : i32
      %get3A_1549 = arith.constant 64 : index
      %get3A_1550 = arith.index_cast %add3A_1548 : i32 to index
      %get3A_1551 = vector.load %arg33[%get3A_1549, %get3A_1550] : memref<128x6144xbf16, #tpu.memory_space<vmem>>, vector<32x128xbf16>
      %get3A_1552 = arith.constant 384 : index
      %get3A_1553 = arith.constant 0 : index
      %get3A_1554 = vector.load %arg3[%get3A_1552, %get3A_1553] : memref<512x512xf32, #tpu.memory_space<vmem>>, vector<128x512xf32>
      %broadcast_in_dim3A_1555 = arith.constant 0.000000e+00 : f32
      %broadcast_in_dim3A_1556 = vector.broadcast %broadcast_in_dim3A_1555 : f32 to vector<8x128xf32>
      %mul3A_1557 = arith.constant 512 : i32
      %mul3A_1558 = arith.muli %select_n3A, %mul3A_1557 : i32
      %get3A_1559 = arith.constant 64 : index
      %get3A_1560 = arith.index_cast %mul3A_1558 : i32 to index
      %get3A_1561 = vector.load %arg34[%get3A_1559, %get3A_1560] : memref<128x6144xbf16, #tpu.memory_space<vmem>>, vector<32x512xbf16>
      %mul3A_1562 = arith.constant 512 : i32
      %mul3A_1563 = arith.muli %select_n3A, %mul3A_1562 : i32
      %get3A_1564 = arith.constant 16 : index
      %get3A_1565 = arith.index_cast %mul3A_1563 : i32 to index
      %get3A_1566 = vector.load %arg35[%get3A_1564, %get3A_1565] : memref<32x6144xf32, #tpu.memory_space<vmem>>, vector<8x512xf32>
      %dot_general3A_1567 = arith.constant dense<0.000000e+00> : vector<128x512xf32>
      %dot_general3A_1568 = tpu.matmul %get3A_1551, %get3A_1561, %dot_general3A_1567 {dimension_numbers = #tpu.dot_dimension_numbers<[0], [0], [1], [1], [0, 1, 1, 1], [], []>, transpose_lhs_hint = false} : vector<32x128xbf16>, vector<32x512xbf16>, vector<128x512xf32> -> vector<128x512xf32>
      %add3A_1569 = arith.addf %dot_general3A_1568, %get3A_1554 : vector<128x512xf32>
      %reduce_max3A_1570 = arith.constant dense<0xFF800000> : vector<128xf32>
      %reduce_max3A_1571 = vector.multi_reduction <maximumf>, %add3A_1569, %reduce_max3A_1570 [1] : vector<128x512xf32> to vector<128xf32>
      %broadcast_in_dim3A_1572 = vector.shape_cast %reduce_max3A_1571 : vector<128xf32> to vector<128x1xf32>
      %max3A_1573 = arith.constant -1.000000e+30 : f32
      %max3A_1574 = vector.broadcast %max3A_1573 : f32 to vector<128x1xf32>
      %max3A_1575 = arith.maximumf %broadcast_in_dim3A_1572, %max3A_1574 : vector<128x1xf32>
      %sub3A_1576 = vector.broadcast %max3A_1575 : vector<128x1xf32> to vector<128x512xf32>
      %sub3A_1577 = arith.subf %add3A_1569, %sub3A_1576 : vector<128x512xf32>
      %exp3A_1578 = math.exp %sub3A_1577 : vector<128x512xf32>
      %dot_general3A_1579 = arith.constant dense<0.000000e+00> : vector<8x128xf32>
      %dot_general3A_1580 = tpu.matmul %broadcast_in_dim3A_9, %exp3A_1578, %dot_general3A_1579 {dimension_numbers = #tpu.dot_dimension_numbers<[1], [1], [0], [0], [0, 0, 1, 0], [], []>, transpose_lhs_hint = false} : vector<8x512xf32>, vector<128x512xf32>, vector<8x128xf32> -> vector<8x128xf32>
      %slice3A_1581 = vector.extract_strided_slice %dot_general3A_1580 {offsets = [0, 0], sizes = [1, 128], strides = [1, 1]} : vector<8x128xf32> to vector<1x128xf32>
      %add3A_1582 = arith.constant 1.000000e-16 : f32
      %add3A_1583 = vector.broadcast %add3A_1582 : f32 to vector<1x128xf32>
      %add3A_1584 = arith.addf %slice3A_1581, %add3A_1583 : vector<1x128xf32>
      %dot_general3A_1585 = arith.constant dense<0.000000e+00> : vector<8x128xf32>
      %dot_general3A_1586 = tpu.matmul %get3A_1566, %exp3A_1578, %dot_general3A_1585 {dimension_numbers = #tpu.dot_dimension_numbers<[1], [1], [0], [0], [0, 0, 1, 0], [], []>, transpose_lhs_hint = false} : vector<8x512xf32>, vector<128x512xf32>, vector<8x128xf32> -> vector<8x128xf32>
      %div3A_1587 = vector.broadcast %add3A_1584 : vector<1x128xf32> to vector<8x128xf32>
      %div3A_1588 = arith.divf %dot_general3A_1586, %div3A_1587 : vector<8x128xf32>
      %add3A_1589 = arith.addf %broadcast_in_dim3A_1556, %div3A_1588 : vector<8x128xf32>
      %mul3A_1590 = arith.constant 512 : i32
      %mul3A_1591 = arith.muli %scan3A_208, %mul3A_1590 : i32
      %get3A_1592 = arith.constant 64 : index
      %get3A_1593 = arith.index_cast %mul3A_1591 : i32 to index
      %get3A_1594 = vector.load %arg34[%get3A_1592, %get3A_1593] : memref<128x6144xbf16, #tpu.memory_space<vmem>>, vector<32x512xbf16>
      %mul3A_1595 = arith.constant 512 : i32
      %mul3A_1596 = arith.muli %scan3A_208, %mul3A_1595 : i32
      %get3A_1597 = arith.constant 16 : index
      %get3A_1598 = arith.index_cast %mul3A_1596 : i32 to index
      %get3A_1599 = vector.load %arg35[%get3A_1597, %get3A_1598] : memref<32x6144xf32, #tpu.memory_space<vmem>>, vector<8x512xf32>
      %dot_general3A_1600 = arith.constant dense<0.000000e+00> : vector<128x512xf32>
      %dot_general3A_1601 = tpu.matmul %get3A_1551, %get3A_1594, %dot_general3A_1600 {dimension_numbers = #tpu.dot_dimension_numbers<[0], [0], [1], [1], [0, 1, 1, 1], [], []>, transpose_lhs_hint = false} : vector<32x128xbf16>, vector<32x512xbf16>, vector<128x512xf32> -> vector<128x512xf32>
      %add3A_1602 = arith.addf %dot_general3A_1601, %get3A_1554 : vector<128x512xf32>
      %reduce_max3A_1603 = arith.constant dense<0xFF800000> : vector<128xf32>
      %reduce_max3A_1604 = vector.multi_reduction <maximumf>, %add3A_1602, %reduce_max3A_1603 [1] : vector<128x512xf32> to vector<128xf32>
      %broadcast_in_dim3A_1605 = vector.shape_cast %reduce_max3A_1604 : vector<128xf32> to vector<128x1xf32>
      %max3A_1606 = arith.constant -1.000000e+30 : f32
      %max3A_1607 = vector.broadcast %max3A_1606 : f32 to vector<128x1xf32>
      %max3A_1608 = arith.maximumf %broadcast_in_dim3A_1605, %max3A_1607 : vector<128x1xf32>
      %sub3A_1609 = vector.broadcast %max3A_1608 : vector<128x1xf32> to vector<128x512xf32>
      %sub3A_1610 = arith.subf %add3A_1602, %sub3A_1609 : vector<128x512xf32>
      %exp3A_1611 = math.exp %sub3A_1610 : vector<128x512xf32>
      %dot_general3A_1612 = arith.constant dense<0.000000e+00> : vector<8x128xf32>
      %dot_general3A_1613 = tpu.matmul %broadcast_in_dim3A_9, %exp3A_1611, %dot_general3A_1612 {dimension_numbers = #tpu.dot_dimension_numbers<[1], [1], [0], [0], [0, 0, 1, 0], [], []>, transpose_lhs_hint = false} : vector<8x512xf32>, vector<128x512xf32>, vector<8x128xf32> -> vector<8x128xf32>
      %slice3A_1614 = vector.extract_strided_slice %dot_general3A_1613 {offsets = [0, 0], sizes = [1, 128], strides = [1, 1]} : vector<8x128xf32> to vector<1x128xf32>
      %add3A_1615 = arith.constant 1.000000e-16 : f32
      %add3A_1616 = vector.broadcast %add3A_1615 : f32 to vector<1x128xf32>
      %add3A_1617 = arith.addf %slice3A_1614, %add3A_1616 : vector<1x128xf32>
      %dot_general3A_1618 = arith.constant dense<0.000000e+00> : vector<8x128xf32>
      %dot_general3A_1619 = tpu.matmul %get3A_1599, %exp3A_1611, %dot_general3A_1618 {dimension_numbers = #tpu.dot_dimension_numbers<[1], [1], [0], [0], [0, 0, 1, 0], [], []>, transpose_lhs_hint = false} : vector<8x512xf32>, vector<128x512xf32>, vector<8x128xf32> -> vector<8x128xf32>
      %div3A_1620 = vector.broadcast %add3A_1617 : vector<1x128xf32> to vector<8x128xf32>
      %div3A_1621 = arith.divf %dot_general3A_1619, %div3A_1620 : vector<8x128xf32>
      %add3A_1622 = arith.addf %add3A_1589, %div3A_1621 : vector<8x128xf32>
      %mul3A_1623 = arith.constant 512 : i32
      %mul3A_1624 = arith.muli %select_n3A_217, %mul3A_1623 : i32
      %get3A_1625 = arith.constant 64 : index
      %get3A_1626 = arith.index_cast %mul3A_1624 : i32 to index
      %get3A_1627 = vector.load %arg34[%get3A_1625, %get3A_1626] : memref<128x6144xbf16, #tpu.memory_space<vmem>>, vector<32x512xbf16>
      %mul3A_1628 = arith.constant 512 : i32
      %mul3A_1629 = arith.muli %select_n3A_217, %mul3A_1628 : i32
      %get3A_1630 = arith.constant 16 : index
      %get3A_1631 = arith.index_cast %mul3A_1629 : i32 to index
      %get3A_1632 = vector.load %arg35[%get3A_1630, %get3A_1631] : memref<32x6144xf32, #tpu.memory_space<vmem>>, vector<8x512xf32>
      %dot_general3A_1633 = arith.constant dense<0.000000e+00> : vector<128x512xf32>
      %dot_general3A_1634 = tpu.matmul %get3A_1551, %get3A_1627, %dot_general3A_1633 {dimension_numbers = #tpu.dot_dimension_numbers<[0], [0], [1], [1], [0, 1, 1, 1], [], []>, transpose_lhs_hint = false} : vector<32x128xbf16>, vector<32x512xbf16>, vector<128x512xf32> -> vector<128x512xf32>
      %add3A_1635 = arith.addf %dot_general3A_1634, %get3A_1554 : vector<128x512xf32>
      %reduce_max3A_1636 = arith.constant dense<0xFF800000> : vector<128xf32>
      %reduce_max3A_1637 = vector.multi_reduction <maximumf>, %add3A_1635, %reduce_max3A_1636 [1] : vector<128x512xf32> to vector<128xf32>
      %broadcast_in_dim3A_1638 = vector.shape_cast %reduce_max3A_1637 : vector<128xf32> to vector<128x1xf32>
      %max3A_1639 = arith.constant -1.000000e+30 : f32
      %max3A_1640 = vector.broadcast %max3A_1639 : f32 to vector<128x1xf32>
      %max3A_1641 = arith.maximumf %broadcast_in_dim3A_1638, %max3A_1640 : vector<128x1xf32>
      %sub3A_1642 = vector.broadcast %max3A_1641 : vector<128x1xf32> to vector<128x512xf32>
      %sub3A_1643 = arith.subf %add3A_1635, %sub3A_1642 : vector<128x512xf32>
      %exp3A_1644 = math.exp %sub3A_1643 : vector<128x512xf32>
      %dot_general3A_1645 = arith.constant dense<0.000000e+00> : vector<8x128xf32>
      %dot_general3A_1646 = tpu.matmul %broadcast_in_dim3A_9, %exp3A_1644, %dot_general3A_1645 {dimension_numbers = #tpu.dot_dimension_numbers<[1], [1], [0], [0], [0, 0, 1, 0], [], []>, transpose_lhs_hint = false} : vector<8x512xf32>, vector<128x512xf32>, vector<8x128xf32> -> vector<8x128xf32>
      %slice3A_1647 = vector.extract_strided_slice %dot_general3A_1646 {offsets = [0, 0], sizes = [1, 128], strides = [1, 1]} : vector<8x128xf32> to vector<1x128xf32>
      %add3A_1648 = arith.constant 1.000000e-16 : f32
      %add3A_1649 = vector.broadcast %add3A_1648 : f32 to vector<1x128xf32>
      %add3A_1650 = arith.addf %slice3A_1647, %add3A_1649 : vector<1x128xf32>
      %dot_general3A_1651 = arith.constant dense<0.000000e+00> : vector<8x128xf32>
      %dot_general3A_1652 = tpu.matmul %get3A_1632, %exp3A_1644, %dot_general3A_1651 {dimension_numbers = #tpu.dot_dimension_numbers<[1], [1], [0], [0], [0, 0, 1, 0], [], []>, transpose_lhs_hint = false} : vector<8x512xf32>, vector<128x512xf32>, vector<8x128xf32> -> vector<8x128xf32>
      %div3A_1653 = vector.broadcast %add3A_1650 : vector<1x128xf32> to vector<8x128xf32>
      %div3A_1654 = arith.divf %dot_general3A_1652, %div3A_1653 : vector<8x128xf32>
      %add3A_1655 = arith.addf %add3A_1622, %div3A_1654 : vector<8x128xf32>
      %mul3A_1656 = arith.constant 0.333333343 : f32
      %mul3A_1657 = vector.broadcast %mul3A_1656 : f32 to vector<8x128xf32>
      %mul3A_1658 = arith.mulf %add3A_1655, %mul3A_1657 : vector<8x128xf32>
      %mul3A_1659 = arith.constant 512 : i32
      %mul3A_1660 = arith.muli %scan3A_208, %mul3A_1659 : i32
      %add3A_1661 = arith.constant 384 : i32
      %add3A_1662 = arith.addi %mul3A_1660, %add3A_1661 : i32
      %swap3A_1663 = arith.constant 16 : index
      %swap3A_1664 = arith.index_cast %add3A_1662 : i32 to index
      %swap3A_1665 = vector.load %arg36[%swap3A_1663, %swap3A_1664] : memref<32x6144xf32, #tpu.memory_space<vmem>>, vector<8x128xf32>
      tpu.vector_store %arg36[%swap3A_1663, %swap3A_1664], %mul3A_1658 {strides = array<i32>} : memref<32x6144xf32, #tpu.memory_space<vmem>>, vector<8x128xf32>,
      %mul3A_1666 = arith.constant 512 : i32
      %mul3A_1667 = arith.muli %scan3A_208, %mul3A_1666 : i32
      %add3A_1668 = arith.constant 0 : i32
      %add3A_1669 = arith.addi %mul3A_1667, %add3A_1668 : i32
      %get3A_1670 = arith.constant 96 : index
      %get3A_1671 = arith.index_cast %add3A_1669 : i32 to index
      %get3A_1672 = vector.load %arg33[%get3A_1670, %get3A_1671] : memref<128x6144xbf16, #tpu.memory_space<vmem>>, vector<32x128xbf16>
      %get3A_1673 = arith.constant 0 : index
      %get3A_1674 = arith.constant 0 : index
      %get3A_1675 = vector.load %arg3[%get3A_1673, %get3A_1674] : memref<512x512xf32, #tpu.memory_space<vmem>>, vector<128x512xf32>
      %broadcast_in_dim3A_1676 = arith.constant 0.000000e+00 : f32
      %broadcast_in_dim3A_1677 = vector.broadcast %broadcast_in_dim3A_1676 : f32 to vector<8x128xf32>
      %mul3A_1678 = arith.constant 512 : i32
      %mul3A_1679 = arith.muli %select_n3A, %mul3A_1678 : i32
      %get3A_1680 = arith.constant 96 : index
      %get3A_1681 = arith.index_cast %mul3A_1679 : i32 to index
      %get3A_1682 = vector.load %arg34[%get3A_1680, %get3A_1681] : memref<128x6144xbf16, #tpu.memory_space<vmem>>, vector<32x512xbf16>
      %mul3A_1683 = arith.constant 512 : i32
      %mul3A_1684 = arith.muli %select_n3A, %mul3A_1683 : i32
      %get3A_1685 = arith.constant 24 : index
      %get3A_1686 = arith.index_cast %mul3A_1684 : i32 to index
      %get3A_1687 = vector.load %arg35[%get3A_1685, %get3A_1686] : memref<32x6144xf32, #tpu.memory_space<vmem>>, vector<8x512xf32>
      %dot_general3A_1688 = arith.constant dense<0.000000e+00> : vector<128x512xf32>
      %dot_general3A_1689 = tpu.matmul %get3A_1672, %get3A_1682, %dot_general3A_1688 {dimension_numbers = #tpu.dot_dimension_numbers<[0], [0], [1], [1], [0, 1, 1, 1], [], []>, transpose_lhs_hint = false} : vector<32x128xbf16>, vector<32x512xbf16>, vector<128x512xf32> -> vector<128x512xf32>
      %add3A_1690 = arith.addf %dot_general3A_1689, %get3A_1675 : vector<128x512xf32>
      %reduce_max3A_1691 = arith.constant dense<0xFF800000> : vector<128xf32>
      %reduce_max3A_1692 = vector.multi_reduction <maximumf>, %add3A_1690, %reduce_max3A_1691 [1] : vector<128x512xf32> to vector<128xf32>
      %broadcast_in_dim3A_1693 = vector.shape_cast %reduce_max3A_1692 : vector<128xf32> to vector<128x1xf32>
      %max3A_1694 = arith.constant -1.000000e+30 : f32
      %max3A_1695 = vector.broadcast %max3A_1694 : f32 to vector<128x1xf32>
      %max3A_1696 = arith.maximumf %broadcast_in_dim3A_1693, %max3A_1695 : vector<128x1xf32>
      %sub3A_1697 = vector.broadcast %max3A_1696 : vector<128x1xf32> to vector<128x512xf32>
      %sub3A_1698 = arith.subf %add3A_1690, %sub3A_1697 : vector<128x512xf32>
      %exp3A_1699 = math.exp %sub3A_1698 : vector<128x512xf32>
      %dot_general3A_1700 = arith.constant dense<0.000000e+00> : vector<8x128xf32>
      %dot_general3A_1701 = tpu.matmul %broadcast_in_dim3A_9, %exp3A_1699, %dot_general3A_1700 {dimension_numbers = #tpu.dot_dimension_numbers<[1], [1], [0], [0], [0, 0, 1, 0], [], []>, transpose_lhs_hint = false} : vector<8x512xf32>, vector<128x512xf32>, vector<8x128xf32> -> vector<8x128xf32>
      %slice3A_1702 = vector.extract_strided_slice %dot_general3A_1701 {offsets = [0, 0], sizes = [1, 128], strides = [1, 1]} : vector<8x128xf32> to vector<1x128xf32>
      %add3A_1703 = arith.constant 1.000000e-16 : f32
      %add3A_1704 = vector.broadcast %add3A_1703 : f32 to vector<1x128xf32>
      %add3A_1705 = arith.addf %slice3A_1702, %add3A_1704 : vector<1x128xf32>
      %dot_general3A_1706 = arith.constant dense<0.000000e+00> : vector<8x128xf32>
      %dot_general3A_1707 = tpu.matmul %get3A_1687, %exp3A_1699, %dot_general3A_1706 {dimension_numbers = #tpu.dot_dimension_numbers<[1], [1], [0], [0], [0, 0, 1, 0], [], []>, transpose_lhs_hint = false} : vector<8x512xf32>, vector<128x512xf32>, vector<8x128xf32> -> vector<8x128xf32>
      %div3A_1708 = vector.broadcast %add3A_1705 : vector<1x128xf32> to vector<8x128xf32>
      %div3A_1709 = arith.divf %dot_general3A_1707, %div3A_1708 : vector<8x128xf32>
      %add3A_1710 = arith.addf %broadcast_in_dim3A_1677, %div3A_1709 : vector<8x128xf32>
      %mul3A_1711 = arith.constant 512 : i32
      %mul3A_1712 = arith.muli %scan3A_208, %mul3A_1711 : i32
      %get3A_1713 = arith.constant 96 : index
      %get3A_1714 = arith.index_cast %mul3A_1712 : i32 to index
      %get3A_1715 = vector.load %arg34[%get3A_1713, %get3A_1714] : memref<128x6144xbf16, #tpu.memory_space<vmem>>, vector<32x512xbf16>
      %mul3A_1716 = arith.constant 512 : i32
      %mul3A_1717 = arith.muli %scan3A_208, %mul3A_1716 : i32
      %get3A_1718 = arith.constant 24 : index
      %get3A_1719 = arith.index_cast %mul3A_1717 : i32 to index
      %get3A_1720 = vector.load %arg35[%get3A_1718, %get3A_1719] : memref<32x6144xf32, #tpu.memory_space<vmem>>, vector<8x512xf32>
      %dot_general3A_1721 = arith.constant dense<0.000000e+00> : vector<128x512xf32>
      %dot_general3A_1722 = tpu.matmul %get3A_1672, %get3A_1715, %dot_general3A_1721 {dimension_numbers = #tpu.dot_dimension_numbers<[0], [0], [1], [1], [0, 1, 1, 1], [], []>, transpose_lhs_hint = false} : vector<32x128xbf16>, vector<32x512xbf16>, vector<128x512xf32> -> vector<128x512xf32>
      %add3A_1723 = arith.addf %dot_general3A_1722, %get3A_1675 : vector<128x512xf32>
      %reduce_max3A_1724 = arith.constant dense<0xFF800000> : vector<128xf32>
      %reduce_max3A_1725 = vector.multi_reduction <maximumf>, %add3A_1723, %reduce_max3A_1724 [1] : vector<128x512xf32> to vector<128xf32>
      %broadcast_in_dim3A_1726 = vector.shape_cast %reduce_max3A_1725 : vector<128xf32> to vector<128x1xf32>
      %max3A_1727 = arith.constant -1.000000e+30 : f32
      %max3A_1728 = vector.broadcast %max3A_1727 : f32 to vector<128x1xf32>
      %max3A_1729 = arith.maximumf %broadcast_in_dim3A_1726, %max3A_1728 : vector<128x1xf32>
      %sub3A_1730 = vector.broadcast %max3A_1729 : vector<128x1xf32> to vector<128x512xf32>
      %sub3A_1731 = arith.subf %add3A_1723, %sub3A_1730 : vector<128x512xf32>
      %exp3A_1732 = math.exp %sub3A_1731 : vector<128x512xf32>
      %dot_general3A_1733 = arith.constant dense<0.000000e+00> : vector<8x128xf32>
      %dot_general3A_1734 = tpu.matmul %broadcast_in_dim3A_9, %exp3A_1732, %dot_general3A_1733 {dimension_numbers = #tpu.dot_dimension_numbers<[1], [1], [0], [0], [0, 0, 1, 0], [], []>, transpose_lhs_hint = false} : vector<8x512xf32>, vector<128x512xf32>, vector<8x128xf32> -> vector<8x128xf32>
      %slice3A_1735 = vector.extract_strided_slice %dot_general3A_1734 {offsets = [0, 0], sizes = [1, 128], strides = [1, 1]} : vector<8x128xf32> to vector<1x128xf32>
      %add3A_1736 = arith.constant 1.000000e-16 : f32
      %add3A_1737 = vector.broadcast %add3A_1736 : f32 to vector<1x128xf32>
      %add3A_1738 = arith.addf %slice3A_1735, %add3A_1737 : vector<1x128xf32>
      %dot_general3A_1739 = arith.constant dense<0.000000e+00> : vector<8x128xf32>
      %dot_general3A_1740 = tpu.matmul %get3A_1720, %exp3A_1732, %dot_general3A_1739 {dimension_numbers = #tpu.dot_dimension_numbers<[1], [1], [0], [0], [0, 0, 1, 0], [], []>, transpose_lhs_hint = false} : vector<8x512xf32>, vector<128x512xf32>, vector<8x128xf32> -> vector<8x128xf32>
      %div3A_1741 = vector.broadcast %add3A_1738 : vector<1x128xf32> to vector<8x128xf32>
      %div3A_1742 = arith.divf %dot_general3A_1740, %div3A_1741 : vector<8x128xf32>
      %add3A_1743 = arith.addf %add3A_1710, %div3A_1742 : vector<8x128xf32>
      %mul3A_1744 = arith.constant 512 : i32
      %mul3A_1745 = arith.muli %select_n3A_217, %mul3A_1744 : i32
      %get3A_1746 = arith.constant 96 : index
      %get3A_1747 = arith.index_cast %mul3A_1745 : i32 to index
      %get3A_1748 = vector.load %arg34[%get3A_1746, %get3A_1747] : memref<128x6144xbf16, #tpu.memory_space<vmem>>, vector<32x512xbf16>
      %mul3A_1749 = arith.constant 512 : i32
      %mul3A_1750 = arith.muli %select_n3A_217, %mul3A_1749 : i32
      %get3A_1751 = arith.constant 24 : index
      %get3A_1752 = arith.index_cast %mul3A_1750 : i32 to index
      %get3A_1753 = vector.load %arg35[%get3A_1751, %get3A_1752] : memref<32x6144xf32, #tpu.memory_space<vmem>>, vector<8x512xf32>
      %dot_general3A_1754 = arith.constant dense<0.000000e+00> : vector<128x512xf32>
      %dot_general3A_1755 = tpu.matmul %get3A_1672, %get3A_1748, %dot_general3A_1754 {dimension_numbers = #tpu.dot_dimension_numbers<[0], [0], [1], [1], [0, 1, 1, 1], [], []>, transpose_lhs_hint = false} : vector<32x128xbf16>, vector<32x512xbf16>, vector<128x512xf32> -> vector<128x512xf32>
      %add3A_1756 = arith.addf %dot_general3A_1755, %get3A_1675 : vector<128x512xf32>
      %reduce_max3A_1757 = arith.constant dense<0xFF800000> : vector<128xf32>
      %reduce_max3A_1758 = vector.multi_reduction <maximumf>, %add3A_1756, %reduce_max3A_1757 [1] : vector<128x512xf32> to vector<128xf32>
      %broadcast_in_dim3A_1759 = vector.shape_cast %reduce_max3A_1758 : vector<128xf32> to vector<128x1xf32>
      %max3A_1760 = arith.constant -1.000000e+30 : f32
      %max3A_1761 = vector.broadcast %max3A_1760 : f32 to vector<128x1xf32>
      %max3A_1762 = arith.maximumf %broadcast_in_dim3A_1759, %max3A_1761 : vector<128x1xf32>
      %sub3A_1763 = vector.broadcast %max3A_1762 : vector<128x1xf32> to vector<128x512xf32>
      %sub3A_1764 = arith.subf %add3A_1756, %sub3A_1763 : vector<128x512xf32>
      %exp3A_1765 = math.exp %sub3A_1764 : vector<128x512xf32>
      %dot_general3A_1766 = arith.constant dense<0.000000e+00> : vector<8x128xf32>
      %dot_general3A_1767 = tpu.matmul %broadcast_in_dim3A_9, %exp3A_1765, %dot_general3A_1766 {dimension_numbers = #tpu.dot_dimension_numbers<[1], [1], [0], [0], [0, 0, 1, 0], [], []>, transpose_lhs_hint = false} : vector<8x512xf32>, vector<128x512xf32>, vector<8x128xf32> -> vector<8x128xf32>
      %slice3A_1768 = vector.extract_strided_slice %dot_general3A_1767 {offsets = [0, 0], sizes = [1, 128], strides = [1, 1]} : vector<8x128xf32> to vector<1x128xf32>
      %add3A_1769 = arith.constant 1.000000e-16 : f32
      %add3A_1770 = vector.broadcast %add3A_1769 : f32 to vector<1x128xf32>
      %add3A_1771 = arith.addf %slice3A_1768, %add3A_1770 : vector<1x128xf32>
      %dot_general3A_1772 = arith.constant dense<0.000000e+00> : vector<8x128xf32>
      %dot_general3A_1773 = tpu.matmul %get3A_1753, %exp3A_1765, %dot_general3A_1772 {dimension_numbers = #tpu.dot_dimension_numbers<[1], [1], [0], [0], [0, 0, 1, 0], [], []>, transpose_lhs_hint = false} : vector<8x512xf32>, vector<128x512xf32>, vector<8x128xf32> -> vector<8x128xf32>
      %div3A_1774 = vector.broadcast %add3A_1771 : vector<1x128xf32> to vector<8x128xf32>
      %div3A_1775 = arith.divf %dot_general3A_1773, %div3A_1774 : vector<8x128xf32>
      %add3A_1776 = arith.addf %add3A_1743, %div3A_1775 : vector<8x128xf32>
      %mul3A_1777 = arith.constant 0.333333343 : f32
      %mul3A_1778 = vector.broadcast %mul3A_1777 : f32 to vector<8x128xf32>
      %mul3A_1779 = arith.mulf %add3A_1776, %mul3A_1778 : vector<8x128xf32>
      %mul3A_1780 = arith.constant 512 : i32
      %mul3A_1781 = arith.muli %scan3A_208, %mul3A_1780 : i32
      %add3A_1782 = arith.constant 0 : i32
      %add3A_1783 = arith.addi %mul3A_1781, %add3A_1782 : i32
      %swap3A_1784 = arith.constant 24 : index
      %swap3A_1785 = arith.index_cast %add3A_1783 : i32 to index
      %swap3A_1786 = vector.load %arg36[%swap3A_1784, %swap3A_1785] : memref<32x6144xf32, #tpu.memory_space<vmem>>, vector<8x128xf32>
      tpu.vector_store %arg36[%swap3A_1784, %swap3A_1785], %mul3A_1779 {strides = array<i32>} : memref<32x6144xf32, #tpu.memory_space<vmem>>, vector<8x128xf32>,
      %mul3A_1787 = arith.constant 512 : i32
      %mul3A_1788 = arith.muli %scan3A_208, %mul3A_1787 : i32
      %add3A_1789 = arith.constant 128 : i32
      %add3A_1790 = arith.addi %mul3A_1788, %add3A_1789 : i32
      %get3A_1791 = arith.constant 96 : index
      %get3A_1792 = arith.index_cast %add3A_1790 : i32 to index
      %get3A_1793 = vector.load %arg33[%get3A_1791, %get3A_1792] : memref<128x6144xbf16, #tpu.memory_space<vmem>>, vector<32x128xbf16>
      %get3A_1794 = arith.constant 128 : index
      %get3A_1795 = arith.constant 0 : index
      %get3A_1796 = vector.load %arg3[%get3A_1794, %get3A_1795] : memref<512x512xf32, #tpu.memory_space<vmem>>, vector<128x512xf32>
      %broadcast_in_dim3A_1797 = arith.constant 0.000000e+00 : f32
      %broadcast_in_dim3A_1798 = vector.broadcast %broadcast_in_dim3A_1797 : f32 to vector<8x128xf32>
      %mul3A_1799 = arith.constant 512 : i32
      %mul3A_1800 = arith.muli %select_n3A, %mul3A_1799 : i32
      %get3A_1801 = arith.constant 96 : index
      %get3A_1802 = arith.index_cast %mul3A_1800 : i32 to index
      %get3A_1803 = vector.load %arg34[%get3A_1801, %get3A_1802] : memref<128x6144xbf16, #tpu.memory_space<vmem>>, vector<32x512xbf16>
      %mul3A_1804 = arith.constant 512 : i32
      %mul3A_1805 = arith.muli %select_n3A, %mul3A_1804 : i32
      %get3A_1806 = arith.constant 24 : index
      %get3A_1807 = arith.index_cast %mul3A_1805 : i32 to index
      %get3A_1808 = vector.load %arg35[%get3A_1806, %get3A_1807] : memref<32x6144xf32, #tpu.memory_space<vmem>>, vector<8x512xf32>
      %dot_general3A_1809 = arith.constant dense<0.000000e+00> : vector<128x512xf32>
      %dot_general3A_1810 = tpu.matmul %get3A_1793, %get3A_1803, %dot_general3A_1809 {dimension_numbers = #tpu.dot_dimension_numbers<[0], [0], [1], [1], [0, 1, 1, 1], [], []>, transpose_lhs_hint = false} : vector<32x128xbf16>, vector<32x512xbf16>, vector<128x512xf32> -> vector<128x512xf32>
      %add3A_1811 = arith.addf %dot_general3A_1810, %get3A_1796 : vector<128x512xf32>
      %reduce_max3A_1812 = arith.constant dense<0xFF800000> : vector<128xf32>
      %reduce_max3A_1813 = vector.multi_reduction <maximumf>, %add3A_1811, %reduce_max3A_1812 [1] : vector<128x512xf32> to vector<128xf32>
      %broadcast_in_dim3A_1814 = vector.shape_cast %reduce_max3A_1813 : vector<128xf32> to vector<128x1xf32>
      %max3A_1815 = arith.constant -1.000000e+30 : f32
      %max3A_1816 = vector.broadcast %max3A_1815 : f32 to vector<128x1xf32>
      %max3A_1817 = arith.maximumf %broadcast_in_dim3A_1814, %max3A_1816 : vector<128x1xf32>
      %sub3A_1818 = vector.broadcast %max3A_1817 : vector<128x1xf32> to vector<128x512xf32>
      %sub3A_1819 = arith.subf %add3A_1811, %sub3A_1818 : vector<128x512xf32>
      %exp3A_1820 = math.exp %sub3A_1819 : vector<128x512xf32>
      %dot_general3A_1821 = arith.constant dense<0.000000e+00> : vector<8x128xf32>
      %dot_general3A_1822 = tpu.matmul %broadcast_in_dim3A_9, %exp3A_1820, %dot_general3A_1821 {dimension_numbers = #tpu.dot_dimension_numbers<[1], [1], [0], [0], [0, 0, 1, 0], [], []>, transpose_lhs_hint = false} : vector<8x512xf32>, vector<128x512xf32>, vector<8x128xf32> -> vector<8x128xf32>
      %slice3A_1823 = vector.extract_strided_slice %dot_general3A_1822 {offsets = [0, 0], sizes = [1, 128], strides = [1, 1]} : vector<8x128xf32> to vector<1x128xf32>
      %add3A_1824 = arith.constant 1.000000e-16 : f32
      %add3A_1825 = vector.broadcast %add3A_1824 : f32 to vector<1x128xf32>
      %add3A_1826 = arith.addf %slice3A_1823, %add3A_1825 : vector<1x128xf32>
      %dot_general3A_1827 = arith.constant dense<0.000000e+00> : vector<8x128xf32>
      %dot_general3A_1828 = tpu.matmul %get3A_1808, %exp3A_1820, %dot_general3A_1827 {dimension_numbers = #tpu.dot_dimension_numbers<[1], [1], [0], [0], [0, 0, 1, 0], [], []>, transpose_lhs_hint = false} : vector<8x512xf32>, vector<128x512xf32>, vector<8x128xf32> -> vector<8x128xf32>
      %div3A_1829 = vector.broadcast %add3A_1826 : vector<1x128xf32> to vector<8x128xf32>
      %div3A_1830 = arith.divf %dot_general3A_1828, %div3A_1829 : vector<8x128xf32>
      %add3A_1831 = arith.addf %broadcast_in_dim3A_1798, %div3A_1830 : vector<8x128xf32>
      %mul3A_1832 = arith.constant 512 : i32
      %mul3A_1833 = arith.muli %scan3A_208, %mul3A_1832 : i32
      %get3A_1834 = arith.constant 96 : index
      %get3A_1835 = arith.index_cast %mul3A_1833 : i32 to index
      %get3A_1836 = vector.load %arg34[%get3A_1834, %get3A_1835] : memref<128x6144xbf16, #tpu.memory_space<vmem>>, vector<32x512xbf16>
      %mul3A_1837 = arith.constant 512 : i32
      %mul3A_1838 = arith.muli %scan3A_208, %mul3A_1837 : i32
      %get3A_1839 = arith.constant 24 : index
      %get3A_1840 = arith.index_cast %mul3A_1838 : i32 to index
      %get3A_1841 = vector.load %arg35[%get3A_1839, %get3A_1840] : memref<32x6144xf32, #tpu.memory_space<vmem>>, vector<8x512xf32>
      %dot_general3A_1842 = arith.constant dense<0.000000e+00> : vector<128x512xf32>
      %dot_general3A_1843 = tpu.matmul %get3A_1793, %get3A_1836, %dot_general3A_1842 {dimension_numbers = #tpu.dot_dimension_numbers<[0], [0], [1], [1], [0, 1, 1, 1], [], []>, transpose_lhs_hint = false} : vector<32x128xbf16>, vector<32x512xbf16>, vector<128x512xf32> -> vector<128x512xf32>
      %add3A_1844 = arith.addf %dot_general3A_1843, %get3A_1796 : vector<128x512xf32>
      %reduce_max3A_1845 = arith.constant dense<0xFF800000> : vector<128xf32>
      %reduce_max3A_1846 = vector.multi_reduction <maximumf>, %add3A_1844, %reduce_max3A_1845 [1] : vector<128x512xf32> to vector<128xf32>
      %broadcast_in_dim3A_1847 = vector.shape_cast %reduce_max3A_1846 : vector<128xf32> to vector<128x1xf32>
      %max3A_1848 = arith.constant -1.000000e+30 : f32
      %max3A_1849 = vector.broadcast %max3A_1848 : f32 to vector<128x1xf32>
      %max3A_1850 = arith.maximumf %broadcast_in_dim3A_1847, %max3A_1849 : vector<128x1xf32>
      %sub3A_1851 = vector.broadcast %max3A_1850 : vector<128x1xf32> to vector<128x512xf32>
      %sub3A_1852 = arith.subf %add3A_1844, %sub3A_1851 : vector<128x512xf32>
      %exp3A_1853 = math.exp %sub3A_1852 : vector<128x512xf32>
      %dot_general3A_1854 = arith.constant dense<0.000000e+00> : vector<8x128xf32>
      %dot_general3A_1855 = tpu.matmul %broadcast_in_dim3A_9, %exp3A_1853, %dot_general3A_1854 {dimension_numbers = #tpu.dot_dimension_numbers<[1], [1], [0], [0], [0, 0, 1, 0], [], []>, transpose_lhs_hint = false} : vector<8x512xf32>, vector<128x512xf32>, vector<8x128xf32> -> vector<8x128xf32>
      %slice3A_1856 = vector.extract_strided_slice %dot_general3A_1855 {offsets = [0, 0], sizes = [1, 128], strides = [1, 1]} : vector<8x128xf32> to vector<1x128xf32>
      %add3A_1857 = arith.constant 1.000000e-16 : f32
      %add3A_1858 = vector.broadcast %add3A_1857 : f32 to vector<1x128xf32>
      %add3A_1859 = arith.addf %slice3A_1856, %add3A_1858 : vector<1x128xf32>
      %dot_general3A_1860 = arith.constant dense<0.000000e+00> : vector<8x128xf32>
      %dot_general3A_1861 = tpu.matmul %get3A_1841, %exp3A_1853, %dot_general3A_1860 {dimension_numbers = #tpu.dot_dimension_numbers<[1], [1], [0], [0], [0, 0, 1, 0], [], []>, transpose_lhs_hint = false} : vector<8x512xf32>, vector<128x512xf32>, vector<8x128xf32> -> vector<8x128xf32>
      %div3A_1862 = vector.broadcast %add3A_1859 : vector<1x128xf32> to vector<8x128xf32>
      %div3A_1863 = arith.divf %dot_general3A_1861, %div3A_1862 : vector<8x128xf32>
      %add3A_1864 = arith.addf %add3A_1831, %div3A_1863 : vector<8x128xf32>
      %mul3A_1865 = arith.constant 512 : i32
      %mul3A_1866 = arith.muli %select_n3A_217, %mul3A_1865 : i32
      %get3A_1867 = arith.constant 96 : index
      %get3A_1868 = arith.index_cast %mul3A_1866 : i32 to index
      %get3A_1869 = vector.load %arg34[%get3A_1867, %get3A_1868] : memref<128x6144xbf16, #tpu.memory_space<vmem>>, vector<32x512xbf16>
      %mul3A_1870 = arith.constant 512 : i32
      %mul3A_1871 = arith.muli %select_n3A_217, %mul3A_1870 : i32
      %get3A_1872 = arith.constant 24 : index
      %get3A_1873 = arith.index_cast %mul3A_1871 : i32 to index
      %get3A_1874 = vector.load %arg35[%get3A_1872, %get3A_1873] : memref<32x6144xf32, #tpu.memory_space<vmem>>, vector<8x512xf32>
      %dot_general3A_1875 = arith.constant dense<0.000000e+00> : vector<128x512xf32>
      %dot_general3A_1876 = tpu.matmul %get3A_1793, %get3A_1869, %dot_general3A_1875 {dimension_numbers = #tpu.dot_dimension_numbers<[0], [0], [1], [1], [0, 1, 1, 1], [], []>, transpose_lhs_hint = false} : vector<32x128xbf16>, vector<32x512xbf16>, vector<128x512xf32> -> vector<128x512xf32>
      %add3A_1877 = arith.addf %dot_general3A_1876, %get3A_1796 : vector<128x512xf32>
      %reduce_max3A_1878 = arith.constant dense<0xFF800000> : vector<128xf32>
      %reduce_max3A_1879 = vector.multi_reduction <maximumf>, %add3A_1877, %reduce_max3A_1878 [1] : vector<128x512xf32> to vector<128xf32>
      %broadcast_in_dim3A_1880 = vector.shape_cast %reduce_max3A_1879 : vector<128xf32> to vector<128x1xf32>
      %max3A_1881 = arith.constant -1.000000e+30 : f32
      %max3A_1882 = vector.broadcast %max3A_1881 : f32 to vector<128x1xf32>
      %max3A_1883 = arith.maximumf %broadcast_in_dim3A_1880, %max3A_1882 : vector<128x1xf32>
      %sub3A_1884 = vector.broadcast %max3A_1883 : vector<128x1xf32> to vector<128x512xf32>
      %sub3A_1885 = arith.subf %add3A_1877, %sub3A_1884 : vector<128x512xf32>
      %exp3A_1886 = math.exp %sub3A_1885 : vector<128x512xf32>
      %dot_general3A_1887 = arith.constant dense<0.000000e+00> : vector<8x128xf32>
      %dot_general3A_1888 = tpu.matmul %broadcast_in_dim3A_9, %exp3A_1886, %dot_general3A_1887 {dimension_numbers = #tpu.dot_dimension_numbers<[1], [1], [0], [0], [0, 0, 1, 0], [], []>, transpose_lhs_hint = false} : vector<8x512xf32>, vector<128x512xf32>, vector<8x128xf32> -> vector<8x128xf32>
      %slice3A_1889 = vector.extract_strided_slice %dot_general3A_1888 {offsets = [0, 0], sizes = [1, 128], strides = [1, 1]} : vector<8x128xf32> to vector<1x128xf32>
      %add3A_1890 = arith.constant 1.000000e-16 : f32
      %add3A_1891 = vector.broadcast %add3A_1890 : f32 to vector<1x128xf32>
      %add3A_1892 = arith.addf %slice3A_1889, %add3A_1891 : vector<1x128xf32>
      %dot_general3A_1893 = arith.constant dense<0.000000e+00> : vector<8x128xf32>
      %dot_general3A_1894 = tpu.matmul %get3A_1874, %exp3A_1886, %dot_general3A_1893 {dimension_numbers = #tpu.dot_dimension_numbers<[1], [1], [0], [0], [0, 0, 1, 0], [], []>, transpose_lhs_hint = false} : vector<8x512xf32>, vector<128x512xf32>, vector<8x128xf32> -> vector<8x128xf32>
      %div3A_1895 = vector.broadcast %add3A_1892 : vector<1x128xf32> to vector<8x128xf32>
      %div3A_1896 = arith.divf %dot_general3A_1894, %div3A_1895 : vector<8x128xf32>
      %add3A_1897 = arith.addf %add3A_1864, %div3A_1896 : vector<8x128xf32>
      %mul3A_1898 = arith.constant 0.333333343 : f32
      %mul3A_1899 = vector.broadcast %mul3A_1898 : f32 to vector<8x128xf32>
      %mul3A_1900 = arith.mulf %add3A_1897, %mul3A_1899 : vector<8x128xf32>
      %mul3A_1901 = arith.constant 512 : i32
      %mul3A_1902 = arith.muli %scan3A_208, %mul3A_1901 : i32
      %add3A_1903 = arith.constant 128 : i32
      %add3A_1904 = arith.addi %mul3A_1902, %add3A_1903 : i32
      %swap3A_1905 = arith.constant 24 : index
      %swap3A_1906 = arith.index_cast %add3A_1904 : i32 to index
      %swap3A_1907 = vector.load %arg36[%swap3A_1905, %swap3A_1906] : memref<32x6144xf32, #tpu.memory_space<vmem>>, vector<8x128xf32>
      tpu.vector_store %arg36[%swap3A_1905, %swap3A_1906], %mul3A_1900 {strides = array<i32>} : memref<32x6144xf32, #tpu.memory_space<vmem>>, vector<8x128xf32>,
      %mul3A_1908 = arith.constant 512 : i32
      %mul3A_1909 = arith.muli %scan3A_208, %mul3A_1908 : i32
      %add3A_1910 = arith.constant 256 : i32
      %add3A_1911 = arith.addi %mul3A_1909, %add3A_1910 : i32
      %get3A_1912 = arith.constant 96 : index
      %get3A_1913 = arith.index_cast %add3A_1911 : i32 to index
      %get3A_1914 = vector.load %arg33[%get3A_1912, %get3A_1913] : memref<128x6144xbf16, #tpu.memory_space<vmem>>, vector<32x128xbf16>
      %get3A_1915 = arith.constant 256 : index
      %get3A_1916 = arith.constant 0 : index
      %get3A_1917 = vector.load %arg3[%get3A_1915, %get3A_1916] : memref<512x512xf32, #tpu.memory_space<vmem>>, vector<128x512xf32>
      %broadcast_in_dim3A_1918 = arith.constant 0.000000e+00 : f32
      %broadcast_in_dim3A_1919 = vector.broadcast %broadcast_in_dim3A_1918 : f32 to vector<8x128xf32>
      %mul3A_1920 = arith.constant 512 : i32
      %mul3A_1921 = arith.muli %select_n3A, %mul3A_1920 : i32
      %get3A_1922 = arith.constant 96 : index
      %get3A_1923 = arith.index_cast %mul3A_1921 : i32 to index
      %get3A_1924 = vector.load %arg34[%get3A_1922, %get3A_1923] : memref<128x6144xbf16, #tpu.memory_space<vmem>>, vector<32x512xbf16>
      %mul3A_1925 = arith.constant 512 : i32
      %mul3A_1926 = arith.muli %select_n3A, %mul3A_1925 : i32
      %get3A_1927 = arith.constant 24 : index
      %get3A_1928 = arith.index_cast %mul3A_1926 : i32 to index
      %get3A_1929 = vector.load %arg35[%get3A_1927, %get3A_1928] : memref<32x6144xf32, #tpu.memory_space<vmem>>, vector<8x512xf32>
      %dot_general3A_1930 = arith.constant dense<0.000000e+00> : vector<128x512xf32>
      %dot_general3A_1931 = tpu.matmul %get3A_1914, %get3A_1924, %dot_general3A_1930 {dimension_numbers = #tpu.dot_dimension_numbers<[0], [0], [1], [1], [0, 1, 1, 1], [], []>, transpose_lhs_hint = false} : vector<32x128xbf16>, vector<32x512xbf16>, vector<128x512xf32> -> vector<128x512xf32>
      %add3A_1932 = arith.addf %dot_general3A_1931, %get3A_1917 : vector<128x512xf32>
      %reduce_max3A_1933 = arith.constant dense<0xFF800000> : vector<128xf32>
      %reduce_max3A_1934 = vector.multi_reduction <maximumf>, %add3A_1932, %reduce_max3A_1933 [1] : vector<128x512xf32> to vector<128xf32>
      %broadcast_in_dim3A_1935 = vector.shape_cast %reduce_max3A_1934 : vector<128xf32> to vector<128x1xf32>
      %max3A_1936 = arith.constant -1.000000e+30 : f32
      %max3A_1937 = vector.broadcast %max3A_1936 : f32 to vector<128x1xf32>
      %max3A_1938 = arith.maximumf %broadcast_in_dim3A_1935, %max3A_1937 : vector<128x1xf32>
      %sub3A_1939 = vector.broadcast %max3A_1938 : vector<128x1xf32> to vector<128x512xf32>
      %sub3A_1940 = arith.subf %add3A_1932, %sub3A_1939 : vector<128x512xf32>
      %exp3A_1941 = math.exp %sub3A_1940 : vector<128x512xf32>
      %dot_general3A_1942 = arith.constant dense<0.000000e+00> : vector<8x128xf32>
      %dot_general3A_1943 = tpu.matmul %broadcast_in_dim3A_9, %exp3A_1941, %dot_general3A_1942 {dimension_numbers = #tpu.dot_dimension_numbers<[1], [1], [0], [0], [0, 0, 1, 0], [], []>, transpose_lhs_hint = false} : vector<8x512xf32>, vector<128x512xf32>, vector<8x128xf32> -> vector<8x128xf32>
      %slice3A_1944 = vector.extract_strided_slice %dot_general3A_1943 {offsets = [0, 0], sizes = [1, 128], strides = [1, 1]} : vector<8x128xf32> to vector<1x128xf32>
      %add3A_1945 = arith.constant 1.000000e-16 : f32
      %add3A_1946 = vector.broadcast %add3A_1945 : f32 to vector<1x128xf32>
      %add3A_1947 = arith.addf %slice3A_1944, %add3A_1946 : vector<1x128xf32>
      %dot_general3A_1948 = arith.constant dense<0.000000e+00> : vector<8x128xf32>
      %dot_general3A_1949 = tpu.matmul %get3A_1929, %exp3A_1941, %dot_general3A_1948 {dimension_numbers = #tpu.dot_dimension_numbers<[1], [1], [0], [0], [0, 0, 1, 0], [], []>, transpose_lhs_hint = false} : vector<8x512xf32>, vector<128x512xf32>, vector<8x128xf32> -> vector<8x128xf32>
      %div3A_1950 = vector.broadcast %add3A_1947 : vector<1x128xf32> to vector<8x128xf32>
      %div3A_1951 = arith.divf %dot_general3A_1949, %div3A_1950 : vector<8x128xf32>
      %add3A_1952 = arith.addf %broadcast_in_dim3A_1919, %div3A_1951 : vector<8x128xf32>
      %mul3A_1953 = arith.constant 512 : i32
      %mul3A_1954 = arith.muli %scan3A_208, %mul3A_1953 : i32
      %get3A_1955 = arith.constant 96 : index
      %get3A_1956 = arith.index_cast %mul3A_1954 : i32 to index
      %get3A_1957 = vector.load %arg34[%get3A_1955, %get3A_1956] : memref<128x6144xbf16, #tpu.memory_space<vmem>>, vector<32x512xbf16>
      %mul3A_1958 = arith.constant 512 : i32
      %mul3A_1959 = arith.muli %scan3A_208, %mul3A_1958 : i32
      %get3A_1960 = arith.constant 24 : index
      %get3A_1961 = arith.index_cast %mul3A_1959 : i32 to index
      %get3A_1962 = vector.load %arg35[%get3A_1960, %get3A_1961] : memref<32x6144xf32, #tpu.memory_space<vmem>>, vector<8x512xf32>
      %dot_general3A_1963 = arith.constant dense<0.000000e+00> : vector<128x512xf32>
      %dot_general3A_1964 = tpu.matmul %get3A_1914, %get3A_1957, %dot_general3A_1963 {dimension_numbers = #tpu.dot_dimension_numbers<[0], [0], [1], [1], [0, 1, 1, 1], [], []>, transpose_lhs_hint = false} : vector<32x128xbf16>, vector<32x512xbf16>, vector<128x512xf32> -> vector<128x512xf32>
      %add3A_1965 = arith.addf %dot_general3A_1964, %get3A_1917 : vector<128x512xf32>
      %reduce_max3A_1966 = arith.constant dense<0xFF800000> : vector<128xf32>
      %reduce_max3A_1967 = vector.multi_reduction <maximumf>, %add3A_1965, %reduce_max3A_1966 [1] : vector<128x512xf32> to vector<128xf32>
      %broadcast_in_dim3A_1968 = vector.shape_cast %reduce_max3A_1967 : vector<128xf32> to vector<128x1xf32>
      %max3A_1969 = arith.constant -1.000000e+30 : f32
      %max3A_1970 = vector.broadcast %max3A_1969 : f32 to vector<128x1xf32>
      %max3A_1971 = arith.maximumf %broadcast_in_dim3A_1968, %max3A_1970 : vector<128x1xf32>
      %sub3A_1972 = vector.broadcast %max3A_1971 : vector<128x1xf32> to vector<128x512xf32>
      %sub3A_1973 = arith.subf %add3A_1965, %sub3A_1972 : vector<128x512xf32>
      %exp3A_1974 = math.exp %sub3A_1973 : vector<128x512xf32>
      %dot_general3A_1975 = arith.constant dense<0.000000e+00> : vector<8x128xf32>
      %dot_general3A_1976 = tpu.matmul %broadcast_in_dim3A_9, %exp3A_1974, %dot_general3A_1975 {dimension_numbers = #tpu.dot_dimension_numbers<[1], [1], [0], [0], [0, 0, 1, 0], [], []>, transpose_lhs_hint = false} : vector<8x512xf32>, vector<128x512xf32>, vector<8x128xf32> -> vector<8x128xf32>
      %slice3A_1977 = vector.extract_strided_slice %dot_general3A_1976 {offsets = [0, 0], sizes = [1, 128], strides = [1, 1]} : vector<8x128xf32> to vector<1x128xf32>
      %add3A_1978 = arith.constant 1.000000e-16 : f32
      %add3A_1979 = vector.broadcast %add3A_1978 : f32 to vector<1x128xf32>
      %add3A_1980 = arith.addf %slice3A_1977, %add3A_1979 : vector<1x128xf32>
      %dot_general3A_1981 = arith.constant dense<0.000000e+00> : vector<8x128xf32>
      %dot_general3A_1982 = tpu.matmul %get3A_1962, %exp3A_1974, %dot_general3A_1981 {dimension_numbers = #tpu.dot_dimension_numbers<[1], [1], [0], [0], [0, 0, 1, 0], [], []>, transpose_lhs_hint = false} : vector<8x512xf32>, vector<128x512xf32>, vector<8x128xf32> -> vector<8x128xf32>
      %div3A_1983 = vector.broadcast %add3A_1980 : vector<1x128xf32> to vector<8x128xf32>
      %div3A_1984 = arith.divf %dot_general3A_1982, %div3A_1983 : vector<8x128xf32>
      %add3A_1985 = arith.addf %add3A_1952, %div3A_1984 : vector<8x128xf32>
      %mul3A_1986 = arith.constant 512 : i32
      %mul3A_1987 = arith.muli %select_n3A_217, %mul3A_1986 : i32
      %get3A_1988 = arith.constant 96 : index
      %get3A_1989 = arith.index_cast %mul3A_1987 : i32 to index
      %get3A_1990 = vector.load %arg34[%get3A_1988, %get3A_1989] : memref<128x6144xbf16, #tpu.memory_space<vmem>>, vector<32x512xbf16>
      %mul3A_1991 = arith.constant 512 : i32
      %mul3A_1992 = arith.muli %select_n3A_217, %mul3A_1991 : i32
      %get3A_1993 = arith.constant 24 : index
      %get3A_1994 = arith.index_cast %mul3A_1992 : i32 to index
      %get3A_1995 = vector.load %arg35[%get3A_1993, %get3A_1994] : memref<32x6144xf32, #tpu.memory_space<vmem>>, vector<8x512xf32>
      %dot_general3A_1996 = arith.constant dense<0.000000e+00> : vector<128x512xf32>
      %dot_general3A_1997 = tpu.matmul %get3A_1914, %get3A_1990, %dot_general3A_1996 {dimension_numbers = #tpu.dot_dimension_numbers<[0], [0], [1], [1], [0, 1, 1, 1], [], []>, transpose_lhs_hint = false} : vector<32x128xbf16>, vector<32x512xbf16>, vector<128x512xf32> -> vector<128x512xf32>
      %add3A_1998 = arith.addf %dot_general3A_1997, %get3A_1917 : vector<128x512xf32>
      %reduce_max3A_1999 = arith.constant dense<0xFF800000> : vector<128xf32>
      %reduce_max3A_2000 = vector.multi_reduction <maximumf>, %add3A_1998, %reduce_max3A_1999 [1] : vector<128x512xf32> to vector<128xf32>
      %broadcast_in_dim3A_2001 = vector.shape_cast %reduce_max3A_2000 : vector<128xf32> to vector<128x1xf32>
      %max3A_2002 = arith.constant -1.000000e+30 : f32
      %max3A_2003 = vector.broadcast %max3A_2002 : f32 to vector<128x1xf32>
      %max3A_2004 = arith.maximumf %broadcast_in_dim3A_2001, %max3A_2003 : vector<128x1xf32>
      %sub3A_2005 = vector.broadcast %max3A_2004 : vector<128x1xf32> to vector<128x512xf32>
      %sub3A_2006 = arith.subf %add3A_1998, %sub3A_2005 : vector<128x512xf32>
      %exp3A_2007 = math.exp %sub3A_2006 : vector<128x512xf32>
      %dot_general3A_2008 = arith.constant dense<0.000000e+00> : vector<8x128xf32>
      %dot_general3A_2009 = tpu.matmul %broadcast_in_dim3A_9, %exp3A_2007, %dot_general3A_2008 {dimension_numbers = #tpu.dot_dimension_numbers<[1], [1], [0], [0], [0, 0, 1, 0], [], []>, transpose_lhs_hint = false} : vector<8x512xf32>, vector<128x512xf32>, vector<8x128xf32> -> vector<8x128xf32>
      %slice3A_2010 = vector.extract_strided_slice %dot_general3A_2009 {offsets = [0, 0], sizes = [1, 128], strides = [1, 1]} : vector<8x128xf32> to vector<1x128xf32>
      %add3A_2011 = arith.constant 1.000000e-16 : f32
      %add3A_2012 = vector.broadcast %add3A_2011 : f32 to vector<1x128xf32>
      %add3A_2013 = arith.addf %slice3A_2010, %add3A_2012 : vector<1x128xf32>
      %dot_general3A_2014 = arith.constant dense<0.000000e+00> : vector<8x128xf32>
      %dot_general3A_2015 = tpu.matmul %get3A_1995, %exp3A_2007, %dot_general3A_2014 {dimension_numbers = #tpu.dot_dimension_numbers<[1], [1], [0], [0], [0, 0, 1, 0], [], []>, transpose_lhs_hint = false} : vector<8x512xf32>, vector<128x512xf32>, vector<8x128xf32> -> vector<8x128xf32>
      %div3A_2016 = vector.broadcast %add3A_2013 : vector<1x128xf32> to vector<8x128xf32>
      %div3A_2017 = arith.divf %dot_general3A_2015, %div3A_2016 : vector<8x128xf32>
      %add3A_2018 = arith.addf %add3A_1985, %div3A_2017 : vector<8x128xf32>
      %mul3A_2019 = arith.constant 0.333333343 : f32
      %mul3A_2020 = vector.broadcast %mul3A_2019 : f32 to vector<8x128xf32>
      %mul3A_2021 = arith.mulf %add3A_2018, %mul3A_2020 : vector<8x128xf32>
      %mul3A_2022 = arith.constant 512 : i32
      %mul3A_2023 = arith.muli %scan3A_208, %mul3A_2022 : i32
      %add3A_2024 = arith.constant 256 : i32
      %add3A_2025 = arith.addi %mul3A_2023, %add3A_2024 : i32
      %swap3A_2026 = arith.constant 24 : index
      %swap3A_2027 = arith.index_cast %add3A_2025 : i32 to index
      %swap3A_2028 = vector.load %arg36[%swap3A_2026, %swap3A_2027] : memref<32x6144xf32, #tpu.memory_space<vmem>>, vector<8x128xf32>
      tpu.vector_store %arg36[%swap3A_2026, %swap3A_2027], %mul3A_2021 {strides = array<i32>} : memref<32x6144xf32, #tpu.memory_space<vmem>>, vector<8x128xf32>,
      %mul3A_2029 = arith.constant 512 : i32
      %mul3A_2030 = arith.muli %scan3A_208, %mul3A_2029 : i32
      %add3A_2031 = arith.constant 384 : i32
      %add3A_2032 = arith.addi %mul3A_2030, %add3A_2031 : i32
      %get3A_2033 = arith.constant 96 : index
      %get3A_2034 = arith.index_cast %add3A_2032 : i32 to index
      %get3A_2035 = vector.load %arg33[%get3A_2033, %get3A_2034] : memref<128x6144xbf16, #tpu.memory_space<vmem>>, vector<32x128xbf16>
      %get3A_2036 = arith.constant 384 : index
      %get3A_2037 = arith.constant 0 : index
      %get3A_2038 = vector.load %arg3[%get3A_2036, %get3A_2037] : memref<512x512xf32, #tpu.memory_space<vmem>>, vector<128x512xf32>
      %broadcast_in_dim3A_2039 = arith.constant 0.000000e+00 : f32
      %broadcast_in_dim3A_2040 = vector.broadcast %broadcast_in_dim3A_2039 : f32 to vector<8x128xf32>
      %mul3A_2041 = arith.constant 512 : i32
      %mul3A_2042 = arith.muli %select_n3A, %mul3A_2041 : i32
      %get3A_2043 = arith.constant 96 : index
      %get3A_2044 = arith.index_cast %mul3A_2042 : i32 to index
      %get3A_2045 = vector.load %arg34[%get3A_2043, %get3A_2044] : memref<128x6144xbf16, #tpu.memory_space<vmem>>, vector<32x512xbf16>
      %mul3A_2046 = arith.constant 512 : i32
      %mul3A_2047 = arith.muli %select_n3A, %mul3A_2046 : i32
      %get3A_2048 = arith.constant 24 : index
      %get3A_2049 = arith.index_cast %mul3A_2047 : i32 to index
      %get3A_2050 = vector.load %arg35[%get3A_2048, %get3A_2049] : memref<32x6144xf32, #tpu.memory_space<vmem>>, vector<8x512xf32>
      %dot_general3A_2051 = arith.constant dense<0.000000e+00> : vector<128x512xf32>
      %dot_general3A_2052 = tpu.matmul %get3A_2035, %get3A_2045, %dot_general3A_2051 {dimension_numbers = #tpu.dot_dimension_numbers<[0], [0], [1], [1], [0, 1, 1, 1], [], []>, transpose_lhs_hint = false} : vector<32x128xbf16>, vector<32x512xbf16>, vector<128x512xf32> -> vector<128x512xf32>
      %add3A_2053 = arith.addf %dot_general3A_2052, %get3A_2038 : vector<128x512xf32>
      %reduce_max3A_2054 = arith.constant dense<0xFF800000> : vector<128xf32>
      %reduce_max3A_2055 = vector.multi_reduction <maximumf>, %add3A_2053, %reduce_max3A_2054 [1] : vector<128x512xf32> to vector<128xf32>
      %broadcast_in_dim3A_2056 = vector.shape_cast %reduce_max3A_2055 : vector<128xf32> to vector<128x1xf32>
      %max3A_2057 = arith.constant -1.000000e+30 : f32
      %max3A_2058 = vector.broadcast %max3A_2057 : f32 to vector<128x1xf32>
      %max3A_2059 = arith.maximumf %broadcast_in_dim3A_2056, %max3A_2058 : vector<128x1xf32>
      %sub3A_2060 = vector.broadcast %max3A_2059 : vector<128x1xf32> to vector<128x512xf32>
      %sub3A_2061 = arith.subf %add3A_2053, %sub3A_2060 : vector<128x512xf32>
      %exp3A_2062 = math.exp %sub3A_2061 : vector<128x512xf32>
      %dot_general3A_2063 = arith.constant dense<0.000000e+00> : vector<8x128xf32>
      %dot_general3A_2064 = tpu.matmul %broadcast_in_dim3A_9, %exp3A_2062, %dot_general3A_2063 {dimension_numbers = #tpu.dot_dimension_numbers<[1], [1], [0], [0], [0, 0, 1, 0], [], []>, transpose_lhs_hint = false} : vector<8x512xf32>, vector<128x512xf32>, vector<8x128xf32> -> vector<8x128xf32>
      %slice3A_2065 = vector.extract_strided_slice %dot_general3A_2064 {offsets = [0, 0], sizes = [1, 128], strides = [1, 1]} : vector<8x128xf32> to vector<1x128xf32>
      %add3A_2066 = arith.constant 1.000000e-16 : f32
      %add3A_2067 = vector.broadcast %add3A_2066 : f32 to vector<1x128xf32>
      %add3A_2068 = arith.addf %slice3A_2065, %add3A_2067 : vector<1x128xf32>
      %dot_general3A_2069 = arith.constant dense<0.000000e+00> : vector<8x128xf32>
      %dot_general3A_2070 = tpu.matmul %get3A_2050, %exp3A_2062, %dot_general3A_2069 {dimension_numbers = #tpu.dot_dimension_numbers<[1], [1], [0], [0], [0, 0, 1, 0], [], []>, transpose_lhs_hint = false} : vector<8x512xf32>, vector<128x512xf32>, vector<8x128xf32> -> vector<8x128xf32>
      %div3A_2071 = vector.broadcast %add3A_2068 : vector<1x128xf32> to vector<8x128xf32>
      %div3A_2072 = arith.divf %dot_general3A_2070, %div3A_2071 : vector<8x128xf32>
      %add3A_2073 = arith.addf %broadcast_in_dim3A_2040, %div3A_2072 : vector<8x128xf32>
      %mul3A_2074 = arith.constant 512 : i32
      %mul3A_2075 = arith.muli %scan3A_208, %mul3A_2074 : i32
      %get3A_2076 = arith.constant 96 : index
      %get3A_2077 = arith.index_cast %mul3A_2075 : i32 to index
      %get3A_2078 = vector.load %arg34[%get3A_2076, %get3A_2077] : memref<128x6144xbf16, #tpu.memory_space<vmem>>, vector<32x512xbf16>
      %mul3A_2079 = arith.constant 512 : i32
      %mul3A_2080 = arith.muli %scan3A_208, %mul3A_2079 : i32
      %get3A_2081 = arith.constant 24 : index
      %get3A_2082 = arith.index_cast %mul3A_2080 : i32 to index
      %get3A_2083 = vector.load %arg35[%get3A_2081, %get3A_2082] : memref<32x6144xf32, #tpu.memory_space<vmem>>, vector<8x512xf32>
      %dot_general3A_2084 = arith.constant dense<0.000000e+00> : vector<128x512xf32>
      %dot_general3A_2085 = tpu.matmul %get3A_2035, %get3A_2078, %dot_general3A_2084 {dimension_numbers = #tpu.dot_dimension_numbers<[0], [0], [1], [1], [0, 1, 1, 1], [], []>, transpose_lhs_hint = false} : vector<32x128xbf16>, vector<32x512xbf16>, vector<128x512xf32> -> vector<128x512xf32>
      %add3A_2086 = arith.addf %dot_general3A_2085, %get3A_2038 : vector<128x512xf32>
      %reduce_max3A_2087 = arith.constant dense<0xFF800000> : vector<128xf32>
      %reduce_max3A_2088 = vector.multi_reduction <maximumf>, %add3A_2086, %reduce_max3A_2087 [1] : vector<128x512xf32> to vector<128xf32>
      %broadcast_in_dim3A_2089 = vector.shape_cast %reduce_max3A_2088 : vector<128xf32> to vector<128x1xf32>
      %max3A_2090 = arith.constant -1.000000e+30 : f32
      %max3A_2091 = vector.broadcast %max3A_2090 : f32 to vector<128x1xf32>
      %max3A_2092 = arith.maximumf %broadcast_in_dim3A_2089, %max3A_2091 : vector<128x1xf32>
      %sub3A_2093 = vector.broadcast %max3A_2092 : vector<128x1xf32> to vector<128x512xf32>
      %sub3A_2094 = arith.subf %add3A_2086, %sub3A_2093 : vector<128x512xf32>
      %exp3A_2095 = math.exp %sub3A_2094 : vector<128x512xf32>
      %dot_general3A_2096 = arith.constant dense<0.000000e+00> : vector<8x128xf32>
      %dot_general3A_2097 = tpu.matmul %broadcast_in_dim3A_9, %exp3A_2095, %dot_general3A_2096 {dimension_numbers = #tpu.dot_dimension_numbers<[1], [1], [0], [0], [0, 0, 1, 0], [], []>, transpose_lhs_hint = false} : vector<8x512xf32>, vector<128x512xf32>, vector<8x128xf32> -> vector<8x128xf32>
      %slice3A_2098 = vector.extract_strided_slice %dot_general3A_2097 {offsets = [0, 0], sizes = [1, 128], strides = [1, 1]} : vector<8x128xf32> to vector<1x128xf32>
      %add3A_2099 = arith.constant 1.000000e-16 : f32
      %add3A_2100 = vector.broadcast %add3A_2099 : f32 to vector<1x128xf32>
      %add3A_2101 = arith.addf %slice3A_2098, %add3A_2100 : vector<1x128xf32>
      %dot_general3A_2102 = arith.constant dense<0.000000e+00> : vector<8x128xf32>
      %dot_general3A_2103 = tpu.matmul %get3A_2083, %exp3A_2095, %dot_general3A_2102 {dimension_numbers = #tpu.dot_dimension_numbers<[1], [1], [0], [0], [0, 0, 1, 0], [], []>, transpose_lhs_hint = false} : vector<8x512xf32>, vector<128x512xf32>, vector<8x128xf32> -> vector<8x128xf32>
      %div3A_2104 = vector.broadcast %add3A_2101 : vector<1x128xf32> to vector<8x128xf32>
      %div3A_2105 = arith.divf %dot_general3A_2103, %div3A_2104 : vector<8x128xf32>
      %add3A_2106 = arith.addf %add3A_2073, %div3A_2105 : vector<8x128xf32>
      %mul3A_2107 = arith.constant 512 : i32
      %mul3A_2108 = arith.muli %select_n3A_217, %mul3A_2107 : i32
      %get3A_2109 = arith.constant 96 : index
      %get3A_2110 = arith.index_cast %mul3A_2108 : i32 to index
      %get3A_2111 = vector.load %arg34[%get3A_2109, %get3A_2110] : memref<128x6144xbf16, #tpu.memory_space<vmem>>, vector<32x512xbf16>
      %mul3A_2112 = arith.constant 512 : i32
      %mul3A_2113 = arith.muli %select_n3A_217, %mul3A_2112 : i32
      %get3A_2114 = arith.constant 24 : index
      %get3A_2115 = arith.index_cast %mul3A_2113 : i32 to index
      %get3A_2116 = vector.load %arg35[%get3A_2114, %get3A_2115] : memref<32x6144xf32, #tpu.memory_space<vmem>>, vector<8x512xf32>
      %dot_general3A_2117 = arith.constant dense<0.000000e+00> : vector<128x512xf32>
      %dot_general3A_2118 = tpu.matmul %get3A_2035, %get3A_2111, %dot_general3A_2117 {dimension_numbers = #tpu.dot_dimension_numbers<[0], [0], [1], [1], [0, 1, 1, 1], [], []>, transpose_lhs_hint = false} : vector<32x128xbf16>, vector<32x512xbf16>, vector<128x512xf32> -> vector<128x512xf32>
      %add3A_2119 = arith.addf %dot_general3A_2118, %get3A_2038 : vector<128x512xf32>
      %reduce_max3A_2120 = arith.constant dense<0xFF800000> : vector<128xf32>
      %reduce_max3A_2121 = vector.multi_reduction <maximumf>, %add3A_2119, %reduce_max3A_2120 [1] : vector<128x512xf32> to vector<128xf32>
      %broadcast_in_dim3A_2122 = vector.shape_cast %reduce_max3A_2121 : vector<128xf32> to vector<128x1xf32>
      %max3A_2123 = arith.constant -1.000000e+30 : f32
      %max3A_2124 = vector.broadcast %max3A_2123 : f32 to vector<128x1xf32>
      %max3A_2125 = arith.maximumf %broadcast_in_dim3A_2122, %max3A_2124 : vector<128x1xf32>
      %sub3A_2126 = vector.broadcast %max3A_2125 : vector<128x1xf32> to vector<128x512xf32>
      %sub3A_2127 = arith.subf %add3A_2119, %sub3A_2126 : vector<128x512xf32>
      %exp3A_2128 = math.exp %sub3A_2127 : vector<128x512xf32>
      %dot_general3A_2129 = arith.constant dense<0.000000e+00> : vector<8x128xf32>
      %dot_general3A_2130 = tpu.matmul %broadcast_in_dim3A_9, %exp3A_2128, %dot_general3A_2129 {dimension_numbers = #tpu.dot_dimension_numbers<[1], [1], [0], [0], [0, 0, 1, 0], [], []>, transpose_lhs_hint = false} : vector<8x512xf32>, vector<128x512xf32>, vector<8x128xf32> -> vector<8x128xf32>
      %slice3A_2131 = vector.extract_strided_slice %dot_general3A_2130 {offsets = [0, 0], sizes = [1, 128], strides = [1, 1]} : vector<8x128xf32> to vector<1x128xf32>
      %add3A_2132 = arith.constant 1.000000e-16 : f32
      %add3A_2133 = vector.broadcast %add3A_2132 : f32 to vector<1x128xf32>
      %add3A_2134 = arith.addf %slice3A_2131, %add3A_2133 : vector<1x128xf32>
      %dot_general3A_2135 = arith.constant dense<0.000000e+00> : vector<8x128xf32>
      %dot_general3A_2136 = tpu.matmul %get3A_2116, %exp3A_2128, %dot_general3A_2135 {dimension_numbers = #tpu.dot_dimension_numbers<[1], [1], [0], [0], [0, 0, 1, 0], [], []>, transpose_lhs_hint = false} : vector<8x512xf32>, vector<128x512xf32>, vector<8x128xf32> -> vector<8x128xf32>
      %div3A_2137 = vector.broadcast %add3A_2134 : vector<1x128xf32> to vector<8x128xf32>
      %div3A_2138 = arith.divf %dot_general3A_2136, %div3A_2137 : vector<8x128xf32>
      %add3A_2139 = arith.addf %add3A_2106, %div3A_2138 : vector<8x128xf32>
      %mul3A_2140 = arith.constant 0.333333343 : f32
      %mul3A_2141 = vector.broadcast %mul3A_2140 : f32 to vector<8x128xf32>
      %mul3A_2142 = arith.mulf %add3A_2139, %mul3A_2141 : vector<8x128xf32>
      %mul3A_2143 = arith.constant 512 : i32
      %mul3A_2144 = arith.muli %scan3A_208, %mul3A_2143 : i32
      %add3A_2145 = arith.constant 384 : i32
      %add3A_2146 = arith.addi %mul3A_2144, %add3A_2145 : i32
      %swap3A_2147 = arith.constant 24 : index
      %swap3A_2148 = arith.index_cast %add3A_2146 : i32 to index
      %swap3A_2149 = vector.load %arg36[%swap3A_2147, %swap3A_2148] : memref<32x6144xf32, #tpu.memory_space<vmem>>, vector<8x128xf32>
      tpu.vector_store %arg36[%swap3A_2147, %swap3A_2148], %mul3A_2142 {strides = array<i32>} : memref<32x6144xf32, #tpu.memory_space<vmem>>, vector<8x128xf32>,
    }
    %scan3A_101 = arith.constant 12 : i32
    %get3A_102 = arith.constant 0 : index
    %get3A_103 = arith.constant 0 : index
    %get3A_104 = vector.load %arg15[%get3A_102, %get3A_103] : memref<64x32xf32, #tpu.memory_space<vmem>>, vector<32x32xf32>
    %dot_general3A_105 = arith.constant dense<0.000000e+00> : vector<32x6144xf32>
    %dot_general3A_106 = tpu.matmul %get3A_104, %get3A_3, %dot_general3A_105 {dimension_numbers = #tpu.dot_dimension_numbers<[0], [0], [1], [1], [0, 1, 1, 1], [], []>, transpose_lhs_hint = false} : vector<32x32xf32>, vector<32x6144xf32>, vector<32x6144xf32> -> vector<32x6144xf32>
    %get3A_107 = arith.constant 32 : index
    %get3A_108 = arith.constant 0 : index
    %get3A_109 = vector.load %arg15[%get3A_107, %get3A_108] : memref<64x32xf32, #tpu.memory_space<vmem>>, vector<32x32xf32>
    %dot_general3A_110 = arith.constant dense<0.000000e+00> : vector<32x6144xf32>
    %dot_general3A_111 = tpu.matmul %get3A_109, %get3A_8, %dot_general3A_110 {dimension_numbers = #tpu.dot_dimension_numbers<[0], [0], [1], [1], [0, 1, 1, 1], [], []>, transpose_lhs_hint = false} : vector<32x32xf32>, vector<32x6144xf32>, vector<32x6144xf32> -> vector<32x6144xf32>
    %add3A_112 = arith.addf %dot_general3A_106, %dot_general3A_111 : vector<32x6144xf32>
    %get3A_113 = arith.constant 0 : index
    %get3A_114 = arith.constant 0 : index
    %get3A_115 = vector.load %arg16[%get3A_113, %get3A_114] : memref<32x1xf32, #tpu.memory_space<vmem>>, vector<32x1xf32>
    %add3A_116 = vector.broadcast %get3A_115 : vector<32x1xf32> to vector<32x6144xf32>
    %add3A_117 = arith.addf %add3A_112, %add3A_116 : vector<32x6144xf32>
    %mul3A_118 = arith.constant 0.353553385 : f32
    %mul3A_119 = vector.broadcast %mul3A_118 : f32 to vector<32x6144xf32>
    %mul3A_120 = arith.mulf %add3A_117, %mul3A_119 : vector<32x6144xf32>
    %get3A_121 = arith.constant 0 : index
    %get3A_122 = arith.constant 0 : index
    %get3A_123 = vector.load %arg17[%get3A_121, %get3A_122] : memref<64x32xf32, #tpu.memory_space<vmem>>, vector<32x32xf32>
    %dot_general3A_124 = arith.constant dense<0.000000e+00> : vector<32x6144xf32>
    %dot_general3A_125 = tpu.matmul %get3A_123, %get3A_3, %dot_general3A_124 {dimension_numbers = #tpu.dot_dimension_numbers<[0], [0], [1], [1], [0, 1, 1, 1], [], []>, transpose_lhs_hint = false} : vector<32x32xf32>, vector<32x6144xf32>, vector<32x6144xf32> -> vector<32x6144xf32>
    %get3A_126 = arith.constant 32 : index
    %get3A_127 = arith.constant 0 : index
    %get3A_128 = vector.load %arg17[%get3A_126, %get3A_127] : memref<64x32xf32, #tpu.memory_space<vmem>>, vector<32x32xf32>
    %dot_general3A_129 = arith.constant dense<0.000000e+00> : vector<32x6144xf32>
    %dot_general3A_130 = tpu.matmul %get3A_128, %get3A_8, %dot_general3A_129 {dimension_numbers = #tpu.dot_dimension_numbers<[0], [0], [1], [1], [0, 1, 1, 1], [], []>, transpose_lhs_hint = false} : vector<32x32xf32>, vector<32x6144xf32>, vector<32x6144xf32> -> vector<32x6144xf32>
    %add3A_131 = arith.addf %dot_general3A_125, %dot_general3A_130 : vector<32x6144xf32>
    %get3A_132 = arith.constant 0 : index
    %get3A_133 = arith.constant 0 : index
    %get3A_134 = vector.load %arg18[%get3A_132, %get3A_133] : memref<32x1xf32, #tpu.memory_space<vmem>>, vector<32x1xf32>
    %add3A_135 = vector.broadcast %get3A_134 : vector<32x1xf32> to vector<32x6144xf32>
    %add3A_136 = arith.addf %add3A_131, %add3A_135 : vector<32x6144xf32>
    %get3A_137 = arith.constant 0 : index
    %get3A_138 = arith.constant 0 : index
    %get3A_139 = vector.load %arg19[%get3A_137, %get3A_138] : memref<64x32xf32, #tpu.memory_space<vmem>>, vector<32x32xf32>
    %dot_general3A_140 = arith.constant dense<0.000000e+00> : vector<32x6144xf32>
    %dot_general3A_141 = tpu.matmul %get3A_139, %get3A_3, %dot_general3A_140 {dimension_numbers = #tpu.dot_dimension_numbers<[0], [0], [1], [1], [0, 1, 1, 1], [], []>, transpose_lhs_hint = false} : vector<32x32xf32>, vector<32x6144xf32>, vector<32x6144xf32> -> vector<32x6144xf32>
    %get3A_142 = arith.constant 32 : index
    %get3A_143 = arith.constant 0 : index
    %get3A_144 = vector.load %arg19[%get3A_142, %get3A_143] : memref<64x32xf32, #tpu.memory_space<vmem>>, vector<32x32xf32>
    %dot_general3A_145 = arith.constant dense<0.000000e+00> : vector<32x6144xf32>
    %dot_general3A_146 = tpu.matmul %get3A_144, %get3A_8, %dot_general3A_145 {dimension_numbers = #tpu.dot_dimension_numbers<[0], [0], [1], [1], [0, 1, 1, 1], [], []>, transpose_lhs_hint = false} : vector<32x32xf32>, vector<32x6144xf32>, vector<32x6144xf32> -> vector<32x6144xf32>
    %add3A_147 = arith.addf %dot_general3A_141, %dot_general3A_146 : vector<32x6144xf32>
    %get3A_148 = arith.constant 0 : index
    %get3A_149 = arith.constant 0 : index
    %get3A_150 = vector.load %arg20[%get3A_148, %get3A_149] : memref<32x1xf32, #tpu.memory_space<vmem>>, vector<32x1xf32>
    %add3A_151 = vector.broadcast %get3A_150 : vector<32x1xf32> to vector<32x6144xf32>
    %add3A_152 = arith.addf %add3A_147, %add3A_151 : vector<32x6144xf32>
    %swap3A_153 = arith.constant 0 : index
    %swap3A_154 = arith.constant 0 : index
    %swap3A_155 = vector.load %arg35[%swap3A_153, %swap3A_154] : memref<32x6144xf32, #tpu.memory_space<vmem>>, vector<32x6144xf32>
    tpu.vector_store %arg35[%swap3A_153, %swap3A_154], %add3A_152 {strides = array<i32>} : memref<32x6144xf32, #tpu.memory_space<vmem>>, vector<32x6144xf32>,
    %convert_element_type3A_156 = arith.truncf %mul3A_120 : vector<32x6144xf32> to vector<32x6144xbf16>
    %convert_element_type3A_157 = arith.extf %convert_element_type3A_156 : vector<32x6144xbf16> to vector<32x6144xf32>
    %sub3A_158 = arith.subf %mul3A_120, %convert_element_type3A_157 : vector<32x6144xf32>
    %convert_element_type3A_159 = arith.truncf %add3A_136 : vector<32x6144xf32> to vector<32x6144xbf16>
    %convert_element_type3A_160 = arith.extf %convert_element_type3A_159 : vector<32x6144xbf16> to vector<32x6144xf32>
    %sub3A_161 = arith.subf %add3A_136, %convert_element_type3A_160 : vector<32x6144xf32>
    %broadcast_in_dim3A_162 = arith.constant 0.000000e+00 : f32
    %broadcast_in_dim3A_163 = vector.broadcast %broadcast_in_dim3A_162 : f32 to vector<8x6144xf32>
    %slice3A_164 = vector.extract_strided_slice %mul3A_120 {offsets = [0, 0], sizes = [8, 6144], strides = [1, 1]} : vector<32x6144xf32> to vector<8x6144xf32>
    %slice3A_165 = vector.extract_strided_slice %mul3A_120 {offsets = [0, 0], sizes = [8, 6144], strides = [1, 1]} : vector<32x6144xf32> to vector<8x6144xf32>
    %slice3A_166 = vector.extract_strided_slice %sub3A_158 {offsets = [0, 0], sizes = [8, 6144], strides = [1, 1]} : vector<32x6144xf32> to vector<8x6144xf32>
    %slice3A_167 = vector.extract_strided_slice %add3A_136 {offsets = [0, 0], sizes = [8, 6144], strides = [1, 1]} : vector<32x6144xf32> to vector<8x6144xf32>
    %slice3A_168 = vector.extract_strided_slice %sub3A_161 {offsets = [0, 0], sizes = [8, 6144], strides = [1, 1]} : vector<32x6144xf32> to vector<8x6144xf32>
    %slice3A_169 = vector.extract_strided_slice %add3A_136 {offsets = [0, 0], sizes = [8, 6144], strides = [1, 1]} : vector<32x6144xf32> to vector<8x6144xf32>
    %slice3A_170 = vector.extract_strided_slice %mul3A_120 {offsets = [8, 0], sizes = [8, 6144], strides = [1, 1]} : vector<32x6144xf32> to vector<8x6144xf32>
    %slice3A_171 = vector.extract_strided_slice %mul3A_120 {offsets = [8, 0], sizes = [8, 6144], strides = [1, 1]} : vector<32x6144xf32> to vector<8x6144xf32>
    %slice3A_172 = vector.extract_strided_slice %sub3A_158 {offsets = [8, 0], sizes = [8, 6144], strides = [1, 1]} : vector<32x6144xf32> to vector<8x6144xf32>
    %slice3A_173 = vector.extract_strided_slice %add3A_136 {offsets = [8, 0], sizes = [8, 6144], strides = [1, 1]} : vector<32x6144xf32> to vector<8x6144xf32>
    %slice3A_174 = vector.extract_strided_slice %sub3A_161 {offsets = [8, 0], sizes = [8, 6144], strides = [1, 1]} : vector<32x6144xf32> to vector<8x6144xf32>
    %slice3A_175 = vector.extract_strided_slice %add3A_136 {offsets = [8, 0], sizes = [8, 6144], strides = [1, 1]} : vector<32x6144xf32> to vector<8x6144xf32>
    %slice3A_176 = vector.extract_strided_slice %mul3A_120 {offsets = [16, 0], sizes = [8, 6144], strides = [1, 1]} : vector<32x6144xf32> to vector<8x6144xf32>
    %slice3A_177 = vector.extract_strided_slice %mul3A_120 {offsets = [16, 0], sizes = [8, 6144], strides = [1, 1]} : vector<32x6144xf32> to vector<8x6144xf32>
    %slice3A_178 = vector.extract_strided_slice %sub3A_158 {offsets = [16, 0], sizes = [8, 6144], strides = [1, 1]} : vector<32x6144xf32> to vector<8x6144xf32>
    %slice3A_179 = vector.extract_strided_slice %add3A_136 {offsets = [16, 0], sizes = [8, 6144], strides = [1, 1]} : vector<32x6144xf32> to vector<8x6144xf32>
    %slice3A_180 = vector.extract_strided_slice %sub3A_161 {offsets = [16, 0], sizes = [8, 6144], strides = [1, 1]} : vector<32x6144xf32> to vector<8x6144xf32>
    %slice3A_181 = vector.extract_strided_slice %add3A_136 {offsets = [16, 0], sizes = [8, 6144], strides = [1, 1]} : vector<32x6144xf32> to vector<8x6144xf32>
    %slice3A_182 = vector.extract_strided_slice %mul3A_120 {offsets = [24, 0], sizes = [8, 6144], strides = [1, 1]} : vector<32x6144xf32> to vector<8x6144xf32>
    %slice3A_183 = vector.extract_strided_slice %mul3A_120 {offsets = [24, 0], sizes = [8, 6144], strides = [1, 1]} : vector<32x6144xf32> to vector<8x6144xf32>
    %slice3A_184 = vector.extract_strided_slice %sub3A_158 {offsets = [24, 0], sizes = [8, 6144], strides = [1, 1]} : vector<32x6144xf32> to vector<8x6144xf32>
    %slice3A_185 = vector.extract_strided_slice %add3A_136 {offsets = [24, 0], sizes = [8, 6144], strides = [1, 1]} : vector<32x6144xf32> to vector<8x6144xf32>
    %slice3A_186 = vector.extract_strided_slice %sub3A_161 {offsets = [24, 0], sizes = [8, 6144], strides = [1, 1]} : vector<32x6144xf32> to vector<8x6144xf32>
    %slice3A_187 = vector.extract_strided_slice %add3A_136 {offsets = [24, 0], sizes = [8, 6144], strides = [1, 1]} : vector<32x6144xf32> to vector<8x6144xf32>
    %concatenate3A_188 = tpu.concatenate %slice3A_164, %slice3A_165, %slice3A_166, %broadcast_in_dim3A_163, %slice3A_170, %slice3A_171, %slice3A_172, %broadcast_in_dim3A_163, %slice3A_176, %slice3A_177, %slice3A_178, %broadcast_in_dim3A_163, %slice3A_182, %slice3A_183, %slice3A_184, %broadcast_in_dim3A_163 in 0 : vector<8x6144xf32>, vector<8x6144xf32>, vector<8x6144xf32>, vector<8x6144xf32>, vector<8x6144xf32>, vector<8x6144xf32>, vector<8x6144xf32>, vector<8x6144xf32>, vector<8x6144xf32>, vector<8x6144xf32>, vector<8x6144xf32>, vector<8x6144xf32>, vector<8x6144xf32>, vector<8x6144xf32>, vector<8x6144xf32>, vector<8x6144xf32> -> vector<128x6144xf32>
    %convert_element_type3A_189 = arith.truncf %concatenate3A_188 : vector<128x6144xf32> to vector<128x6144xbf16>
    %swap3A_190 = arith.constant 0 : index
    %swap3A_191 = arith.constant 0 : index
    %swap3A_192 = vector.load %arg33[%swap3A_190, %swap3A_191] : memref<128x6144xbf16, #tpu.memory_space<vmem>>, vector<128x6144xbf16>
    tpu.vector_store %arg33[%swap3A_190, %swap3A_191], %convert_element_type3A_189 {strides = array<i32>} : memref<128x6144xbf16, #tpu.memory_space<vmem>>, vector<128x6144xbf16>,
    %concatenate3A_193 = tpu.concatenate %slice3A_167, %slice3A_168, %slice3A_169, %broadcast_in_dim3A_163, %slice3A_173, %slice3A_174, %slice3A_175, %broadcast_in_dim3A_163, %slice3A_179, %slice3A_180, %slice3A_181, %broadcast_in_dim3A_163, %slice3A_185, %slice3A_186, %slice3A_187, %broadcast_in_dim3A_163 in 0 : vector<8x6144xf32>, vector<8x6144xf32>, vector<8x6144xf32>, vector<8x6144xf32>, vector<8x6144xf32>, vector<8x6144xf32>, vector<8x6144xf32>, vector<8x6144xf32>, vector<8x6144xf32>, vector<8x6144xf32>, vector<8x6144xf32>, vector<8x6144xf32>, vector<8x6144xf32>, vector<8x6144xf32>, vector<8x6144xf32>, vector<8x6144xf32> -> vector<128x6144xf32>
    %convert_element_type3A_194 = arith.truncf %concatenate3A_193 : vector<128x6144xf32> to vector<128x6144xbf16>
    %swap3A_195 = arith.constant 0 : index
    %swap3A_196 = arith.constant 0 : index
    %swap3A_197 = vector.load %arg34[%swap3A_195, %swap3A_196] : memref<128x6144xbf16, #tpu.memory_space<vmem>>, vector<128x6144xbf16>
    tpu.vector_store %arg34[%swap3A_195, %swap3A_196], %convert_element_type3A_194 {strides = array<i32>} : memref<128x6144xbf16, #tpu.memory_space<vmem>>, vector<128x6144xbf16>,
    %scan3A_198 = arith.constant 0 : i32
    %scan3A_199 = arith.constant 12 : i32
    %scan3A_200 = arith.addi %scan3A_198, %scan3A_199 : i32
    %scan3A_201 = arith.constant 1 : i32
    scf.for %scan3A_208 = %scan3A_198 to %scan3A_200 step %scan3A_201  : i32 {
      %eq3A = arith.constant 0 : i32
      %eq3A_209 = arith.cmpi eq, %scan3A_208, %eq3A : i32
      %sub3A_210 = arith.constant 1 : i32
      %sub3A_211 = arith.subi %scan3A_208, %sub3A_210 : i32
      %jit3A = arith.constant 2 : i32
      %select_n3A = arith.select %eq3A_209, %jit3A, %sub3A_211 : i32
      %eq3A_212 = arith.constant 11 : i32
      %eq3A_213 = arith.cmpi eq, %scan3A_208, %eq3A_212 : i32
      %add3A_214 = arith.constant 1 : i32
      %add3A_215 = arith.addi %scan3A_208, %add3A_214 : i32
      %jit3A_216 = arith.constant 9 : i32
      %select_n3A_217 = arith.select %eq3A_213, %jit3A_216, %add3A_215 : i32
      %mul3A_218 = arith.constant 512 : i32
      %mul3A_219 = arith.muli %scan3A_208, %mul3A_218 : i32
      %add3A_220 = arith.constant 0 : i32
      %add3A_221 = arith.addi %mul3A_219, %add3A_220 : i32
      %get3A_222 = arith.constant 0 : index
      %get3A_223 = arith.index_cast %add3A_221 : i32 to index
      %get3A_224 = vector.load %arg33[%get3A_222, %get3A_223] : memref<128x6144xbf16, #tpu.memory_space<vmem>>, vector<32x128xbf16>
      %get3A_225 = arith.constant 0 : index
      %get3A_226 = arith.constant 0 : index
      %get3A_227 = vector.load %arg4[%get3A_225, %get3A_226] : memref<512x512xf32, #tpu.memory_space<vmem>>, vector<128x512xf32>
      %broadcast_in_dim3A_228 = arith.constant 0.000000e+00 : f32
      %broadcast_in_dim3A_229 = vector.broadcast %broadcast_in_dim3A_228 : f32 to vector<8x128xf32>
      %mul3A_230 = arith.constant 512 : i32
      %mul3A_231 = arith.muli %select_n3A, %mul3A_230 : i32
      %get3A_232 = arith.constant 0 : index
      %get3A_233 = arith.index_cast %mul3A_231 : i32 to index
      %get3A_234 = vector.load %arg34[%get3A_232, %get3A_233] : memref<128x6144xbf16, #tpu.memory_space<vmem>>, vector<32x512xbf16>
      %mul3A_235 = arith.constant 512 : i32
      %mul3A_236 = arith.muli %select_n3A, %mul3A_235 : i32
      %get3A_237 = arith.constant 0 : index
      %get3A_238 = arith.index_cast %mul3A_236 : i32 to index
      %get3A_239 = vector.load %arg35[%get3A_237, %get3A_238] : memref<32x6144xf32, #tpu.memory_space<vmem>>, vector<8x512xf32>
      %dot_general3A_240 = arith.constant dense<0.000000e+00> : vector<128x512xf32>
      %dot_general3A_241 = tpu.matmul %get3A_224, %get3A_234, %dot_general3A_240 {dimension_numbers = #tpu.dot_dimension_numbers<[0], [0], [1], [1], [0, 1, 1, 1], [], []>, transpose_lhs_hint = false} : vector<32x128xbf16>, vector<32x512xbf16>, vector<128x512xf32> -> vector<128x512xf32>
      %add3A_242 = arith.addf %dot_general3A_241, %get3A_227 : vector<128x512xf32>
      %reduce_max3A = arith.constant dense<0xFF800000> : vector<128xf32>
      %reduce_max3A_243 = vector.multi_reduction <maximumf>, %add3A_242, %reduce_max3A [1] : vector<128x512xf32> to vector<128xf32>
      %broadcast_in_dim3A_244 = vector.shape_cast %reduce_max3A_243 : vector<128xf32> to vector<128x1xf32>
      %max3A = arith.constant -1.000000e+30 : f32
      %max3A_245 = vector.broadcast %max3A : f32 to vector<128x1xf32>
      %max3A_246 = arith.maximumf %broadcast_in_dim3A_244, %max3A_245 : vector<128x1xf32>
      %sub3A_247 = vector.broadcast %max3A_246 : vector<128x1xf32> to vector<128x512xf32>
      %sub3A_248 = arith.subf %add3A_242, %sub3A_247 : vector<128x512xf32>
      %exp3A = math.exp %sub3A_248 : vector<128x512xf32>
      %dot_general3A_249 = arith.constant dense<0.000000e+00> : vector<8x128xf32>
      %dot_general3A_250 = tpu.matmul %broadcast_in_dim3A_9, %exp3A, %dot_general3A_249 {dimension_numbers = #tpu.dot_dimension_numbers<[1], [1], [0], [0], [0, 0, 1, 0], [], []>, transpose_lhs_hint = false} : vector<8x512xf32>, vector<128x512xf32>, vector<8x128xf32> -> vector<8x128xf32>
      %slice3A_251 = vector.extract_strided_slice %dot_general3A_250 {offsets = [0, 0], sizes = [1, 128], strides = [1, 1]} : vector<8x128xf32> to vector<1x128xf32>
      %add3A_252 = arith.constant 1.000000e-16 : f32
      %add3A_253 = vector.broadcast %add3A_252 : f32 to vector<1x128xf32>
      %add3A_254 = arith.addf %slice3A_251, %add3A_253 : vector<1x128xf32>
      %dot_general3A_255 = arith.constant dense<0.000000e+00> : vector<8x128xf32>
      %dot_general3A_256 = tpu.matmul %get3A_239, %exp3A, %dot_general3A_255 {dimension_numbers = #tpu.dot_dimension_numbers<[1], [1], [0], [0], [0, 0, 1, 0], [], []>, transpose_lhs_hint = false} : vector<8x512xf32>, vector<128x512xf32>, vector<8x128xf32> -> vector<8x128xf32>
      %div3A = vector.broadcast %add3A_254 : vector<1x128xf32> to vector<8x128xf32>
      %div3A_257 = arith.divf %dot_general3A_256, %div3A : vector<8x128xf32>
      %add3A_258 = arith.addf %broadcast_in_dim3A_229, %div3A_257 : vector<8x128xf32>
      %mul3A_259 = arith.constant 512 : i32
      %mul3A_260 = arith.muli %scan3A_208, %mul3A_259 : i32
      %get3A_261 = arith.constant 0 : index
      %get3A_262 = arith.index_cast %mul3A_260 : i32 to index
      %get3A_263 = vector.load %arg34[%get3A_261, %get3A_262] : memref<128x6144xbf16, #tpu.memory_space<vmem>>, vector<32x512xbf16>
      %mul3A_264 = arith.constant 512 : i32
      %mul3A_265 = arith.muli %scan3A_208, %mul3A_264 : i32
      %get3A_266 = arith.constant 0 : index
      %get3A_267 = arith.index_cast %mul3A_265 : i32 to index
      %get3A_268 = vector.load %arg35[%get3A_266, %get3A_267] : memref<32x6144xf32, #tpu.memory_space<vmem>>, vector<8x512xf32>
      %dot_general3A_269 = arith.constant dense<0.000000e+00> : vector<128x512xf32>
      %dot_general3A_270 = tpu.matmul %get3A_224, %get3A_263, %dot_general3A_269 {dimension_numbers = #tpu.dot_dimension_numbers<[0], [0], [1], [1], [0, 1, 1, 1], [], []>, transpose_lhs_hint = false} : vector<32x128xbf16>, vector<32x512xbf16>, vector<128x512xf32> -> vector<128x512xf32>
      %add3A_271 = arith.addf %dot_general3A_270, %get3A_227 : vector<128x512xf32>
      %reduce_max3A_272 = arith.constant dense<0xFF800000> : vector<128xf32>
      %reduce_max3A_273 = vector.multi_reduction <maximumf>, %add3A_271, %reduce_max3A_272 [1] : vector<128x512xf32> to vector<128xf32>
      %broadcast_in_dim3A_274 = vector.shape_cast %reduce_max3A_273 : vector<128xf32> to vector<128x1xf32>
      %max3A_275 = arith.constant -1.000000e+30 : f32
      %max3A_276 = vector.broadcast %max3A_275 : f32 to vector<128x1xf32>
      %max3A_277 = arith.maximumf %broadcast_in_dim3A_274, %max3A_276 : vector<128x1xf32>
      %sub3A_278 = vector.broadcast %max3A_277 : vector<128x1xf32> to vector<128x512xf32>
      %sub3A_279 = arith.subf %add3A_271, %sub3A_278 : vector<128x512xf32>
      %exp3A_280 = math.exp %sub3A_279 : vector<128x512xf32>
      %dot_general3A_281 = arith.constant dense<0.000000e+00> : vector<8x128xf32>
      %dot_general3A_282 = tpu.matmul %broadcast_in_dim3A_9, %exp3A_280, %dot_general3A_281 {dimension_numbers = #tpu.dot_dimension_numbers<[1], [1], [0], [0], [0, 0, 1, 0], [], []>, transpose_lhs_hint = false} : vector<8x512xf32>, vector<128x512xf32>, vector<8x128xf32> -> vector<8x128xf32>
      %slice3A_283 = vector.extract_strided_slice %dot_general3A_282 {offsets = [0, 0], sizes = [1, 128], strides = [1, 1]} : vector<8x128xf32> to vector<1x128xf32>
      %add3A_284 = arith.constant 1.000000e-16 : f32
      %add3A_285 = vector.broadcast %add3A_284 : f32 to vector<1x128xf32>
      %add3A_286 = arith.addf %slice3A_283, %add3A_285 : vector<1x128xf32>
      %dot_general3A_287 = arith.constant dense<0.000000e+00> : vector<8x128xf32>
      %dot_general3A_288 = tpu.matmul %get3A_268, %exp3A_280, %dot_general3A_287 {dimension_numbers = #tpu.dot_dimension_numbers<[1], [1], [0], [0], [0, 0, 1, 0], [], []>, transpose_lhs_hint = false} : vector<8x512xf32>, vector<128x512xf32>, vector<8x128xf32> -> vector<8x128xf32>
      %div3A_289 = vector.broadcast %add3A_286 : vector<1x128xf32> to vector<8x128xf32>
      %div3A_290 = arith.divf %dot_general3A_288, %div3A_289 : vector<8x128xf32>
      %add3A_291 = arith.addf %add3A_258, %div3A_290 : vector<8x128xf32>
      %mul3A_292 = arith.constant 512 : i32
      %mul3A_293 = arith.muli %select_n3A_217, %mul3A_292 : i32
      %get3A_294 = arith.constant 0 : index
      %get3A_295 = arith.index_cast %mul3A_293 : i32 to index
      %get3A_296 = vector.load %arg34[%get3A_294, %get3A_295] : memref<128x6144xbf16, #tpu.memory_space<vmem>>, vector<32x512xbf16>
      %mul3A_297 = arith.constant 512 : i32
      %mul3A_298 = arith.muli %select_n3A_217, %mul3A_297 : i32
      %get3A_299 = arith.constant 0 : index
      %get3A_300 = arith.index_cast %mul3A_298 : i32 to index
      %get3A_301 = vector.load %arg35[%get3A_299, %get3A_300] : memref<32x6144xf32, #tpu.memory_space<vmem>>, vector<8x512xf32>
      %dot_general3A_302 = arith.constant dense<0.000000e+00> : vector<128x512xf32>
      %dot_general3A_303 = tpu.matmul %get3A_224, %get3A_296, %dot_general3A_302 {dimension_numbers = #tpu.dot_dimension_numbers<[0], [0], [1], [1], [0, 1, 1, 1], [], []>, transpose_lhs_hint = false} : vector<32x128xbf16>, vector<32x512xbf16>, vector<128x512xf32> -> vector<128x512xf32>
      %add3A_304 = arith.addf %dot_general3A_303, %get3A_227 : vector<128x512xf32>
      %reduce_max3A_305 = arith.constant dense<0xFF800000> : vector<128xf32>
      %reduce_max3A_306 = vector.multi_reduction <maximumf>, %add3A_304, %reduce_max3A_305 [1] : vector<128x512xf32> to vector<128xf32>
      %broadcast_in_dim3A_307 = vector.shape_cast %reduce_max3A_306 : vector<128xf32> to vector<128x1xf32>
      %max3A_308 = arith.constant -1.000000e+30 : f32
      %max3A_309 = vector.broadcast %max3A_308 : f32 to vector<128x1xf32>
      %max3A_310 = arith.maximumf %broadcast_in_dim3A_307, %max3A_309 : vector<128x1xf32>
      %sub3A_311 = vector.broadcast %max3A_310 : vector<128x1xf32> to vector<128x512xf32>
      %sub3A_312 = arith.subf %add3A_304, %sub3A_311 : vector<128x512xf32>
      %exp3A_313 = math.exp %sub3A_312 : vector<128x512xf32>
      %dot_general3A_314 = arith.constant dense<0.000000e+00> : vector<8x128xf32>
      %dot_general3A_315 = tpu.matmul %broadcast_in_dim3A_9, %exp3A_313, %dot_general3A_314 {dimension_numbers = #tpu.dot_dimension_numbers<[1], [1], [0], [0], [0, 0, 1, 0], [], []>, transpose_lhs_hint = false} : vector<8x512xf32>, vector<128x512xf32>, vector<8x128xf32> -> vector<8x128xf32>
      %slice3A_316 = vector.extract_strided_slice %dot_general3A_315 {offsets = [0, 0], sizes = [1, 128], strides = [1, 1]} : vector<8x128xf32> to vector<1x128xf32>
      %add3A_317 = arith.constant 1.000000e-16 : f32
      %add3A_318 = vector.broadcast %add3A_317 : f32 to vector<1x128xf32>
      %add3A_319 = arith.addf %slice3A_316, %add3A_318 : vector<1x128xf32>
      %dot_general3A_320 = arith.constant dense<0.000000e+00> : vector<8x128xf32>
      %dot_general3A_321 = tpu.matmul %get3A_301, %exp3A_313, %dot_general3A_320 {dimension_numbers = #tpu.dot_dimension_numbers<[1], [1], [0], [0], [0, 0, 1, 0], [], []>, transpose_lhs_hint = false} : vector<8x512xf32>, vector<128x512xf32>, vector<8x128xf32> -> vector<8x128xf32>
      %div3A_322 = vector.broadcast %add3A_319 : vector<1x128xf32> to vector<8x128xf32>
      %div3A_323 = arith.divf %dot_general3A_321, %div3A_322 : vector<8x128xf32>
      %add3A_324 = arith.addf %add3A_291, %div3A_323 : vector<8x128xf32>
      %mul3A_325 = arith.constant 0.333333343 : f32
      %mul3A_326 = vector.broadcast %mul3A_325 : f32 to vector<8x128xf32>
      %mul3A_327 = arith.mulf %add3A_324, %mul3A_326 : vector<8x128xf32>
      %mul3A_328 = arith.constant 512 : i32
      %mul3A_329 = arith.muli %scan3A_208, %mul3A_328 : i32
      %add3A_330 = arith.constant 0 : i32
      %add3A_331 = arith.addi %mul3A_329, %add3A_330 : i32
      %swap3A_332 = arith.constant 0 : index
      %swap3A_333 = arith.index_cast %add3A_331 : i32 to index
      %swap3A_334 = vector.load %arg37[%swap3A_332, %swap3A_333] : memref<32x6144xf32, #tpu.memory_space<vmem>>, vector<8x128xf32>
      tpu.vector_store %arg37[%swap3A_332, %swap3A_333], %mul3A_327 {strides = array<i32>} : memref<32x6144xf32, #tpu.memory_space<vmem>>, vector<8x128xf32>,
      %mul3A_335 = arith.constant 512 : i32
      %mul3A_336 = arith.muli %scan3A_208, %mul3A_335 : i32
      %add3A_337 = arith.constant 128 : i32
      %add3A_338 = arith.addi %mul3A_336, %add3A_337 : i32
      %get3A_339 = arith.constant 0 : index
      %get3A_340 = arith.index_cast %add3A_338 : i32 to index
      %get3A_341 = vector.load %arg33[%get3A_339, %get3A_340] : memref<128x6144xbf16, #tpu.memory_space<vmem>>, vector<32x128xbf16>
      %get3A_342 = arith.constant 128 : index
      %get3A_343 = arith.constant 0 : index
      %get3A_344 = vector.load %arg4[%get3A_342, %get3A_343] : memref<512x512xf32, #tpu.memory_space<vmem>>, vector<128x512xf32>
      %broadcast_in_dim3A_345 = arith.constant 0.000000e+00 : f32
      %broadcast_in_dim3A_346 = vector.broadcast %broadcast_in_dim3A_345 : f32 to vector<8x128xf32>
      %mul3A_347 = arith.constant 512 : i32
      %mul3A_348 = arith.muli %select_n3A, %mul3A_347 : i32
      %get3A_349 = arith.constant 0 : index
      %get3A_350 = arith.index_cast %mul3A_348 : i32 to index
      %get3A_351 = vector.load %arg34[%get3A_349, %get3A_350] : memref<128x6144xbf16, #tpu.memory_space<vmem>>, vector<32x512xbf16>
      %mul3A_352 = arith.constant 512 : i32
      %mul3A_353 = arith.muli %select_n3A, %mul3A_352 : i32
      %get3A_354 = arith.constant 0 : index
      %get3A_355 = arith.index_cast %mul3A_353 : i32 to index
      %get3A_356 = vector.load %arg35[%get3A_354, %get3A_355] : memref<32x6144xf32, #tpu.memory_space<vmem>>, vector<8x512xf32>
      %dot_general3A_357 = arith.constant dense<0.000000e+00> : vector<128x512xf32>
      %dot_general3A_358 = tpu.matmul %get3A_341, %get3A_351, %dot_general3A_357 {dimension_numbers = #tpu.dot_dimension_numbers<[0], [0], [1], [1], [0, 1, 1, 1], [], []>, transpose_lhs_hint = false} : vector<32x128xbf16>, vector<32x512xbf16>, vector<128x512xf32> -> vector<128x512xf32>
      %add3A_359 = arith.addf %dot_general3A_358, %get3A_344 : vector<128x512xf32>
      %reduce_max3A_360 = arith.constant dense<0xFF800000> : vector<128xf32>
      %reduce_max3A_361 = vector.multi_reduction <maximumf>, %add3A_359, %reduce_max3A_360 [1] : vector<128x512xf32> to vector<128xf32>
      %broadcast_in_dim3A_362 = vector.shape_cast %reduce_max3A_361 : vector<128xf32> to vector<128x1xf32>
      %max3A_363 = arith.constant -1.000000e+30 : f32
      %max3A_364 = vector.broadcast %max3A_363 : f32 to vector<128x1xf32>
      %max3A_365 = arith.maximumf %broadcast_in_dim3A_362, %max3A_364 : vector<128x1xf32>
      %sub3A_366 = vector.broadcast %max3A_365 : vector<128x1xf32> to vector<128x512xf32>
      %sub3A_367 = arith.subf %add3A_359, %sub3A_366 : vector<128x512xf32>
      %exp3A_368 = math.exp %sub3A_367 : vector<128x512xf32>
      %dot_general3A_369 = arith.constant dense<0.000000e+00> : vector<8x128xf32>
      %dot_general3A_370 = tpu.matmul %broadcast_in_dim3A_9, %exp3A_368, %dot_general3A_369 {dimension_numbers = #tpu.dot_dimension_numbers<[1], [1], [0], [0], [0, 0, 1, 0], [], []>, transpose_lhs_hint = false} : vector<8x512xf32>, vector<128x512xf32>, vector<8x128xf32> -> vector<8x128xf32>
      %slice3A_371 = vector.extract_strided_slice %dot_general3A_370 {offsets = [0, 0], sizes = [1, 128], strides = [1, 1]} : vector<8x128xf32> to vector<1x128xf32>
      %add3A_372 = arith.constant 1.000000e-16 : f32
      %add3A_373 = vector.broadcast %add3A_372 : f32 to vector<1x128xf32>
      %add3A_374 = arith.addf %slice3A_371, %add3A_373 : vector<1x128xf32>
      %dot_general3A_375 = arith.constant dense<0.000000e+00> : vector<8x128xf32>
      %dot_general3A_376 = tpu.matmul %get3A_356, %exp3A_368, %dot_general3A_375 {dimension_numbers = #tpu.dot_dimension_numbers<[1], [1], [0], [0], [0, 0, 1, 0], [], []>, transpose_lhs_hint = false} : vector<8x512xf32>, vector<128x512xf32>, vector<8x128xf32> -> vector<8x128xf32>
      %div3A_377 = vector.broadcast %add3A_374 : vector<1x128xf32> to vector<8x128xf32>
      %div3A_378 = arith.divf %dot_general3A_376, %div3A_377 : vector<8x128xf32>
      %add3A_379 = arith.addf %broadcast_in_dim3A_346, %div3A_378 : vector<8x128xf32>
      %mul3A_380 = arith.constant 512 : i32
      %mul3A_381 = arith.muli %scan3A_208, %mul3A_380 : i32
      %get3A_382 = arith.constant 0 : index
      %get3A_383 = arith.index_cast %mul3A_381 : i32 to index
      %get3A_384 = vector.load %arg34[%get3A_382, %get3A_383] : memref<128x6144xbf16, #tpu.memory_space<vmem>>, vector<32x512xbf16>
      %mul3A_385 = arith.constant 512 : i32
      %mul3A_386 = arith.muli %scan3A_208, %mul3A_385 : i32
      %get3A_387 = arith.constant 0 : index
      %get3A_388 = arith.index_cast %mul3A_386 : i32 to index
      %get3A_389 = vector.load %arg35[%get3A_387, %get3A_388] : memref<32x6144xf32, #tpu.memory_space<vmem>>, vector<8x512xf32>
      %dot_general3A_390 = arith.constant dense<0.000000e+00> : vector<128x512xf32>
      %dot_general3A_391 = tpu.matmul %get3A_341, %get3A_384, %dot_general3A_390 {dimension_numbers = #tpu.dot_dimension_numbers<[0], [0], [1], [1], [0, 1, 1, 1], [], []>, transpose_lhs_hint = false} : vector<32x128xbf16>, vector<32x512xbf16>, vector<128x512xf32> -> vector<128x512xf32>
      %add3A_392 = arith.addf %dot_general3A_391, %get3A_344 : vector<128x512xf32>
      %reduce_max3A_393 = arith.constant dense<0xFF800000> : vector<128xf32>
      %reduce_max3A_394 = vector.multi_reduction <maximumf>, %add3A_392, %reduce_max3A_393 [1] : vector<128x512xf32> to vector<128xf32>
      %broadcast_in_dim3A_395 = vector.shape_cast %reduce_max3A_394 : vector<128xf32> to vector<128x1xf32>
      %max3A_396 = arith.constant -1.000000e+30 : f32
      %max3A_397 = vector.broadcast %max3A_396 : f32 to vector<128x1xf32>
      %max3A_398 = arith.maximumf %broadcast_in_dim3A_395, %max3A_397 : vector<128x1xf32>
      %sub3A_399 = vector.broadcast %max3A_398 : vector<128x1xf32> to vector<128x512xf32>
      %sub3A_400 = arith.subf %add3A_392, %sub3A_399 : vector<128x512xf32>
      %exp3A_401 = math.exp %sub3A_400 : vector<128x512xf32>
      %dot_general3A_402 = arith.constant dense<0.000000e+00> : vector<8x128xf32>
      %dot_general3A_403 = tpu.matmul %broadcast_in_dim3A_9, %exp3A_401, %dot_general3A_402 {dimension_numbers = #tpu.dot_dimension_numbers<[1], [1], [0], [0], [0, 0, 1, 0], [], []>, transpose_lhs_hint = false} : vector<8x512xf32>, vector<128x512xf32>, vector<8x128xf32> -> vector<8x128xf32>
      %slice3A_404 = vector.extract_strided_slice %dot_general3A_403 {offsets = [0, 0], sizes = [1, 128], strides = [1, 1]} : vector<8x128xf32> to vector<1x128xf32>
      %add3A_405 = arith.constant 1.000000e-16 : f32
      %add3A_406 = vector.broadcast %add3A_405 : f32 to vector<1x128xf32>
      %add3A_407 = arith.addf %slice3A_404, %add3A_406 : vector<1x128xf32>
      %dot_general3A_408 = arith.constant dense<0.000000e+00> : vector<8x128xf32>
      %dot_general3A_409 = tpu.matmul %get3A_389, %exp3A_401, %dot_general3A_408 {dimension_numbers = #tpu.dot_dimension_numbers<[1], [1], [0], [0], [0, 0, 1, 0], [], []>, transpose_lhs_hint = false} : vector<8x512xf32>, vector<128x512xf32>, vector<8x128xf32> -> vector<8x128xf32>
      %div3A_410 = vector.broadcast %add3A_407 : vector<1x128xf32> to vector<8x128xf32>
      %div3A_411 = arith.divf %dot_general3A_409, %div3A_410 : vector<8x128xf32>
      %add3A_412 = arith.addf %add3A_379, %div3A_411 : vector<8x128xf32>
      %mul3A_413 = arith.constant 512 : i32
      %mul3A_414 = arith.muli %select_n3A_217, %mul3A_413 : i32
      %get3A_415 = arith.constant 0 : index
      %get3A_416 = arith.index_cast %mul3A_414 : i32 to index
      %get3A_417 = vector.load %arg34[%get3A_415, %get3A_416] : memref<128x6144xbf16, #tpu.memory_space<vmem>>, vector<32x512xbf16>
      %mul3A_418 = arith.constant 512 : i32
      %mul3A_419 = arith.muli %select_n3A_217, %mul3A_418 : i32
      %get3A_420 = arith.constant 0 : index
      %get3A_421 = arith.index_cast %mul3A_419 : i32 to index
      %get3A_422 = vector.load %arg35[%get3A_420, %get3A_421] : memref<32x6144xf32, #tpu.memory_space<vmem>>, vector<8x512xf32>
      %dot_general3A_423 = arith.constant dense<0.000000e+00> : vector<128x512xf32>
      %dot_general3A_424 = tpu.matmul %get3A_341, %get3A_417, %dot_general3A_423 {dimension_numbers = #tpu.dot_dimension_numbers<[0], [0], [1], [1], [0, 1, 1, 1], [], []>, transpose_lhs_hint = false} : vector<32x128xbf16>, vector<32x512xbf16>, vector<128x512xf32> -> vector<128x512xf32>
      %add3A_425 = arith.addf %dot_general3A_424, %get3A_344 : vector<128x512xf32>
      %reduce_max3A_426 = arith.constant dense<0xFF800000> : vector<128xf32>
      %reduce_max3A_427 = vector.multi_reduction <maximumf>, %add3A_425, %reduce_max3A_426 [1] : vector<128x512xf32> to vector<128xf32>
      %broadcast_in_dim3A_428 = vector.shape_cast %reduce_max3A_427 : vector<128xf32> to vector<128x1xf32>
      %max3A_429 = arith.constant -1.000000e+30 : f32
      %max3A_430 = vector.broadcast %max3A_429 : f32 to vector<128x1xf32>
      %max3A_431 = arith.maximumf %broadcast_in_dim3A_428, %max3A_430 : vector<128x1xf32>
      %sub3A_432 = vector.broadcast %max3A_431 : vector<128x1xf32> to vector<128x512xf32>
      %sub3A_433 = arith.subf %add3A_425, %sub3A_432 : vector<128x512xf32>
      %exp3A_434 = math.exp %sub3A_433 : vector<128x512xf32>
      %dot_general3A_435 = arith.constant dense<0.000000e+00> : vector<8x128xf32>
      %dot_general3A_436 = tpu.matmul %broadcast_in_dim3A_9, %exp3A_434, %dot_general3A_435 {dimension_numbers = #tpu.dot_dimension_numbers<[1], [1], [0], [0], [0, 0, 1, 0], [], []>, transpose_lhs_hint = false} : vector<8x512xf32>, vector<128x512xf32>, vector<8x128xf32> -> vector<8x128xf32>
      %slice3A_437 = vector.extract_strided_slice %dot_general3A_436 {offsets = [0, 0], sizes = [1, 128], strides = [1, 1]} : vector<8x128xf32> to vector<1x128xf32>
      %add3A_438 = arith.constant 1.000000e-16 : f32
      %add3A_439 = vector.broadcast %add3A_438 : f32 to vector<1x128xf32>
      %add3A_440 = arith.addf %slice3A_437, %add3A_439 : vector<1x128xf32>
      %dot_general3A_441 = arith.constant dense<0.000000e+00> : vector<8x128xf32>
      %dot_general3A_442 = tpu.matmul %get3A_422, %exp3A_434, %dot_general3A_441 {dimension_numbers = #tpu.dot_dimension_numbers<[1], [1], [0], [0], [0, 0, 1, 0], [], []>, transpose_lhs_hint = false} : vector<8x512xf32>, vector<128x512xf32>, vector<8x128xf32> -> vector<8x128xf32>
      %div3A_443 = vector.broadcast %add3A_440 : vector<1x128xf32> to vector<8x128xf32>
      %div3A_444 = arith.divf %dot_general3A_442, %div3A_443 : vector<8x128xf32>
      %add3A_445 = arith.addf %add3A_412, %div3A_444 : vector<8x128xf32>
      %mul3A_446 = arith.constant 0.333333343 : f32
      %mul3A_447 = vector.broadcast %mul3A_446 : f32 to vector<8x128xf32>
      %mul3A_448 = arith.mulf %add3A_445, %mul3A_447 : vector<8x128xf32>
      %mul3A_449 = arith.constant 512 : i32
      %mul3A_450 = arith.muli %scan3A_208, %mul3A_449 : i32
      %add3A_451 = arith.constant 128 : i32
      %add3A_452 = arith.addi %mul3A_450, %add3A_451 : i32
      %swap3A_453 = arith.constant 0 : index
      %swap3A_454 = arith.index_cast %add3A_452 : i32 to index
      %swap3A_455 = vector.load %arg37[%swap3A_453, %swap3A_454] : memref<32x6144xf32, #tpu.memory_space<vmem>>, vector<8x128xf32>
      tpu.vector_store %arg37[%swap3A_453, %swap3A_454], %mul3A_448 {strides = array<i32>} : memref<32x6144xf32, #tpu.memory_space<vmem>>, vector<8x128xf32>,
      %mul3A_456 = arith.constant 512 : i32
      %mul3A_457 = arith.muli %scan3A_208, %mul3A_456 : i32
      %add3A_458 = arith.constant 256 : i32
      %add3A_459 = arith.addi %mul3A_457, %add3A_458 : i32
      %get3A_460 = arith.constant 0 : index
      %get3A_461 = arith.index_cast %add3A_459 : i32 to index
      %get3A_462 = vector.load %arg33[%get3A_460, %get3A_461] : memref<128x6144xbf16, #tpu.memory_space<vmem>>, vector<32x128xbf16>
      %get3A_463 = arith.constant 256 : index
      %get3A_464 = arith.constant 0 : index
      %get3A_465 = vector.load %arg4[%get3A_463, %get3A_464] : memref<512x512xf32, #tpu.memory_space<vmem>>, vector<128x512xf32>
      %broadcast_in_dim3A_466 = arith.constant 0.000000e+00 : f32
      %broadcast_in_dim3A_467 = vector.broadcast %broadcast_in_dim3A_466 : f32 to vector<8x128xf32>
      %mul3A_468 = arith.constant 512 : i32
      %mul3A_469 = arith.muli %select_n3A, %mul3A_468 : i32
      %get3A_470 = arith.constant 0 : index
      %get3A_471 = arith.index_cast %mul3A_469 : i32 to index
      %get3A_472 = vector.load %arg34[%get3A_470, %get3A_471] : memref<128x6144xbf16, #tpu.memory_space<vmem>>, vector<32x512xbf16>
      %mul3A_473 = arith.constant 512 : i32
      %mul3A_474 = arith.muli %select_n3A, %mul3A_473 : i32
      %get3A_475 = arith.constant 0 : index
      %get3A_476 = arith.index_cast %mul3A_474 : i32 to index
      %get3A_477 = vector.load %arg35[%get3A_475, %get3A_476] : memref<32x6144xf32, #tpu.memory_space<vmem>>, vector<8x512xf32>
      %dot_general3A_478 = arith.constant dense<0.000000e+00> : vector<128x512xf32>
      %dot_general3A_479 = tpu.matmul %get3A_462, %get3A_472, %dot_general3A_478 {dimension_numbers = #tpu.dot_dimension_numbers<[0], [0], [1], [1], [0, 1, 1, 1], [], []>, transpose_lhs_hint = false} : vector<32x128xbf16>, vector<32x512xbf16>, vector<128x512xf32> -> vector<128x512xf32>
      %add3A_480 = arith.addf %dot_general3A_479, %get3A_465 : vector<128x512xf32>
      %reduce_max3A_481 = arith.constant dense<0xFF800000> : vector<128xf32>
      %reduce_max3A_482 = vector.multi_reduction <maximumf>, %add3A_480, %reduce_max3A_481 [1] : vector<128x512xf32> to vector<128xf32>
      %broadcast_in_dim3A_483 = vector.shape_cast %reduce_max3A_482 : vector<128xf32> to vector<128x1xf32>
      %max3A_484 = arith.constant -1.000000e+30 : f32
      %max3A_485 = vector.broadcast %max3A_484 : f32 to vector<128x1xf32>
      %max3A_486 = arith.maximumf %broadcast_in_dim3A_483, %max3A_485 : vector<128x1xf32>
      %sub3A_487 = vector.broadcast %max3A_486 : vector<128x1xf32> to vector<128x512xf32>
      %sub3A_488 = arith.subf %add3A_480, %sub3A_487 : vector<128x512xf32>
      %exp3A_489 = math.exp %sub3A_488 : vector<128x512xf32>
      %dot_general3A_490 = arith.constant dense<0.000000e+00> : vector<8x128xf32>
      %dot_general3A_491 = tpu.matmul %broadcast_in_dim3A_9, %exp3A_489, %dot_general3A_490 {dimension_numbers = #tpu.dot_dimension_numbers<[1], [1], [0], [0], [0, 0, 1, 0], [], []>, transpose_lhs_hint = false} : vector<8x512xf32>, vector<128x512xf32>, vector<8x128xf32> -> vector<8x128xf32>
      %slice3A_492 = vector.extract_strided_slice %dot_general3A_491 {offsets = [0, 0], sizes = [1, 128], strides = [1, 1]} : vector<8x128xf32> to vector<1x128xf32>
      %add3A_493 = arith.constant 1.000000e-16 : f32
      %add3A_494 = vector.broadcast %add3A_493 : f32 to vector<1x128xf32>
      %add3A_495 = arith.addf %slice3A_492, %add3A_494 : vector<1x128xf32>
      %dot_general3A_496 = arith.constant dense<0.000000e+00> : vector<8x128xf32>
      %dot_general3A_497 = tpu.matmul %get3A_477, %exp3A_489, %dot_general3A_496 {dimension_numbers = #tpu.dot_dimension_numbers<[1], [1], [0], [0], [0, 0, 1, 0], [], []>, transpose_lhs_hint = false} : vector<8x512xf32>, vector<128x512xf32>, vector<8x128xf32> -> vector<8x128xf32>
      %div3A_498 = vector.broadcast %add3A_495 : vector<1x128xf32> to vector<8x128xf32>
      %div3A_499 = arith.divf %dot_general3A_497, %div3A_498 : vector<8x128xf32>
      %add3A_500 = arith.addf %broadcast_in_dim3A_467, %div3A_499 : vector<8x128xf32>
      %mul3A_501 = arith.constant 512 : i32
      %mul3A_502 = arith.muli %scan3A_208, %mul3A_501 : i32
      %get3A_503 = arith.constant 0 : index
      %get3A_504 = arith.index_cast %mul3A_502 : i32 to index
      %get3A_505 = vector.load %arg34[%get3A_503, %get3A_504] : memref<128x6144xbf16, #tpu.memory_space<vmem>>, vector<32x512xbf16>
      %mul3A_506 = arith.constant 512 : i32
      %mul3A_507 = arith.muli %scan3A_208, %mul3A_506 : i32
      %get3A_508 = arith.constant 0 : index
      %get3A_509 = arith.index_cast %mul3A_507 : i32 to index
      %get3A_510 = vector.load %arg35[%get3A_508, %get3A_509] : memref<32x6144xf32, #tpu.memory_space<vmem>>, vector<8x512xf32>
      %dot_general3A_511 = arith.constant dense<0.000000e+00> : vector<128x512xf32>
      %dot_general3A_512 = tpu.matmul %get3A_462, %get3A_505, %dot_general3A_511 {dimension_numbers = #tpu.dot_dimension_numbers<[0], [0], [1], [1], [0, 1, 1, 1], [], []>, transpose_lhs_hint = false} : vector<32x128xbf16>, vector<32x512xbf16>, vector<128x512xf32> -> vector<128x512xf32>
      %add3A_513 = arith.addf %dot_general3A_512, %get3A_465 : vector<128x512xf32>
      %reduce_max3A_514 = arith.constant dense<0xFF800000> : vector<128xf32>
      %reduce_max3A_515 = vector.multi_reduction <maximumf>, %add3A_513, %reduce_max3A_514 [1] : vector<128x512xf32> to vector<128xf32>
      %broadcast_in_dim3A_516 = vector.shape_cast %reduce_max3A_515 : vector<128xf32> to vector<128x1xf32>
      %max3A_517 = arith.constant -1.000000e+30 : f32
      %max3A_518 = vector.broadcast %max3A_517 : f32 to vector<128x1xf32>
      %max3A_519 = arith.maximumf %broadcast_in_dim3A_516, %max3A_518 : vector<128x1xf32>
      %sub3A_520 = vector.broadcast %max3A_519 : vector<128x1xf32> to vector<128x512xf32>
      %sub3A_521 = arith.subf %add3A_513, %sub3A_520 : vector<128x512xf32>
      %exp3A_522 = math.exp %sub3A_521 : vector<128x512xf32>
      %dot_general3A_523 = arith.constant dense<0.000000e+00> : vector<8x128xf32>
      %dot_general3A_524 = tpu.matmul %broadcast_in_dim3A_9, %exp3A_522, %dot_general3A_523 {dimension_numbers = #tpu.dot_dimension_numbers<[1], [1], [0], [0], [0, 0, 1, 0], [], []>, transpose_lhs_hint = false} : vector<8x512xf32>, vector<128x512xf32>, vector<8x128xf32> -> vector<8x128xf32>
      %slice3A_525 = vector.extract_strided_slice %dot_general3A_524 {offsets = [0, 0], sizes = [1, 128], strides = [1, 1]} : vector<8x128xf32> to vector<1x128xf32>
      %add3A_526 = arith.constant 1.000000e-16 : f32
      %add3A_527 = vector.broadcast %add3A_526 : f32 to vector<1x128xf32>
      %add3A_528 = arith.addf %slice3A_525, %add3A_527 : vector<1x128xf32>
      %dot_general3A_529 = arith.constant dense<0.000000e+00> : vector<8x128xf32>
      %dot_general3A_530 = tpu.matmul %get3A_510, %exp3A_522, %dot_general3A_529 {dimension_numbers = #tpu.dot_dimension_numbers<[1], [1], [0], [0], [0, 0, 1, 0], [], []>, transpose_lhs_hint = false} : vector<8x512xf32>, vector<128x512xf32>, vector<8x128xf32> -> vector<8x128xf32>
      %div3A_531 = vector.broadcast %add3A_528 : vector<1x128xf32> to vector<8x128xf32>
      %div3A_532 = arith.divf %dot_general3A_530, %div3A_531 : vector<8x128xf32>
      %add3A_533 = arith.addf %add3A_500, %div3A_532 : vector<8x128xf32>
      %mul3A_534 = arith.constant 512 : i32
      %mul3A_535 = arith.muli %select_n3A_217, %mul3A_534 : i32
      %get3A_536 = arith.constant 0 : index
      %get3A_537 = arith.index_cast %mul3A_535 : i32 to index
      %get3A_538 = vector.load %arg34[%get3A_536, %get3A_537] : memref<128x6144xbf16, #tpu.memory_space<vmem>>, vector<32x512xbf16>
      %mul3A_539 = arith.constant 512 : i32
      %mul3A_540 = arith.muli %select_n3A_217, %mul3A_539 : i32
      %get3A_541 = arith.constant 0 : index
      %get3A_542 = arith.index_cast %mul3A_540 : i32 to index
      %get3A_543 = vector.load %arg35[%get3A_541, %get3A_542] : memref<32x6144xf32, #tpu.memory_space<vmem>>, vector<8x512xf32>
      %dot_general3A_544 = arith.constant dense<0.000000e+00> : vector<128x512xf32>
      %dot_general3A_545 = tpu.matmul %get3A_462, %get3A_538, %dot_general3A_544 {dimension_numbers = #tpu.dot_dimension_numbers<[0], [0], [1], [1], [0, 1, 1, 1], [], []>, transpose_lhs_hint = false} : vector<32x128xbf16>, vector<32x512xbf16>, vector<128x512xf32> -> vector<128x512xf32>
      %add3A_546 = arith.addf %dot_general3A_545, %get3A_465 : vector<128x512xf32>
      %reduce_max3A_547 = arith.constant dense<0xFF800000> : vector<128xf32>
      %reduce_max3A_548 = vector.multi_reduction <maximumf>, %add3A_546, %reduce_max3A_547 [1] : vector<128x512xf32> to vector<128xf32>
      %broadcast_in_dim3A_549 = vector.shape_cast %reduce_max3A_548 : vector<128xf32> to vector<128x1xf32>
      %max3A_550 = arith.constant -1.000000e+30 : f32
      %max3A_551 = vector.broadcast %max3A_550 : f32 to vector<128x1xf32>
      %max3A_552 = arith.maximumf %broadcast_in_dim3A_549, %max3A_551 : vector<128x1xf32>
      %sub3A_553 = vector.broadcast %max3A_552 : vector<128x1xf32> to vector<128x512xf32>
      %sub3A_554 = arith.subf %add3A_546, %sub3A_553 : vector<128x512xf32>
      %exp3A_555 = math.exp %sub3A_554 : vector<128x512xf32>
      %dot_general3A_556 = arith.constant dense<0.000000e+00> : vector<8x128xf32>
      %dot_general3A_557 = tpu.matmul %broadcast_in_dim3A_9, %exp3A_555, %dot_general3A_556 {dimension_numbers = #tpu.dot_dimension_numbers<[1], [1], [0], [0], [0, 0, 1, 0], [], []>, transpose_lhs_hint = false} : vector<8x512xf32>, vector<128x512xf32>, vector<8x128xf32> -> vector<8x128xf32>
      %slice3A_558 = vector.extract_strided_slice %dot_general3A_557 {offsets = [0, 0], sizes = [1, 128], strides = [1, 1]} : vector<8x128xf32> to vector<1x128xf32>
      %add3A_559 = arith.constant 1.000000e-16 : f32
      %add3A_560 = vector.broadcast %add3A_559 : f32 to vector<1x128xf32>
      %add3A_561 = arith.addf %slice3A_558, %add3A_560 : vector<1x128xf32>
      %dot_general3A_562 = arith.constant dense<0.000000e+00> : vector<8x128xf32>
      %dot_general3A_563 = tpu.matmul %get3A_543, %exp3A_555, %dot_general3A_562 {dimension_numbers = #tpu.dot_dimension_numbers<[1], [1], [0], [0], [0, 0, 1, 0], [], []>, transpose_lhs_hint = false} : vector<8x512xf32>, vector<128x512xf32>, vector<8x128xf32> -> vector<8x128xf32>
      %div3A_564 = vector.broadcast %add3A_561 : vector<1x128xf32> to vector<8x128xf32>
      %div3A_565 = arith.divf %dot_general3A_563, %div3A_564 : vector<8x128xf32>
      %add3A_566 = arith.addf %add3A_533, %div3A_565 : vector<8x128xf32>
      %mul3A_567 = arith.constant 0.333333343 : f32
      %mul3A_568 = vector.broadcast %mul3A_567 : f32 to vector<8x128xf32>
      %mul3A_569 = arith.mulf %add3A_566, %mul3A_568 : vector<8x128xf32>
      %mul3A_570 = arith.constant 512 : i32
      %mul3A_571 = arith.muli %scan3A_208, %mul3A_570 : i32
      %add3A_572 = arith.constant 256 : i32
      %add3A_573 = arith.addi %mul3A_571, %add3A_572 : i32
      %swap3A_574 = arith.constant 0 : index
      %swap3A_575 = arith.index_cast %add3A_573 : i32 to index
      %swap3A_576 = vector.load %arg37[%swap3A_574, %swap3A_575] : memref<32x6144xf32, #tpu.memory_space<vmem>>, vector<8x128xf32>
      tpu.vector_store %arg37[%swap3A_574, %swap3A_575], %mul3A_569 {strides = array<i32>} : memref<32x6144xf32, #tpu.memory_space<vmem>>, vector<8x128xf32>,
      %mul3A_577 = arith.constant 512 : i32
      %mul3A_578 = arith.muli %scan3A_208, %mul3A_577 : i32
      %add3A_579 = arith.constant 384 : i32
      %add3A_580 = arith.addi %mul3A_578, %add3A_579 : i32
      %get3A_581 = arith.constant 0 : index
      %get3A_582 = arith.index_cast %add3A_580 : i32 to index
      %get3A_583 = vector.load %arg33[%get3A_581, %get3A_582] : memref<128x6144xbf16, #tpu.memory_space<vmem>>, vector<32x128xbf16>
      %get3A_584 = arith.constant 384 : index
      %get3A_585 = arith.constant 0 : index
      %get3A_586 = vector.load %arg4[%get3A_584, %get3A_585] : memref<512x512xf32, #tpu.memory_space<vmem>>, vector<128x512xf32>
      %broadcast_in_dim3A_587 = arith.constant 0.000000e+00 : f32
      %broadcast_in_dim3A_588 = vector.broadcast %broadcast_in_dim3A_587 : f32 to vector<8x128xf32>
      %mul3A_589 = arith.constant 512 : i32
      %mul3A_590 = arith.muli %select_n3A, %mul3A_589 : i32
      %get3A_591 = arith.constant 0 : index
      %get3A_592 = arith.index_cast %mul3A_590 : i32 to index
      %get3A_593 = vector.load %arg34[%get3A_591, %get3A_592] : memref<128x6144xbf16, #tpu.memory_space<vmem>>, vector<32x512xbf16>
      %mul3A_594 = arith.constant 512 : i32
      %mul3A_595 = arith.muli %select_n3A, %mul3A_594 : i32
      %get3A_596 = arith.constant 0 : index
      %get3A_597 = arith.index_cast %mul3A_595 : i32 to index
      %get3A_598 = vector.load %arg35[%get3A_596, %get3A_597] : memref<32x6144xf32, #tpu.memory_space<vmem>>, vector<8x512xf32>
      %dot_general3A_599 = arith.constant dense<0.000000e+00> : vector<128x512xf32>
      %dot_general3A_600 = tpu.matmul %get3A_583, %get3A_593, %dot_general3A_599 {dimension_numbers = #tpu.dot_dimension_numbers<[0], [0], [1], [1], [0, 1, 1, 1], [], []>, transpose_lhs_hint = false} : vector<32x128xbf16>, vector<32x512xbf16>, vector<128x512xf32> -> vector<128x512xf32>
      %add3A_601 = arith.addf %dot_general3A_600, %get3A_586 : vector<128x512xf32>
      %reduce_max3A_602 = arith.constant dense<0xFF800000> : vector<128xf32>
      %reduce_max3A_603 = vector.multi_reduction <maximumf>, %add3A_601, %reduce_max3A_602 [1] : vector<128x512xf32> to vector<128xf32>
      %broadcast_in_dim3A_604 = vector.shape_cast %reduce_max3A_603 : vector<128xf32> to vector<128x1xf32>
      %max3A_605 = arith.constant -1.000000e+30 : f32
      %max3A_606 = vector.broadcast %max3A_605 : f32 to vector<128x1xf32>
      %max3A_607 = arith.maximumf %broadcast_in_dim3A_604, %max3A_606 : vector<128x1xf32>
      %sub3A_608 = vector.broadcast %max3A_607 : vector<128x1xf32> to vector<128x512xf32>
      %sub3A_609 = arith.subf %add3A_601, %sub3A_608 : vector<128x512xf32>
      %exp3A_610 = math.exp %sub3A_609 : vector<128x512xf32>
      %dot_general3A_611 = arith.constant dense<0.000000e+00> : vector<8x128xf32>
      %dot_general3A_612 = tpu.matmul %broadcast_in_dim3A_9, %exp3A_610, %dot_general3A_611 {dimension_numbers = #tpu.dot_dimension_numbers<[1], [1], [0], [0], [0, 0, 1, 0], [], []>, transpose_lhs_hint = false} : vector<8x512xf32>, vector<128x512xf32>, vector<8x128xf32> -> vector<8x128xf32>
      %slice3A_613 = vector.extract_strided_slice %dot_general3A_612 {offsets = [0, 0], sizes = [1, 128], strides = [1, 1]} : vector<8x128xf32> to vector<1x128xf32>
      %add3A_614 = arith.constant 1.000000e-16 : f32
      %add3A_615 = vector.broadcast %add3A_614 : f32 to vector<1x128xf32>
      %add3A_616 = arith.addf %slice3A_613, %add3A_615 : vector<1x128xf32>
      %dot_general3A_617 = arith.constant dense<0.000000e+00> : vector<8x128xf32>
      %dot_general3A_618 = tpu.matmul %get3A_598, %exp3A_610, %dot_general3A_617 {dimension_numbers = #tpu.dot_dimension_numbers<[1], [1], [0], [0], [0, 0, 1, 0], [], []>, transpose_lhs_hint = false} : vector<8x512xf32>, vector<128x512xf32>, vector<8x128xf32> -> vector<8x128xf32>
      %div3A_619 = vector.broadcast %add3A_616 : vector<1x128xf32> to vector<8x128xf32>
      %div3A_620 = arith.divf %dot_general3A_618, %div3A_619 : vector<8x128xf32>
      %add3A_621 = arith.addf %broadcast_in_dim3A_588, %div3A_620 : vector<8x128xf32>
      %mul3A_622 = arith.constant 512 : i32
      %mul3A_623 = arith.muli %scan3A_208, %mul3A_622 : i32
      %get3A_624 = arith.constant 0 : index
      %get3A_625 = arith.index_cast %mul3A_623 : i32 to index
      %get3A_626 = vector.load %arg34[%get3A_624, %get3A_625] : memref<128x6144xbf16, #tpu.memory_space<vmem>>, vector<32x512xbf16>
      %mul3A_627 = arith.constant 512 : i32
      %mul3A_628 = arith.muli %scan3A_208, %mul3A_627 : i32
      %get3A_629 = arith.constant 0 : index
      %get3A_630 = arith.index_cast %mul3A_628 : i32 to index
      %get3A_631 = vector.load %arg35[%get3A_629, %get3A_630] : memref<32x6144xf32, #tpu.memory_space<vmem>>, vector<8x512xf32>
      %dot_general3A_632 = arith.constant dense<0.000000e+00> : vector<128x512xf32>
      %dot_general3A_633 = tpu.matmul %get3A_583, %get3A_626, %dot_general3A_632 {dimension_numbers = #tpu.dot_dimension_numbers<[0], [0], [1], [1], [0, 1, 1, 1], [], []>, transpose_lhs_hint = false} : vector<32x128xbf16>, vector<32x512xbf16>, vector<128x512xf32> -> vector<128x512xf32>
      %add3A_634 = arith.addf %dot_general3A_633, %get3A_586 : vector<128x512xf32>
      %reduce_max3A_635 = arith.constant dense<0xFF800000> : vector<128xf32>
      %reduce_max3A_636 = vector.multi_reduction <maximumf>, %add3A_634, %reduce_max3A_635 [1] : vector<128x512xf32> to vector<128xf32>
      %broadcast_in_dim3A_637 = vector.shape_cast %reduce_max3A_636 : vector<128xf32> to vector<128x1xf32>
      %max3A_638 = arith.constant -1.000000e+30 : f32
      %max3A_639 = vector.broadcast %max3A_638 : f32 to vector<128x1xf32>
      %max3A_640 = arith.maximumf %broadcast_in_dim3A_637, %max3A_639 : vector<128x1xf32>
      %sub3A_641 = vector.broadcast %max3A_640 : vector<128x1xf32> to vector<128x512xf32>
      %sub3A_642 = arith.subf %add3A_634, %sub3A_641 : vector<128x512xf32>
      %exp3A_643 = math.exp %sub3A_642 : vector<128x512xf32>
      %dot_general3A_644 = arith.constant dense<0.000000e+00> : vector<8x128xf32>
      %dot_general3A_645 = tpu.matmul %broadcast_in_dim3A_9, %exp3A_643, %dot_general3A_644 {dimension_numbers = #tpu.dot_dimension_numbers<[1], [1], [0], [0], [0, 0, 1, 0], [], []>, transpose_lhs_hint = false} : vector<8x512xf32>, vector<128x512xf32>, vector<8x128xf32> -> vector<8x128xf32>
      %slice3A_646 = vector.extract_strided_slice %dot_general3A_645 {offsets = [0, 0], sizes = [1, 128], strides = [1, 1]} : vector<8x128xf32> to vector<1x128xf32>
      %add3A_647 = arith.constant 1.000000e-16 : f32
      %add3A_648 = vector.broadcast %add3A_647 : f32 to vector<1x128xf32>
      %add3A_649 = arith.addf %slice3A_646, %add3A_648 : vector<1x128xf32>
      %dot_general3A_650 = arith.constant dense<0.000000e+00> : vector<8x128xf32>
      %dot_general3A_651 = tpu.matmul %get3A_631, %exp3A_643, %dot_general3A_650 {dimension_numbers = #tpu.dot_dimension_numbers<[1], [1], [0], [0], [0, 0, 1, 0], [], []>, transpose_lhs_hint = false} : vector<8x512xf32>, vector<128x512xf32>, vector<8x128xf32> -> vector<8x128xf32>
      %div3A_652 = vector.broadcast %add3A_649 : vector<1x128xf32> to vector<8x128xf32>
      %div3A_653 = arith.divf %dot_general3A_651, %div3A_652 : vector<8x128xf32>
      %add3A_654 = arith.addf %add3A_621, %div3A_653 : vector<8x128xf32>
      %mul3A_655 = arith.constant 512 : i32
      %mul3A_656 = arith.muli %select_n3A_217, %mul3A_655 : i32
      %get3A_657 = arith.constant 0 : index
      %get3A_658 = arith.index_cast %mul3A_656 : i32 to index
      %get3A_659 = vector.load %arg34[%get3A_657, %get3A_658] : memref<128x6144xbf16, #tpu.memory_space<vmem>>, vector<32x512xbf16>
      %mul3A_660 = arith.constant 512 : i32
      %mul3A_661 = arith.muli %select_n3A_217, %mul3A_660 : i32
      %get3A_662 = arith.constant 0 : index
      %get3A_663 = arith.index_cast %mul3A_661 : i32 to index
      %get3A_664 = vector.load %arg35[%get3A_662, %get3A_663] : memref<32x6144xf32, #tpu.memory_space<vmem>>, vector<8x512xf32>
      %dot_general3A_665 = arith.constant dense<0.000000e+00> : vector<128x512xf32>
      %dot_general3A_666 = tpu.matmul %get3A_583, %get3A_659, %dot_general3A_665 {dimension_numbers = #tpu.dot_dimension_numbers<[0], [0], [1], [1], [0, 1, 1, 1], [], []>, transpose_lhs_hint = false} : vector<32x128xbf16>, vector<32x512xbf16>, vector<128x512xf32> -> vector<128x512xf32>
      %add3A_667 = arith.addf %dot_general3A_666, %get3A_586 : vector<128x512xf32>
      %reduce_max3A_668 = arith.constant dense<0xFF800000> : vector<128xf32>
      %reduce_max3A_669 = vector.multi_reduction <maximumf>, %add3A_667, %reduce_max3A_668 [1] : vector<128x512xf32> to vector<128xf32>
      %broadcast_in_dim3A_670 = vector.shape_cast %reduce_max3A_669 : vector<128xf32> to vector<128x1xf32>
      %max3A_671 = arith.constant -1.000000e+30 : f32
      %max3A_672 = vector.broadcast %max3A_671 : f32 to vector<128x1xf32>
      %max3A_673 = arith.maximumf %broadcast_in_dim3A_670, %max3A_672 : vector<128x1xf32>
      %sub3A_674 = vector.broadcast %max3A_673 : vector<128x1xf32> to vector<128x512xf32>
      %sub3A_675 = arith.subf %add3A_667, %sub3A_674 : vector<128x512xf32>
      %exp3A_676 = math.exp %sub3A_675 : vector<128x512xf32>
      %dot_general3A_677 = arith.constant dense<0.000000e+00> : vector<8x128xf32>
      %dot_general3A_678 = tpu.matmul %broadcast_in_dim3A_9, %exp3A_676, %dot_general3A_677 {dimension_numbers = #tpu.dot_dimension_numbers<[1], [1], [0], [0], [0, 0, 1, 0], [], []>, transpose_lhs_hint = false} : vector<8x512xf32>, vector<128x512xf32>, vector<8x128xf32> -> vector<8x128xf32>
      %slice3A_679 = vector.extract_strided_slice %dot_general3A_678 {offsets = [0, 0], sizes = [1, 128], strides = [1, 1]} : vector<8x128xf32> to vector<1x128xf32>
      %add3A_680 = arith.constant 1.000000e-16 : f32
      %add3A_681 = vector.broadcast %add3A_680 : f32 to vector<1x128xf32>
      %add3A_682 = arith.addf %slice3A_679, %add3A_681 : vector<1x128xf32>
      %dot_general3A_683 = arith.constant dense<0.000000e+00> : vector<8x128xf32>
      %dot_general3A_684 = tpu.matmul %get3A_664, %exp3A_676, %dot_general3A_683 {dimension_numbers = #tpu.dot_dimension_numbers<[1], [1], [0], [0], [0, 0, 1, 0], [], []>, transpose_lhs_hint = false} : vector<8x512xf32>, vector<128x512xf32>, vector<8x128xf32> -> vector<8x128xf32>
      %div3A_685 = vector.broadcast %add3A_682 : vector<1x128xf32> to vector<8x128xf32>
      %div3A_686 = arith.divf %dot_general3A_684, %div3A_685 : vector<8x128xf32>
      %add3A_687 = arith.addf %add3A_654, %div3A_686 : vector<8x128xf32>
      %mul3A_688 = arith.constant 0.333333343 : f32
      %mul3A_689 = vector.broadcast %mul3A_688 : f32 to vector<8x128xf32>
      %mul3A_690 = arith.mulf %add3A_687, %mul3A_689 : vector<8x128xf32>
      %mul3A_691 = arith.constant 512 : i32
      %mul3A_692 = arith.muli %scan3A_208, %mul3A_691 : i32
      %add3A_693 = arith.constant 384 : i32
      %add3A_694 = arith.addi %mul3A_692, %add3A_693 : i32
      %swap3A_695 = arith.constant 0 : index
      %swap3A_696 = arith.index_cast %add3A_694 : i32 to index
      %swap3A_697 = vector.load %arg37[%swap3A_695, %swap3A_696] : memref<32x6144xf32, #tpu.memory_space<vmem>>, vector<8x128xf32>
      tpu.vector_store %arg37[%swap3A_695, %swap3A_696], %mul3A_690 {strides = array<i32>} : memref<32x6144xf32, #tpu.memory_space<vmem>>, vector<8x128xf32>,
      %mul3A_698 = arith.constant 512 : i32
      %mul3A_699 = arith.muli %scan3A_208, %mul3A_698 : i32
      %add3A_700 = arith.constant 0 : i32
      %add3A_701 = arith.addi %mul3A_699, %add3A_700 : i32
      %get3A_702 = arith.constant 32 : index
      %get3A_703 = arith.index_cast %add3A_701 : i32 to index
      %get3A_704 = vector.load %arg33[%get3A_702, %get3A_703] : memref<128x6144xbf16, #tpu.memory_space<vmem>>, vector<32x128xbf16>
      %get3A_705 = arith.constant 0 : index
      %get3A_706 = arith.constant 0 : index
      %get3A_707 = vector.load %arg4[%get3A_705, %get3A_706] : memref<512x512xf32, #tpu.memory_space<vmem>>, vector<128x512xf32>
      %broadcast_in_dim3A_708 = arith.constant 0.000000e+00 : f32
      %broadcast_in_dim3A_709 = vector.broadcast %broadcast_in_dim3A_708 : f32 to vector<8x128xf32>
      %mul3A_710 = arith.constant 512 : i32
      %mul3A_711 = arith.muli %select_n3A, %mul3A_710 : i32
      %get3A_712 = arith.constant 32 : index
      %get3A_713 = arith.index_cast %mul3A_711 : i32 to index
      %get3A_714 = vector.load %arg34[%get3A_712, %get3A_713] : memref<128x6144xbf16, #tpu.memory_space<vmem>>, vector<32x512xbf16>
      %mul3A_715 = arith.constant 512 : i32
      %mul3A_716 = arith.muli %select_n3A, %mul3A_715 : i32
      %get3A_717 = arith.constant 8 : index
      %get3A_718 = arith.index_cast %mul3A_716 : i32 to index
      %get3A_719 = vector.load %arg35[%get3A_717, %get3A_718] : memref<32x6144xf32, #tpu.memory_space<vmem>>, vector<8x512xf32>
      %dot_general3A_720 = arith.constant dense<0.000000e+00> : vector<128x512xf32>
      %dot_general3A_721 = tpu.matmul %get3A_704, %get3A_714, %dot_general3A_720 {dimension_numbers = #tpu.dot_dimension_numbers<[0], [0], [1], [1], [0, 1, 1, 1], [], []>, transpose_lhs_hint = false} : vector<32x128xbf16>, vector<32x512xbf16>, vector<128x512xf32> -> vector<128x512xf32>
      %add3A_722 = arith.addf %dot_general3A_721, %get3A_707 : vector<128x512xf32>
      %reduce_max3A_723 = arith.constant dense<0xFF800000> : vector<128xf32>
      %reduce_max3A_724 = vector.multi_reduction <maximumf>, %add3A_722, %reduce_max3A_723 [1] : vector<128x512xf32> to vector<128xf32>
      %broadcast_in_dim3A_725 = vector.shape_cast %reduce_max3A_724 : vector<128xf32> to vector<128x1xf32>
      %max3A_726 = arith.constant -1.000000e+30 : f32
      %max3A_727 = vector.broadcast %max3A_726 : f32 to vector<128x1xf32>
      %max3A_728 = arith.maximumf %broadcast_in_dim3A_725, %max3A_727 : vector<128x1xf32>
      %sub3A_729 = vector.broadcast %max3A_728 : vector<128x1xf32> to vector<128x512xf32>
      %sub3A_730 = arith.subf %add3A_722, %sub3A_729 : vector<128x512xf32>
      %exp3A_731 = math.exp %sub3A_730 : vector<128x512xf32>
      %dot_general3A_732 = arith.constant dense<0.000000e+00> : vector<8x128xf32>
      %dot_general3A_733 = tpu.matmul %broadcast_in_dim3A_9, %exp3A_731, %dot_general3A_732 {dimension_numbers = #tpu.dot_dimension_numbers<[1], [1], [0], [0], [0, 0, 1, 0], [], []>, transpose_lhs_hint = false} : vector<8x512xf32>, vector<128x512xf32>, vector<8x128xf32> -> vector<8x128xf32>
      %slice3A_734 = vector.extract_strided_slice %dot_general3A_733 {offsets = [0, 0], sizes = [1, 128], strides = [1, 1]} : vector<8x128xf32> to vector<1x128xf32>
      %add3A_735 = arith.constant 1.000000e-16 : f32
      %add3A_736 = vector.broadcast %add3A_735 : f32 to vector<1x128xf32>
      %add3A_737 = arith.addf %slice3A_734, %add3A_736 : vector<1x128xf32>
      %dot_general3A_738 = arith.constant dense<0.000000e+00> : vector<8x128xf32>
      %dot_general3A_739 = tpu.matmul %get3A_719, %exp3A_731, %dot_general3A_738 {dimension_numbers = #tpu.dot_dimension_numbers<[1], [1], [0], [0], [0, 0, 1, 0], [], []>, transpose_lhs_hint = false} : vector<8x512xf32>, vector<128x512xf32>, vector<8x128xf32> -> vector<8x128xf32>
      %div3A_740 = vector.broadcast %add3A_737 : vector<1x128xf32> to vector<8x128xf32>
      %div3A_741 = arith.divf %dot_general3A_739, %div3A_740 : vector<8x128xf32>
      %add3A_742 = arith.addf %broadcast_in_dim3A_709, %div3A_741 : vector<8x128xf32>
      %mul3A_743 = arith.constant 512 : i32
      %mul3A_744 = arith.muli %scan3A_208, %mul3A_743 : i32
      %get3A_745 = arith.constant 32 : index
      %get3A_746 = arith.index_cast %mul3A_744 : i32 to index
      %get3A_747 = vector.load %arg34[%get3A_745, %get3A_746] : memref<128x6144xbf16, #tpu.memory_space<vmem>>, vector<32x512xbf16>
      %mul3A_748 = arith.constant 512 : i32
      %mul3A_749 = arith.muli %scan3A_208, %mul3A_748 : i32
      %get3A_750 = arith.constant 8 : index
      %get3A_751 = arith.index_cast %mul3A_749 : i32 to index
      %get3A_752 = vector.load %arg35[%get3A_750, %get3A_751] : memref<32x6144xf32, #tpu.memory_space<vmem>>, vector<8x512xf32>
      %dot_general3A_753 = arith.constant dense<0.000000e+00> : vector<128x512xf32>
      %dot_general3A_754 = tpu.matmul %get3A_704, %get3A_747, %dot_general3A_753 {dimension_numbers = #tpu.dot_dimension_numbers<[0], [0], [1], [1], [0, 1, 1, 1], [], []>, transpose_lhs_hint = false} : vector<32x128xbf16>, vector<32x512xbf16>, vector<128x512xf32> -> vector<128x512xf32>
      %add3A_755 = arith.addf %dot_general3A_754, %get3A_707 : vector<128x512xf32>
      %reduce_max3A_756 = arith.constant dense<0xFF800000> : vector<128xf32>
      %reduce_max3A_757 = vector.multi_reduction <maximumf>, %add3A_755, %reduce_max3A_756 [1] : vector<128x512xf32> to vector<128xf32>
      %broadcast_in_dim3A_758 = vector.shape_cast %reduce_max3A_757 : vector<128xf32> to vector<128x1xf32>
      %max3A_759 = arith.constant -1.000000e+30 : f32
      %max3A_760 = vector.broadcast %max3A_759 : f32 to vector<128x1xf32>
      %max3A_761 = arith.maximumf %broadcast_in_dim3A_758, %max3A_760 : vector<128x1xf32>
      %sub3A_762 = vector.broadcast %max3A_761 : vector<128x1xf32> to vector<128x512xf32>
      %sub3A_763 = arith.subf %add3A_755, %sub3A_762 : vector<128x512xf32>
      %exp3A_764 = math.exp %sub3A_763 : vector<128x512xf32>
      %dot_general3A_765 = arith.constant dense<0.000000e+00> : vector<8x128xf32>
      %dot_general3A_766 = tpu.matmul %broadcast_in_dim3A_9, %exp3A_764, %dot_general3A_765 {dimension_numbers = #tpu.dot_dimension_numbers<[1], [1], [0], [0], [0, 0, 1, 0], [], []>, transpose_lhs_hint = false} : vector<8x512xf32>, vector<128x512xf32>, vector<8x128xf32> -> vector<8x128xf32>
      %slice3A_767 = vector.extract_strided_slice %dot_general3A_766 {offsets = [0, 0], sizes = [1, 128], strides = [1, 1]} : vector<8x128xf32> to vector<1x128xf32>
      %add3A_768 = arith.constant 1.000000e-16 : f32
      %add3A_769 = vector.broadcast %add3A_768 : f32 to vector<1x128xf32>
      %add3A_770 = arith.addf %slice3A_767, %add3A_769 : vector<1x128xf32>
      %dot_general3A_771 = arith.constant dense<0.000000e+00> : vector<8x128xf32>
      %dot_general3A_772 = tpu.matmul %get3A_752, %exp3A_764, %dot_general3A_771 {dimension_numbers = #tpu.dot_dimension_numbers<[1], [1], [0], [0], [0, 0, 1, 0], [], []>, transpose_lhs_hint = false} : vector<8x512xf32>, vector<128x512xf32>, vector<8x128xf32> -> vector<8x128xf32>
      %div3A_773 = vector.broadcast %add3A_770 : vector<1x128xf32> to vector<8x128xf32>
      %div3A_774 = arith.divf %dot_general3A_772, %div3A_773 : vector<8x128xf32>
      %add3A_775 = arith.addf %add3A_742, %div3A_774 : vector<8x128xf32>
      %mul3A_776 = arith.constant 512 : i32
      %mul3A_777 = arith.muli %select_n3A_217, %mul3A_776 : i32
      %get3A_778 = arith.constant 32 : index
      %get3A_779 = arith.index_cast %mul3A_777 : i32 to index
      %get3A_780 = vector.load %arg34[%get3A_778, %get3A_779] : memref<128x6144xbf16, #tpu.memory_space<vmem>>, vector<32x512xbf16>
      %mul3A_781 = arith.constant 512 : i32
      %mul3A_782 = arith.muli %select_n3A_217, %mul3A_781 : i32
      %get3A_783 = arith.constant 8 : index
      %get3A_784 = arith.index_cast %mul3A_782 : i32 to index
      %get3A_785 = vector.load %arg35[%get3A_783, %get3A_784] : memref<32x6144xf32, #tpu.memory_space<vmem>>, vector<8x512xf32>
      %dot_general3A_786 = arith.constant dense<0.000000e+00> : vector<128x512xf32>
      %dot_general3A_787 = tpu.matmul %get3A_704, %get3A_780, %dot_general3A_786 {dimension_numbers = #tpu.dot_dimension_numbers<[0], [0], [1], [1], [0, 1, 1, 1], [], []>, transpose_lhs_hint = false} : vector<32x128xbf16>, vector<32x512xbf16>, vector<128x512xf32> -> vector<128x512xf32>
      %add3A_788 = arith.addf %dot_general3A_787, %get3A_707 : vector<128x512xf32>
      %reduce_max3A_789 = arith.constant dense<0xFF800000> : vector<128xf32>
      %reduce_max3A_790 = vector.multi_reduction <maximumf>, %add3A_788, %reduce_max3A_789 [1] : vector<128x512xf32> to vector<128xf32>
      %broadcast_in_dim3A_791 = vector.shape_cast %reduce_max3A_790 : vector<128xf32> to vector<128x1xf32>
      %max3A_792 = arith.constant -1.000000e+30 : f32
      %max3A_793 = vector.broadcast %max3A_792 : f32 to vector<128x1xf32>
      %max3A_794 = arith.maximumf %broadcast_in_dim3A_791, %max3A_793 : vector<128x1xf32>
      %sub3A_795 = vector.broadcast %max3A_794 : vector<128x1xf32> to vector<128x512xf32>
      %sub3A_796 = arith.subf %add3A_788, %sub3A_795 : vector<128x512xf32>
      %exp3A_797 = math.exp %sub3A_796 : vector<128x512xf32>
      %dot_general3A_798 = arith.constant dense<0.000000e+00> : vector<8x128xf32>
      %dot_general3A_799 = tpu.matmul %broadcast_in_dim3A_9, %exp3A_797, %dot_general3A_798 {dimension_numbers = #tpu.dot_dimension_numbers<[1], [1], [0], [0], [0, 0, 1, 0], [], []>, transpose_lhs_hint = false} : vector<8x512xf32>, vector<128x512xf32>, vector<8x128xf32> -> vector<8x128xf32>
      %slice3A_800 = vector.extract_strided_slice %dot_general3A_799 {offsets = [0, 0], sizes = [1, 128], strides = [1, 1]} : vector<8x128xf32> to vector<1x128xf32>
      %add3A_801 = arith.constant 1.000000e-16 : f32
      %add3A_802 = vector.broadcast %add3A_801 : f32 to vector<1x128xf32>
      %add3A_803 = arith.addf %slice3A_800, %add3A_802 : vector<1x128xf32>
      %dot_general3A_804 = arith.constant dense<0.000000e+00> : vector<8x128xf32>
      %dot_general3A_805 = tpu.matmul %get3A_785, %exp3A_797, %dot_general3A_804 {dimension_numbers = #tpu.dot_dimension_numbers<[1], [1], [0], [0], [0, 0, 1, 0], [], []>, transpose_lhs_hint = false} : vector<8x512xf32>, vector<128x512xf32>, vector<8x128xf32> -> vector<8x128xf32>
      %div3A_806 = vector.broadcast %add3A_803 : vector<1x128xf32> to vector<8x128xf32>
      %div3A_807 = arith.divf %dot_general3A_805, %div3A_806 : vector<8x128xf32>
      %add3A_808 = arith.addf %add3A_775, %div3A_807 : vector<8x128xf32>
      %mul3A_809 = arith.constant 0.333333343 : f32
      %mul3A_810 = vector.broadcast %mul3A_809 : f32 to vector<8x128xf32>
      %mul3A_811 = arith.mulf %add3A_808, %mul3A_810 : vector<8x128xf32>
      %mul3A_812 = arith.constant 512 : i32
      %mul3A_813 = arith.muli %scan3A_208, %mul3A_812 : i32
      %add3A_814 = arith.constant 0 : i32
      %add3A_815 = arith.addi %mul3A_813, %add3A_814 : i32
      %swap3A_816 = arith.constant 8 : index
      %swap3A_817 = arith.index_cast %add3A_815 : i32 to index
      %swap3A_818 = vector.load %arg37[%swap3A_816, %swap3A_817] : memref<32x6144xf32, #tpu.memory_space<vmem>>, vector<8x128xf32>
      tpu.vector_store %arg37[%swap3A_816, %swap3A_817], %mul3A_811 {strides = array<i32>} : memref<32x6144xf32, #tpu.memory_space<vmem>>, vector<8x128xf32>,
      %mul3A_819 = arith.constant 512 : i32
      %mul3A_820 = arith.muli %scan3A_208, %mul3A_819 : i32
      %add3A_821 = arith.constant 128 : i32
      %add3A_822 = arith.addi %mul3A_820, %add3A_821 : i32
      %get3A_823 = arith.constant 32 : index
      %get3A_824 = arith.index_cast %add3A_822 : i32 to index
      %get3A_825 = vector.load %arg33[%get3A_823, %get3A_824] : memref<128x6144xbf16, #tpu.memory_space<vmem>>, vector<32x128xbf16>
      %get3A_826 = arith.constant 128 : index
      %get3A_827 = arith.constant 0 : index
      %get3A_828 = vector.load %arg4[%get3A_826, %get3A_827] : memref<512x512xf32, #tpu.memory_space<vmem>>, vector<128x512xf32>
      %broadcast_in_dim3A_829 = arith.constant 0.000000e+00 : f32
      %broadcast_in_dim3A_830 = vector.broadcast %broadcast_in_dim3A_829 : f32 to vector<8x128xf32>
      %mul3A_831 = arith.constant 512 : i32
      %mul3A_832 = arith.muli %select_n3A, %mul3A_831 : i32
      %get3A_833 = arith.constant 32 : index
      %get3A_834 = arith.index_cast %mul3A_832 : i32 to index
      %get3A_835 = vector.load %arg34[%get3A_833, %get3A_834] : memref<128x6144xbf16, #tpu.memory_space<vmem>>, vector<32x512xbf16>
      %mul3A_836 = arith.constant 512 : i32
      %mul3A_837 = arith.muli %select_n3A, %mul3A_836 : i32
      %get3A_838 = arith.constant 8 : index
      %get3A_839 = arith.index_cast %mul3A_837 : i32 to index
      %get3A_840 = vector.load %arg35[%get3A_838, %get3A_839] : memref<32x6144xf32, #tpu.memory_space<vmem>>, vector<8x512xf32>
      %dot_general3A_841 = arith.constant dense<0.000000e+00> : vector<128x512xf32>
      %dot_general3A_842 = tpu.matmul %get3A_825, %get3A_835, %dot_general3A_841 {dimension_numbers = #tpu.dot_dimension_numbers<[0], [0], [1], [1], [0, 1, 1, 1], [], []>, transpose_lhs_hint = false} : vector<32x128xbf16>, vector<32x512xbf16>, vector<128x512xf32> -> vector<128x512xf32>
      %add3A_843 = arith.addf %dot_general3A_842, %get3A_828 : vector<128x512xf32>
      %reduce_max3A_844 = arith.constant dense<0xFF800000> : vector<128xf32>
      %reduce_max3A_845 = vector.multi_reduction <maximumf>, %add3A_843, %reduce_max3A_844 [1] : vector<128x512xf32> to vector<128xf32>
      %broadcast_in_dim3A_846 = vector.shape_cast %reduce_max3A_845 : vector<128xf32> to vector<128x1xf32>
      %max3A_847 = arith.constant -1.000000e+30 : f32
      %max3A_848 = vector.broadcast %max3A_847 : f32 to vector<128x1xf32>
      %max3A_849 = arith.maximumf %broadcast_in_dim3A_846, %max3A_848 : vector<128x1xf32>
      %sub3A_850 = vector.broadcast %max3A_849 : vector<128x1xf32> to vector<128x512xf32>
      %sub3A_851 = arith.subf %add3A_843, %sub3A_850 : vector<128x512xf32>
      %exp3A_852 = math.exp %sub3A_851 : vector<128x512xf32>
      %dot_general3A_853 = arith.constant dense<0.000000e+00> : vector<8x128xf32>
      %dot_general3A_854 = tpu.matmul %broadcast_in_dim3A_9, %exp3A_852, %dot_general3A_853 {dimension_numbers = #tpu.dot_dimension_numbers<[1], [1], [0], [0], [0, 0, 1, 0], [], []>, transpose_lhs_hint = false} : vector<8x512xf32>, vector<128x512xf32>, vector<8x128xf32> -> vector<8x128xf32>
      %slice3A_855 = vector.extract_strided_slice %dot_general3A_854 {offsets = [0, 0], sizes = [1, 128], strides = [1, 1]} : vector<8x128xf32> to vector<1x128xf32>
      %add3A_856 = arith.constant 1.000000e-16 : f32
      %add3A_857 = vector.broadcast %add3A_856 : f32 to vector<1x128xf32>
      %add3A_858 = arith.addf %slice3A_855, %add3A_857 : vector<1x128xf32>
      %dot_general3A_859 = arith.constant dense<0.000000e+00> : vector<8x128xf32>
      %dot_general3A_860 = tpu.matmul %get3A_840, %exp3A_852, %dot_general3A_859 {dimension_numbers = #tpu.dot_dimension_numbers<[1], [1], [0], [0], [0, 0, 1, 0], [], []>, transpose_lhs_hint = false} : vector<8x512xf32>, vector<128x512xf32>, vector<8x128xf32> -> vector<8x128xf32>
      %div3A_861 = vector.broadcast %add3A_858 : vector<1x128xf32> to vector<8x128xf32>
      %div3A_862 = arith.divf %dot_general3A_860, %div3A_861 : vector<8x128xf32>
      %add3A_863 = arith.addf %broadcast_in_dim3A_830, %div3A_862 : vector<8x128xf32>
      %mul3A_864 = arith.constant 512 : i32
      %mul3A_865 = arith.muli %scan3A_208, %mul3A_864 : i32
      %get3A_866 = arith.constant 32 : index
      %get3A_867 = arith.index_cast %mul3A_865 : i32 to index
      %get3A_868 = vector.load %arg34[%get3A_866, %get3A_867] : memref<128x6144xbf16, #tpu.memory_space<vmem>>, vector<32x512xbf16>
      %mul3A_869 = arith.constant 512 : i32
      %mul3A_870 = arith.muli %scan3A_208, %mul3A_869 : i32
      %get3A_871 = arith.constant 8 : index
      %get3A_872 = arith.index_cast %mul3A_870 : i32 to index
      %get3A_873 = vector.load %arg35[%get3A_871, %get3A_872] : memref<32x6144xf32, #tpu.memory_space<vmem>>, vector<8x512xf32>
      %dot_general3A_874 = arith.constant dense<0.000000e+00> : vector<128x512xf32>
      %dot_general3A_875 = tpu.matmul %get3A_825, %get3A_868, %dot_general3A_874 {dimension_numbers = #tpu.dot_dimension_numbers<[0], [0], [1], [1], [0, 1, 1, 1], [], []>, transpose_lhs_hint = false} : vector<32x128xbf16>, vector<32x512xbf16>, vector<128x512xf32> -> vector<128x512xf32>
      %add3A_876 = arith.addf %dot_general3A_875, %get3A_828 : vector<128x512xf32>
      %reduce_max3A_877 = arith.constant dense<0xFF800000> : vector<128xf32>
      %reduce_max3A_878 = vector.multi_reduction <maximumf>, %add3A_876, %reduce_max3A_877 [1] : vector<128x512xf32> to vector<128xf32>
      %broadcast_in_dim3A_879 = vector.shape_cast %reduce_max3A_878 : vector<128xf32> to vector<128x1xf32>
      %max3A_880 = arith.constant -1.000000e+30 : f32
      %max3A_881 = vector.broadcast %max3A_880 : f32 to vector<128x1xf32>
      %max3A_882 = arith.maximumf %broadcast_in_dim3A_879, %max3A_881 : vector<128x1xf32>
      %sub3A_883 = vector.broadcast %max3A_882 : vector<128x1xf32> to vector<128x512xf32>
      %sub3A_884 = arith.subf %add3A_876, %sub3A_883 : vector<128x512xf32>
      %exp3A_885 = math.exp %sub3A_884 : vector<128x512xf32>
      %dot_general3A_886 = arith.constant dense<0.000000e+00> : vector<8x128xf32>
      %dot_general3A_887 = tpu.matmul %broadcast_in_dim3A_9, %exp3A_885, %dot_general3A_886 {dimension_numbers = #tpu.dot_dimension_numbers<[1], [1], [0], [0], [0, 0, 1, 0], [], []>, transpose_lhs_hint = false} : vector<8x512xf32>, vector<128x512xf32>, vector<8x128xf32> -> vector<8x128xf32>
      %slice3A_888 = vector.extract_strided_slice %dot_general3A_887 {offsets = [0, 0], sizes = [1, 128], strides = [1, 1]} : vector<8x128xf32> to vector<1x128xf32>
      %add3A_889 = arith.constant 1.000000e-16 : f32
      %add3A_890 = vector.broadcast %add3A_889 : f32 to vector<1x128xf32>
      %add3A_891 = arith.addf %slice3A_888, %add3A_890 : vector<1x128xf32>
      %dot_general3A_892 = arith.constant dense<0.000000e+00> : vector<8x128xf32>
      %dot_general3A_893 = tpu.matmul %get3A_873, %exp3A_885, %dot_general3A_892 {dimension_numbers = #tpu.dot_dimension_numbers<[1], [1], [0], [0], [0, 0, 1, 0], [], []>, transpose_lhs_hint = false} : vector<8x512xf32>, vector<128x512xf32>, vector<8x128xf32> -> vector<8x128xf32>
      %div3A_894 = vector.broadcast %add3A_891 : vector<1x128xf32> to vector<8x128xf32>
      %div3A_895 = arith.divf %dot_general3A_893, %div3A_894 : vector<8x128xf32>
      %add3A_896 = arith.addf %add3A_863, %div3A_895 : vector<8x128xf32>
      %mul3A_897 = arith.constant 512 : i32
      %mul3A_898 = arith.muli %select_n3A_217, %mul3A_897 : i32
      %get3A_899 = arith.constant 32 : index
      %get3A_900 = arith.index_cast %mul3A_898 : i32 to index
      %get3A_901 = vector.load %arg34[%get3A_899, %get3A_900] : memref<128x6144xbf16, #tpu.memory_space<vmem>>, vector<32x512xbf16>
      %mul3A_902 = arith.constant 512 : i32
      %mul3A_903 = arith.muli %select_n3A_217, %mul3A_902 : i32
      %get3A_904 = arith.constant 8 : index
      %get3A_905 = arith.index_cast %mul3A_903 : i32 to index
      %get3A_906 = vector.load %arg35[%get3A_904, %get3A_905] : memref<32x6144xf32, #tpu.memory_space<vmem>>, vector<8x512xf32>
      %dot_general3A_907 = arith.constant dense<0.000000e+00> : vector<128x512xf32>
      %dot_general3A_908 = tpu.matmul %get3A_825, %get3A_901, %dot_general3A_907 {dimension_numbers = #tpu.dot_dimension_numbers<[0], [0], [1], [1], [0, 1, 1, 1], [], []>, transpose_lhs_hint = false} : vector<32x128xbf16>, vector<32x512xbf16>, vector<128x512xf32> -> vector<128x512xf32>
      %add3A_909 = arith.addf %dot_general3A_908, %get3A_828 : vector<128x512xf32>
      %reduce_max3A_910 = arith.constant dense<0xFF800000> : vector<128xf32>
      %reduce_max3A_911 = vector.multi_reduction <maximumf>, %add3A_909, %reduce_max3A_910 [1] : vector<128x512xf32> to vector<128xf32>
      %broadcast_in_dim3A_912 = vector.shape_cast %reduce_max3A_911 : vector<128xf32> to vector<128x1xf32>
      %max3A_913 = arith.constant -1.000000e+30 : f32
      %max3A_914 = vector.broadcast %max3A_913 : f32 to vector<128x1xf32>
      %max3A_915 = arith.maximumf %broadcast_in_dim3A_912, %max3A_914 : vector<128x1xf32>
      %sub3A_916 = vector.broadcast %max3A_915 : vector<128x1xf32> to vector<128x512xf32>
      %sub3A_917 = arith.subf %add3A_909, %sub3A_916 : vector<128x512xf32>
      %exp3A_918 = math.exp %sub3A_917 : vector<128x512xf32>
      %dot_general3A_919 = arith.constant dense<0.000000e+00> : vector<8x128xf32>
      %dot_general3A_920 = tpu.matmul %broadcast_in_dim3A_9, %exp3A_918, %dot_general3A_919 {dimension_numbers = #tpu.dot_dimension_numbers<[1], [1], [0], [0], [0, 0, 1, 0], [], []>, transpose_lhs_hint = false} : vector<8x512xf32>, vector<128x512xf32>, vector<8x128xf32> -> vector<8x128xf32>
      %slice3A_921 = vector.extract_strided_slice %dot_general3A_920 {offsets = [0, 0], sizes = [1, 128], strides = [1, 1]} : vector<8x128xf32> to vector<1x128xf32>
      %add3A_922 = arith.constant 1.000000e-16 : f32
      %add3A_923 = vector.broadcast %add3A_922 : f32 to vector<1x128xf32>
      %add3A_924 = arith.addf %slice3A_921, %add3A_923 : vector<1x128xf32>
      %dot_general3A_925 = arith.constant dense<0.000000e+00> : vector<8x128xf32>
      %dot_general3A_926 = tpu.matmul %get3A_906, %exp3A_918, %dot_general3A_925 {dimension_numbers = #tpu.dot_dimension_numbers<[1], [1], [0], [0], [0, 0, 1, 0], [], []>, transpose_lhs_hint = false} : vector<8x512xf32>, vector<128x512xf32>, vector<8x128xf32> -> vector<8x128xf32>
      %div3A_927 = vector.broadcast %add3A_924 : vector<1x128xf32> to vector<8x128xf32>
      %div3A_928 = arith.divf %dot_general3A_926, %div3A_927 : vector<8x128xf32>
      %add3A_929 = arith.addf %add3A_896, %div3A_928 : vector<8x128xf32>
      %mul3A_930 = arith.constant 0.333333343 : f32
      %mul3A_931 = vector.broadcast %mul3A_930 : f32 to vector<8x128xf32>
      %mul3A_932 = arith.mulf %add3A_929, %mul3A_931 : vector<8x128xf32>
      %mul3A_933 = arith.constant 512 : i32
      %mul3A_934 = arith.muli %scan3A_208, %mul3A_933 : i32
      %add3A_935 = arith.constant 128 : i32
      %add3A_936 = arith.addi %mul3A_934, %add3A_935 : i32
      %swap3A_937 = arith.constant 8 : index
      %swap3A_938 = arith.index_cast %add3A_936 : i32 to index
      %swap3A_939 = vector.load %arg37[%swap3A_937, %swap3A_938] : memref<32x6144xf32, #tpu.memory_space<vmem>>, vector<8x128xf32>
      tpu.vector_store %arg37[%swap3A_937, %swap3A_938], %mul3A_932 {strides = array<i32>} : memref<32x6144xf32, #tpu.memory_space<vmem>>, vector<8x128xf32>,
      %mul3A_940 = arith.constant 512 : i32
      %mul3A_941 = arith.muli %scan3A_208, %mul3A_940 : i32
      %add3A_942 = arith.constant 256 : i32
      %add3A_943 = arith.addi %mul3A_941, %add3A_942 : i32
      %get3A_944 = arith.constant 32 : index
      %get3A_945 = arith.index_cast %add3A_943 : i32 to index
      %get3A_946 = vector.load %arg33[%get3A_944, %get3A_945] : memref<128x6144xbf16, #tpu.memory_space<vmem>>, vector<32x128xbf16>
      %get3A_947 = arith.constant 256 : index
      %get3A_948 = arith.constant 0 : index
      %get3A_949 = vector.load %arg4[%get3A_947, %get3A_948] : memref<512x512xf32, #tpu.memory_space<vmem>>, vector<128x512xf32>
      %broadcast_in_dim3A_950 = arith.constant 0.000000e+00 : f32
      %broadcast_in_dim3A_951 = vector.broadcast %broadcast_in_dim3A_950 : f32 to vector<8x128xf32>
      %mul3A_952 = arith.constant 512 : i32
      %mul3A_953 = arith.muli %select_n3A, %mul3A_952 : i32
      %get3A_954 = arith.constant 32 : index
      %get3A_955 = arith.index_cast %mul3A_953 : i32 to index
      %get3A_956 = vector.load %arg34[%get3A_954, %get3A_955] : memref<128x6144xbf16, #tpu.memory_space<vmem>>, vector<32x512xbf16>
      %mul3A_957 = arith.constant 512 : i32
      %mul3A_958 = arith.muli %select_n3A, %mul3A_957 : i32
      %get3A_959 = arith.constant 8 : index
      %get3A_960 = arith.index_cast %mul3A_958 : i32 to index
      %get3A_961 = vector.load %arg35[%get3A_959, %get3A_960] : memref<32x6144xf32, #tpu.memory_space<vmem>>, vector<8x512xf32>
      %dot_general3A_962 = arith.constant dense<0.000000e+00> : vector<128x512xf32>
      %dot_general3A_963 = tpu.matmul %get3A_946, %get3A_956, %dot_general3A_962 {dimension_numbers = #tpu.dot_dimension_numbers<[0], [0], [1], [1], [0, 1, 1, 1], [], []>, transpose_lhs_hint = false} : vector<32x128xbf16>, vector<32x512xbf16>, vector<128x512xf32> -> vector<128x512xf32>
      %add3A_964 = arith.addf %dot_general3A_963, %get3A_949 : vector<128x512xf32>
      %reduce_max3A_965 = arith.constant dense<0xFF800000> : vector<128xf32>
      %reduce_max3A_966 = vector.multi_reduction <maximumf>, %add3A_964, %reduce_max3A_965 [1] : vector<128x512xf32> to vector<128xf32>
      %broadcast_in_dim3A_967 = vector.shape_cast %reduce_max3A_966 : vector<128xf32> to vector<128x1xf32>
      %max3A_968 = arith.constant -1.000000e+30 : f32
      %max3A_969 = vector.broadcast %max3A_968 : f32 to vector<128x1xf32>
      %max3A_970 = arith.maximumf %broadcast_in_dim3A_967, %max3A_969 : vector<128x1xf32>
      %sub3A_971 = vector.broadcast %max3A_970 : vector<128x1xf32> to vector<128x512xf32>
      %sub3A_972 = arith.subf %add3A_964, %sub3A_971 : vector<128x512xf32>
      %exp3A_973 = math.exp %sub3A_972 : vector<128x512xf32>
      %dot_general3A_974 = arith.constant dense<0.000000e+00> : vector<8x128xf32>
      %dot_general3A_975 = tpu.matmul %broadcast_in_dim3A_9, %exp3A_973, %dot_general3A_974 {dimension_numbers = #tpu.dot_dimension_numbers<[1], [1], [0], [0], [0, 0, 1, 0], [], []>, transpose_lhs_hint = false} : vector<8x512xf32>, vector<128x512xf32>, vector<8x128xf32> -> vector<8x128xf32>
      %slice3A_976 = vector.extract_strided_slice %dot_general3A_975 {offsets = [0, 0], sizes = [1, 128], strides = [1, 1]} : vector<8x128xf32> to vector<1x128xf32>
      %add3A_977 = arith.constant 1.000000e-16 : f32
      %add3A_978 = vector.broadcast %add3A_977 : f32 to vector<1x128xf32>
      %add3A_979 = arith.addf %slice3A_976, %add3A_978 : vector<1x128xf32>
      %dot_general3A_980 = arith.constant dense<0.000000e+00> : vector<8x128xf32>
      %dot_general3A_981 = tpu.matmul %get3A_961, %exp3A_973, %dot_general3A_980 {dimension_numbers = #tpu.dot_dimension_numbers<[1], [1], [0], [0], [0, 0, 1, 0], [], []>, transpose_lhs_hint = false} : vector<8x512xf32>, vector<128x512xf32>, vector<8x128xf32> -> vector<8x128xf32>
      %div3A_982 = vector.broadcast %add3A_979 : vector<1x128xf32> to vector<8x128xf32>
      %div3A_983 = arith.divf %dot_general3A_981, %div3A_982 : vector<8x128xf32>
      %add3A_984 = arith.addf %broadcast_in_dim3A_951, %div3A_983 : vector<8x128xf32>
      %mul3A_985 = arith.constant 512 : i32
      %mul3A_986 = arith.muli %scan3A_208, %mul3A_985 : i32
      %get3A_987 = arith.constant 32 : index
      %get3A_988 = arith.index_cast %mul3A_986 : i32 to index
      %get3A_989 = vector.load %arg34[%get3A_987, %get3A_988] : memref<128x6144xbf16, #tpu.memory_space<vmem>>, vector<32x512xbf16>
      %mul3A_990 = arith.constant 512 : i32
      %mul3A_991 = arith.muli %scan3A_208, %mul3A_990 : i32
      %get3A_992 = arith.constant 8 : index
      %get3A_993 = arith.index_cast %mul3A_991 : i32 to index
      %get3A_994 = vector.load %arg35[%get3A_992, %get3A_993] : memref<32x6144xf32, #tpu.memory_space<vmem>>, vector<8x512xf32>
      %dot_general3A_995 = arith.constant dense<0.000000e+00> : vector<128x512xf32>
      %dot_general3A_996 = tpu.matmul %get3A_946, %get3A_989, %dot_general3A_995 {dimension_numbers = #tpu.dot_dimension_numbers<[0], [0], [1], [1], [0, 1, 1, 1], [], []>, transpose_lhs_hint = false} : vector<32x128xbf16>, vector<32x512xbf16>, vector<128x512xf32> -> vector<128x512xf32>
      %add3A_997 = arith.addf %dot_general3A_996, %get3A_949 : vector<128x512xf32>
      %reduce_max3A_998 = arith.constant dense<0xFF800000> : vector<128xf32>
      %reduce_max3A_999 = vector.multi_reduction <maximumf>, %add3A_997, %reduce_max3A_998 [1] : vector<128x512xf32> to vector<128xf32>
      %broadcast_in_dim3A_1000 = vector.shape_cast %reduce_max3A_999 : vector<128xf32> to vector<128x1xf32>
      %max3A_1001 = arith.constant -1.000000e+30 : f32
      %max3A_1002 = vector.broadcast %max3A_1001 : f32 to vector<128x1xf32>
      %max3A_1003 = arith.maximumf %broadcast_in_dim3A_1000, %max3A_1002 : vector<128x1xf32>
      %sub3A_1004 = vector.broadcast %max3A_1003 : vector<128x1xf32> to vector<128x512xf32>
      %sub3A_1005 = arith.subf %add3A_997, %sub3A_1004 : vector<128x512xf32>
      %exp3A_1006 = math.exp %sub3A_1005 : vector<128x512xf32>
      %dot_general3A_1007 = arith.constant dense<0.000000e+00> : vector<8x128xf32>
      %dot_general3A_1008 = tpu.matmul %broadcast_in_dim3A_9, %exp3A_1006, %dot_general3A_1007 {dimension_numbers = #tpu.dot_dimension_numbers<[1], [1], [0], [0], [0, 0, 1, 0], [], []>, transpose_lhs_hint = false} : vector<8x512xf32>, vector<128x512xf32>, vector<8x128xf32> -> vector<8x128xf32>
      %slice3A_1009 = vector.extract_strided_slice %dot_general3A_1008 {offsets = [0, 0], sizes = [1, 128], strides = [1, 1]} : vector<8x128xf32> to vector<1x128xf32>
      %add3A_1010 = arith.constant 1.000000e-16 : f32
      %add3A_1011 = vector.broadcast %add3A_1010 : f32 to vector<1x128xf32>
      %add3A_1012 = arith.addf %slice3A_1009, %add3A_1011 : vector<1x128xf32>
      %dot_general3A_1013 = arith.constant dense<0.000000e+00> : vector<8x128xf32>
      %dot_general3A_1014 = tpu.matmul %get3A_994, %exp3A_1006, %dot_general3A_1013 {dimension_numbers = #tpu.dot_dimension_numbers<[1], [1], [0], [0], [0, 0, 1, 0], [], []>, transpose_lhs_hint = false} : vector<8x512xf32>, vector<128x512xf32>, vector<8x128xf32> -> vector<8x128xf32>
      %div3A_1015 = vector.broadcast %add3A_1012 : vector<1x128xf32> to vector<8x128xf32>
      %div3A_1016 = arith.divf %dot_general3A_1014, %div3A_1015 : vector<8x128xf32>
      %add3A_1017 = arith.addf %add3A_984, %div3A_1016 : vector<8x128xf32>
      %mul3A_1018 = arith.constant 512 : i32
      %mul3A_1019 = arith.muli %select_n3A_217, %mul3A_1018 : i32
      %get3A_1020 = arith.constant 32 : index
      %get3A_1021 = arith.index_cast %mul3A_1019 : i32 to index
      %get3A_1022 = vector.load %arg34[%get3A_1020, %get3A_1021] : memref<128x6144xbf16, #tpu.memory_space<vmem>>, vector<32x512xbf16>
      %mul3A_1023 = arith.constant 512 : i32
      %mul3A_1024 = arith.muli %select_n3A_217, %mul3A_1023 : i32
      %get3A_1025 = arith.constant 8 : index
      %get3A_1026 = arith.index_cast %mul3A_1024 : i32 to index
      %get3A_1027 = vector.load %arg35[%get3A_1025, %get3A_1026] : memref<32x6144xf32, #tpu.memory_space<vmem>>, vector<8x512xf32>
      %dot_general3A_1028 = arith.constant dense<0.000000e+00> : vector<128x512xf32>
      %dot_general3A_1029 = tpu.matmul %get3A_946, %get3A_1022, %dot_general3A_1028 {dimension_numbers = #tpu.dot_dimension_numbers<[0], [0], [1], [1], [0, 1, 1, 1], [], []>, transpose_lhs_hint = false} : vector<32x128xbf16>, vector<32x512xbf16>, vector<128x512xf32> -> vector<128x512xf32>
      %add3A_1030 = arith.addf %dot_general3A_1029, %get3A_949 : vector<128x512xf32>
      %reduce_max3A_1031 = arith.constant dense<0xFF800000> : vector<128xf32>
      %reduce_max3A_1032 = vector.multi_reduction <maximumf>, %add3A_1030, %reduce_max3A_1031 [1] : vector<128x512xf32> to vector<128xf32>
      %broadcast_in_dim3A_1033 = vector.shape_cast %reduce_max3A_1032 : vector<128xf32> to vector<128x1xf32>
      %max3A_1034 = arith.constant -1.000000e+30 : f32
      %max3A_1035 = vector.broadcast %max3A_1034 : f32 to vector<128x1xf32>
      %max3A_1036 = arith.maximumf %broadcast_in_dim3A_1033, %max3A_1035 : vector<128x1xf32>
      %sub3A_1037 = vector.broadcast %max3A_1036 : vector<128x1xf32> to vector<128x512xf32>
      %sub3A_1038 = arith.subf %add3A_1030, %sub3A_1037 : vector<128x512xf32>
      %exp3A_1039 = math.exp %sub3A_1038 : vector<128x512xf32>
      %dot_general3A_1040 = arith.constant dense<0.000000e+00> : vector<8x128xf32>
      %dot_general3A_1041 = tpu.matmul %broadcast_in_dim3A_9, %exp3A_1039, %dot_general3A_1040 {dimension_numbers = #tpu.dot_dimension_numbers<[1], [1], [0], [0], [0, 0, 1, 0], [], []>, transpose_lhs_hint = false} : vector<8x512xf32>, vector<128x512xf32>, vector<8x128xf32> -> vector<8x128xf32>
      %slice3A_1042 = vector.extract_strided_slice %dot_general3A_1041 {offsets = [0, 0], sizes = [1, 128], strides = [1, 1]} : vector<8x128xf32> to vector<1x128xf32>
      %add3A_1043 = arith.constant 1.000000e-16 : f32
      %add3A_1044 = vector.broadcast %add3A_1043 : f32 to vector<1x128xf32>
      %add3A_1045 = arith.addf %slice3A_1042, %add3A_1044 : vector<1x128xf32>
      %dot_general3A_1046 = arith.constant dense<0.000000e+00> : vector<8x128xf32>
      %dot_general3A_1047 = tpu.matmul %get3A_1027, %exp3A_1039, %dot_general3A_1046 {dimension_numbers = #tpu.dot_dimension_numbers<[1], [1], [0], [0], [0, 0, 1, 0], [], []>, transpose_lhs_hint = false} : vector<8x512xf32>, vector<128x512xf32>, vector<8x128xf32> -> vector<8x128xf32>
      %div3A_1048 = vector.broadcast %add3A_1045 : vector<1x128xf32> to vector<8x128xf32>
      %div3A_1049 = arith.divf %dot_general3A_1047, %div3A_1048 : vector<8x128xf32>
      %add3A_1050 = arith.addf %add3A_1017, %div3A_1049 : vector<8x128xf32>
      %mul3A_1051 = arith.constant 0.333333343 : f32
      %mul3A_1052 = vector.broadcast %mul3A_1051 : f32 to vector<8x128xf32>
      %mul3A_1053 = arith.mulf %add3A_1050, %mul3A_1052 : vector<8x128xf32>
      %mul3A_1054 = arith.constant 512 : i32
      %mul3A_1055 = arith.muli %scan3A_208, %mul3A_1054 : i32
      %add3A_1056 = arith.constant 256 : i32
      %add3A_1057 = arith.addi %mul3A_1055, %add3A_1056 : i32
      %swap3A_1058 = arith.constant 8 : index
      %swap3A_1059 = arith.index_cast %add3A_1057 : i32 to index
      %swap3A_1060 = vector.load %arg37[%swap3A_1058, %swap3A_1059] : memref<32x6144xf32, #tpu.memory_space<vmem>>, vector<8x128xf32>
      tpu.vector_store %arg37[%swap3A_1058, %swap3A_1059], %mul3A_1053 {strides = array<i32>} : memref<32x6144xf32, #tpu.memory_space<vmem>>, vector<8x128xf32>,
      %mul3A_1061 = arith.constant 512 : i32
      %mul3A_1062 = arith.muli %scan3A_208, %mul3A_1061 : i32
      %add3A_1063 = arith.constant 384 : i32
      %add3A_1064 = arith.addi %mul3A_1062, %add3A_1063 : i32
      %get3A_1065 = arith.constant 32 : index
      %get3A_1066 = arith.index_cast %add3A_1064 : i32 to index
      %get3A_1067 = vector.load %arg33[%get3A_1065, %get3A_1066] : memref<128x6144xbf16, #tpu.memory_space<vmem>>, vector<32x128xbf16>
      %get3A_1068 = arith.constant 384 : index
      %get3A_1069 = arith.constant 0 : index
      %get3A_1070 = vector.load %arg4[%get3A_1068, %get3A_1069] : memref<512x512xf32, #tpu.memory_space<vmem>>, vector<128x512xf32>
      %broadcast_in_dim3A_1071 = arith.constant 0.000000e+00 : f32
      %broadcast_in_dim3A_1072 = vector.broadcast %broadcast_in_dim3A_1071 : f32 to vector<8x128xf32>
      %mul3A_1073 = arith.constant 512 : i32
      %mul3A_1074 = arith.muli %select_n3A, %mul3A_1073 : i32
      %get3A_1075 = arith.constant 32 : index
      %get3A_1076 = arith.index_cast %mul3A_1074 : i32 to index
      %get3A_1077 = vector.load %arg34[%get3A_1075, %get3A_1076] : memref<128x6144xbf16, #tpu.memory_space<vmem>>, vector<32x512xbf16>
      %mul3A_1078 = arith.constant 512 : i32
      %mul3A_1079 = arith.muli %select_n3A, %mul3A_1078 : i32
      %get3A_1080 = arith.constant 8 : index
      %get3A_1081 = arith.index_cast %mul3A_1079 : i32 to index
      %get3A_1082 = vector.load %arg35[%get3A_1080, %get3A_1081] : memref<32x6144xf32, #tpu.memory_space<vmem>>, vector<8x512xf32>
      %dot_general3A_1083 = arith.constant dense<0.000000e+00> : vector<128x512xf32>
      %dot_general3A_1084 = tpu.matmul %get3A_1067, %get3A_1077, %dot_general3A_1083 {dimension_numbers = #tpu.dot_dimension_numbers<[0], [0], [1], [1], [0, 1, 1, 1], [], []>, transpose_lhs_hint = false} : vector<32x128xbf16>, vector<32x512xbf16>, vector<128x512xf32> -> vector<128x512xf32>
      %add3A_1085 = arith.addf %dot_general3A_1084, %get3A_1070 : vector<128x512xf32>
      %reduce_max3A_1086 = arith.constant dense<0xFF800000> : vector<128xf32>
      %reduce_max3A_1087 = vector.multi_reduction <maximumf>, %add3A_1085, %reduce_max3A_1086 [1] : vector<128x512xf32> to vector<128xf32>
      %broadcast_in_dim3A_1088 = vector.shape_cast %reduce_max3A_1087 : vector<128xf32> to vector<128x1xf32>
      %max3A_1089 = arith.constant -1.000000e+30 : f32
      %max3A_1090 = vector.broadcast %max3A_1089 : f32 to vector<128x1xf32>
      %max3A_1091 = arith.maximumf %broadcast_in_dim3A_1088, %max3A_1090 : vector<128x1xf32>
      %sub3A_1092 = vector.broadcast %max3A_1091 : vector<128x1xf32> to vector<128x512xf32>
      %sub3A_1093 = arith.subf %add3A_1085, %sub3A_1092 : vector<128x512xf32>
      %exp3A_1094 = math.exp %sub3A_1093 : vector<128x512xf32>
      %dot_general3A_1095 = arith.constant dense<0.000000e+00> : vector<8x128xf32>
      %dot_general3A_1096 = tpu.matmul %broadcast_in_dim3A_9, %exp3A_1094, %dot_general3A_1095 {dimension_numbers = #tpu.dot_dimension_numbers<[1], [1], [0], [0], [0, 0, 1, 0], [], []>, transpose_lhs_hint = false} : vector<8x512xf32>, vector<128x512xf32>, vector<8x128xf32> -> vector<8x128xf32>
      %slice3A_1097 = vector.extract_strided_slice %dot_general3A_1096 {offsets = [0, 0], sizes = [1, 128], strides = [1, 1]} : vector<8x128xf32> to vector<1x128xf32>
      %add3A_1098 = arith.constant 1.000000e-16 : f32
      %add3A_1099 = vector.broadcast %add3A_1098 : f32 to vector<1x128xf32>
      %add3A_1100 = arith.addf %slice3A_1097, %add3A_1099 : vector<1x128xf32>
      %dot_general3A_1101 = arith.constant dense<0.000000e+00> : vector<8x128xf32>
      %dot_general3A_1102 = tpu.matmul %get3A_1082, %exp3A_1094, %dot_general3A_1101 {dimension_numbers = #tpu.dot_dimension_numbers<[1], [1], [0], [0], [0, 0, 1, 0], [], []>, transpose_lhs_hint = false} : vector<8x512xf32>, vector<128x512xf32>, vector<8x128xf32> -> vector<8x128xf32>
      %div3A_1103 = vector.broadcast %add3A_1100 : vector<1x128xf32> to vector<8x128xf32>
      %div3A_1104 = arith.divf %dot_general3A_1102, %div3A_1103 : vector<8x128xf32>
      %add3A_1105 = arith.addf %broadcast_in_dim3A_1072, %div3A_1104 : vector<8x128xf32>
      %mul3A_1106 = arith.constant 512 : i32
      %mul3A_1107 = arith.muli %scan3A_208, %mul3A_1106 : i32
      %get3A_1108 = arith.constant 32 : index
      %get3A_1109 = arith.index_cast %mul3A_1107 : i32 to index
      %get3A_1110 = vector.load %arg34[%get3A_1108, %get3A_1109] : memref<128x6144xbf16, #tpu.memory_space<vmem>>, vector<32x512xbf16>
      %mul3A_1111 = arith.constant 512 : i32
      %mul3A_1112 = arith.muli %scan3A_208, %mul3A_1111 : i32
      %get3A_1113 = arith.constant 8 : index
      %get3A_1114 = arith.index_cast %mul3A_1112 : i32 to index
      %get3A_1115 = vector.load %arg35[%get3A_1113, %get3A_1114] : memref<32x6144xf32, #tpu.memory_space<vmem>>, vector<8x512xf32>
      %dot_general3A_1116 = arith.constant dense<0.000000e+00> : vector<128x512xf32>
      %dot_general3A_1117 = tpu.matmul %get3A_1067, %get3A_1110, %dot_general3A_1116 {dimension_numbers = #tpu.dot_dimension_numbers<[0], [0], [1], [1], [0, 1, 1, 1], [], []>, transpose_lhs_hint = false} : vector<32x128xbf16>, vector<32x512xbf16>, vector<128x512xf32> -> vector<128x512xf32>
      %add3A_1118 = arith.addf %dot_general3A_1117, %get3A_1070 : vector<128x512xf32>
      %reduce_max3A_1119 = arith.constant dense<0xFF800000> : vector<128xf32>
      %reduce_max3A_1120 = vector.multi_reduction <maximumf>, %add3A_1118, %reduce_max3A_1119 [1] : vector<128x512xf32> to vector<128xf32>
      %broadcast_in_dim3A_1121 = vector.shape_cast %reduce_max3A_1120 : vector<128xf32> to vector<128x1xf32>
      %max3A_1122 = arith.constant -1.000000e+30 : f32
      %max3A_1123 = vector.broadcast %max3A_1122 : f32 to vector<128x1xf32>
      %max3A_1124 = arith.maximumf %broadcast_in_dim3A_1121, %max3A_1123 : vector<128x1xf32>
      %sub3A_1125 = vector.broadcast %max3A_1124 : vector<128x1xf32> to vector<128x512xf32>
      %sub3A_1126 = arith.subf %add3A_1118, %sub3A_1125 : vector<128x512xf32>
      %exp3A_1127 = math.exp %sub3A_1126 : vector<128x512xf32>
      %dot_general3A_1128 = arith.constant dense<0.000000e+00> : vector<8x128xf32>
      %dot_general3A_1129 = tpu.matmul %broadcast_in_dim3A_9, %exp3A_1127, %dot_general3A_1128 {dimension_numbers = #tpu.dot_dimension_numbers<[1], [1], [0], [0], [0, 0, 1, 0], [], []>, transpose_lhs_hint = false} : vector<8x512xf32>, vector<128x512xf32>, vector<8x128xf32> -> vector<8x128xf32>
      %slice3A_1130 = vector.extract_strided_slice %dot_general3A_1129 {offsets = [0, 0], sizes = [1, 128], strides = [1, 1]} : vector<8x128xf32> to vector<1x128xf32>
      %add3A_1131 = arith.constant 1.000000e-16 : f32
      %add3A_1132 = vector.broadcast %add3A_1131 : f32 to vector<1x128xf32>
      %add3A_1133 = arith.addf %slice3A_1130, %add3A_1132 : vector<1x128xf32>
      %dot_general3A_1134 = arith.constant dense<0.000000e+00> : vector<8x128xf32>
      %dot_general3A_1135 = tpu.matmul %get3A_1115, %exp3A_1127, %dot_general3A_1134 {dimension_numbers = #tpu.dot_dimension_numbers<[1], [1], [0], [0], [0, 0, 1, 0], [], []>, transpose_lhs_hint = false} : vector<8x512xf32>, vector<128x512xf32>, vector<8x128xf32> -> vector<8x128xf32>
      %div3A_1136 = vector.broadcast %add3A_1133 : vector<1x128xf32> to vector<8x128xf32>
      %div3A_1137 = arith.divf %dot_general3A_1135, %div3A_1136 : vector<8x128xf32>
      %add3A_1138 = arith.addf %add3A_1105, %div3A_1137 : vector<8x128xf32>
      %mul3A_1139 = arith.constant 512 : i32
      %mul3A_1140 = arith.muli %select_n3A_217, %mul3A_1139 : i32
      %get3A_1141 = arith.constant 32 : index
      %get3A_1142 = arith.index_cast %mul3A_1140 : i32 to index
      %get3A_1143 = vector.load %arg34[%get3A_1141, %get3A_1142] : memref<128x6144xbf16, #tpu.memory_space<vmem>>, vector<32x512xbf16>
      %mul3A_1144 = arith.constant 512 : i32
      %mul3A_1145 = arith.muli %select_n3A_217, %mul3A_1144 : i32
      %get3A_1146 = arith.constant 8 : index
      %get3A_1147 = arith.index_cast %mul3A_1145 : i32 to index
      %get3A_1148 = vector.load %arg35[%get3A_1146, %get3A_1147] : memref<32x6144xf32, #tpu.memory_space<vmem>>, vector<8x512xf32>
      %dot_general3A_1149 = arith.constant dense<0.000000e+00> : vector<128x512xf32>
      %dot_general3A_1150 = tpu.matmul %get3A_1067, %get3A_1143, %dot_general3A_1149 {dimension_numbers = #tpu.dot_dimension_numbers<[0], [0], [1], [1], [0, 1, 1, 1], [], []>, transpose_lhs_hint = false} : vector<32x128xbf16>, vector<32x512xbf16>, vector<128x512xf32> -> vector<128x512xf32>
      %add3A_1151 = arith.addf %dot_general3A_1150, %get3A_1070 : vector<128x512xf32>
      %reduce_max3A_1152 = arith.constant dense<0xFF800000> : vector<128xf32>
      %reduce_max3A_1153 = vector.multi_reduction <maximumf>, %add3A_1151, %reduce_max3A_1152 [1] : vector<128x512xf32> to vector<128xf32>
      %broadcast_in_dim3A_1154 = vector.shape_cast %reduce_max3A_1153 : vector<128xf32> to vector<128x1xf32>
      %max3A_1155 = arith.constant -1.000000e+30 : f32
      %max3A_1156 = vector.broadcast %max3A_1155 : f32 to vector<128x1xf32>
      %max3A_1157 = arith.maximumf %broadcast_in_dim3A_1154, %max3A_1156 : vector<128x1xf32>
      %sub3A_1158 = vector.broadcast %max3A_1157 : vector<128x1xf32> to vector<128x512xf32>
      %sub3A_1159 = arith.subf %add3A_1151, %sub3A_1158 : vector<128x512xf32>
      %exp3A_1160 = math.exp %sub3A_1159 : vector<128x512xf32>
      %dot_general3A_1161 = arith.constant dense<0.000000e+00> : vector<8x128xf32>
      %dot_general3A_1162 = tpu.matmul %broadcast_in_dim3A_9, %exp3A_1160, %dot_general3A_1161 {dimension_numbers = #tpu.dot_dimension_numbers<[1], [1], [0], [0], [0, 0, 1, 0], [], []>, transpose_lhs_hint = false} : vector<8x512xf32>, vector<128x512xf32>, vector<8x128xf32> -> vector<8x128xf32>
      %slice3A_1163 = vector.extract_strided_slice %dot_general3A_1162 {offsets = [0, 0], sizes = [1, 128], strides = [1, 1]} : vector<8x128xf32> to vector<1x128xf32>
      %add3A_1164 = arith.constant 1.000000e-16 : f32
      %add3A_1165 = vector.broadcast %add3A_1164 : f32 to vector<1x128xf32>
      %add3A_1166 = arith.addf %slice3A_1163, %add3A_1165 : vector<1x128xf32>
      %dot_general3A_1167 = arith.constant dense<0.000000e+00> : vector<8x128xf32>
      %dot_general3A_1168 = tpu.matmul %get3A_1148, %exp3A_1160, %dot_general3A_1167 {dimension_numbers = #tpu.dot_dimension_numbers<[1], [1], [0], [0], [0, 0, 1, 0], [], []>, transpose_lhs_hint = false} : vector<8x512xf32>, vector<128x512xf32>, vector<8x128xf32> -> vector<8x128xf32>
      %div3A_1169 = vector.broadcast %add3A_1166 : vector<1x128xf32> to vector<8x128xf32>
      %div3A_1170 = arith.divf %dot_general3A_1168, %div3A_1169 : vector<8x128xf32>
      %add3A_1171 = arith.addf %add3A_1138, %div3A_1170 : vector<8x128xf32>
      %mul3A_1172 = arith.constant 0.333333343 : f32
      %mul3A_1173 = vector.broadcast %mul3A_1172 : f32 to vector<8x128xf32>
      %mul3A_1174 = arith.mulf %add3A_1171, %mul3A_1173 : vector<8x128xf32>
      %mul3A_1175 = arith.constant 512 : i32
      %mul3A_1176 = arith.muli %scan3A_208, %mul3A_1175 : i32
      %add3A_1177 = arith.constant 384 : i32
      %add3A_1178 = arith.addi %mul3A_1176, %add3A_1177 : i32
      %swap3A_1179 = arith.constant 8 : index
      %swap3A_1180 = arith.index_cast %add3A_1178 : i32 to index
      %swap3A_1181 = vector.load %arg37[%swap3A_1179, %swap3A_1180] : memref<32x6144xf32, #tpu.memory_space<vmem>>, vector<8x128xf32>
      tpu.vector_store %arg37[%swap3A_1179, %swap3A_1180], %mul3A_1174 {strides = array<i32>} : memref<32x6144xf32, #tpu.memory_space<vmem>>, vector<8x128xf32>,
      %mul3A_1182 = arith.constant 512 : i32
      %mul3A_1183 = arith.muli %scan3A_208, %mul3A_1182 : i32
      %add3A_1184 = arith.constant 0 : i32
      %add3A_1185 = arith.addi %mul3A_1183, %add3A_1184 : i32
      %get3A_1186 = arith.constant 64 : index
      %get3A_1187 = arith.index_cast %add3A_1185 : i32 to index
      %get3A_1188 = vector.load %arg33[%get3A_1186, %get3A_1187] : memref<128x6144xbf16, #tpu.memory_space<vmem>>, vector<32x128xbf16>
      %get3A_1189 = arith.constant 0 : index
      %get3A_1190 = arith.constant 0 : index
      %get3A_1191 = vector.load %arg4[%get3A_1189, %get3A_1190] : memref<512x512xf32, #tpu.memory_space<vmem>>, vector<128x512xf32>
      %broadcast_in_dim3A_1192 = arith.constant 0.000000e+00 : f32
      %broadcast_in_dim3A_1193 = vector.broadcast %broadcast_in_dim3A_1192 : f32 to vector<8x128xf32>
      %mul3A_1194 = arith.constant 512 : i32
      %mul3A_1195 = arith.muli %select_n3A, %mul3A_1194 : i32
      %get3A_1196 = arith.constant 64 : index
      %get3A_1197 = arith.index_cast %mul3A_1195 : i32 to index
      %get3A_1198 = vector.load %arg34[%get3A_1196, %get3A_1197] : memref<128x6144xbf16, #tpu.memory_space<vmem>>, vector<32x512xbf16>
      %mul3A_1199 = arith.constant 512 : i32
      %mul3A_1200 = arith.muli %select_n3A, %mul3A_1199 : i32
      %get3A_1201 = arith.constant 16 : index
      %get3A_1202 = arith.index_cast %mul3A_1200 : i32 to index
      %get3A_1203 = vector.load %arg35[%get3A_1201, %get3A_1202] : memref<32x6144xf32, #tpu.memory_space<vmem>>, vector<8x512xf32>
      %dot_general3A_1204 = arith.constant dense<0.000000e+00> : vector<128x512xf32>
      %dot_general3A_1205 = tpu.matmul %get3A_1188, %get3A_1198, %dot_general3A_1204 {dimension_numbers = #tpu.dot_dimension_numbers<[0], [0], [1], [1], [0, 1, 1, 1], [], []>, transpose_lhs_hint = false} : vector<32x128xbf16>, vector<32x512xbf16>, vector<128x512xf32> -> vector<128x512xf32>
      %add3A_1206 = arith.addf %dot_general3A_1205, %get3A_1191 : vector<128x512xf32>
      %reduce_max3A_1207 = arith.constant dense<0xFF800000> : vector<128xf32>
      %reduce_max3A_1208 = vector.multi_reduction <maximumf>, %add3A_1206, %reduce_max3A_1207 [1] : vector<128x512xf32> to vector<128xf32>
      %broadcast_in_dim3A_1209 = vector.shape_cast %reduce_max3A_1208 : vector<128xf32> to vector<128x1xf32>
      %max3A_1210 = arith.constant -1.000000e+30 : f32
      %max3A_1211 = vector.broadcast %max3A_1210 : f32 to vector<128x1xf32>
      %max3A_1212 = arith.maximumf %broadcast_in_dim3A_1209, %max3A_1211 : vector<128x1xf32>
      %sub3A_1213 = vector.broadcast %max3A_1212 : vector<128x1xf32> to vector<128x512xf32>
      %sub3A_1214 = arith.subf %add3A_1206, %sub3A_1213 : vector<128x512xf32>
      %exp3A_1215 = math.exp %sub3A_1214 : vector<128x512xf32>
      %dot_general3A_1216 = arith.constant dense<0.000000e+00> : vector<8x128xf32>
      %dot_general3A_1217 = tpu.matmul %broadcast_in_dim3A_9, %exp3A_1215, %dot_general3A_1216 {dimension_numbers = #tpu.dot_dimension_numbers<[1], [1], [0], [0], [0, 0, 1, 0], [], []>, transpose_lhs_hint = false} : vector<8x512xf32>, vector<128x512xf32>, vector<8x128xf32> -> vector<8x128xf32>
      %slice3A_1218 = vector.extract_strided_slice %dot_general3A_1217 {offsets = [0, 0], sizes = [1, 128], strides = [1, 1]} : vector<8x128xf32> to vector<1x128xf32>
      %add3A_1219 = arith.constant 1.000000e-16 : f32
      %add3A_1220 = vector.broadcast %add3A_1219 : f32 to vector<1x128xf32>
      %add3A_1221 = arith.addf %slice3A_1218, %add3A_1220 : vector<1x128xf32>
      %dot_general3A_1222 = arith.constant dense<0.000000e+00> : vector<8x128xf32>
      %dot_general3A_1223 = tpu.matmul %get3A_1203, %exp3A_1215, %dot_general3A_1222 {dimension_numbers = #tpu.dot_dimension_numbers<[1], [1], [0], [0], [0, 0, 1, 0], [], []>, transpose_lhs_hint = false} : vector<8x512xf32>, vector<128x512xf32>, vector<8x128xf32> -> vector<8x128xf32>
      %div3A_1224 = vector.broadcast %add3A_1221 : vector<1x128xf32> to vector<8x128xf32>
      %div3A_1225 = arith.divf %dot_general3A_1223, %div3A_1224 : vector<8x128xf32>
      %add3A_1226 = arith.addf %broadcast_in_dim3A_1193, %div3A_1225 : vector<8x128xf32>
      %mul3A_1227 = arith.constant 512 : i32
      %mul3A_1228 = arith.muli %scan3A_208, %mul3A_1227 : i32
      %get3A_1229 = arith.constant 64 : index
      %get3A_1230 = arith.index_cast %mul3A_1228 : i32 to index
      %get3A_1231 = vector.load %arg34[%get3A_1229, %get3A_1230] : memref<128x6144xbf16, #tpu.memory_space<vmem>>, vector<32x512xbf16>
      %mul3A_1232 = arith.constant 512 : i32
      %mul3A_1233 = arith.muli %scan3A_208, %mul3A_1232 : i32
      %get3A_1234 = arith.constant 16 : index
      %get3A_1235 = arith.index_cast %mul3A_1233 : i32 to index
      %get3A_1236 = vector.load %arg35[%get3A_1234, %get3A_1235] : memref<32x6144xf32, #tpu.memory_space<vmem>>, vector<8x512xf32>
      %dot_general3A_1237 = arith.constant dense<0.000000e+00> : vector<128x512xf32>
      %dot_general3A_1238 = tpu.matmul %get3A_1188, %get3A_1231, %dot_general3A_1237 {dimension_numbers = #tpu.dot_dimension_numbers<[0], [0], [1], [1], [0, 1, 1, 1], [], []>, transpose_lhs_hint = false} : vector<32x128xbf16>, vector<32x512xbf16>, vector<128x512xf32> -> vector<128x512xf32>
      %add3A_1239 = arith.addf %dot_general3A_1238, %get3A_1191 : vector<128x512xf32>
      %reduce_max3A_1240 = arith.constant dense<0xFF800000> : vector<128xf32>
      %reduce_max3A_1241 = vector.multi_reduction <maximumf>, %add3A_1239, %reduce_max3A_1240 [1] : vector<128x512xf32> to vector<128xf32>
      %broadcast_in_dim3A_1242 = vector.shape_cast %reduce_max3A_1241 : vector<128xf32> to vector<128x1xf32>
      %max3A_1243 = arith.constant -1.000000e+30 : f32
      %max3A_1244 = vector.broadcast %max3A_1243 : f32 to vector<128x1xf32>
      %max3A_1245 = arith.maximumf %broadcast_in_dim3A_1242, %max3A_1244 : vector<128x1xf32>
      %sub3A_1246 = vector.broadcast %max3A_1245 : vector<128x1xf32> to vector<128x512xf32>
      %sub3A_1247 = arith.subf %add3A_1239, %sub3A_1246 : vector<128x512xf32>
      %exp3A_1248 = math.exp %sub3A_1247 : vector<128x512xf32>
      %dot_general3A_1249 = arith.constant dense<0.000000e+00> : vector<8x128xf32>
      %dot_general3A_1250 = tpu.matmul %broadcast_in_dim3A_9, %exp3A_1248, %dot_general3A_1249 {dimension_numbers = #tpu.dot_dimension_numbers<[1], [1], [0], [0], [0, 0, 1, 0], [], []>, transpose_lhs_hint = false} : vector<8x512xf32>, vector<128x512xf32>, vector<8x128xf32> -> vector<8x128xf32>
      %slice3A_1251 = vector.extract_strided_slice %dot_general3A_1250 {offsets = [0, 0], sizes = [1, 128], strides = [1, 1]} : vector<8x128xf32> to vector<1x128xf32>
      %add3A_1252 = arith.constant 1.000000e-16 : f32
      %add3A_1253 = vector.broadcast %add3A_1252 : f32 to vector<1x128xf32>
      %add3A_1254 = arith.addf %slice3A_1251, %add3A_1253 : vector<1x128xf32>
      %dot_general3A_1255 = arith.constant dense<0.000000e+00> : vector<8x128xf32>
      %dot_general3A_1256 = tpu.matmul %get3A_1236, %exp3A_1248, %dot_general3A_1255 {dimension_numbers = #tpu.dot_dimension_numbers<[1], [1], [0], [0], [0, 0, 1, 0], [], []>, transpose_lhs_hint = false} : vector<8x512xf32>, vector<128x512xf32>, vector<8x128xf32> -> vector<8x128xf32>
      %div3A_1257 = vector.broadcast %add3A_1254 : vector<1x128xf32> to vector<8x128xf32>
      %div3A_1258 = arith.divf %dot_general3A_1256, %div3A_1257 : vector<8x128xf32>
      %add3A_1259 = arith.addf %add3A_1226, %div3A_1258 : vector<8x128xf32>
      %mul3A_1260 = arith.constant 512 : i32
      %mul3A_1261 = arith.muli %select_n3A_217, %mul3A_1260 : i32
      %get3A_1262 = arith.constant 64 : index
      %get3A_1263 = arith.index_cast %mul3A_1261 : i32 to index
      %get3A_1264 = vector.load %arg34[%get3A_1262, %get3A_1263] : memref<128x6144xbf16, #tpu.memory_space<vmem>>, vector<32x512xbf16>
      %mul3A_1265 = arith.constant 512 : i32
      %mul3A_1266 = arith.muli %select_n3A_217, %mul3A_1265 : i32
      %get3A_1267 = arith.constant 16 : index
      %get3A_1268 = arith.index_cast %mul3A_1266 : i32 to index
      %get3A_1269 = vector.load %arg35[%get3A_1267, %get3A_1268] : memref<32x6144xf32, #tpu.memory_space<vmem>>, vector<8x512xf32>
      %dot_general3A_1270 = arith.constant dense<0.000000e+00> : vector<128x512xf32>
      %dot_general3A_1271 = tpu.matmul %get3A_1188, %get3A_1264, %dot_general3A_1270 {dimension_numbers = #tpu.dot_dimension_numbers<[0], [0], [1], [1], [0, 1, 1, 1], [], []>, transpose_lhs_hint = false} : vector<32x128xbf16>, vector<32x512xbf16>, vector<128x512xf32> -> vector<128x512xf32>
      %add3A_1272 = arith.addf %dot_general3A_1271, %get3A_1191 : vector<128x512xf32>
      %reduce_max3A_1273 = arith.constant dense<0xFF800000> : vector<128xf32>
      %reduce_max3A_1274 = vector.multi_reduction <maximumf>, %add3A_1272, %reduce_max3A_1273 [1] : vector<128x512xf32> to vector<128xf32>
      %broadcast_in_dim3A_1275 = vector.shape_cast %reduce_max3A_1274 : vector<128xf32> to vector<128x1xf32>
      %max3A_1276 = arith.constant -1.000000e+30 : f32
      %max3A_1277 = vector.broadcast %max3A_1276 : f32 to vector<128x1xf32>
      %max3A_1278 = arith.maximumf %broadcast_in_dim3A_1275, %max3A_1277 : vector<128x1xf32>
      %sub3A_1279 = vector.broadcast %max3A_1278 : vector<128x1xf32> to vector<128x512xf32>
      %sub3A_1280 = arith.subf %add3A_1272, %sub3A_1279 : vector<128x512xf32>
      %exp3A_1281 = math.exp %sub3A_1280 : vector<128x512xf32>
      %dot_general3A_1282 = arith.constant dense<0.000000e+00> : vector<8x128xf32>
      %dot_general3A_1283 = tpu.matmul %broadcast_in_dim3A_9, %exp3A_1281, %dot_general3A_1282 {dimension_numbers = #tpu.dot_dimension_numbers<[1], [1], [0], [0], [0, 0, 1, 0], [], []>, transpose_lhs_hint = false} : vector<8x512xf32>, vector<128x512xf32>, vector<8x128xf32> -> vector<8x128xf32>
      %slice3A_1284 = vector.extract_strided_slice %dot_general3A_1283 {offsets = [0, 0], sizes = [1, 128], strides = [1, 1]} : vector<8x128xf32> to vector<1x128xf32>
      %add3A_1285 = arith.constant 1.000000e-16 : f32
      %add3A_1286 = vector.broadcast %add3A_1285 : f32 to vector<1x128xf32>
      %add3A_1287 = arith.addf %slice3A_1284, %add3A_1286 : vector<1x128xf32>
      %dot_general3A_1288 = arith.constant dense<0.000000e+00> : vector<8x128xf32>
      %dot_general3A_1289 = tpu.matmul %get3A_1269, %exp3A_1281, %dot_general3A_1288 {dimension_numbers = #tpu.dot_dimension_numbers<[1], [1], [0], [0], [0, 0, 1, 0], [], []>, transpose_lhs_hint = false} : vector<8x512xf32>, vector<128x512xf32>, vector<8x128xf32> -> vector<8x128xf32>
      %div3A_1290 = vector.broadcast %add3A_1287 : vector<1x128xf32> to vector<8x128xf32>
      %div3A_1291 = arith.divf %dot_general3A_1289, %div3A_1290 : vector<8x128xf32>
      %add3A_1292 = arith.addf %add3A_1259, %div3A_1291 : vector<8x128xf32>
      %mul3A_1293 = arith.constant 0.333333343 : f32
      %mul3A_1294 = vector.broadcast %mul3A_1293 : f32 to vector<8x128xf32>
      %mul3A_1295 = arith.mulf %add3A_1292, %mul3A_1294 : vector<8x128xf32>
      %mul3A_1296 = arith.constant 512 : i32
      %mul3A_1297 = arith.muli %scan3A_208, %mul3A_1296 : i32
      %add3A_1298 = arith.constant 0 : i32
      %add3A_1299 = arith.addi %mul3A_1297, %add3A_1298 : i32
      %swap3A_1300 = arith.constant 16 : index
      %swap3A_1301 = arith.index_cast %add3A_1299 : i32 to index
      %swap3A_1302 = vector.load %arg37[%swap3A_1300, %swap3A_1301] : memref<32x6144xf32, #tpu.memory_space<vmem>>, vector<8x128xf32>
      tpu.vector_store %arg37[%swap3A_1300, %swap3A_1301], %mul3A_1295 {strides = array<i32>} : memref<32x6144xf32, #tpu.memory_space<vmem>>, vector<8x128xf32>,
      %mul3A_1303 = arith.constant 512 : i32
      %mul3A_1304 = arith.muli %scan3A_208, %mul3A_1303 : i32
      %add3A_1305 = arith.constant 128 : i32
      %add3A_1306 = arith.addi %mul3A_1304, %add3A_1305 : i32
      %get3A_1307 = arith.constant 64 : index
      %get3A_1308 = arith.index_cast %add3A_1306 : i32 to index
      %get3A_1309 = vector.load %arg33[%get3A_1307, %get3A_1308] : memref<128x6144xbf16, #tpu.memory_space<vmem>>, vector<32x128xbf16>
      %get3A_1310 = arith.constant 128 : index
      %get3A_1311 = arith.constant 0 : index
      %get3A_1312 = vector.load %arg4[%get3A_1310, %get3A_1311] : memref<512x512xf32, #tpu.memory_space<vmem>>, vector<128x512xf32>
      %broadcast_in_dim3A_1313 = arith.constant 0.000000e+00 : f32
      %broadcast_in_dim3A_1314 = vector.broadcast %broadcast_in_dim3A_1313 : f32 to vector<8x128xf32>
      %mul3A_1315 = arith.constant 512 : i32
      %mul3A_1316 = arith.muli %select_n3A, %mul3A_1315 : i32
      %get3A_1317 = arith.constant 64 : index
      %get3A_1318 = arith.index_cast %mul3A_1316 : i32 to index
      %get3A_1319 = vector.load %arg34[%get3A_1317, %get3A_1318] : memref<128x6144xbf16, #tpu.memory_space<vmem>>, vector<32x512xbf16>
      %mul3A_1320 = arith.constant 512 : i32
      %mul3A_1321 = arith.muli %select_n3A, %mul3A_1320 : i32
      %get3A_1322 = arith.constant 16 : index
      %get3A_1323 = arith.index_cast %mul3A_1321 : i32 to index
      %get3A_1324 = vector.load %arg35[%get3A_1322, %get3A_1323] : memref<32x6144xf32, #tpu.memory_space<vmem>>, vector<8x512xf32>
      %dot_general3A_1325 = arith.constant dense<0.000000e+00> : vector<128x512xf32>
      %dot_general3A_1326 = tpu.matmul %get3A_1309, %get3A_1319, %dot_general3A_1325 {dimension_numbers = #tpu.dot_dimension_numbers<[0], [0], [1], [1], [0, 1, 1, 1], [], []>, transpose_lhs_hint = false} : vector<32x128xbf16>, vector<32x512xbf16>, vector<128x512xf32> -> vector<128x512xf32>
      %add3A_1327 = arith.addf %dot_general3A_1326, %get3A_1312 : vector<128x512xf32>
      %reduce_max3A_1328 = arith.constant dense<0xFF800000> : vector<128xf32>
      %reduce_max3A_1329 = vector.multi_reduction <maximumf>, %add3A_1327, %reduce_max3A_1328 [1] : vector<128x512xf32> to vector<128xf32>
      %broadcast_in_dim3A_1330 = vector.shape_cast %reduce_max3A_1329 : vector<128xf32> to vector<128x1xf32>
      %max3A_1331 = arith.constant -1.000000e+30 : f32
      %max3A_1332 = vector.broadcast %max3A_1331 : f32 to vector<128x1xf32>
      %max3A_1333 = arith.maximumf %broadcast_in_dim3A_1330, %max3A_1332 : vector<128x1xf32>
      %sub3A_1334 = vector.broadcast %max3A_1333 : vector<128x1xf32> to vector<128x512xf32>
      %sub3A_1335 = arith.subf %add3A_1327, %sub3A_1334 : vector<128x512xf32>
      %exp3A_1336 = math.exp %sub3A_1335 : vector<128x512xf32>
      %dot_general3A_1337 = arith.constant dense<0.000000e+00> : vector<8x128xf32>
      %dot_general3A_1338 = tpu.matmul %broadcast_in_dim3A_9, %exp3A_1336, %dot_general3A_1337 {dimension_numbers = #tpu.dot_dimension_numbers<[1], [1], [0], [0], [0, 0, 1, 0], [], []>, transpose_lhs_hint = false} : vector<8x512xf32>, vector<128x512xf32>, vector<8x128xf32> -> vector<8x128xf32>
      %slice3A_1339 = vector.extract_strided_slice %dot_general3A_1338 {offsets = [0, 0], sizes = [1, 128], strides = [1, 1]} : vector<8x128xf32> to vector<1x128xf32>
      %add3A_1340 = arith.constant 1.000000e-16 : f32
      %add3A_1341 = vector.broadcast %add3A_1340 : f32 to vector<1x128xf32>
      %add3A_1342 = arith.addf %slice3A_1339, %add3A_1341 : vector<1x128xf32>
      %dot_general3A_1343 = arith.constant dense<0.000000e+00> : vector<8x128xf32>
      %dot_general3A_1344 = tpu.matmul %get3A_1324, %exp3A_1336, %dot_general3A_1343 {dimension_numbers = #tpu.dot_dimension_numbers<[1], [1], [0], [0], [0, 0, 1, 0], [], []>, transpose_lhs_hint = false} : vector<8x512xf32>, vector<128x512xf32>, vector<8x128xf32> -> vector<8x128xf32>
      %div3A_1345 = vector.broadcast %add3A_1342 : vector<1x128xf32> to vector<8x128xf32>
      %div3A_1346 = arith.divf %dot_general3A_1344, %div3A_1345 : vector<8x128xf32>
      %add3A_1347 = arith.addf %broadcast_in_dim3A_1314, %div3A_1346 : vector<8x128xf32>
      %mul3A_1348 = arith.constant 512 : i32
      %mul3A_1349 = arith.muli %scan3A_208, %mul3A_1348 : i32
      %get3A_1350 = arith.constant 64 : index
      %get3A_1351 = arith.index_cast %mul3A_1349 : i32 to index
      %get3A_1352 = vector.load %arg34[%get3A_1350, %get3A_1351] : memref<128x6144xbf16, #tpu.memory_space<vmem>>, vector<32x512xbf16>
      %mul3A_1353 = arith.constant 512 : i32
      %mul3A_1354 = arith.muli %scan3A_208, %mul3A_1353 : i32
      %get3A_1355 = arith.constant 16 : index
      %get3A_1356 = arith.index_cast %mul3A_1354 : i32 to index
      %get3A_1357 = vector.load %arg35[%get3A_1355, %get3A_1356] : memref<32x6144xf32, #tpu.memory_space<vmem>>, vector<8x512xf32>
      %dot_general3A_1358 = arith.constant dense<0.000000e+00> : vector<128x512xf32>
      %dot_general3A_1359 = tpu.matmul %get3A_1309, %get3A_1352, %dot_general3A_1358 {dimension_numbers = #tpu.dot_dimension_numbers<[0], [0], [1], [1], [0, 1, 1, 1], [], []>, transpose_lhs_hint = false} : vector<32x128xbf16>, vector<32x512xbf16>, vector<128x512xf32> -> vector<128x512xf32>
      %add3A_1360 = arith.addf %dot_general3A_1359, %get3A_1312 : vector<128x512xf32>
      %reduce_max3A_1361 = arith.constant dense<0xFF800000> : vector<128xf32>
      %reduce_max3A_1362 = vector.multi_reduction <maximumf>, %add3A_1360, %reduce_max3A_1361 [1] : vector<128x512xf32> to vector<128xf32>
      %broadcast_in_dim3A_1363 = vector.shape_cast %reduce_max3A_1362 : vector<128xf32> to vector<128x1xf32>
      %max3A_1364 = arith.constant -1.000000e+30 : f32
      %max3A_1365 = vector.broadcast %max3A_1364 : f32 to vector<128x1xf32>
      %max3A_1366 = arith.maximumf %broadcast_in_dim3A_1363, %max3A_1365 : vector<128x1xf32>
      %sub3A_1367 = vector.broadcast %max3A_1366 : vector<128x1xf32> to vector<128x512xf32>
      %sub3A_1368 = arith.subf %add3A_1360, %sub3A_1367 : vector<128x512xf32>
      %exp3A_1369 = math.exp %sub3A_1368 : vector<128x512xf32>
      %dot_general3A_1370 = arith.constant dense<0.000000e+00> : vector<8x128xf32>
      %dot_general3A_1371 = tpu.matmul %broadcast_in_dim3A_9, %exp3A_1369, %dot_general3A_1370 {dimension_numbers = #tpu.dot_dimension_numbers<[1], [1], [0], [0], [0, 0, 1, 0], [], []>, transpose_lhs_hint = false} : vector<8x512xf32>, vector<128x512xf32>, vector<8x128xf32> -> vector<8x128xf32>
      %slice3A_1372 = vector.extract_strided_slice %dot_general3A_1371 {offsets = [0, 0], sizes = [1, 128], strides = [1, 1]} : vector<8x128xf32> to vector<1x128xf32>
      %add3A_1373 = arith.constant 1.000000e-16 : f32
      %add3A_1374 = vector.broadcast %add3A_1373 : f32 to vector<1x128xf32>
      %add3A_1375 = arith.addf %slice3A_1372, %add3A_1374 : vector<1x128xf32>
      %dot_general3A_1376 = arith.constant dense<0.000000e+00> : vector<8x128xf32>
      %dot_general3A_1377 = tpu.matmul %get3A_1357, %exp3A_1369, %dot_general3A_1376 {dimension_numbers = #tpu.dot_dimension_numbers<[1], [1], [0], [0], [0, 0, 1, 0], [], []>, transpose_lhs_hint = false} : vector<8x512xf32>, vector<128x512xf32>, vector<8x128xf32> -> vector<8x128xf32>
      %div3A_1378 = vector.broadcast %add3A_1375 : vector<1x128xf32> to vector<8x128xf32>
      %div3A_1379 = arith.divf %dot_general3A_1377, %div3A_1378 : vector<8x128xf32>
      %add3A_1380 = arith.addf %add3A_1347, %div3A_1379 : vector<8x128xf32>
      %mul3A_1381 = arith.constant 512 : i32
      %mul3A_1382 = arith.muli %select_n3A_217, %mul3A_1381 : i32
      %get3A_1383 = arith.constant 64 : index
      %get3A_1384 = arith.index_cast %mul3A_1382 : i32 to index
      %get3A_1385 = vector.load %arg34[%get3A_1383, %get3A_1384] : memref<128x6144xbf16, #tpu.memory_space<vmem>>, vector<32x512xbf16>
      %mul3A_1386 = arith.constant 512 : i32
      %mul3A_1387 = arith.muli %select_n3A_217, %mul3A_1386 : i32
      %get3A_1388 = arith.constant 16 : index
      %get3A_1389 = arith.index_cast %mul3A_1387 : i32 to index
      %get3A_1390 = vector.load %arg35[%get3A_1388, %get3A_1389] : memref<32x6144xf32, #tpu.memory_space<vmem>>, vector<8x512xf32>
      %dot_general3A_1391 = arith.constant dense<0.000000e+00> : vector<128x512xf32>
      %dot_general3A_1392 = tpu.matmul %get3A_1309, %get3A_1385, %dot_general3A_1391 {dimension_numbers = #tpu.dot_dimension_numbers<[0], [0], [1], [1], [0, 1, 1, 1], [], []>, transpose_lhs_hint = false} : vector<32x128xbf16>, vector<32x512xbf16>, vector<128x512xf32> -> vector<128x512xf32>
      %add3A_1393 = arith.addf %dot_general3A_1392, %get3A_1312 : vector<128x512xf32>
      %reduce_max3A_1394 = arith.constant dense<0xFF800000> : vector<128xf32>
      %reduce_max3A_1395 = vector.multi_reduction <maximumf>, %add3A_1393, %reduce_max3A_1394 [1] : vector<128x512xf32> to vector<128xf32>
      %broadcast_in_dim3A_1396 = vector.shape_cast %reduce_max3A_1395 : vector<128xf32> to vector<128x1xf32>
      %max3A_1397 = arith.constant -1.000000e+30 : f32
      %max3A_1398 = vector.broadcast %max3A_1397 : f32 to vector<128x1xf32>
      %max3A_1399 = arith.maximumf %broadcast_in_dim3A_1396, %max3A_1398 : vector<128x1xf32>
      %sub3A_1400 = vector.broadcast %max3A_1399 : vector<128x1xf32> to vector<128x512xf32>
      %sub3A_1401 = arith.subf %add3A_1393, %sub3A_1400 : vector<128x512xf32>
      %exp3A_1402 = math.exp %sub3A_1401 : vector<128x512xf32>
      %dot_general3A_1403 = arith.constant dense<0.000000e+00> : vector<8x128xf32>
      %dot_general3A_1404 = tpu.matmul %broadcast_in_dim3A_9, %exp3A_1402, %dot_general3A_1403 {dimension_numbers = #tpu.dot_dimension_numbers<[1], [1], [0], [0], [0, 0, 1, 0], [], []>, transpose_lhs_hint = false} : vector<8x512xf32>, vector<128x512xf32>, vector<8x128xf32> -> vector<8x128xf32>
      %slice3A_1405 = vector.extract_strided_slice %dot_general3A_1404 {offsets = [0, 0], sizes = [1, 128], strides = [1, 1]} : vector<8x128xf32> to vector<1x128xf32>
      %add3A_1406 = arith.constant 1.000000e-16 : f32
      %add3A_1407 = vector.broadcast %add3A_1406 : f32 to vector<1x128xf32>
      %add3A_1408 = arith.addf %slice3A_1405, %add3A_1407 : vector<1x128xf32>
      %dot_general3A_1409 = arith.constant dense<0.000000e+00> : vector<8x128xf32>
      %dot_general3A_1410 = tpu.matmul %get3A_1390, %exp3A_1402, %dot_general3A_1409 {dimension_numbers = #tpu.dot_dimension_numbers<[1], [1], [0], [0], [0, 0, 1, 0], [], []>, transpose_lhs_hint = false} : vector<8x512xf32>, vector<128x512xf32>, vector<8x128xf32> -> vector<8x128xf32>
      %div3A_1411 = vector.broadcast %add3A_1408 : vector<1x128xf32> to vector<8x128xf32>
      %div3A_1412 = arith.divf %dot_general3A_1410, %div3A_1411 : vector<8x128xf32>
      %add3A_1413 = arith.addf %add3A_1380, %div3A_1412 : vector<8x128xf32>
      %mul3A_1414 = arith.constant 0.333333343 : f32
      %mul3A_1415 = vector.broadcast %mul3A_1414 : f32 to vector<8x128xf32>
      %mul3A_1416 = arith.mulf %add3A_1413, %mul3A_1415 : vector<8x128xf32>
      %mul3A_1417 = arith.constant 512 : i32
      %mul3A_1418 = arith.muli %scan3A_208, %mul3A_1417 : i32
      %add3A_1419 = arith.constant 128 : i32
      %add3A_1420 = arith.addi %mul3A_1418, %add3A_1419 : i32
      %swap3A_1421 = arith.constant 16 : index
      %swap3A_1422 = arith.index_cast %add3A_1420 : i32 to index
      %swap3A_1423 = vector.load %arg37[%swap3A_1421, %swap3A_1422] : memref<32x6144xf32, #tpu.memory_space<vmem>>, vector<8x128xf32>
      tpu.vector_store %arg37[%swap3A_1421, %swap3A_1422], %mul3A_1416 {strides = array<i32>} : memref<32x6144xf32, #tpu.memory_space<vmem>>, vector<8x128xf32>,
      %mul3A_1424 = arith.constant 512 : i32
      %mul3A_1425 = arith.muli %scan3A_208, %mul3A_1424 : i32
      %add3A_1426 = arith.constant 256 : i32
      %add3A_1427 = arith.addi %mul3A_1425, %add3A_1426 : i32
      %get3A_1428 = arith.constant 64 : index
      %get3A_1429 = arith.index_cast %add3A_1427 : i32 to index
      %get3A_1430 = vector.load %arg33[%get3A_1428, %get3A_1429] : memref<128x6144xbf16, #tpu.memory_space<vmem>>, vector<32x128xbf16>
      %get3A_1431 = arith.constant 256 : index
      %get3A_1432 = arith.constant 0 : index
      %get3A_1433 = vector.load %arg4[%get3A_1431, %get3A_1432] : memref<512x512xf32, #tpu.memory_space<vmem>>, vector<128x512xf32>
      %broadcast_in_dim3A_1434 = arith.constant 0.000000e+00 : f32
      %broadcast_in_dim3A_1435 = vector.broadcast %broadcast_in_dim3A_1434 : f32 to vector<8x128xf32>
      %mul3A_1436 = arith.constant 512 : i32
      %mul3A_1437 = arith.muli %select_n3A, %mul3A_1436 : i32
      %get3A_1438 = arith.constant 64 : index
      %get3A_1439 = arith.index_cast %mul3A_1437 : i32 to index
      %get3A_1440 = vector.load %arg34[%get3A_1438, %get3A_1439] : memref<128x6144xbf16, #tpu.memory_space<vmem>>, vector<32x512xbf16>
      %mul3A_1441 = arith.constant 512 : i32
      %mul3A_1442 = arith.muli %select_n3A, %mul3A_1441 : i32
      %get3A_1443 = arith.constant 16 : index
      %get3A_1444 = arith.index_cast %mul3A_1442 : i32 to index
      %get3A_1445 = vector.load %arg35[%get3A_1443, %get3A_1444] : memref<32x6144xf32, #tpu.memory_space<vmem>>, vector<8x512xf32>
      %dot_general3A_1446 = arith.constant dense<0.000000e+00> : vector<128x512xf32>
      %dot_general3A_1447 = tpu.matmul %get3A_1430, %get3A_1440, %dot_general3A_1446 {dimension_numbers = #tpu.dot_dimension_numbers<[0], [0], [1], [1], [0, 1, 1, 1], [], []>, transpose_lhs_hint = false} : vector<32x128xbf16>, vector<32x512xbf16>, vector<128x512xf32> -> vector<128x512xf32>
      %add3A_1448 = arith.addf %dot_general3A_1447, %get3A_1433 : vector<128x512xf32>
      %reduce_max3A_1449 = arith.constant dense<0xFF800000> : vector<128xf32>
      %reduce_max3A_1450 = vector.multi_reduction <maximumf>, %add3A_1448, %reduce_max3A_1449 [1] : vector<128x512xf32> to vector<128xf32>
      %broadcast_in_dim3A_1451 = vector.shape_cast %reduce_max3A_1450 : vector<128xf32> to vector<128x1xf32>
      %max3A_1452 = arith.constant -1.000000e+30 : f32
      %max3A_1453 = vector.broadcast %max3A_1452 : f32 to vector<128x1xf32>
      %max3A_1454 = arith.maximumf %broadcast_in_dim3A_1451, %max3A_1453 : vector<128x1xf32>
      %sub3A_1455 = vector.broadcast %max3A_1454 : vector<128x1xf32> to vector<128x512xf32>
      %sub3A_1456 = arith.subf %add3A_1448, %sub3A_1455 : vector<128x512xf32>
      %exp3A_1457 = math.exp %sub3A_1456 : vector<128x512xf32>
      %dot_general3A_1458 = arith.constant dense<0.000000e+00> : vector<8x128xf32>
      %dot_general3A_1459 = tpu.matmul %broadcast_in_dim3A_9, %exp3A_1457, %dot_general3A_1458 {dimension_numbers = #tpu.dot_dimension_numbers<[1], [1], [0], [0], [0, 0, 1, 0], [], []>, transpose_lhs_hint = false} : vector<8x512xf32>, vector<128x512xf32>, vector<8x128xf32> -> vector<8x128xf32>
      %slice3A_1460 = vector.extract_strided_slice %dot_general3A_1459 {offsets = [0, 0], sizes = [1, 128], strides = [1, 1]} : vector<8x128xf32> to vector<1x128xf32>
      %add3A_1461 = arith.constant 1.000000e-16 : f32
      %add3A_1462 = vector.broadcast %add3A_1461 : f32 to vector<1x128xf32>
      %add3A_1463 = arith.addf %slice3A_1460, %add3A_1462 : vector<1x128xf32>
      %dot_general3A_1464 = arith.constant dense<0.000000e+00> : vector<8x128xf32>
      %dot_general3A_1465 = tpu.matmul %get3A_1445, %exp3A_1457, %dot_general3A_1464 {dimension_numbers = #tpu.dot_dimension_numbers<[1], [1], [0], [0], [0, 0, 1, 0], [], []>, transpose_lhs_hint = false} : vector<8x512xf32>, vector<128x512xf32>, vector<8x128xf32> -> vector<8x128xf32>
      %div3A_1466 = vector.broadcast %add3A_1463 : vector<1x128xf32> to vector<8x128xf32>
      %div3A_1467 = arith.divf %dot_general3A_1465, %div3A_1466 : vector<8x128xf32>
      %add3A_1468 = arith.addf %broadcast_in_dim3A_1435, %div3A_1467 : vector<8x128xf32>
      %mul3A_1469 = arith.constant 512 : i32
      %mul3A_1470 = arith.muli %scan3A_208, %mul3A_1469 : i32
      %get3A_1471 = arith.constant 64 : index
      %get3A_1472 = arith.index_cast %mul3A_1470 : i32 to index
      %get3A_1473 = vector.load %arg34[%get3A_1471, %get3A_1472] : memref<128x6144xbf16, #tpu.memory_space<vmem>>, vector<32x512xbf16>
      %mul3A_1474 = arith.constant 512 : i32
      %mul3A_1475 = arith.muli %scan3A_208, %mul3A_1474 : i32
      %get3A_1476 = arith.constant 16 : index
      %get3A_1477 = arith.index_cast %mul3A_1475 : i32 to index
      %get3A_1478 = vector.load %arg35[%get3A_1476, %get3A_1477] : memref<32x6144xf32, #tpu.memory_space<vmem>>, vector<8x512xf32>
      %dot_general3A_1479 = arith.constant dense<0.000000e+00> : vector<128x512xf32>
      %dot_general3A_1480 = tpu.matmul %get3A_1430, %get3A_1473, %dot_general3A_1479 {dimension_numbers = #tpu.dot_dimension_numbers<[0], [0], [1], [1], [0, 1, 1, 1], [], []>, transpose_lhs_hint = false} : vector<32x128xbf16>, vector<32x512xbf16>, vector<128x512xf32> -> vector<128x512xf32>
      %add3A_1481 = arith.addf %dot_general3A_1480, %get3A_1433 : vector<128x512xf32>
      %reduce_max3A_1482 = arith.constant dense<0xFF800000> : vector<128xf32>
      %reduce_max3A_1483 = vector.multi_reduction <maximumf>, %add3A_1481, %reduce_max3A_1482 [1] : vector<128x512xf32> to vector<128xf32>
      %broadcast_in_dim3A_1484 = vector.shape_cast %reduce_max3A_1483 : vector<128xf32> to vector<128x1xf32>
      %max3A_1485 = arith.constant -1.000000e+30 : f32
      %max3A_1486 = vector.broadcast %max3A_1485 : f32 to vector<128x1xf32>
      %max3A_1487 = arith.maximumf %broadcast_in_dim3A_1484, %max3A_1486 : vector<128x1xf32>
      %sub3A_1488 = vector.broadcast %max3A_1487 : vector<128x1xf32> to vector<128x512xf32>
      %sub3A_1489 = arith.subf %add3A_1481, %sub3A_1488 : vector<128x512xf32>
      %exp3A_1490 = math.exp %sub3A_1489 : vector<128x512xf32>
      %dot_general3A_1491 = arith.constant dense<0.000000e+00> : vector<8x128xf32>
      %dot_general3A_1492 = tpu.matmul %broadcast_in_dim3A_9, %exp3A_1490, %dot_general3A_1491 {dimension_numbers = #tpu.dot_dimension_numbers<[1], [1], [0], [0], [0, 0, 1, 0], [], []>, transpose_lhs_hint = false} : vector<8x512xf32>, vector<128x512xf32>, vector<8x128xf32> -> vector<8x128xf32>
      %slice3A_1493 = vector.extract_strided_slice %dot_general3A_1492 {offsets = [0, 0], sizes = [1, 128], strides = [1, 1]} : vector<8x128xf32> to vector<1x128xf32>
      %add3A_1494 = arith.constant 1.000000e-16 : f32
      %add3A_1495 = vector.broadcast %add3A_1494 : f32 to vector<1x128xf32>
      %add3A_1496 = arith.addf %slice3A_1493, %add3A_1495 : vector<1x128xf32>
      %dot_general3A_1497 = arith.constant dense<0.000000e+00> : vector<8x128xf32>
      %dot_general3A_1498 = tpu.matmul %get3A_1478, %exp3A_1490, %dot_general3A_1497 {dimension_numbers = #tpu.dot_dimension_numbers<[1], [1], [0], [0], [0, 0, 1, 0], [], []>, transpose_lhs_hint = false} : vector<8x512xf32>, vector<128x512xf32>, vector<8x128xf32> -> vector<8x128xf32>
      %div3A_1499 = vector.broadcast %add3A_1496 : vector<1x128xf32> to vector<8x128xf32>
      %div3A_1500 = arith.divf %dot_general3A_1498, %div3A_1499 : vector<8x128xf32>
      %add3A_1501 = arith.addf %add3A_1468, %div3A_1500 : vector<8x128xf32>
      %mul3A_1502 = arith.constant 512 : i32
      %mul3A_1503 = arith.muli %select_n3A_217, %mul3A_1502 : i32
      %get3A_1504 = arith.constant 64 : index
      %get3A_1505 = arith.index_cast %mul3A_1503 : i32 to index
      %get3A_1506 = vector.load %arg34[%get3A_1504, %get3A_1505] : memref<128x6144xbf16, #tpu.memory_space<vmem>>, vector<32x512xbf16>
      %mul3A_1507 = arith.constant 512 : i32
      %mul3A_1508 = arith.muli %select_n3A_217, %mul3A_1507 : i32
      %get3A_1509 = arith.constant 16 : index
      %get3A_1510 = arith.index_cast %mul3A_1508 : i32 to index
      %get3A_1511 = vector.load %arg35[%get3A_1509, %get3A_1510] : memref<32x6144xf32, #tpu.memory_space<vmem>>, vector<8x512xf32>
      %dot_general3A_1512 = arith.constant dense<0.000000e+00> : vector<128x512xf32>
      %dot_general3A_1513 = tpu.matmul %get3A_1430, %get3A_1506, %dot_general3A_1512 {dimension_numbers = #tpu.dot_dimension_numbers<[0], [0], [1], [1], [0, 1, 1, 1], [], []>, transpose_lhs_hint = false} : vector<32x128xbf16>, vector<32x512xbf16>, vector<128x512xf32> -> vector<128x512xf32>
      %add3A_1514 = arith.addf %dot_general3A_1513, %get3A_1433 : vector<128x512xf32>
      %reduce_max3A_1515 = arith.constant dense<0xFF800000> : vector<128xf32>
      %reduce_max3A_1516 = vector.multi_reduction <maximumf>, %add3A_1514, %reduce_max3A_1515 [1] : vector<128x512xf32> to vector<128xf32>
      %broadcast_in_dim3A_1517 = vector.shape_cast %reduce_max3A_1516 : vector<128xf32> to vector<128x1xf32>
      %max3A_1518 = arith.constant -1.000000e+30 : f32
      %max3A_1519 = vector.broadcast %max3A_1518 : f32 to vector<128x1xf32>
      %max3A_1520 = arith.maximumf %broadcast_in_dim3A_1517, %max3A_1519 : vector<128x1xf32>
      %sub3A_1521 = vector.broadcast %max3A_1520 : vector<128x1xf32> to vector<128x512xf32>
      %sub3A_1522 = arith.subf %add3A_1514, %sub3A_1521 : vector<128x512xf32>
      %exp3A_1523 = math.exp %sub3A_1522 : vector<128x512xf32>
      %dot_general3A_1524 = arith.constant dense<0.000000e+00> : vector<8x128xf32>
      %dot_general3A_1525 = tpu.matmul %broadcast_in_dim3A_9, %exp3A_1523, %dot_general3A_1524 {dimension_numbers = #tpu.dot_dimension_numbers<[1], [1], [0], [0], [0, 0, 1, 0], [], []>, transpose_lhs_hint = false} : vector<8x512xf32>, vector<128x512xf32>, vector<8x128xf32> -> vector<8x128xf32>
      %slice3A_1526 = vector.extract_strided_slice %dot_general3A_1525 {offsets = [0, 0], sizes = [1, 128], strides = [1, 1]} : vector<8x128xf32> to vector<1x128xf32>
      %add3A_1527 = arith.constant 1.000000e-16 : f32
      %add3A_1528 = vector.broadcast %add3A_1527 : f32 to vector<1x128xf32>
      %add3A_1529 = arith.addf %slice3A_1526, %add3A_1528 : vector<1x128xf32>
      %dot_general3A_1530 = arith.constant dense<0.000000e+00> : vector<8x128xf32>
      %dot_general3A_1531 = tpu.matmul %get3A_1511, %exp3A_1523, %dot_general3A_1530 {dimension_numbers = #tpu.dot_dimension_numbers<[1], [1], [0], [0], [0, 0, 1, 0], [], []>, transpose_lhs_hint = false} : vector<8x512xf32>, vector<128x512xf32>, vector<8x128xf32> -> vector<8x128xf32>
      %div3A_1532 = vector.broadcast %add3A_1529 : vector<1x128xf32> to vector<8x128xf32>
      %div3A_1533 = arith.divf %dot_general3A_1531, %div3A_1532 : vector<8x128xf32>
      %add3A_1534 = arith.addf %add3A_1501, %div3A_1533 : vector<8x128xf32>
      %mul3A_1535 = arith.constant 0.333333343 : f32
      %mul3A_1536 = vector.broadcast %mul3A_1535 : f32 to vector<8x128xf32>
      %mul3A_1537 = arith.mulf %add3A_1534, %mul3A_1536 : vector<8x128xf32>
      %mul3A_1538 = arith.constant 512 : i32
      %mul3A_1539 = arith.muli %scan3A_208, %mul3A_1538 : i32
      %add3A_1540 = arith.constant 256 : i32
      %add3A_1541 = arith.addi %mul3A_1539, %add3A_1540 : i32
      %swap3A_1542 = arith.constant 16 : index
      %swap3A_1543 = arith.index_cast %add3A_1541 : i32 to index
      %swap3A_1544 = vector.load %arg37[%swap3A_1542, %swap3A_1543] : memref<32x6144xf32, #tpu.memory_space<vmem>>, vector<8x128xf32>
      tpu.vector_store %arg37[%swap3A_1542, %swap3A_1543], %mul3A_1537 {strides = array<i32>} : memref<32x6144xf32, #tpu.memory_space<vmem>>, vector<8x128xf32>,
      %mul3A_1545 = arith.constant 512 : i32
      %mul3A_1546 = arith.muli %scan3A_208, %mul3A_1545 : i32
      %add3A_1547 = arith.constant 384 : i32
      %add3A_1548 = arith.addi %mul3A_1546, %add3A_1547 : i32
      %get3A_1549 = arith.constant 64 : index
      %get3A_1550 = arith.index_cast %add3A_1548 : i32 to index
      %get3A_1551 = vector.load %arg33[%get3A_1549, %get3A_1550] : memref<128x6144xbf16, #tpu.memory_space<vmem>>, vector<32x128xbf16>
      %get3A_1552 = arith.constant 384 : index
      %get3A_1553 = arith.constant 0 : index
      %get3A_1554 = vector.load %arg4[%get3A_1552, %get3A_1553] : memref<512x512xf32, #tpu.memory_space<vmem>>, vector<128x512xf32>
      %broadcast_in_dim3A_1555 = arith.constant 0.000000e+00 : f32
      %broadcast_in_dim3A_1556 = vector.broadcast %broadcast_in_dim3A_1555 : f32 to vector<8x128xf32>
      %mul3A_1557 = arith.constant 512 : i32
      %mul3A_1558 = arith.muli %select_n3A, %mul3A_1557 : i32
      %get3A_1559 = arith.constant 64 : index
      %get3A_1560 = arith.index_cast %mul3A_1558 : i32 to index
      %get3A_1561 = vector.load %arg34[%get3A_1559, %get3A_1560] : memref<128x6144xbf16, #tpu.memory_space<vmem>>, vector<32x512xbf16>
      %mul3A_1562 = arith.constant 512 : i32
      %mul3A_1563 = arith.muli %select_n3A, %mul3A_1562 : i32
      %get3A_1564 = arith.constant 16 : index
      %get3A_1565 = arith.index_cast %mul3A_1563 : i32 to index
      %get3A_1566 = vector.load %arg35[%get3A_1564, %get3A_1565] : memref<32x6144xf32, #tpu.memory_space<vmem>>, vector<8x512xf32>
      %dot_general3A_1567 = arith.constant dense<0.000000e+00> : vector<128x512xf32>
      %dot_general3A_1568 = tpu.matmul %get3A_1551, %get3A_1561, %dot_general3A_1567 {dimension_numbers = #tpu.dot_dimension_numbers<[0], [0], [1], [1], [0, 1, 1, 1], [], []>, transpose_lhs_hint = false} : vector<32x128xbf16>, vector<32x512xbf16>, vector<128x512xf32> -> vector<128x512xf32>
      %add3A_1569 = arith.addf %dot_general3A_1568, %get3A_1554 : vector<128x512xf32>
      %reduce_max3A_1570 = arith.constant dense<0xFF800000> : vector<128xf32>
      %reduce_max3A_1571 = vector.multi_reduction <maximumf>, %add3A_1569, %reduce_max3A_1570 [1] : vector<128x512xf32> to vector<128xf32>
      %broadcast_in_dim3A_1572 = vector.shape_cast %reduce_max3A_1571 : vector<128xf32> to vector<128x1xf32>
      %max3A_1573 = arith.constant -1.000000e+30 : f32
      %max3A_1574 = vector.broadcast %max3A_1573 : f32 to vector<128x1xf32>
      %max3A_1575 = arith.maximumf %broadcast_in_dim3A_1572, %max3A_1574 : vector<128x1xf32>
      %sub3A_1576 = vector.broadcast %max3A_1575 : vector<128x1xf32> to vector<128x512xf32>
      %sub3A_1577 = arith.subf %add3A_1569, %sub3A_1576 : vector<128x512xf32>
      %exp3A_1578 = math.exp %sub3A_1577 : vector<128x512xf32>
      %dot_general3A_1579 = arith.constant dense<0.000000e+00> : vector<8x128xf32>
      %dot_general3A_1580 = tpu.matmul %broadcast_in_dim3A_9, %exp3A_1578, %dot_general3A_1579 {dimension_numbers = #tpu.dot_dimension_numbers<[1], [1], [0], [0], [0, 0, 1, 0], [], []>, transpose_lhs_hint = false} : vector<8x512xf32>, vector<128x512xf32>, vector<8x128xf32> -> vector<8x128xf32>
      %slice3A_1581 = vector.extract_strided_slice %dot_general3A_1580 {offsets = [0, 0], sizes = [1, 128], strides = [1, 1]} : vector<8x128xf32> to vector<1x128xf32>
      %add3A_1582 = arith.constant 1.000000e-16 : f32
      %add3A_1583 = vector.broadcast %add3A_1582 : f32 to vector<1x128xf32>
      %add3A_1584 = arith.addf %slice3A_1581, %add3A_1583 : vector<1x128xf32>
      %dot_general3A_1585 = arith.constant dense<0.000000e+00> : vector<8x128xf32>
      %dot_general3A_1586 = tpu.matmul %get3A_1566, %exp3A_1578, %dot_general3A_1585 {dimension_numbers = #tpu.dot_dimension_numbers<[1], [1], [0], [0], [0, 0, 1, 0], [], []>, transpose_lhs_hint = false} : vector<8x512xf32>, vector<128x512xf32>, vector<8x128xf32> -> vector<8x128xf32>
      %div3A_1587 = vector.broadcast %add3A_1584 : vector<1x128xf32> to vector<8x128xf32>
      %div3A_1588 = arith.divf %dot_general3A_1586, %div3A_1587 : vector<8x128xf32>
      %add3A_1589 = arith.addf %broadcast_in_dim3A_1556, %div3A_1588 : vector<8x128xf32>
      %mul3A_1590 = arith.constant 512 : i32
      %mul3A_1591 = arith.muli %scan3A_208, %mul3A_1590 : i32
      %get3A_1592 = arith.constant 64 : index
      %get3A_1593 = arith.index_cast %mul3A_1591 : i32 to index
      %get3A_1594 = vector.load %arg34[%get3A_1592, %get3A_1593] : memref<128x6144xbf16, #tpu.memory_space<vmem>>, vector<32x512xbf16>
      %mul3A_1595 = arith.constant 512 : i32
      %mul3A_1596 = arith.muli %scan3A_208, %mul3A_1595 : i32
      %get3A_1597 = arith.constant 16 : index
      %get3A_1598 = arith.index_cast %mul3A_1596 : i32 to index
      %get3A_1599 = vector.load %arg35[%get3A_1597, %get3A_1598] : memref<32x6144xf32, #tpu.memory_space<vmem>>, vector<8x512xf32>
      %dot_general3A_1600 = arith.constant dense<0.000000e+00> : vector<128x512xf32>
      %dot_general3A_1601 = tpu.matmul %get3A_1551, %get3A_1594, %dot_general3A_1600 {dimension_numbers = #tpu.dot_dimension_numbers<[0], [0], [1], [1], [0, 1, 1, 1], [], []>, transpose_lhs_hint = false} : vector<32x128xbf16>, vector<32x512xbf16>, vector<128x512xf32> -> vector<128x512xf32>
      %add3A_1602 = arith.addf %dot_general3A_1601, %get3A_1554 : vector<128x512xf32>
      %reduce_max3A_1603 = arith.constant dense<0xFF800000> : vector<128xf32>
      %reduce_max3A_1604 = vector.multi_reduction <maximumf>, %add3A_1602, %reduce_max3A_1603 [1] : vector<128x512xf32> to vector<128xf32>
      %broadcast_in_dim3A_1605 = vector.shape_cast %reduce_max3A_1604 : vector<128xf32> to vector<128x1xf32>
      %max3A_1606 = arith.constant -1.000000e+30 : f32
      %max3A_1607 = vector.broadcast %max3A_1606 : f32 to vector<128x1xf32>
      %max3A_1608 = arith.maximumf %broadcast_in_dim3A_1605, %max3A_1607 : vector<128x1xf32>
      %sub3A_1609 = vector.broadcast %max3A_1608 : vector<128x1xf32> to vector<128x512xf32>
      %sub3A_1610 = arith.subf %add3A_1602, %sub3A_1609 : vector<128x512xf32>
      %exp3A_1611 = math.exp %sub3A_1610 : vector<128x512xf32>
      %dot_general3A_1612 = arith.constant dense<0.000000e+00> : vector<8x128xf32>
      %dot_general3A_1613 = tpu.matmul %broadcast_in_dim3A_9, %exp3A_1611, %dot_general3A_1612 {dimension_numbers = #tpu.dot_dimension_numbers<[1], [1], [0], [0], [0, 0, 1, 0], [], []>, transpose_lhs_hint = false} : vector<8x512xf32>, vector<128x512xf32>, vector<8x128xf32> -> vector<8x128xf32>
      %slice3A_1614 = vector.extract_strided_slice %dot_general3A_1613 {offsets = [0, 0], sizes = [1, 128], strides = [1, 1]} : vector<8x128xf32> to vector<1x128xf32>
      %add3A_1615 = arith.constant 1.000000e-16 : f32
      %add3A_1616 = vector.broadcast %add3A_1615 : f32 to vector<1x128xf32>
      %add3A_1617 = arith.addf %slice3A_1614, %add3A_1616 : vector<1x128xf32>
      %dot_general3A_1618 = arith.constant dense<0.000000e+00> : vector<8x128xf32>
      %dot_general3A_1619 = tpu.matmul %get3A_1599, %exp3A_1611, %dot_general3A_1618 {dimension_numbers = #tpu.dot_dimension_numbers<[1], [1], [0], [0], [0, 0, 1, 0], [], []>, transpose_lhs_hint = false} : vector<8x512xf32>, vector<128x512xf32>, vector<8x128xf32> -> vector<8x128xf32>
      %div3A_1620 = vector.broadcast %add3A_1617 : vector<1x128xf32> to vector<8x128xf32>
      %div3A_1621 = arith.divf %dot_general3A_1619, %div3A_1620 : vector<8x128xf32>
      %add3A_1622 = arith.addf %add3A_1589, %div3A_1621 : vector<8x128xf32>
      %mul3A_1623 = arith.constant 512 : i32
      %mul3A_1624 = arith.muli %select_n3A_217, %mul3A_1623 : i32
      %get3A_1625 = arith.constant 64 : index
      %get3A_1626 = arith.index_cast %mul3A_1624 : i32 to index
      %get3A_1627 = vector.load %arg34[%get3A_1625, %get3A_1626] : memref<128x6144xbf16, #tpu.memory_space<vmem>>, vector<32x512xbf16>
      %mul3A_1628 = arith.constant 512 : i32
      %mul3A_1629 = arith.muli %select_n3A_217, %mul3A_1628 : i32
      %get3A_1630 = arith.constant 16 : index
      %get3A_1631 = arith.index_cast %mul3A_1629 : i32 to index
      %get3A_1632 = vector.load %arg35[%get3A_1630, %get3A_1631] : memref<32x6144xf32, #tpu.memory_space<vmem>>, vector<8x512xf32>
      %dot_general3A_1633 = arith.constant dense<0.000000e+00> : vector<128x512xf32>
      %dot_general3A_1634 = tpu.matmul %get3A_1551, %get3A_1627, %dot_general3A_1633 {dimension_numbers = #tpu.dot_dimension_numbers<[0], [0], [1], [1], [0, 1, 1, 1], [], []>, transpose_lhs_hint = false} : vector<32x128xbf16>, vector<32x512xbf16>, vector<128x512xf32> -> vector<128x512xf32>
      %add3A_1635 = arith.addf %dot_general3A_1634, %get3A_1554 : vector<128x512xf32>
      %reduce_max3A_1636 = arith.constant dense<0xFF800000> : vector<128xf32>
      %reduce_max3A_1637 = vector.multi_reduction <maximumf>, %add3A_1635, %reduce_max3A_1636 [1] : vector<128x512xf32> to vector<128xf32>
      %broadcast_in_dim3A_1638 = vector.shape_cast %reduce_max3A_1637 : vector<128xf32> to vector<128x1xf32>
      %max3A_1639 = arith.constant -1.000000e+30 : f32
      %max3A_1640 = vector.broadcast %max3A_1639 : f32 to vector<128x1xf32>
      %max3A_1641 = arith.maximumf %broadcast_in_dim3A_1638, %max3A_1640 : vector<128x1xf32>
      %sub3A_1642 = vector.broadcast %max3A_1641 : vector<128x1xf32> to vector<128x512xf32>
      %sub3A_1643 = arith.subf %add3A_1635, %sub3A_1642 : vector<128x512xf32>
      %exp3A_1644 = math.exp %sub3A_1643 : vector<128x512xf32>
      %dot_general3A_1645 = arith.constant dense<0.000000e+00> : vector<8x128xf32>
      %dot_general3A_1646 = tpu.matmul %broadcast_in_dim3A_9, %exp3A_1644, %dot_general3A_1645 {dimension_numbers = #tpu.dot_dimension_numbers<[1], [1], [0], [0], [0, 0, 1, 0], [], []>, transpose_lhs_hint = false} : vector<8x512xf32>, vector<128x512xf32>, vector<8x128xf32> -> vector<8x128xf32>
      %slice3A_1647 = vector.extract_strided_slice %dot_general3A_1646 {offsets = [0, 0], sizes = [1, 128], strides = [1, 1]} : vector<8x128xf32> to vector<1x128xf32>
      %add3A_1648 = arith.constant 1.000000e-16 : f32
      %add3A_1649 = vector.broadcast %add3A_1648 : f32 to vector<1x128xf32>
      %add3A_1650 = arith.addf %slice3A_1647, %add3A_1649 : vector<1x128xf32>
      %dot_general3A_1651 = arith.constant dense<0.000000e+00> : vector<8x128xf32>
      %dot_general3A_1652 = tpu.matmul %get3A_1632, %exp3A_1644, %dot_general3A_1651 {dimension_numbers = #tpu.dot_dimension_numbers<[1], [1], [0], [0], [0, 0, 1, 0], [], []>, transpose_lhs_hint = false} : vector<8x512xf32>, vector<128x512xf32>, vector<8x128xf32> -> vector<8x128xf32>
      %div3A_1653 = vector.broadcast %add3A_1650 : vector<1x128xf32> to vector<8x128xf32>
      %div3A_1654 = arith.divf %dot_general3A_1652, %div3A_1653 : vector<8x128xf32>
      %add3A_1655 = arith.addf %add3A_1622, %div3A_1654 : vector<8x128xf32>
      %mul3A_1656 = arith.constant 0.333333343 : f32
      %mul3A_1657 = vector.broadcast %mul3A_1656 : f32 to vector<8x128xf32>
      %mul3A_1658 = arith.mulf %add3A_1655, %mul3A_1657 : vector<8x128xf32>
      %mul3A_1659 = arith.constant 512 : i32
      %mul3A_1660 = arith.muli %scan3A_208, %mul3A_1659 : i32
      %add3A_1661 = arith.constant 384 : i32
      %add3A_1662 = arith.addi %mul3A_1660, %add3A_1661 : i32
      %swap3A_1663 = arith.constant 16 : index
      %swap3A_1664 = arith.index_cast %add3A_1662 : i32 to index
      %swap3A_1665 = vector.load %arg37[%swap3A_1663, %swap3A_1664] : memref<32x6144xf32, #tpu.memory_space<vmem>>, vector<8x128xf32>
      tpu.vector_store %arg37[%swap3A_1663, %swap3A_1664], %mul3A_1658 {strides = array<i32>} : memref<32x6144xf32, #tpu.memory_space<vmem>>, vector<8x128xf32>,
      %mul3A_1666 = arith.constant 512 : i32
      %mul3A_1667 = arith.muli %scan3A_208, %mul3A_1666 : i32
      %add3A_1668 = arith.constant 0 : i32
      %add3A_1669 = arith.addi %mul3A_1667, %add3A_1668 : i32
      %get3A_1670 = arith.constant 96 : index
      %get3A_1671 = arith.index_cast %add3A_1669 : i32 to index
      %get3A_1672 = vector.load %arg33[%get3A_1670, %get3A_1671] : memref<128x6144xbf16, #tpu.memory_space<vmem>>, vector<32x128xbf16>
      %get3A_1673 = arith.constant 0 : index
      %get3A_1674 = arith.constant 0 : index
      %get3A_1675 = vector.load %arg4[%get3A_1673, %get3A_1674] : memref<512x512xf32, #tpu.memory_space<vmem>>, vector<128x512xf32>
      %broadcast_in_dim3A_1676 = arith.constant 0.000000e+00 : f32
      %broadcast_in_dim3A_1677 = vector.broadcast %broadcast_in_dim3A_1676 : f32 to vector<8x128xf32>
      %mul3A_1678 = arith.constant 512 : i32
      %mul3A_1679 = arith.muli %select_n3A, %mul3A_1678 : i32
      %get3A_1680 = arith.constant 96 : index
      %get3A_1681 = arith.index_cast %mul3A_1679 : i32 to index
      %get3A_1682 = vector.load %arg34[%get3A_1680, %get3A_1681] : memref<128x6144xbf16, #tpu.memory_space<vmem>>, vector<32x512xbf16>
      %mul3A_1683 = arith.constant 512 : i32
      %mul3A_1684 = arith.muli %select_n3A, %mul3A_1683 : i32
      %get3A_1685 = arith.constant 24 : index
      %get3A_1686 = arith.index_cast %mul3A_1684 : i32 to index
      %get3A_1687 = vector.load %arg35[%get3A_1685, %get3A_1686] : memref<32x6144xf32, #tpu.memory_space<vmem>>, vector<8x512xf32>
      %dot_general3A_1688 = arith.constant dense<0.000000e+00> : vector<128x512xf32>
      %dot_general3A_1689 = tpu.matmul %get3A_1672, %get3A_1682, %dot_general3A_1688 {dimension_numbers = #tpu.dot_dimension_numbers<[0], [0], [1], [1], [0, 1, 1, 1], [], []>, transpose_lhs_hint = false} : vector<32x128xbf16>, vector<32x512xbf16>, vector<128x512xf32> -> vector<128x512xf32>
      %add3A_1690 = arith.addf %dot_general3A_1689, %get3A_1675 : vector<128x512xf32>
      %reduce_max3A_1691 = arith.constant dense<0xFF800000> : vector<128xf32>
      %reduce_max3A_1692 = vector.multi_reduction <maximumf>, %add3A_1690, %reduce_max3A_1691 [1] : vector<128x512xf32> to vector<128xf32>
      %broadcast_in_dim3A_1693 = vector.shape_cast %reduce_max3A_1692 : vector<128xf32> to vector<128x1xf32>
      %max3A_1694 = arith.constant -1.000000e+30 : f32
      %max3A_1695 = vector.broadcast %max3A_1694 : f32 to vector<128x1xf32>
      %max3A_1696 = arith.maximumf %broadcast_in_dim3A_1693, %max3A_1695 : vector<128x1xf32>
      %sub3A_1697 = vector.broadcast %max3A_1696 : vector<128x1xf32> to vector<128x512xf32>
      %sub3A_1698 = arith.subf %add3A_1690, %sub3A_1697 : vector<128x512xf32>
      %exp3A_1699 = math.exp %sub3A_1698 : vector<128x512xf32>
      %dot_general3A_1700 = arith.constant dense<0.000000e+00> : vector<8x128xf32>
      %dot_general3A_1701 = tpu.matmul %broadcast_in_dim3A_9, %exp3A_1699, %dot_general3A_1700 {dimension_numbers = #tpu.dot_dimension_numbers<[1], [1], [0], [0], [0, 0, 1, 0], [], []>, transpose_lhs_hint = false} : vector<8x512xf32>, vector<128x512xf32>, vector<8x128xf32> -> vector<8x128xf32>
      %slice3A_1702 = vector.extract_strided_slice %dot_general3A_1701 {offsets = [0, 0], sizes = [1, 128], strides = [1, 1]} : vector<8x128xf32> to vector<1x128xf32>
      %add3A_1703 = arith.constant 1.000000e-16 : f32
      %add3A_1704 = vector.broadcast %add3A_1703 : f32 to vector<1x128xf32>
      %add3A_1705 = arith.addf %slice3A_1702, %add3A_1704 : vector<1x128xf32>
      %dot_general3A_1706 = arith.constant dense<0.000000e+00> : vector<8x128xf32>
      %dot_general3A_1707 = tpu.matmul %get3A_1687, %exp3A_1699, %dot_general3A_1706 {dimension_numbers = #tpu.dot_dimension_numbers<[1], [1], [0], [0], [0, 0, 1, 0], [], []>, transpose_lhs_hint = false} : vector<8x512xf32>, vector<128x512xf32>, vector<8x128xf32> -> vector<8x128xf32>
      %div3A_1708 = vector.broadcast %add3A_1705 : vector<1x128xf32> to vector<8x128xf32>
      %div3A_1709 = arith.divf %dot_general3A_1707, %div3A_1708 : vector<8x128xf32>
      %add3A_1710 = arith.addf %broadcast_in_dim3A_1677, %div3A_1709 : vector<8x128xf32>
      %mul3A_1711 = arith.constant 512 : i32
      %mul3A_1712 = arith.muli %scan3A_208, %mul3A_1711 : i32
      %get3A_1713 = arith.constant 96 : index
      %get3A_1714 = arith.index_cast %mul3A_1712 : i32 to index
      %get3A_1715 = vector.load %arg34[%get3A_1713, %get3A_1714] : memref<128x6144xbf16, #tpu.memory_space<vmem>>, vector<32x512xbf16>
      %mul3A_1716 = arith.constant 512 : i32
      %mul3A_1717 = arith.muli %scan3A_208, %mul3A_1716 : i32
      %get3A_1718 = arith.constant 24 : index
      %get3A_1719 = arith.index_cast %mul3A_1717 : i32 to index
      %get3A_1720 = vector.load %arg35[%get3A_1718, %get3A_1719] : memref<32x6144xf32, #tpu.memory_space<vmem>>, vector<8x512xf32>
      %dot_general3A_1721 = arith.constant dense<0.000000e+00> : vector<128x512xf32>
      %dot_general3A_1722 = tpu.matmul %get3A_1672, %get3A_1715, %dot_general3A_1721 {dimension_numbers = #tpu.dot_dimension_numbers<[0], [0], [1], [1], [0, 1, 1, 1], [], []>, transpose_lhs_hint = false} : vector<32x128xbf16>, vector<32x512xbf16>, vector<128x512xf32> -> vector<128x512xf32>
      %add3A_1723 = arith.addf %dot_general3A_1722, %get3A_1675 : vector<128x512xf32>
      %reduce_max3A_1724 = arith.constant dense<0xFF800000> : vector<128xf32>
      %reduce_max3A_1725 = vector.multi_reduction <maximumf>, %add3A_1723, %reduce_max3A_1724 [1] : vector<128x512xf32> to vector<128xf32>
      %broadcast_in_dim3A_1726 = vector.shape_cast %reduce_max3A_1725 : vector<128xf32> to vector<128x1xf32>
      %max3A_1727 = arith.constant -1.000000e+30 : f32
      %max3A_1728 = vector.broadcast %max3A_1727 : f32 to vector<128x1xf32>
      %max3A_1729 = arith.maximumf %broadcast_in_dim3A_1726, %max3A_1728 : vector<128x1xf32>
      %sub3A_1730 = vector.broadcast %max3A_1729 : vector<128x1xf32> to vector<128x512xf32>
      %sub3A_1731 = arith.subf %add3A_1723, %sub3A_1730 : vector<128x512xf32>
      %exp3A_1732 = math.exp %sub3A_1731 : vector<128x512xf32>
      %dot_general3A_1733 = arith.constant dense<0.000000e+00> : vector<8x128xf32>
      %dot_general3A_1734 = tpu.matmul %broadcast_in_dim3A_9, %exp3A_1732, %dot_general3A_1733 {dimension_numbers = #tpu.dot_dimension_numbers<[1], [1], [0], [0], [0, 0, 1, 0], [], []>, transpose_lhs_hint = false} : vector<8x512xf32>, vector<128x512xf32>, vector<8x128xf32> -> vector<8x128xf32>
      %slice3A_1735 = vector.extract_strided_slice %dot_general3A_1734 {offsets = [0, 0], sizes = [1, 128], strides = [1, 1]} : vector<8x128xf32> to vector<1x128xf32>
      %add3A_1736 = arith.constant 1.000000e-16 : f32
      %add3A_1737 = vector.broadcast %add3A_1736 : f32 to vector<1x128xf32>
      %add3A_1738 = arith.addf %slice3A_1735, %add3A_1737 : vector<1x128xf32>
      %dot_general3A_1739 = arith.constant dense<0.000000e+00> : vector<8x128xf32>
      %dot_general3A_1740 = tpu.matmul %get3A_1720, %exp3A_1732, %dot_general3A_1739 {dimension_numbers = #tpu.dot_dimension_numbers<[1], [1], [0], [0], [0, 0, 1, 0], [], []>, transpose_lhs_hint = false} : vector<8x512xf32>, vector<128x512xf32>, vector<8x128xf32> -> vector<8x128xf32>
      %div3A_1741 = vector.broadcast %add3A_1738 : vector<1x128xf32> to vector<8x128xf32>
      %div3A_1742 = arith.divf %dot_general3A_1740, %div3A_1741 : vector<8x128xf32>
      %add3A_1743 = arith.addf %add3A_1710, %div3A_1742 : vector<8x128xf32>
      %mul3A_1744 = arith.constant 512 : i32
      %mul3A_1745 = arith.muli %select_n3A_217, %mul3A_1744 : i32
      %get3A_1746 = arith.constant 96 : index
      %get3A_1747 = arith.index_cast %mul3A_1745 : i32 to index
      %get3A_1748 = vector.load %arg34[%get3A_1746, %get3A_1747] : memref<128x6144xbf16, #tpu.memory_space<vmem>>, vector<32x512xbf16>
      %mul3A_1749 = arith.constant 512 : i32
      %mul3A_1750 = arith.muli %select_n3A_217, %mul3A_1749 : i32
      %get3A_1751 = arith.constant 24 : index
      %get3A_1752 = arith.index_cast %mul3A_1750 : i32 to index
      %get3A_1753 = vector.load %arg35[%get3A_1751, %get3A_1752] : memref<32x6144xf32, #tpu.memory_space<vmem>>, vector<8x512xf32>
      %dot_general3A_1754 = arith.constant dense<0.000000e+00> : vector<128x512xf32>
      %dot_general3A_1755 = tpu.matmul %get3A_1672, %get3A_1748, %dot_general3A_1754 {dimension_numbers = #tpu.dot_dimension_numbers<[0], [0], [1], [1], [0, 1, 1, 1], [], []>, transpose_lhs_hint = false} : vector<32x128xbf16>, vector<32x512xbf16>, vector<128x512xf32> -> vector<128x512xf32>
      %add3A_1756 = arith.addf %dot_general3A_1755, %get3A_1675 : vector<128x512xf32>
      %reduce_max3A_1757 = arith.constant dense<0xFF800000> : vector<128xf32>
      %reduce_max3A_1758 = vector.multi_reduction <maximumf>, %add3A_1756, %reduce_max3A_1757 [1] : vector<128x512xf32> to vector<128xf32>
      %broadcast_in_dim3A_1759 = vector.shape_cast %reduce_max3A_1758 : vector<128xf32> to vector<128x1xf32>
      %max3A_1760 = arith.constant -1.000000e+30 : f32
      %max3A_1761 = vector.broadcast %max3A_1760 : f32 to vector<128x1xf32>
      %max3A_1762 = arith.maximumf %broadcast_in_dim3A_1759, %max3A_1761 : vector<128x1xf32>
      %sub3A_1763 = vector.broadcast %max3A_1762 : vector<128x1xf32> to vector<128x512xf32>
      %sub3A_1764 = arith.subf %add3A_1756, %sub3A_1763 : vector<128x512xf32>
      %exp3A_1765 = math.exp %sub3A_1764 : vector<128x512xf32>
      %dot_general3A_1766 = arith.constant dense<0.000000e+00> : vector<8x128xf32>
      %dot_general3A_1767 = tpu.matmul %broadcast_in_dim3A_9, %exp3A_1765, %dot_general3A_1766 {dimension_numbers = #tpu.dot_dimension_numbers<[1], [1], [0], [0], [0, 0, 1, 0], [], []>, transpose_lhs_hint = false} : vector<8x512xf32>, vector<128x512xf32>, vector<8x128xf32> -> vector<8x128xf32>
      %slice3A_1768 = vector.extract_strided_slice %dot_general3A_1767 {offsets = [0, 0], sizes = [1, 128], strides = [1, 1]} : vector<8x128xf32> to vector<1x128xf32>
      %add3A_1769 = arith.constant 1.000000e-16 : f32
      %add3A_1770 = vector.broadcast %add3A_1769 : f32 to vector<1x128xf32>
      %add3A_1771 = arith.addf %slice3A_1768, %add3A_1770 : vector<1x128xf32>
      %dot_general3A_1772 = arith.constant dense<0.000000e+00> : vector<8x128xf32>
      %dot_general3A_1773 = tpu.matmul %get3A_1753, %exp3A_1765, %dot_general3A_1772 {dimension_numbers = #tpu.dot_dimension_numbers<[1], [1], [0], [0], [0, 0, 1, 0], [], []>, transpose_lhs_hint = false} : vector<8x512xf32>, vector<128x512xf32>, vector<8x128xf32> -> vector<8x128xf32>
      %div3A_1774 = vector.broadcast %add3A_1771 : vector<1x128xf32> to vector<8x128xf32>
      %div3A_1775 = arith.divf %dot_general3A_1773, %div3A_1774 : vector<8x128xf32>
      %add3A_1776 = arith.addf %add3A_1743, %div3A_1775 : vector<8x128xf32>
      %mul3A_1777 = arith.constant 0.333333343 : f32
      %mul3A_1778 = vector.broadcast %mul3A_1777 : f32 to vector<8x128xf32>
      %mul3A_1779 = arith.mulf %add3A_1776, %mul3A_1778 : vector<8x128xf32>
      %mul3A_1780 = arith.constant 512 : i32
      %mul3A_1781 = arith.muli %scan3A_208, %mul3A_1780 : i32
      %add3A_1782 = arith.constant 0 : i32
      %add3A_1783 = arith.addi %mul3A_1781, %add3A_1782 : i32
      %swap3A_1784 = arith.constant 24 : index
      %swap3A_1785 = arith.index_cast %add3A_1783 : i32 to index
      %swap3A_1786 = vector.load %arg37[%swap3A_1784, %swap3A_1785] : memref<32x6144xf32, #tpu.memory_space<vmem>>, vector<8x128xf32>
      tpu.vector_store %arg37[%swap3A_1784, %swap3A_1785], %mul3A_1779 {strides = array<i32>} : memref<32x6144xf32, #tpu.memory_space<vmem>>, vector<8x128xf32>,
      %mul3A_1787 = arith.constant 512 : i32
      %mul3A_1788 = arith.muli %scan3A_208, %mul3A_1787 : i32
      %add3A_1789 = arith.constant 128 : i32
      %add3A_1790 = arith.addi %mul3A_1788, %add3A_1789 : i32
      %get3A_1791 = arith.constant 96 : index
      %get3A_1792 = arith.index_cast %add3A_1790 : i32 to index
      %get3A_1793 = vector.load %arg33[%get3A_1791, %get3A_1792] : memref<128x6144xbf16, #tpu.memory_space<vmem>>, vector<32x128xbf16>
      %get3A_1794 = arith.constant 128 : index
      %get3A_1795 = arith.constant 0 : index
      %get3A_1796 = vector.load %arg4[%get3A_1794, %get3A_1795] : memref<512x512xf32, #tpu.memory_space<vmem>>, vector<128x512xf32>
      %broadcast_in_dim3A_1797 = arith.constant 0.000000e+00 : f32
      %broadcast_in_dim3A_1798 = vector.broadcast %broadcast_in_dim3A_1797 : f32 to vector<8x128xf32>
      %mul3A_1799 = arith.constant 512 : i32
      %mul3A_1800 = arith.muli %select_n3A, %mul3A_1799 : i32
      %get3A_1801 = arith.constant 96 : index
      %get3A_1802 = arith.index_cast %mul3A_1800 : i32 to index
      %get3A_1803 = vector.load %arg34[%get3A_1801, %get3A_1802] : memref<128x6144xbf16, #tpu.memory_space<vmem>>, vector<32x512xbf16>
      %mul3A_1804 = arith.constant 512 : i32
      %mul3A_1805 = arith.muli %select_n3A, %mul3A_1804 : i32
      %get3A_1806 = arith.constant 24 : index
      %get3A_1807 = arith.index_cast %mul3A_1805 : i32 to index
      %get3A_1808 = vector.load %arg35[%get3A_1806, %get3A_1807] : memref<32x6144xf32, #tpu.memory_space<vmem>>, vector<8x512xf32>
      %dot_general3A_1809 = arith.constant dense<0.000000e+00> : vector<128x512xf32>
      %dot_general3A_1810 = tpu.matmul %get3A_1793, %get3A_1803, %dot_general3A_1809 {dimension_numbers = #tpu.dot_dimension_numbers<[0], [0], [1], [1], [0, 1, 1, 1], [], []>, transpose_lhs_hint = false} : vector<32x128xbf16>, vector<32x512xbf16>, vector<128x512xf32> -> vector<128x512xf32>
      %add3A_1811 = arith.addf %dot_general3A_1810, %get3A_1796 : vector<128x512xf32>
      %reduce_max3A_1812 = arith.constant dense<0xFF800000> : vector<128xf32>
      %reduce_max3A_1813 = vector.multi_reduction <maximumf>, %add3A_1811, %reduce_max3A_1812 [1] : vector<128x512xf32> to vector<128xf32>
      %broadcast_in_dim3A_1814 = vector.shape_cast %reduce_max3A_1813 : vector<128xf32> to vector<128x1xf32>
      %max3A_1815 = arith.constant -1.000000e+30 : f32
      %max3A_1816 = vector.broadcast %max3A_1815 : f32 to vector<128x1xf32>
      %max3A_1817 = arith.maximumf %broadcast_in_dim3A_1814, %max3A_1816 : vector<128x1xf32>
      %sub3A_1818 = vector.broadcast %max3A_1817 : vector<128x1xf32> to vector<128x512xf32>
      %sub3A_1819 = arith.subf %add3A_1811, %sub3A_1818 : vector<128x512xf32>
      %exp3A_1820 = math.exp %sub3A_1819 : vector<128x512xf32>
      %dot_general3A_1821 = arith.constant dense<0.000000e+00> : vector<8x128xf32>
      %dot_general3A_1822 = tpu.matmul %broadcast_in_dim3A_9, %exp3A_1820, %dot_general3A_1821 {dimension_numbers = #tpu.dot_dimension_numbers<[1], [1], [0], [0], [0, 0, 1, 0], [], []>, transpose_lhs_hint = false} : vector<8x512xf32>, vector<128x512xf32>, vector<8x128xf32> -> vector<8x128xf32>
      %slice3A_1823 = vector.extract_strided_slice %dot_general3A_1822 {offsets = [0, 0], sizes = [1, 128], strides = [1, 1]} : vector<8x128xf32> to vector<1x128xf32>
      %add3A_1824 = arith.constant 1.000000e-16 : f32
      %add3A_1825 = vector.broadcast %add3A_1824 : f32 to vector<1x128xf32>
      %add3A_1826 = arith.addf %slice3A_1823, %add3A_1825 : vector<1x128xf32>
      %dot_general3A_1827 = arith.constant dense<0.000000e+00> : vector<8x128xf32>
      %dot_general3A_1828 = tpu.matmul %get3A_1808, %exp3A_1820, %dot_general3A_1827 {dimension_numbers = #tpu.dot_dimension_numbers<[1], [1], [0], [0], [0, 0, 1, 0], [], []>, transpose_lhs_hint = false} : vector<8x512xf32>, vector<128x512xf32>, vector<8x128xf32> -> vector<8x128xf32>
      %div3A_1829 = vector.broadcast %add3A_1826 : vector<1x128xf32> to vector<8x128xf32>
      %div3A_1830 = arith.divf %dot_general3A_1828, %div3A_1829 : vector<8x128xf32>
      %add3A_1831 = arith.addf %broadcast_in_dim3A_1798, %div3A_1830 : vector<8x128xf32>
      %mul3A_1832 = arith.constant 512 : i32
      %mul3A_1833 = arith.muli %scan3A_208, %mul3A_1832 : i32
      %get3A_1834 = arith.constant 96 : index
      %get3A_1835 = arith.index_cast %mul3A_1833 : i32 to index
      %get3A_1836 = vector.load %arg34[%get3A_1834, %get3A_1835] : memref<128x6144xbf16, #tpu.memory_space<vmem>>, vector<32x512xbf16>
      %mul3A_1837 = arith.constant 512 : i32
      %mul3A_1838 = arith.muli %scan3A_208, %mul3A_1837 : i32
      %get3A_1839 = arith.constant 24 : index
      %get3A_1840 = arith.index_cast %mul3A_1838 : i32 to index
      %get3A_1841 = vector.load %arg35[%get3A_1839, %get3A_1840] : memref<32x6144xf32, #tpu.memory_space<vmem>>, vector<8x512xf32>
      %dot_general3A_1842 = arith.constant dense<0.000000e+00> : vector<128x512xf32>
      %dot_general3A_1843 = tpu.matmul %get3A_1793, %get3A_1836, %dot_general3A_1842 {dimension_numbers = #tpu.dot_dimension_numbers<[0], [0], [1], [1], [0, 1, 1, 1], [], []>, transpose_lhs_hint = false} : vector<32x128xbf16>, vector<32x512xbf16>, vector<128x512xf32> -> vector<128x512xf32>
      %add3A_1844 = arith.addf %dot_general3A_1843, %get3A_1796 : vector<128x512xf32>
      %reduce_max3A_1845 = arith.constant dense<0xFF800000> : vector<128xf32>
      %reduce_max3A_1846 = vector.multi_reduction <maximumf>, %add3A_1844, %reduce_max3A_1845 [1] : vector<128x512xf32> to vector<128xf32>
      %broadcast_in_dim3A_1847 = vector.shape_cast %reduce_max3A_1846 : vector<128xf32> to vector<128x1xf32>
      %max3A_1848 = arith.constant -1.000000e+30 : f32
      %max3A_1849 = vector.broadcast %max3A_1848 : f32 to vector<128x1xf32>
      %max3A_1850 = arith.maximumf %broadcast_in_dim3A_1847, %max3A_1849 : vector<128x1xf32>
      %sub3A_1851 = vector.broadcast %max3A_1850 : vector<128x1xf32> to vector<128x512xf32>
      %sub3A_1852 = arith.subf %add3A_1844, %sub3A_1851 : vector<128x512xf32>
      %exp3A_1853 = math.exp %sub3A_1852 : vector<128x512xf32>
      %dot_general3A_1854 = arith.constant dense<0.000000e+00> : vector<8x128xf32>
      %dot_general3A_1855 = tpu.matmul %broadcast_in_dim3A_9, %exp3A_1853, %dot_general3A_1854 {dimension_numbers = #tpu.dot_dimension_numbers<[1], [1], [0], [0], [0, 0, 1, 0], [], []>, transpose_lhs_hint = false} : vector<8x512xf32>, vector<128x512xf32>, vector<8x128xf32> -> vector<8x128xf32>
      %slice3A_1856 = vector.extract_strided_slice %dot_general3A_1855 {offsets = [0, 0], sizes = [1, 128], strides = [1, 1]} : vector<8x128xf32> to vector<1x128xf32>
      %add3A_1857 = arith.constant 1.000000e-16 : f32
      %add3A_1858 = vector.broadcast %add3A_1857 : f32 to vector<1x128xf32>
      %add3A_1859 = arith.addf %slice3A_1856, %add3A_1858 : vector<1x128xf32>
      %dot_general3A_1860 = arith.constant dense<0.000000e+00> : vector<8x128xf32>
      %dot_general3A_1861 = tpu.matmul %get3A_1841, %exp3A_1853, %dot_general3A_1860 {dimension_numbers = #tpu.dot_dimension_numbers<[1], [1], [0], [0], [0, 0, 1, 0], [], []>, transpose_lhs_hint = false} : vector<8x512xf32>, vector<128x512xf32>, vector<8x128xf32> -> vector<8x128xf32>
      %div3A_1862 = vector.broadcast %add3A_1859 : vector<1x128xf32> to vector<8x128xf32>
      %div3A_1863 = arith.divf %dot_general3A_1861, %div3A_1862 : vector<8x128xf32>
      %add3A_1864 = arith.addf %add3A_1831, %div3A_1863 : vector<8x128xf32>
      %mul3A_1865 = arith.constant 512 : i32
      %mul3A_1866 = arith.muli %select_n3A_217, %mul3A_1865 : i32
      %get3A_1867 = arith.constant 96 : index
      %get3A_1868 = arith.index_cast %mul3A_1866 : i32 to index
      %get3A_1869 = vector.load %arg34[%get3A_1867, %get3A_1868] : memref<128x6144xbf16, #tpu.memory_space<vmem>>, vector<32x512xbf16>
      %mul3A_1870 = arith.constant 512 : i32
      %mul3A_1871 = arith.muli %select_n3A_217, %mul3A_1870 : i32
      %get3A_1872 = arith.constant 24 : index
      %get3A_1873 = arith.index_cast %mul3A_1871 : i32 to index
      %get3A_1874 = vector.load %arg35[%get3A_1872, %get3A_1873] : memref<32x6144xf32, #tpu.memory_space<vmem>>, vector<8x512xf32>
      %dot_general3A_1875 = arith.constant dense<0.000000e+00> : vector<128x512xf32>
      %dot_general3A_1876 = tpu.matmul %get3A_1793, %get3A_1869, %dot_general3A_1875 {dimension_numbers = #tpu.dot_dimension_numbers<[0], [0], [1], [1], [0, 1, 1, 1], [], []>, transpose_lhs_hint = false} : vector<32x128xbf16>, vector<32x512xbf16>, vector<128x512xf32> -> vector<128x512xf32>
      %add3A_1877 = arith.addf %dot_general3A_1876, %get3A_1796 : vector<128x512xf32>
      %reduce_max3A_1878 = arith.constant dense<0xFF800000> : vector<128xf32>
      %reduce_max3A_1879 = vector.multi_reduction <maximumf>, %add3A_1877, %reduce_max3A_1878 [1] : vector<128x512xf32> to vector<128xf32>
      %broadcast_in_dim3A_1880 = vector.shape_cast %reduce_max3A_1879 : vector<128xf32> to vector<128x1xf32>
      %max3A_1881 = arith.constant -1.000000e+30 : f32
      %max3A_1882 = vector.broadcast %max3A_1881 : f32 to vector<128x1xf32>
      %max3A_1883 = arith.maximumf %broadcast_in_dim3A_1880, %max3A_1882 : vector<128x1xf32>
      %sub3A_1884 = vector.broadcast %max3A_1883 : vector<128x1xf32> to vector<128x512xf32>
      %sub3A_1885 = arith.subf %add3A_1877, %sub3A_1884 : vector<128x512xf32>
      %exp3A_1886 = math.exp %sub3A_1885 : vector<128x512xf32>
      %dot_general3A_1887 = arith.constant dense<0.000000e+00> : vector<8x128xf32>
      %dot_general3A_1888 = tpu.matmul %broadcast_in_dim3A_9, %exp3A_1886, %dot_general3A_1887 {dimension_numbers = #tpu.dot_dimension_numbers<[1], [1], [0], [0], [0, 0, 1, 0], [], []>, transpose_lhs_hint = false} : vector<8x512xf32>, vector<128x512xf32>, vector<8x128xf32> -> vector<8x128xf32>
      %slice3A_1889 = vector.extract_strided_slice %dot_general3A_1888 {offsets = [0, 0], sizes = [1, 128], strides = [1, 1]} : vector<8x128xf32> to vector<1x128xf32>
      %add3A_1890 = arith.constant 1.000000e-16 : f32
      %add3A_1891 = vector.broadcast %add3A_1890 : f32 to vector<1x128xf32>
      %add3A_1892 = arith.addf %slice3A_1889, %add3A_1891 : vector<1x128xf32>
      %dot_general3A_1893 = arith.constant dense<0.000000e+00> : vector<8x128xf32>
      %dot_general3A_1894 = tpu.matmul %get3A_1874, %exp3A_1886, %dot_general3A_1893 {dimension_numbers = #tpu.dot_dimension_numbers<[1], [1], [0], [0], [0, 0, 1, 0], [], []>, transpose_lhs_hint = false} : vector<8x512xf32>, vector<128x512xf32>, vector<8x128xf32> -> vector<8x128xf32>
      %div3A_1895 = vector.broadcast %add3A_1892 : vector<1x128xf32> to vector<8x128xf32>
      %div3A_1896 = arith.divf %dot_general3A_1894, %div3A_1895 : vector<8x128xf32>
      %add3A_1897 = arith.addf %add3A_1864, %div3A_1896 : vector<8x128xf32>
      %mul3A_1898 = arith.constant 0.333333343 : f32
      %mul3A_1899 = vector.broadcast %mul3A_1898 : f32 to vector<8x128xf32>
      %mul3A_1900 = arith.mulf %add3A_1897, %mul3A_1899 : vector<8x128xf32>
      %mul3A_1901 = arith.constant 512 : i32
      %mul3A_1902 = arith.muli %scan3A_208, %mul3A_1901 : i32
      %add3A_1903 = arith.constant 128 : i32
      %add3A_1904 = arith.addi %mul3A_1902, %add3A_1903 : i32
      %swap3A_1905 = arith.constant 24 : index
      %swap3A_1906 = arith.index_cast %add3A_1904 : i32 to index
      %swap3A_1907 = vector.load %arg37[%swap3A_1905, %swap3A_1906] : memref<32x6144xf32, #tpu.memory_space<vmem>>, vector<8x128xf32>
      tpu.vector_store %arg37[%swap3A_1905, %swap3A_1906], %mul3A_1900 {strides = array<i32>} : memref<32x6144xf32, #tpu.memory_space<vmem>>, vector<8x128xf32>,
      %mul3A_1908 = arith.constant 512 : i32
      %mul3A_1909 = arith.muli %scan3A_208, %mul3A_1908 : i32
      %add3A_1910 = arith.constant 256 : i32
      %add3A_1911 = arith.addi %mul3A_1909, %add3A_1910 : i32
      %get3A_1912 = arith.constant 96 : index
      %get3A_1913 = arith.index_cast %add3A_1911 : i32 to index
      %get3A_1914 = vector.load %arg33[%get3A_1912, %get3A_1913] : memref<128x6144xbf16, #tpu.memory_space<vmem>>, vector<32x128xbf16>
      %get3A_1915 = arith.constant 256 : index
      %get3A_1916 = arith.constant 0 : index
      %get3A_1917 = vector.load %arg4[%get3A_1915, %get3A_1916] : memref<512x512xf32, #tpu.memory_space<vmem>>, vector<128x512xf32>
      %broadcast_in_dim3A_1918 = arith.constant 0.000000e+00 : f32
      %broadcast_in_dim3A_1919 = vector.broadcast %broadcast_in_dim3A_1918 : f32 to vector<8x128xf32>
      %mul3A_1920 = arith.constant 512 : i32
      %mul3A_1921 = arith.muli %select_n3A, %mul3A_1920 : i32
      %get3A_1922 = arith.constant 96 : index
      %get3A_1923 = arith.index_cast %mul3A_1921 : i32 to index
      %get3A_1924 = vector.load %arg34[%get3A_1922, %get3A_1923] : memref<128x6144xbf16, #tpu.memory_space<vmem>>, vector<32x512xbf16>
      %mul3A_1925 = arith.constant 512 : i32
      %mul3A_1926 = arith.muli %select_n3A, %mul3A_1925 : i32
      %get3A_1927 = arith.constant 24 : index
      %get3A_1928 = arith.index_cast %mul3A_1926 : i32 to index
      %get3A_1929 = vector.load %arg35[%get3A_1927, %get3A_1928] : memref<32x6144xf32, #tpu.memory_space<vmem>>, vector<8x512xf32>
      %dot_general3A_1930 = arith.constant dense<0.000000e+00> : vector<128x512xf32>
      %dot_general3A_1931 = tpu.matmul %get3A_1914, %get3A_1924, %dot_general3A_1930 {dimension_numbers = #tpu.dot_dimension_numbers<[0], [0], [1], [1], [0, 1, 1, 1], [], []>, transpose_lhs_hint = false} : vector<32x128xbf16>, vector<32x512xbf16>, vector<128x512xf32> -> vector<128x512xf32>
      %add3A_1932 = arith.addf %dot_general3A_1931, %get3A_1917 : vector<128x512xf32>
      %reduce_max3A_1933 = arith.constant dense<0xFF800000> : vector<128xf32>
      %reduce_max3A_1934 = vector.multi_reduction <maximumf>, %add3A_1932, %reduce_max3A_1933 [1] : vector<128x512xf32> to vector<128xf32>
      %broadcast_in_dim3A_1935 = vector.shape_cast %reduce_max3A_1934 : vector<128xf32> to vector<128x1xf32>
      %max3A_1936 = arith.constant -1.000000e+30 : f32
      %max3A_1937 = vector.broadcast %max3A_1936 : f32 to vector<128x1xf32>
      %max3A_1938 = arith.maximumf %broadcast_in_dim3A_1935, %max3A_1937 : vector<128x1xf32>
      %sub3A_1939 = vector.broadcast %max3A_1938 : vector<128x1xf32> to vector<128x512xf32>
      %sub3A_1940 = arith.subf %add3A_1932, %sub3A_1939 : vector<128x512xf32>
      %exp3A_1941 = math.exp %sub3A_1940 : vector<128x512xf32>
      %dot_general3A_1942 = arith.constant dense<0.000000e+00> : vector<8x128xf32>
      %dot_general3A_1943 = tpu.matmul %broadcast_in_dim3A_9, %exp3A_1941, %dot_general3A_1942 {dimension_numbers = #tpu.dot_dimension_numbers<[1], [1], [0], [0], [0, 0, 1, 0], [], []>, transpose_lhs_hint = false} : vector<8x512xf32>, vector<128x512xf32>, vector<8x128xf32> -> vector<8x128xf32>
      %slice3A_1944 = vector.extract_strided_slice %dot_general3A_1943 {offsets = [0, 0], sizes = [1, 128], strides = [1, 1]} : vector<8x128xf32> to vector<1x128xf32>
      %add3A_1945 = arith.constant 1.000000e-16 : f32
      %add3A_1946 = vector.broadcast %add3A_1945 : f32 to vector<1x128xf32>
      %add3A_1947 = arith.addf %slice3A_1944, %add3A_1946 : vector<1x128xf32>
      %dot_general3A_1948 = arith.constant dense<0.000000e+00> : vector<8x128xf32>
      %dot_general3A_1949 = tpu.matmul %get3A_1929, %exp3A_1941, %dot_general3A_1948 {dimension_numbers = #tpu.dot_dimension_numbers<[1], [1], [0], [0], [0, 0, 1, 0], [], []>, transpose_lhs_hint = false} : vector<8x512xf32>, vector<128x512xf32>, vector<8x128xf32> -> vector<8x128xf32>
      %div3A_1950 = vector.broadcast %add3A_1947 : vector<1x128xf32> to vector<8x128xf32>
      %div3A_1951 = arith.divf %dot_general3A_1949, %div3A_1950 : vector<8x128xf32>
      %add3A_1952 = arith.addf %broadcast_in_dim3A_1919, %div3A_1951 : vector<8x128xf32>
      %mul3A_1953 = arith.constant 512 : i32
      %mul3A_1954 = arith.muli %scan3A_208, %mul3A_1953 : i32
      %get3A_1955 = arith.constant 96 : index
      %get3A_1956 = arith.index_cast %mul3A_1954 : i32 to index
      %get3A_1957 = vector.load %arg34[%get3A_1955, %get3A_1956] : memref<128x6144xbf16, #tpu.memory_space<vmem>>, vector<32x512xbf16>
      %mul3A_1958 = arith.constant 512 : i32
      %mul3A_1959 = arith.muli %scan3A_208, %mul3A_1958 : i32
      %get3A_1960 = arith.constant 24 : index
      %get3A_1961 = arith.index_cast %mul3A_1959 : i32 to index
      %get3A_1962 = vector.load %arg35[%get3A_1960, %get3A_1961] : memref<32x6144xf32, #tpu.memory_space<vmem>>, vector<8x512xf32>
      %dot_general3A_1963 = arith.constant dense<0.000000e+00> : vector<128x512xf32>
      %dot_general3A_1964 = tpu.matmul %get3A_1914, %get3A_1957, %dot_general3A_1963 {dimension_numbers = #tpu.dot_dimension_numbers<[0], [0], [1], [1], [0, 1, 1, 1], [], []>, transpose_lhs_hint = false} : vector<32x128xbf16>, vector<32x512xbf16>, vector<128x512xf32> -> vector<128x512xf32>
      %add3A_1965 = arith.addf %dot_general3A_1964, %get3A_1917 : vector<128x512xf32>
      %reduce_max3A_1966 = arith.constant dense<0xFF800000> : vector<128xf32>
      %reduce_max3A_1967 = vector.multi_reduction <maximumf>, %add3A_1965, %reduce_max3A_1966 [1] : vector<128x512xf32> to vector<128xf32>
      %broadcast_in_dim3A_1968 = vector.shape_cast %reduce_max3A_1967 : vector<128xf32> to vector<128x1xf32>
      %max3A_1969 = arith.constant -1.000000e+30 : f32
      %max3A_1970 = vector.broadcast %max3A_1969 : f32 to vector<128x1xf32>
      %max3A_1971 = arith.maximumf %broadcast_in_dim3A_1968, %max3A_1970 : vector<128x1xf32>
      %sub3A_1972 = vector.broadcast %max3A_1971 : vector<128x1xf32> to vector<128x512xf32>
      %sub3A_1973 = arith.subf %add3A_1965, %sub3A_1972 : vector<128x512xf32>
      %exp3A_1974 = math.exp %sub3A_1973 : vector<128x512xf32>
      %dot_general3A_1975 = arith.constant dense<0.000000e+00> : vector<8x128xf32>
      %dot_general3A_1976 = tpu.matmul %broadcast_in_dim3A_9, %exp3A_1974, %dot_general3A_1975 {dimension_numbers = #tpu.dot_dimension_numbers<[1], [1], [0], [0], [0, 0, 1, 0], [], []>, transpose_lhs_hint = false} : vector<8x512xf32>, vector<128x512xf32>, vector<8x128xf32> -> vector<8x128xf32>
      %slice3A_1977 = vector.extract_strided_slice %dot_general3A_1976 {offsets = [0, 0], sizes = [1, 128], strides = [1, 1]} : vector<8x128xf32> to vector<1x128xf32>
      %add3A_1978 = arith.constant 1.000000e-16 : f32
      %add3A_1979 = vector.broadcast %add3A_1978 : f32 to vector<1x128xf32>
      %add3A_1980 = arith.addf %slice3A_1977, %add3A_1979 : vector<1x128xf32>
      %dot_general3A_1981 = arith.constant dense<0.000000e+00> : vector<8x128xf32>
      %dot_general3A_1982 = tpu.matmul %get3A_1962, %exp3A_1974, %dot_general3A_1981 {dimension_numbers = #tpu.dot_dimension_numbers<[1], [1], [0], [0], [0, 0, 1, 0], [], []>, transpose_lhs_hint = false} : vector<8x512xf32>, vector<128x512xf32>, vector<8x128xf32> -> vector<8x128xf32>
      %div3A_1983 = vector.broadcast %add3A_1980 : vector<1x128xf32> to vector<8x128xf32>
      %div3A_1984 = arith.divf %dot_general3A_1982, %div3A_1983 : vector<8x128xf32>
      %add3A_1985 = arith.addf %add3A_1952, %div3A_1984 : vector<8x128xf32>
      %mul3A_1986 = arith.constant 512 : i32
      %mul3A_1987 = arith.muli %select_n3A_217, %mul3A_1986 : i32
      %get3A_1988 = arith.constant 96 : index
      %get3A_1989 = arith.index_cast %mul3A_1987 : i32 to index
      %get3A_1990 = vector.load %arg34[%get3A_1988, %get3A_1989] : memref<128x6144xbf16, #tpu.memory_space<vmem>>, vector<32x512xbf16>
      %mul3A_1991 = arith.constant 512 : i32
      %mul3A_1992 = arith.muli %select_n3A_217, %mul3A_1991 : i32
      %get3A_1993 = arith.constant 24 : index
      %get3A_1994 = arith.index_cast %mul3A_1992 : i32 to index
      %get3A_1995 = vector.load %arg35[%get3A_1993, %get3A_1994] : memref<32x6144xf32, #tpu.memory_space<vmem>>, vector<8x512xf32>
      %dot_general3A_1996 = arith.constant dense<0.000000e+00> : vector<128x512xf32>
      %dot_general3A_1997 = tpu.matmul %get3A_1914, %get3A_1990, %dot_general3A_1996 {dimension_numbers = #tpu.dot_dimension_numbers<[0], [0], [1], [1], [0, 1, 1, 1], [], []>, transpose_lhs_hint = false} : vector<32x128xbf16>, vector<32x512xbf16>, vector<128x512xf32> -> vector<128x512xf32>
      %add3A_1998 = arith.addf %dot_general3A_1997, %get3A_1917 : vector<128x512xf32>
      %reduce_max3A_1999 = arith.constant dense<0xFF800000> : vector<128xf32>
      %reduce_max3A_2000 = vector.multi_reduction <maximumf>, %add3A_1998, %reduce_max3A_1999 [1] : vector<128x512xf32> to vector<128xf32>
      %broadcast_in_dim3A_2001 = vector.shape_cast %reduce_max3A_2000 : vector<128xf32> to vector<128x1xf32>
      %max3A_2002 = arith.constant -1.000000e+30 : f32
      %max3A_2003 = vector.broadcast %max3A_2002 : f32 to vector<128x1xf32>
      %max3A_2004 = arith.maximumf %broadcast_in_dim3A_2001, %max3A_2003 : vector<128x1xf32>
      %sub3A_2005 = vector.broadcast %max3A_2004 : vector<128x1xf32> to vector<128x512xf32>
      %sub3A_2006 = arith.subf %add3A_1998, %sub3A_2005 : vector<128x512xf32>
      %exp3A_2007 = math.exp %sub3A_2006 : vector<128x512xf32>
      %dot_general3A_2008 = arith.constant dense<0.000000e+00> : vector<8x128xf32>
      %dot_general3A_2009 = tpu.matmul %broadcast_in_dim3A_9, %exp3A_2007, %dot_general3A_2008 {dimension_numbers = #tpu.dot_dimension_numbers<[1], [1], [0], [0], [0, 0, 1, 0], [], []>, transpose_lhs_hint = false} : vector<8x512xf32>, vector<128x512xf32>, vector<8x128xf32> -> vector<8x128xf32>
      %slice3A_2010 = vector.extract_strided_slice %dot_general3A_2009 {offsets = [0, 0], sizes = [1, 128], strides = [1, 1]} : vector<8x128xf32> to vector<1x128xf32>
      %add3A_2011 = arith.constant 1.000000e-16 : f32
      %add3A_2012 = vector.broadcast %add3A_2011 : f32 to vector<1x128xf32>
      %add3A_2013 = arith.addf %slice3A_2010, %add3A_2012 : vector<1x128xf32>
      %dot_general3A_2014 = arith.constant dense<0.000000e+00> : vector<8x128xf32>
      %dot_general3A_2015 = tpu.matmul %get3A_1995, %exp3A_2007, %dot_general3A_2014 {dimension_numbers = #tpu.dot_dimension_numbers<[1], [1], [0], [0], [0, 0, 1, 0], [], []>, transpose_lhs_hint = false} : vector<8x512xf32>, vector<128x512xf32>, vector<8x128xf32> -> vector<8x128xf32>
      %div3A_2016 = vector.broadcast %add3A_2013 : vector<1x128xf32> to vector<8x128xf32>
      %div3A_2017 = arith.divf %dot_general3A_2015, %div3A_2016 : vector<8x128xf32>
      %add3A_2018 = arith.addf %add3A_1985, %div3A_2017 : vector<8x128xf32>
      %mul3A_2019 = arith.constant 0.333333343 : f32
      %mul3A_2020 = vector.broadcast %mul3A_2019 : f32 to vector<8x128xf32>
      %mul3A_2021 = arith.mulf %add3A_2018, %mul3A_2020 : vector<8x128xf32>
      %mul3A_2022 = arith.constant 512 : i32
      %mul3A_2023 = arith.muli %scan3A_208, %mul3A_2022 : i32
      %add3A_2024 = arith.constant 256 : i32
      %add3A_2025 = arith.addi %mul3A_2023, %add3A_2024 : i32
      %swap3A_2026 = arith.constant 24 : index
      %swap3A_2027 = arith.index_cast %add3A_2025 : i32 to index
      %swap3A_2028 = vector.load %arg37[%swap3A_2026, %swap3A_2027] : memref<32x6144xf32, #tpu.memory_space<vmem>>, vector<8x128xf32>
      tpu.vector_store %arg37[%swap3A_2026, %swap3A_2027], %mul3A_2021 {strides = array<i32>} : memref<32x6144xf32, #tpu.memory_space<vmem>>, vector<8x128xf32>,
      %mul3A_2029 = arith.constant 512 : i32
      %mul3A_2030 = arith.muli %scan3A_208, %mul3A_2029 : i32
      %add3A_2031 = arith.constant 384 : i32
      %add3A_2032 = arith.addi %mul3A_2030, %add3A_2031 : i32
      %get3A_2033 = arith.constant 96 : index
      %get3A_2034 = arith.index_cast %add3A_2032 : i32 to index
      %get3A_2035 = vector.load %arg33[%get3A_2033, %get3A_2034] : memref<128x6144xbf16, #tpu.memory_space<vmem>>, vector<32x128xbf16>
      %get3A_2036 = arith.constant 384 : index
      %get3A_2037 = arith.constant 0 : index
      %get3A_2038 = vector.load %arg4[%get3A_2036, %get3A_2037] : memref<512x512xf32, #tpu.memory_space<vmem>>, vector<128x512xf32>
      %broadcast_in_dim3A_2039 = arith.constant 0.000000e+00 : f32
      %broadcast_in_dim3A_2040 = vector.broadcast %broadcast_in_dim3A_2039 : f32 to vector<8x128xf32>
      %mul3A_2041 = arith.constant 512 : i32
      %mul3A_2042 = arith.muli %select_n3A, %mul3A_2041 : i32
      %get3A_2043 = arith.constant 96 : index
      %get3A_2044 = arith.index_cast %mul3A_2042 : i32 to index
      %get3A_2045 = vector.load %arg34[%get3A_2043, %get3A_2044] : memref<128x6144xbf16, #tpu.memory_space<vmem>>, vector<32x512xbf16>
      %mul3A_2046 = arith.constant 512 : i32
      %mul3A_2047 = arith.muli %select_n3A, %mul3A_2046 : i32
      %get3A_2048 = arith.constant 24 : index
      %get3A_2049 = arith.index_cast %mul3A_2047 : i32 to index
      %get3A_2050 = vector.load %arg35[%get3A_2048, %get3A_2049] : memref<32x6144xf32, #tpu.memory_space<vmem>>, vector<8x512xf32>
      %dot_general3A_2051 = arith.constant dense<0.000000e+00> : vector<128x512xf32>
      %dot_general3A_2052 = tpu.matmul %get3A_2035, %get3A_2045, %dot_general3A_2051 {dimension_numbers = #tpu.dot_dimension_numbers<[0], [0], [1], [1], [0, 1, 1, 1], [], []>, transpose_lhs_hint = false} : vector<32x128xbf16>, vector<32x512xbf16>, vector<128x512xf32> -> vector<128x512xf32>
      %add3A_2053 = arith.addf %dot_general3A_2052, %get3A_2038 : vector<128x512xf32>
      %reduce_max3A_2054 = arith.constant dense<0xFF800000> : vector<128xf32>
      %reduce_max3A_2055 = vector.multi_reduction <maximumf>, %add3A_2053, %reduce_max3A_2054 [1] : vector<128x512xf32> to vector<128xf32>
      %broadcast_in_dim3A_2056 = vector.shape_cast %reduce_max3A_2055 : vector<128xf32> to vector<128x1xf32>
      %max3A_2057 = arith.constant -1.000000e+30 : f32
      %max3A_2058 = vector.broadcast %max3A_2057 : f32 to vector<128x1xf32>
      %max3A_2059 = arith.maximumf %broadcast_in_dim3A_2056, %max3A_2058 : vector<128x1xf32>
      %sub3A_2060 = vector.broadcast %max3A_2059 : vector<128x1xf32> to vector<128x512xf32>
      %sub3A_2061 = arith.subf %add3A_2053, %sub3A_2060 : vector<128x512xf32>
      %exp3A_2062 = math.exp %sub3A_2061 : vector<128x512xf32>
      %dot_general3A_2063 = arith.constant dense<0.000000e+00> : vector<8x128xf32>
      %dot_general3A_2064 = tpu.matmul %broadcast_in_dim3A_9, %exp3A_2062, %dot_general3A_2063 {dimension_numbers = #tpu.dot_dimension_numbers<[1], [1], [0], [0], [0, 0, 1, 0], [], []>, transpose_lhs_hint = false} : vector<8x512xf32>, vector<128x512xf32>, vector<8x128xf32> -> vector<8x128xf32>
      %slice3A_2065 = vector.extract_strided_slice %dot_general3A_2064 {offsets = [0, 0], sizes = [1, 128], strides = [1, 1]} : vector<8x128xf32> to vector<1x128xf32>
      %add3A_2066 = arith.constant 1.000000e-16 : f32
      %add3A_2067 = vector.broadcast %add3A_2066 : f32 to vector<1x128xf32>
      %add3A_2068 = arith.addf %slice3A_2065, %add3A_2067 : vector<1x128xf32>
      %dot_general3A_2069 = arith.constant dense<0.000000e+00> : vector<8x128xf32>
      %dot_general3A_2070 = tpu.matmul %get3A_2050, %exp3A_2062, %dot_general3A_2069 {dimension_numbers = #tpu.dot_dimension_numbers<[1], [1], [0], [0], [0, 0, 1, 0], [], []>, transpose_lhs_hint = false} : vector<8x512xf32>, vector<128x512xf32>, vector<8x128xf32> -> vector<8x128xf32>
      %div3A_2071 = vector.broadcast %add3A_2068 : vector<1x128xf32> to vector<8x128xf32>
      %div3A_2072 = arith.divf %dot_general3A_2070, %div3A_2071 : vector<8x128xf32>
      %add3A_2073 = arith.addf %broadcast_in_dim3A_2040, %div3A_2072 : vector<8x128xf32>
      %mul3A_2074 = arith.constant 512 : i32
      %mul3A_2075 = arith.muli %scan3A_208, %mul3A_2074 : i32
      %get3A_2076 = arith.constant 96 : index
      %get3A_2077 = arith.index_cast %mul3A_2075 : i32 to index
      %get3A_2078 = vector.load %arg34[%get3A_2076, %get3A_2077] : memref<128x6144xbf16, #tpu.memory_space<vmem>>, vector<32x512xbf16>
      %mul3A_2079 = arith.constant 512 : i32
      %mul3A_2080 = arith.muli %scan3A_208, %mul3A_2079 : i32
      %get3A_2081 = arith.constant 24 : index
      %get3A_2082 = arith.index_cast %mul3A_2080 : i32 to index
      %get3A_2083 = vector.load %arg35[%get3A_2081, %get3A_2082] : memref<32x6144xf32, #tpu.memory_space<vmem>>, vector<8x512xf32>
      %dot_general3A_2084 = arith.constant dense<0.000000e+00> : vector<128x512xf32>
      %dot_general3A_2085 = tpu.matmul %get3A_2035, %get3A_2078, %dot_general3A_2084 {dimension_numbers = #tpu.dot_dimension_numbers<[0], [0], [1], [1], [0, 1, 1, 1], [], []>, transpose_lhs_hint = false} : vector<32x128xbf16>, vector<32x512xbf16>, vector<128x512xf32> -> vector<128x512xf32>
      %add3A_2086 = arith.addf %dot_general3A_2085, %get3A_2038 : vector<128x512xf32>
      %reduce_max3A_2087 = arith.constant dense<0xFF800000> : vector<128xf32>
      %reduce_max3A_2088 = vector.multi_reduction <maximumf>, %add3A_2086, %reduce_max3A_2087 [1] : vector<128x512xf32> to vector<128xf32>
      %broadcast_in_dim3A_2089 = vector.shape_cast %reduce_max3A_2088 : vector<128xf32> to vector<128x1xf32>
      %max3A_2090 = arith.constant -1.000000e+30 : f32
      %max3A_2091 = vector.broadcast %max3A_2090 : f32 to vector<128x1xf32>
      %max3A_2092 = arith.maximumf %broadcast_in_dim3A_2089, %max3A_2091 : vector<128x1xf32>
      %sub3A_2093 = vector.broadcast %max3A_2092 : vector<128x1xf32> to vector<128x512xf32>
      %sub3A_2094 = arith.subf %add3A_2086, %sub3A_2093 : vector<128x512xf32>
      %exp3A_2095 = math.exp %sub3A_2094 : vector<128x512xf32>
      %dot_general3A_2096 = arith.constant dense<0.000000e+00> : vector<8x128xf32>
      %dot_general3A_2097 = tpu.matmul %broadcast_in_dim3A_9, %exp3A_2095, %dot_general3A_2096 {dimension_numbers = #tpu.dot_dimension_numbers<[1], [1], [0], [0], [0, 0, 1, 0], [], []>, transpose_lhs_hint = false} : vector<8x512xf32>, vector<128x512xf32>, vector<8x128xf32> -> vector<8x128xf32>
      %slice3A_2098 = vector.extract_strided_slice %dot_general3A_2097 {offsets = [0, 0], sizes = [1, 128], strides = [1, 1]} : vector<8x128xf32> to vector<1x128xf32>
      %add3A_2099 = arith.constant 1.000000e-16 : f32
      %add3A_2100 = vector.broadcast %add3A_2099 : f32 to vector<1x128xf32>
      %add3A_2101 = arith.addf %slice3A_2098, %add3A_2100 : vector<1x128xf32>
      %dot_general3A_2102 = arith.constant dense<0.000000e+00> : vector<8x128xf32>
      %dot_general3A_2103 = tpu.matmul %get3A_2083, %exp3A_2095, %dot_general3A_2102 {dimension_numbers = #tpu.dot_dimension_numbers<[1], [1], [0], [0], [0, 0, 1, 0], [], []>, transpose_lhs_hint = false} : vector<8x512xf32>, vector<128x512xf32>, vector<8x128xf32> -> vector<8x128xf32>
      %div3A_2104 = vector.broadcast %add3A_2101 : vector<1x128xf32> to vector<8x128xf32>
      %div3A_2105 = arith.divf %dot_general3A_2103, %div3A_2104 : vector<8x128xf32>
      %add3A_2106 = arith.addf %add3A_2073, %div3A_2105 : vector<8x128xf32>
      %mul3A_2107 = arith.constant 512 : i32
      %mul3A_2108 = arith.muli %select_n3A_217, %mul3A_2107 : i32
      %get3A_2109 = arith.constant 96 : index
      %get3A_2110 = arith.index_cast %mul3A_2108 : i32 to index
      %get3A_2111 = vector.load %arg34[%get3A_2109, %get3A_2110] : memref<128x6144xbf16, #tpu.memory_space<vmem>>, vector<32x512xbf16>
      %mul3A_2112 = arith.constant 512 : i32
      %mul3A_2113 = arith.muli %select_n3A_217, %mul3A_2112 : i32
      %get3A_2114 = arith.constant 24 : index
      %get3A_2115 = arith.index_cast %mul3A_2113 : i32 to index
      %get3A_2116 = vector.load %arg35[%get3A_2114, %get3A_2115] : memref<32x6144xf32, #tpu.memory_space<vmem>>, vector<8x512xf32>
      %dot_general3A_2117 = arith.constant dense<0.000000e+00> : vector<128x512xf32>
      %dot_general3A_2118 = tpu.matmul %get3A_2035, %get3A_2111, %dot_general3A_2117 {dimension_numbers = #tpu.dot_dimension_numbers<[0], [0], [1], [1], [0, 1, 1, 1], [], []>, transpose_lhs_hint = false} : vector<32x128xbf16>, vector<32x512xbf16>, vector<128x512xf32> -> vector<128x512xf32>
      %add3A_2119 = arith.addf %dot_general3A_2118, %get3A_2038 : vector<128x512xf32>
      %reduce_max3A_2120 = arith.constant dense<0xFF800000> : vector<128xf32>
      %reduce_max3A_2121 = vector.multi_reduction <maximumf>, %add3A_2119, %reduce_max3A_2120 [1] : vector<128x512xf32> to vector<128xf32>
      %broadcast_in_dim3A_2122 = vector.shape_cast %reduce_max3A_2121 : vector<128xf32> to vector<128x1xf32>
      %max3A_2123 = arith.constant -1.000000e+30 : f32
      %max3A_2124 = vector.broadcast %max3A_2123 : f32 to vector<128x1xf32>
      %max3A_2125 = arith.maximumf %broadcast_in_dim3A_2122, %max3A_2124 : vector<128x1xf32>
      %sub3A_2126 = vector.broadcast %max3A_2125 : vector<128x1xf32> to vector<128x512xf32>
      %sub3A_2127 = arith.subf %add3A_2119, %sub3A_2126 : vector<128x512xf32>
      %exp3A_2128 = math.exp %sub3A_2127 : vector<128x512xf32>
      %dot_general3A_2129 = arith.constant dense<0.000000e+00> : vector<8x128xf32>
      %dot_general3A_2130 = tpu.matmul %broadcast_in_dim3A_9, %exp3A_2128, %dot_general3A_2129 {dimension_numbers = #tpu.dot_dimension_numbers<[1], [1], [0], [0], [0, 0, 1, 0], [], []>, transpose_lhs_hint = false} : vector<8x512xf32>, vector<128x512xf32>, vector<8x128xf32> -> vector<8x128xf32>
      %slice3A_2131 = vector.extract_strided_slice %dot_general3A_2130 {offsets = [0, 0], sizes = [1, 128], strides = [1, 1]} : vector<8x128xf32> to vector<1x128xf32>
      %add3A_2132 = arith.constant 1.000000e-16 : f32
      %add3A_2133 = vector.broadcast %add3A_2132 : f32 to vector<1x128xf32>
      %add3A_2134 = arith.addf %slice3A_2131, %add3A_2133 : vector<1x128xf32>
      %dot_general3A_2135 = arith.constant dense<0.000000e+00> : vector<8x128xf32>
      %dot_general3A_2136 = tpu.matmul %get3A_2116, %exp3A_2128, %dot_general3A_2135 {dimension_numbers = #tpu.dot_dimension_numbers<[1], [1], [0], [0], [0, 0, 1, 0], [], []>, transpose_lhs_hint = false} : vector<8x512xf32>, vector<128x512xf32>, vector<8x128xf32> -> vector<8x128xf32>
      %div3A_2137 = vector.broadcast %add3A_2134 : vector<1x128xf32> to vector<8x128xf32>
      %div3A_2138 = arith.divf %dot_general3A_2136, %div3A_2137 : vector<8x128xf32>
      %add3A_2139 = arith.addf %add3A_2106, %div3A_2138 : vector<8x128xf32>
      %mul3A_2140 = arith.constant 0.333333343 : f32
      %mul3A_2141 = vector.broadcast %mul3A_2140 : f32 to vector<8x128xf32>
      %mul3A_2142 = arith.mulf %add3A_2139, %mul3A_2141 : vector<8x128xf32>
      %mul3A_2143 = arith.constant 512 : i32
      %mul3A_2144 = arith.muli %scan3A_208, %mul3A_2143 : i32
      %add3A_2145 = arith.constant 384 : i32
      %add3A_2146 = arith.addi %mul3A_2144, %add3A_2145 : i32
      %swap3A_2147 = arith.constant 24 : index
      %swap3A_2148 = arith.index_cast %add3A_2146 : i32 to index
      %swap3A_2149 = vector.load %arg37[%swap3A_2147, %swap3A_2148] : memref<32x6144xf32, #tpu.memory_space<vmem>>, vector<8x128xf32>
      tpu.vector_store %arg37[%swap3A_2147, %swap3A_2148], %mul3A_2142 {strides = array<i32>} : memref<32x6144xf32, #tpu.memory_space<vmem>>, vector<8x128xf32>,
    }
    %scan3A_202 = arith.constant 12 : i32
    %scan3A_203 = arith.constant 0 : i32
    %scan3A_204 = arith.constant 12 : i32
    %scan3A_205 = arith.addi %scan3A_203, %scan3A_204 : i32
    %scan3A_206 = arith.constant 1 : i32
    scf.for %scan3A_208 = %scan3A_203 to %scan3A_205 step %scan3A_206  : i32 {
      %mul3A_209 = arith.constant 512 : i32
      %mul3A_210 = arith.muli %scan3A_208, %mul3A_209 : i32
      %get3A_211 = arith.constant 0 : index
      %get3A_212 = arith.constant 0 : index
      %get3A_213 = arith.index_cast %mul3A_210 : i32 to index
      %get3A_214 = vector.load %arg1[%get3A_211, %get3A_212, %get3A_213] : memref<1x32x6144xf32, #tpu.memory_space<vmem>>, vector<1x32x512xf32>
      %get3A_215 = vector.shape_cast %get3A_214 : vector<1x32x512xf32> to vector<32x512xf32>
      %get3A_216 = arith.constant 0 : index
      %get3A_217 = arith.constant 0 : index
      %get3A_218 = vector.load %arg11[%get3A_216, %get3A_217] : memref<32x32xf32, #tpu.memory_space<vmem>>, vector<32x32xf32>
      %get3A_219 = arith.constant 0 : index
      %get3A_220 = arith.index_cast %mul3A_210 : i32 to index
      %get3A_221 = vector.load %arg36[%get3A_219, %get3A_220] : memref<32x6144xf32, #tpu.memory_space<vmem>>, vector<32x512xf32>
      %dot_general3A_222 = arith.constant dense<0.000000e+00> : vector<32x512xf32>
      %dot_general3A_223 = tpu.matmul %get3A_218, %get3A_221, %dot_general3A_222 {dimension_numbers = #tpu.dot_dimension_numbers<[0], [0], [1], [1], [0, 1, 1, 1], [], []>, transpose_lhs_hint = false} : vector<32x32xf32>, vector<32x512xf32>, vector<32x512xf32> -> vector<32x512xf32>
      %get3A_224 = arith.constant 0 : index
      %get3A_225 = arith.constant 0 : index
      %get3A_226 = vector.load %arg12[%get3A_224, %get3A_225] : memref<32x1xf32, #tpu.memory_space<vmem>>, vector<32x1xf32>
      %add3A_227 = vector.broadcast %get3A_226 : vector<32x1xf32> to vector<32x512xf32>
      %add3A_228 = arith.addf %dot_general3A_223, %add3A_227 : vector<32x512xf32>
      %add3A_229 = arith.addf %add3A_228, %get3A_215 : vector<32x512xf32>
      %reduce_sum3A = arith.constant dense<0.000000e+00> : vector<512xf32>
      %reduce_sum3A_230 = vector.multi_reduction <add>, %add3A_229, %reduce_sum3A [0] : vector<32x512xf32> to vector<512xf32>
      %broadcast_in_dim3A_231 = vector.shape_cast %reduce_sum3A_230 : vector<512xf32> to vector<1x512xf32>
      %div3A = arith.constant 3.200000e+01 : f32
      %div3A_232 = vector.broadcast %div3A : f32 to vector<1x512xf32>
      %div3A_233 = arith.divf %broadcast_in_dim3A_231, %div3A_232 : vector<1x512xf32>
      %sub3A_234 = vector.broadcast %div3A_233 : vector<1x512xf32> to vector<32x512xf32>
      %sub3A_235 = arith.subf %add3A_229, %sub3A_234 : vector<32x512xf32>
      %mul3A_236 = arith.mulf %sub3A_235, %sub3A_235 : vector<32x512xf32>
      %reduce_sum3A_237 = arith.constant dense<0.000000e+00> : vector<512xf32>
      %reduce_sum3A_238 = vector.multi_reduction <add>, %mul3A_236, %reduce_sum3A_237 [0] : vector<32x512xf32> to vector<512xf32>
      %broadcast_in_dim3A_239 = vector.shape_cast %reduce_sum3A_238 : vector<512xf32> to vector<1x512xf32>
      %div3A_240 = arith.constant 3.200000e+01 : f32
      %div3A_241 = vector.broadcast %div3A_240 : f32 to vector<1x512xf32>
      %div3A_242 = arith.divf %broadcast_in_dim3A_239, %div3A_241 : vector<1x512xf32>
      %add3A_243 = arith.constant 9.99999974E-6 : f32
      %add3A_244 = vector.broadcast %add3A_243 : f32 to vector<1x512xf32>
      %add3A_245 = arith.addf %div3A_242, %add3A_244 : vector<1x512xf32>
      %sqrt3A = math.sqrt %add3A_245 : vector<1x512xf32>
      %div3A_246 = vector.broadcast %sqrt3A : vector<1x512xf32> to vector<32x512xf32>
      %div3A_247 = arith.divf %sub3A_235, %div3A_246 : vector<32x512xf32>
      %get3A_248 = arith.constant 0 : index
      %get3A_249 = arith.constant 0 : index
      %get3A_250 = vector.load %arg13[%get3A_248, %get3A_249] : memref<32x1xf32, #tpu.memory_space<vmem>>, vector<32x1xf32>
      %mul3A_251 = vector.broadcast %get3A_250 : vector<32x1xf32> to vector<32x512xf32>
      %mul3A_252 = arith.mulf %div3A_247, %mul3A_251 : vector<32x512xf32>
      %get3A_253 = arith.constant 0 : index
      %get3A_254 = arith.constant 0 : index
      %get3A_255 = vector.load %arg14[%get3A_253, %get3A_254] : memref<32x1xf32, #tpu.memory_space<vmem>>, vector<32x1xf32>
      %add3A_256 = vector.broadcast %get3A_255 : vector<32x1xf32> to vector<32x512xf32>
      %add3A_257 = arith.addf %mul3A_252, %add3A_256 : vector<32x512xf32>
      %get3A_258 = arith.constant 0 : index
      %get3A_259 = arith.constant 0 : index
      %get3A_260 = vector.load %arg21[%get3A_258, %get3A_259] : memref<32x32xf32, #tpu.memory_space<vmem>>, vector<32x32xf32>
      %get3A_261 = arith.constant 0 : index
      %get3A_262 = arith.index_cast %mul3A_210 : i32 to index
      %get3A_263 = vector.load %arg37[%get3A_261, %get3A_262] : memref<32x6144xf32, #tpu.memory_space<vmem>>, vector<32x512xf32>
      %dot_general3A_264 = arith.constant dense<0.000000e+00> : vector<32x512xf32>
      %dot_general3A_265 = tpu.matmul %get3A_260, %get3A_263, %dot_general3A_264 {dimension_numbers = #tpu.dot_dimension_numbers<[0], [0], [1], [1], [0, 1, 1, 1], [], []>, transpose_lhs_hint = false} : vector<32x32xf32>, vector<32x512xf32>, vector<32x512xf32> -> vector<32x512xf32>
      %get3A_266 = arith.constant 0 : index
      %get3A_267 = arith.constant 0 : index
      %get3A_268 = vector.load %arg22[%get3A_266, %get3A_267] : memref<32x1xf32, #tpu.memory_space<vmem>>, vector<32x1xf32>
      %add3A_269 = vector.broadcast %get3A_268 : vector<32x1xf32> to vector<32x512xf32>
      %add3A_270 = arith.addf %dot_general3A_265, %add3A_269 : vector<32x512xf32>
      %add3A_271 = arith.addf %add3A_270, %get3A_215 : vector<32x512xf32>
      %reduce_sum3A_272 = arith.constant dense<0.000000e+00> : vector<512xf32>
      %reduce_sum3A_273 = vector.multi_reduction <add>, %add3A_271, %reduce_sum3A_272 [0] : vector<32x512xf32> to vector<512xf32>
      %broadcast_in_dim3A_274 = vector.shape_cast %reduce_sum3A_273 : vector<512xf32> to vector<1x512xf32>
      %div3A_275 = arith.constant 3.200000e+01 : f32
      %div3A_276 = vector.broadcast %div3A_275 : f32 to vector<1x512xf32>
      %div3A_277 = arith.divf %broadcast_in_dim3A_274, %div3A_276 : vector<1x512xf32>
      %sub3A_278 = vector.broadcast %div3A_277 : vector<1x512xf32> to vector<32x512xf32>
      %sub3A_279 = arith.subf %add3A_271, %sub3A_278 : vector<32x512xf32>
      %mul3A_280 = arith.mulf %sub3A_279, %sub3A_279 : vector<32x512xf32>
      %reduce_sum3A_281 = arith.constant dense<0.000000e+00> : vector<512xf32>
      %reduce_sum3A_282 = vector.multi_reduction <add>, %mul3A_280, %reduce_sum3A_281 [0] : vector<32x512xf32> to vector<512xf32>
      %broadcast_in_dim3A_283 = vector.shape_cast %reduce_sum3A_282 : vector<512xf32> to vector<1x512xf32>
      %div3A_284 = arith.constant 3.200000e+01 : f32
      %div3A_285 = vector.broadcast %div3A_284 : f32 to vector<1x512xf32>
      %div3A_286 = arith.divf %broadcast_in_dim3A_283, %div3A_285 : vector<1x512xf32>
      %add3A_287 = arith.constant 9.99999974E-6 : f32
      %add3A_288 = vector.broadcast %add3A_287 : f32 to vector<1x512xf32>
      %add3A_289 = arith.addf %div3A_286, %add3A_288 : vector<1x512xf32>
      %sqrt3A_290 = math.sqrt %add3A_289 : vector<1x512xf32>
      %div3A_291 = vector.broadcast %sqrt3A_290 : vector<1x512xf32> to vector<32x512xf32>
      %div3A_292 = arith.divf %sub3A_279, %div3A_291 : vector<32x512xf32>
      %get3A_293 = arith.constant 0 : index
      %get3A_294 = arith.constant 0 : index
      %get3A_295 = vector.load %arg23[%get3A_293, %get3A_294] : memref<32x1xf32, #tpu.memory_space<vmem>>, vector<32x1xf32>
      %mul3A_296 = vector.broadcast %get3A_295 : vector<32x1xf32> to vector<32x512xf32>
      %mul3A_297 = arith.mulf %div3A_292, %mul3A_296 : vector<32x512xf32>
      %get3A_298 = arith.constant 0 : index
      %get3A_299 = arith.constant 0 : index
      %get3A_300 = vector.load %arg24[%get3A_298, %get3A_299] : memref<32x1xf32, #tpu.memory_space<vmem>>, vector<32x1xf32>
      %add3A_301 = vector.broadcast %get3A_300 : vector<32x1xf32> to vector<32x512xf32>
      %add3A_302 = arith.addf %mul3A_297, %add3A_301 : vector<32x512xf32>
      %get3A_303 = arith.constant 0 : index
      %get3A_304 = arith.constant 0 : index
      %get3A_305 = vector.load %arg25[%get3A_303, %get3A_304] : memref<32x32xf32, #tpu.memory_space<vmem>>, vector<32x32xf32>
      %dot_general3A_306 = arith.constant dense<0.000000e+00> : vector<32x512xf32>
      %dot_general3A_307 = tpu.matmul %get3A_305, %add3A_257, %dot_general3A_306 {dimension_numbers = #tpu.dot_dimension_numbers<[0], [0], [1], [1], [0, 1, 1, 1], [], []>, transpose_lhs_hint = false} : vector<32x32xf32>, vector<32x512xf32>, vector<32x512xf32> -> vector<32x512xf32>
      %get3A_308 = arith.constant 0 : index
      %get3A_309 = arith.constant 0 : index
      %get3A_310 = vector.load %arg26[%get3A_308, %get3A_309] : memref<32x32xf32, #tpu.memory_space<vmem>>, vector<32x32xf32>
      %dot_general3A_311 = arith.constant dense<0.000000e+00> : vector<32x512xf32>
      %dot_general3A_312 = tpu.matmul %get3A_310, %add3A_302, %dot_general3A_311 {dimension_numbers = #tpu.dot_dimension_numbers<[0], [0], [1], [1], [0, 1, 1, 1], [], []>, transpose_lhs_hint = false} : vector<32x32xf32>, vector<32x512xf32>, vector<32x512xf32> -> vector<32x512xf32>
      %add3A_313 = arith.addf %dot_general3A_307, %dot_general3A_312 : vector<32x512xf32>
      %get3A_314 = arith.constant 0 : index
      %get3A_315 = arith.constant 0 : index
      %get3A_316 = vector.load %arg27[%get3A_314, %get3A_315] : memref<32x1xf32, #tpu.memory_space<vmem>>, vector<32x1xf32>
      %add3A_317 = vector.broadcast %get3A_316 : vector<32x1xf32> to vector<32x512xf32>
      %add3A_318 = arith.addf %add3A_313, %add3A_317 : vector<32x512xf32>
      %logistic3A = arith.negf %add3A_318 : vector<32x512xf32>
      %logistic3A_319 = math.exp %logistic3A : vector<32x512xf32>
      %logistic3A_320 = arith.constant 1.000000e+00 : f32
      %logistic3A_321 = vector.broadcast %logistic3A_320 : f32 to vector<32x512xf32>
      %logistic3A_322 = arith.addf %logistic3A_321, %logistic3A_319 : vector<32x512xf32>
      %logistic3A_323 = arith.divf %logistic3A_321, %logistic3A_322 : vector<32x512xf32>
      %mul3A_324 = arith.mulf %logistic3A_323, %add3A_257 : vector<32x512xf32>
      %sub3A_325 = arith.constant 1.000000e+00 : f32
      %sub3A_326 = vector.broadcast %sub3A_325 : f32 to vector<32x512xf32>
      %sub3A_327 = arith.subf %sub3A_326, %logistic3A_323 : vector<32x512xf32>
      %mul3A_328 = arith.mulf %sub3A_327, %add3A_302 : vector<32x512xf32>
      %add3A_329 = arith.addf %mul3A_324, %mul3A_328 : vector<32x512xf32>
      %get3A_330 = arith.constant 0 : index
      %get3A_331 = arith.constant 0 : index
      %get3A_332 = vector.load %arg30[%get3A_330, %get3A_331] : memref<32x32xf32, #tpu.memory_space<vmem>>, vector<32x32xf32>
      %get3A_333 = arith.constant 0 : index
      %get3A_334 = arith.constant 0 : index
      %get3A_335 = vector.load %arg28[%get3A_333, %get3A_334] : memref<32x32xf32, #tpu.memory_space<vmem>>, vector<32x32xf32>
      %dot_general3A_336 = arith.constant dense<0.000000e+00> : vector<32x512xf32>
      %dot_general3A_337 = tpu.matmul %get3A_335, %add3A_329, %dot_general3A_336 {dimension_numbers = #tpu.dot_dimension_numbers<[0], [0], [1], [1], [0, 1, 1, 1], [], []>, transpose_lhs_hint = false} : vector<32x32xf32>, vector<32x512xf32>, vector<32x512xf32> -> vector<32x512xf32>
      %get3A_338 = arith.constant 0 : index
      %get3A_339 = arith.constant 0 : index
      %get3A_340 = vector.load %arg29[%get3A_338, %get3A_339] : memref<32x1xf32, #tpu.memory_space<vmem>>, vector<32x1xf32>
      %add3A_341 = vector.broadcast %get3A_340 : vector<32x1xf32> to vector<32x512xf32>
      %add3A_342 = arith.addf %dot_general3A_337, %add3A_341 : vector<32x512xf32>
      %max3A = arith.constant 0.000000e+00 : f32
      %max3A_343 = vector.broadcast %max3A : f32 to vector<32x512xf32>
      %max3A_344 = arith.maximumf %add3A_342, %max3A_343 : vector<32x512xf32>
      %dot_general3A_345 = arith.constant dense<0.000000e+00> : vector<32x512xf32>
      %dot_general3A_346 = tpu.matmul %get3A_332, %max3A_344, %dot_general3A_345 {dimension_numbers = #tpu.dot_dimension_numbers<[0], [0], [1], [1], [0, 1, 1, 1], [], []>, transpose_lhs_hint = false} : vector<32x32xf32>, vector<32x512xf32>, vector<32x512xf32> -> vector<32x512xf32>
      %get3A_347 = arith.constant 0 : index
      %get3A_348 = arith.constant 0 : index
      %get3A_349 = vector.load %arg31[%get3A_347, %get3A_348] : memref<32x1xf32, #tpu.memory_space<vmem>>, vector<32x1xf32>
      %add3A_350 = vector.broadcast %get3A_349 : vector<32x1xf32> to vector<32x512xf32>
      %add3A_351 = arith.addf %dot_general3A_346, %add3A_350 : vector<32x512xf32>
      %swap3A_352 = arith.constant 0 : index
      %swap3A_353 = arith.constant 0 : index
      %swap3A_354 = arith.index_cast %mul3A_210 : i32 to index
      %swap3A_355 = vector.load %arg32[%swap3A_352, %swap3A_353, %swap3A_354] : memref<1x32x6144xf32, #tpu.memory_space<vmem>>, vector<1x32x512xf32>
      %swap3A_356 = vector.shape_cast %swap3A_355 : vector<1x32x512xf32> to vector<32x512xf32>
      %swap3A_357 = vector.shape_cast %add3A_351 : vector<32x512xf32> to vector<1x32x512xf32>
      tpu.vector_store %arg32[%swap3A_352, %swap3A_353, %swap3A_354], %swap3A_357 {strides = array<i32>} : memref<1x32x6144xf32, #tpu.memory_space<vmem>>, vector<1x32x512xf32>,
    }
    %scan3A_207 = arith.constant 12 : i32
    return
  }
  func.func @transform_0(%arg0: i32) -> (i32, i32, i32) {
    %c0_i32 = arith.constant 0 : i32
    %c0_i32_0 = arith.constant 0 : i32
    %c0_i32_1 = arith.constant 0 : i32
    return %arg0, %c0_i32, %c0_i32_0 : i32, i32, i32
  }
  func.func @transform_1(%arg0: i32) -> (i32, i32, i32) {
    %c0_i32 = arith.constant 0 : i32
    %c0_i32_0 = arith.constant 0 : i32
    %c0_i32_1 = arith.constant 0 : i32
    return %arg0, %c0_i32, %c0_i32_0 : i32, i32, i32
  }
  func.func @transform_2(%arg0: i32) -> (i32, i32) {
    %c0_i32 = arith.constant 0 : i32
    %c0_i32_0 = arith.constant 0 : i32
    %c0_i32_1 = arith.constant 0 : i32
    return %c0_i32, %c0_i32_0 : i32, i32
  }
  func.func @transform_3(%arg0: i32) -> (i32, i32) {
    %c0_i32 = arith.constant 0 : i32
    %c0_i32_0 = arith.constant 0 : i32
    %c0_i32_1 = arith.constant 0 : i32
    return %c0_i32, %c0_i32_0 : i32, i32
  }
  func.func @transform_4(%arg0: i32) -> (i32, i32) {
    %c0_i32 = arith.constant 0 : i32
    %c0_i32_0 = arith.constant 0 : i32
    %c0_i32_1 = arith.constant 0 : i32
    return %c0_i32, %c0_i32_0 : i32, i32
  }
  func.func @transform_5(%arg0: i32) -> (i32, i32) {
    %c0_i32 = arith.constant 0 : i32
    %c0_i32_0 = arith.constant 0 : i32
    %c0_i32_1 = arith.constant 0 : i32
    return %c0_i32, %c0_i32_0 : i32, i32
  }
  func.func @transform_6(%arg0: i32) -> (i32, i32) {
    %c0_i32 = arith.constant 0 : i32
    %c0_i32_0 = arith.constant 0 : i32
    %c0_i32_1 = arith.constant 0 : i32
    return %c0_i32, %c0_i32_0 : i32, i32
  }
  func.func @transform_7(%arg0: i32) -> (i32, i32) {
    %c0_i32 = arith.constant 0 : i32
    %c0_i32_0 = arith.constant 0 : i32
    %c0_i32_1 = arith.constant 0 : i32
    return %c0_i32, %c0_i32_0 : i32, i32
  }
  func.func @transform_8(%arg0: i32) -> (i32, i32) {
    %c0_i32 = arith.constant 0 : i32
    %c0_i32_0 = arith.constant 0 : i32
    %c0_i32_1 = arith.constant 0 : i32
    return %c0_i32, %c0_i32_0 : i32, i32
  }
  func.func @transform_9(%arg0: i32) -> (i32, i32) {
    %c0_i32 = arith.constant 0 : i32
    %c0_i32_0 = arith.constant 0 : i32
    %c0_i32_1 = arith.constant 0 : i32
    return %c0_i32, %c0_i32_0 : i32, i32
  }
  func.func @transform_10(%arg0: i32) -> (i32, i32) {
    %c0_i32 = arith.constant 0 : i32
    %c0_i32_0 = arith.constant 0 : i32
    %c0_i32_1 = arith.constant 0 : i32
    return %c0_i32, %c0_i32_0 : i32, i32
  }
  func.func @transform_11(%arg0: i32) -> (i32, i32) {
    %c0_i32 = arith.constant 0 : i32
    %c0_i32_0 = arith.constant 0 : i32
    %c0_i32_1 = arith.constant 0 : i32
    return %c0_i32, %c0_i32_0 : i32, i32
  }
  func.func @transform_12(%arg0: i32) -> (i32, i32) {
    %c0_i32 = arith.constant 0 : i32
    %c0_i32_0 = arith.constant 0 : i32
    %c0_i32_1 = arith.constant 0 : i32
    return %c0_i32, %c0_i32_0 : i32, i32
  }
  func.func @transform_13(%arg0: i32) -> (i32, i32) {
    %c0_i32 = arith.constant 0 : i32
    %c0_i32_0 = arith.constant 0 : i32
    %c0_i32_1 = arith.constant 0 : i32
    return %c0_i32, %c0_i32_0 : i32, i32
  }
  func.func @transform_14(%arg0: i32) -> (i32, i32) {
    %c0_i32 = arith.constant 0 : i32
    %c0_i32_0 = arith.constant 0 : i32
    %c0_i32_1 = arith.constant 0 : i32
    return %c0_i32, %c0_i32_0 : i32, i32
  }
  func.func @transform_15(%arg0: i32) -> (i32, i32) {
    %c0_i32 = arith.constant 0 : i32
    %c0_i32_0 = arith.constant 0 : i32
    %c0_i32_1 = arith.constant 0 : i32
    return %c0_i32, %c0_i32_0 : i32, i32
  }
  func.func @transform_16(%arg0: i32) -> (i32, i32) {
    %c0_i32 = arith.constant 0 : i32
    %c0_i32_0 = arith.constant 0 : i32
    %c0_i32_1 = arith.constant 0 : i32
    return %c0_i32, %c0_i32_0 : i32, i32
  }
  func.func @transform_17(%arg0: i32) -> (i32, i32) {
    %c0_i32 = arith.constant 0 : i32
    %c0_i32_0 = arith.constant 0 : i32
    %c0_i32_1 = arith.constant 0 : i32
    return %c0_i32, %c0_i32_0 : i32, i32
  }
  func.func @transform_18(%arg0: i32) -> (i32, i32) {
    %c0_i32 = arith.constant 0 : i32
    %c0_i32_0 = arith.constant 0 : i32
    %c0_i32_1 = arith.constant 0 : i32
    return %c0_i32, %c0_i32_0 : i32, i32
  }
  func.func @transform_19(%arg0: i32) -> (i32, i32) {
    %c0_i32 = arith.constant 0 : i32
    %c0_i32_0 = arith.constant 0 : i32
    %c0_i32_1 = arith.constant 0 : i32
    return %c0_i32, %c0_i32_0 : i32, i32
  }
  func.func @transform_20(%arg0: i32) -> (i32, i32) {
    %c0_i32 = arith.constant 0 : i32
    %c0_i32_0 = arith.constant 0 : i32
    %c0_i32_1 = arith.constant 0 : i32
    return %c0_i32, %c0_i32_0 : i32, i32
  }
  func.func @transform_21(%arg0: i32) -> (i32, i32) {
    %c0_i32 = arith.constant 0 : i32
    %c0_i32_0 = arith.constant 0 : i32
    %c0_i32_1 = arith.constant 0 : i32
    return %c0_i32, %c0_i32_0 : i32, i32
  }
  func.func @transform_22(%arg0: i32) -> (i32, i32) {
    %c0_i32 = arith.constant 0 : i32
    %c0_i32_0 = arith.constant 0 : i32
    %c0_i32_1 = arith.constant 0 : i32
    return %c0_i32, %c0_i32_0 : i32, i32
  }
  func.func @transform_23(%arg0: i32) -> (i32, i32) {
    %c0_i32 = arith.constant 0 : i32
    %c0_i32_0 = arith.constant 0 : i32
    %c0_i32_1 = arith.constant 0 : i32
    return %c0_i32, %c0_i32_0 : i32, i32
  }
  func.func @transform_24(%arg0: i32) -> (i32, i32) {
    %c0_i32 = arith.constant 0 : i32
    %c0_i32_0 = arith.constant 0 : i32
    %c0_i32_1 = arith.constant 0 : i32
    return %c0_i32, %c0_i32_0 : i32, i32
  }
  func.func @transform_25(%arg0: i32) -> (i32, i32) {
    %c0_i32 = arith.constant 0 : i32
    %c0_i32_0 = arith.constant 0 : i32
    %c0_i32_1 = arith.constant 0 : i32
    return %c0_i32, %c0_i32_0 : i32, i32
  }
  func.func @transform_26(%arg0: i32) -> (i32, i32) {
    %c0_i32 = arith.constant 0 : i32
    %c0_i32_0 = arith.constant 0 : i32
    %c0_i32_1 = arith.constant 0 : i32
    return %c0_i32, %c0_i32_0 : i32, i32
  }
  func.func @transform_27(%arg0: i32) -> (i32, i32) {
    %c0_i32 = arith.constant 0 : i32
    %c0_i32_0 = arith.constant 0 : i32
    %c0_i32_1 = arith.constant 0 : i32
    return %c0_i32, %c0_i32_0 : i32, i32
  }
  func.func @transform_28(%arg0: i32) -> (i32, i32) {
    %c0_i32 = arith.constant 0 : i32
    %c0_i32_0 = arith.constant 0 : i32
    %c0_i32_1 = arith.constant 0 : i32
    return %c0_i32, %c0_i32_0 : i32, i32
  }
  func.func @transform_29(%arg0: i32) -> (i32, i32) {
    %c0_i32 = arith.constant 0 : i32
    %c0_i32_0 = arith.constant 0 : i32
    %c0_i32_1 = arith.constant 0 : i32
    return %c0_i32, %c0_i32_0 : i32, i32
  }
  func.func @transform_30(%arg0: i32) -> (i32, i32) {
    %c0_i32 = arith.constant 0 : i32
    %c0_i32_0 = arith.constant 0 : i32
    %c0_i32_1 = arith.constant 0 : i32
    return %c0_i32, %c0_i32_0 : i32, i32
  }
  func.func @transform_31(%arg0: i32) -> (i32, i32, i32) {
    %c0_i32 = arith.constant 0 : i32
    %c0_i32_0 = arith.constant 0 : i32
    %c0_i32_1 = arith.constant 0 : i32
    return %arg0, %c0_i32, %c0_i32_0 : i32, i32, i32
  }
}

</mosaic_0001>

<sc_bundles>
// kernel: scatter_offload_async_start
scs
__scs_entry_jumppad:
0x0: {  	(pc) =	sbr.rel $0x88, $3  }
0x1: {  	(tag) =	ssettag $0x0;
	lr =	simm.s32 $0x1  }
0x2: {  	[smem:$0x3F4B] =	sst lr;
	_ =	strace $0xD0000000  }
0x3: {  	_ = 	snop  }
0x4: {  	_ = 	snop  }
0x5: {  	_ = 	snop  }
0x6: {  	_ = 	snop  }
0x7: {  	_ = 	snop  }
__scs_overlays_trampoline_lowered:
0x8: {  	[smem:$0x3F5A] =	sst s0  }
0x9: {  	[smem:$0x3F5B] =	sst s1  }
0xa: {  	[smem:$0x3F5C] =	sst s2  }
0xb: {  	[smem:$0x3F5D] =	sst s3  }
0xc: {  	[smem:$0x3F5E] =	sst s4  }
0xd: {  	[smem:$0x3F5F] =	sst s5  }
0xe: {  	[smem:$0x3F60] =	sst s6  }
0xf: {  	[smem:$0x3F61] =	sst s7  }
0x10: {  	[smem:$0x3F62] =	sst s8  }
0x11: {  	[smem:$0x3F63] =	sst s9;
	s0 =	simm.s32 @!p0 $0x0  }
0x12: {  	s1 =	sld [smem:$0x3F49];
	s0 =	simm.s32 @p0 $0x1  }
0x13: {  	[smem:$0x3F64] =	sst s0;
	s0 =	simm.s32 @!p1 $0x0  }
0x14: {  	s2 =	sld [smem:$0x3F48];
	s0 =	simm.s32 @p1 $0x1  }
0x15: {  	[smem:$0x3F65] =	sst s0;
	s0 =	simm.s32 @!p2 $0x0  }
0x16: {  	s3 =	sld [smem:$0x3FDB];
	s0 =	simm.s32 @p2 $0x1  }
0x17: {  	s4 =	simm.s32 $0x1BF5;
	[smem:$0x3F67] =	sst s0  }
0x18: {  	s0 =	sld [smem:$0x3F4A];
	_ =	swait.ge [sflag:s4], $0x0  }
0x19: {  	s7 =	sld [smem:$0x3F4B]  }
0x1a: {  	s8 =	sadd.s32 $0xFFFFE003, lr  }
0x1b: {  	s9 =	sadd.s32 $0xFFFFFEF7, lr;
	s5 =	simm.s32 $0xFFFFFFFF;
	p2 =	slt.u32 s8, $0xFFFFF086  }
0x1c: {  	p1 =	slt.u32 s9, $0xF7A;
	s5 =	simm.s32 @!p2 $0x0  }
0x1d: {  	s5 =	simm.s32 @p1 $0x1;
	p0 =	seq.s32 s7, s2  }
0x1e: {  	s7 =	smul.u32 @!p0 $0xF7A, s2;
	p2 =	seq.s32 @!p0 s5, $0x0  }
0x1f: {  	s9 =	smul.u32 $0xF7A, s1;
	s8 =	simm.s32 @!p0 $0x1BF5;
	p2 =	por !p2, p0  }
0x20: {  	[sflag:s8] =	ssyncset.s32 @!p0 $0xFFFFF086;
	s6 =	sadd.s32 @!p0 s3, s7;
	s7 =	simm.s32 @!p0 $0x108  }
0x21: {  	s3 =	sadd.s32 s3, s9;
	s6 =	sadd.s32 @!p0 $0x88, s6;
	s7 =	simm.s32 @p2 $0x1082  }
0x22: {  	[simem:s7], [sflag:s8] =	dma.local @!p0 [hbm:s6], $0xF7A  }
0x23: {  	s9 =	sor.u32 $0xD0000000, s2;
	s6 =	simm.s32 $0x108;
	_ =	swait.ge @!p0 [sflag:s8], $0x0  }
0x24: {  	s3 =	sadd.s32 $0x88, s3;
	s6 =	simm.s32 @!p1 $0x1082;
	[sflag:s4] =	ssyncset.s32 $0xFFFFF086  }
0x25: {  	[simem:s6], [sflag:s4] =	dma.local [hbm:s3], $0xF7A  }
0x26: {  	[smem:$0x3F4B] =	sst s1;
	(tag) =	ssettag s2;
	_ =	strace s9  }
0x27: {  	s1 =	sld [smem:$0x3F5B]  }
0x28: {  	s2 =	sld [smem:$0x3F5C]  }
0x29: {  	s4 =	sld [smem:$0x3F5E]  }
0x2a: {  	p0 =	seq.s32 s5, $0x0;
	s5 =	sld [smem:$0x3F5F]  }
0x2b: {  	s6 =	sld [smem:$0x3F60]  }
0x2c: {  	s7 =	sld [smem:$0x3F61]  }
0x2d: {  	s3 =	simm.s32 $0x108;
	s8 =	sld [smem:$0x3F62]  }
0x2e: {  	s3 =	simm.s32 @!p0 $0x1082;
	s9 =	sld [smem:$0x3F63]  }
0x2f: {  	lr =	sadd.s32 s0, s3;
	s0 =	sld [smem:$0x3F5A]  }
0x30: {  	s3 =	sld [smem:$0x3F5D]  }
0x31: {  	[smem:$0x3F66] =	sst s10  }
0x32: {  	s10 =	sld [smem:$0x3F64];
	_ =	sdelay $0x3  }
0x33: {  	p0 =	seq.s32 s10, $0x1;
	s10 =	sld [smem:$0x3F66];
	_ =	sdelay $0x3  }
0x34: {  	[smem:$0x3F66] =	sst s10  }
0x35: {  	s10 =	sld [smem:$0x3F65];
	_ =	sdelay $0x3  }
0x36: {  	p1 =	seq.s32 s10, $0x1;
	s10 =	sld [smem:$0x3F66];
	_ =	sdelay $0x3  }
0x37: {  	[smem:$0x3F66] =	sst s10  }
0x38: {  	s10 =	sld [smem:$0x3F67]  }
0x39: {  	_ = 	snop;
	(pc) =	sbr.ind lr, $3  }
0x3a: {  	_ = 	snop  }
0x3b: {  	_ = 	snop  }
0x3c: {  	p2 =	seq.s32 s10, $0x1;
	s10 =	sld [smem:$0x3F66]  }
0x3d: {  	_ =	shalt  }
0x3e: {  	_ =	shalt  }
0x3f: {  	_ =	shalt  }
0x40: {  	_ =	shalt  }
0x41: {  	_ =	shalt  }
0x42: {  	_ =	shalt  }
0x43: {  	_ =	shalt  }
0x44: {  	_ =	shalt  }
0x45: {  	_ =	shalt  }
0x46: {  	_ =	shalt  }
0x47: {  	_ =	shalt  }
0x48: {  	_ =	shalt  }
0x49: {  	_ =	shalt  }
0x4a: {  	_ =	shalt  }
0x4b: {  	_ =	shalt  }
0x4c: {  	_ =	shalt  }
0x4d: {  	_ =	shalt  }
0x4e: {  	_ =	shalt  }
0x4f: {  	_ =	shalt  }
0x50: {  	_ =	shalt  }
0x51: {  	_ =	shalt  }
0x52: {  	_ =	shalt  }
0x53: {  	_ =	shalt  }
0x54: {  	_ =	shalt  }
0x55: {  	_ =	shalt  }
0x56: {  	_ =	shalt  }
0x57: {  	_ =	shalt  }
0x58: {  	_ =	shalt  }
0x59: {  	_ =	shalt  }
0x5a: {  	_ =	shalt  }
0x5b: {  	_ =	shalt  }
0x5c: {  	_ =	shalt  }
0x5d: {  	_ =	shalt  }
0x5e: {  	_ =	shalt  }
0x5f: {  	_ =	shalt  }
0x60: {  	_ =	shalt  }
0x61: {  	_ =	shalt  }
0x62: {  	_ =	shalt  }
0x63: {  	_ =	shalt  }
0x64: {  	_ =	shalt  }
0x65: {  	_ =	shalt  }
0x66: {  	_ =	shalt  }
0x67: {  	_ =	shalt  }
0x68: {  	_ =	shalt  }
0x69: {  	_ =	shalt  }
0x6a: {  	_ =	shalt  }
0x6b: {  	_ =	shalt  }
0x6c: {  	_ =	shalt  }
0x6d: {  	_ =	shalt  }
0x6e: {  	_ =	shalt  }
0x6f: {  	_ =	shalt  }
0x70: {  	_ =	shalt  }
0x71: {  	_ =	shalt  }
0x72: {  	_ =	shalt  }
0x73: {  	_ =	shalt  }
0x74: {  	_ =	shalt  }
0x75: {  	_ =	shalt  }
0x76: {  	_ =	shalt  }
0x77: {  	_ =	shalt  }
0x78: {  	_ =	shalt  }
0x79: {  	_ =	shalt  }
0x7a: {  	_ =	shalt  }
0x7b: {  	_ =	shalt  }
0x7c: {  	_ =	shalt  }
0x7d: {  	_ =	shalt  }
0x7e: {  	_ =	shalt  }
0x7f: {  	_ =	shalt  }
0x80: {  	_ =	shalt  }
0x81: {  	_ =	shalt  }
0x82: {  	_ =	shalt  }
0x83: {  	_ =	shalt  }
0x84: {  	_ =	shalt  }
0x85: {  	_ =	shalt  }
0x86: {  	_ =	shalt  }
0x87: {  	_ =	shalt  }
.Lfunc_end0:
.L_simem_size_0:
called_computation_lowered:
.L_overlay_start_0:
0x88: {  	s0 =	sld [smem:$0x3FD9]  }
0x89: {  	s1 =	sld [smem:$0x3FFE];
	_ =	sdelay $0x3  }
0x8a: {  	s0 =	sadd.s32 s1, s0  }
0x8b: {  	[smem:$0x3F72] =	sst s0  }
0x8c: {  	_ = 	snop  }
0x8d: {  	s0 =	sld [smem:$0x3FD0];
	(tm) =	ssettm $0x1  }
0x8e: {  	s16 =	sld [smem:$0x3FFB];
	_ =	sdelay $0x3  }
0x8f: {  	_ =	strace s16  }
0x90: {  	s1 =	sld [smem:$0x3FFC];
	_ =	sdelay $0x3  }
0x91: {  	_ =	strace s1  }
0x92: {  	s1 =	sld [smem:$0x3FFD];
	_ =	sdelay $0x3  }
0x93: {  	_ =	strace s1  }
0x94: {  	_ =	strace $0x8FFFFFFF  }
0x95: {  	s17 =	sld [smem:$0x3FDB];
	_ =	sdelay $0x1  }
0x96: {  	s2 =	simm.s32 $_scs_section_size  }
0x97: {  	s3 =	simm.s32 $_size__tile_overlayer_lowered;
	s4 =	simm.s32 $_tile_overlayer_lowered  }
0x98: {  	s20 =	simm.s32 $0x1BFF;
	s19 =	sshll.u32 s4, $0x1;
	s1 =	sadd.s32 s2, s17  }
0x99: {  	s5 =	simm.s32 $0x0;
	s18 =	sshll.u32 s3, $0x1;
	s3 =	sadd.s32 s19, s1  }
0x9a: {  	[timem:s5], [sflag:s20] =	dma.local [hbm:s3], s18  }
0x9b: {  	_ =	swait.ge [sflag:s20], s18  }
0x9c: {  	s2 =	ssub.s32 $0x0, s18;
	[sflag:s20] =	ssyncset.done $0x0  }
0x9d: {  	[sflag:s20] =	ssyncadd.s32 s2;
	_ =	sdelay $0x1  }
0x9e: {  	s21 =	simm.s32 $0x1B8B  }
0x9f: {  	_ =	swait.ge [sflag:s21], $0x1  }
0xa0: {  	[sflag:s21] =	ssyncset.done $0x0  }
0xa1: {  	s23 =	simm.s32 $0x1B8E;
	s22 =	sld [smem:$0x3FFE];
	[sflag:s21] =	ssyncadd.s32 $0xFFFFFFFF  }
0xa2: {  	s24 =	simm.s32 $execute0_lowered;
	[smem:$0x3FD2] =	sst s23  }
0xa3: {  	s3 =	sshll.u32 s24, $0x1;
	_ =	strace $0x80000046;
	[dreg:$0x1] =	wrdreg $0xFFFFFFFF  }
0xa4: {  	s25 =	simm.s32 $_size_execute0_lowered;
	s1 =	sadd.s32 s1, s3;
	[dreg:$0x0] =	wrdreg $0x0  }
0xa5: {  	s3 =	sshll.u32 s25, $0x1;
	[dreg:$0x2] =	wrdreg s1  }
0xa6: {  	[dreg:$0x3] =	wrdreg s3  }
0xa7: {  	[dreg:$0x4] =	wrdreg $0xC0  }
0xa8: {  	_ =	task [dreg:s5], $0x5FFFF  }
0xa9: {  	[dreg:$0x1] =	wrdreg $0xFFFFFFFF  }
0xaa: {  	[dreg:$0x0] =	wrdreg $0x60  }
0xab: {  	[dreg:$0x2] =	wrdreg s22  }
0xac: {  	[dreg:$0x3] =	wrdreg s0  }
0xad: {  	[dreg:$0x4] =	wrdreg $0x9  }
0xae: {  	_ =	task.clear_ibuf [dreg:s5], $0x5FFFF;
	_ =	strace $0x90000046  }
0xaf: {  	s26 =	simm.s32 $0x9;
	_ =	strace $0x80000048  }
0xb0: {  	_ =	swait.ge [sflag:s26], $0x1  }
0xb1: {  	[sflag:s26] =	ssyncadd.s32 $0xFFFFFFFF  }
0xb2: {  	_ =	strace $0x90000048  }
0xb3: {  	_ =	sfence  }
0xb4: {  	s28 =	sld [smem:$0x0];
	_ =	sdelay $0x1  }
0xb5: {  	s29 =	srdreg.scid  }
0xb6: {  	s30 =	sshll.u32 s29, $0xD;
	s31 =	sshrl.u32 s29, $0x2  }
0xb7: {  	s2 =	sand.u32 $0x4000, s30;
	s1 =	sand.u32 $0x1, s29;
	s0 =	sadd.s32 s31, s28  }
0xb8: {  	s1 =	sor.u32 s2, s1;
	s0 =	sshll.u32 s0, $0x11  }
0xb9: {  	s0 =	sor.u32 s0, s1  }
0xba: {  	s0 =	sadd.s32 $0x8F2B, s0  }
0xbb: {  	[sflag:s0] =	ssyncadd.remote.s32 $0x1  }
0xbc: {  	_ =	sfence.sel $0xFFFF  }
0xbd: {  	[dreg:$0x0] =	wrdreg $0xFFFFFFFF;
	(pc) =	sbr.abs _section_cstart, $3  }
0xbe: {  	[dreg:$0x1] =	wrdreg $0xFFFFFFFF  }
0xbf: {  	_ =	task.clear_ibuf [dreg:s5], $0x2FFFF;
	_ =	strace $0x9FFFFFFF  }
0xc0: {  	(tm) =	ssettm $0x7FFFFFFF  }
0xc1: {  	_ =	shalt  }
tec
execute0_lowered:
.L_overlay_start_1:
0x0: {  	(tag) =	ssettag $0x1  }
0x1: {  	s0 =	rddreg [dreg:$0x0];
	_ =	strace $0x80000047;
	s4 =	simm.s32 $0x1  }
0x2: {  	v1 =	vimm.s32 $0xFFFFFFFF;
	[sflag:s4] =	ssyncpa.u1 $0x0  }
0x3: {  	[tilespmem:$0x10] =	vst v1  }
0x4: {  	v0 =	vimm.f32 $0.0e+00;
	[tilespmem:$0x20] =	vst v1  }
0x5: {  	[tilespmem:$0x30] =	vst v0  }
0x6: {  	s2 =	simm.s32 $0x2;
	s6 =	simm.s32 $0x7;
	s26 =	stileid.u32;
	[tilespmem:$0x40] =	vst v0  }
0x7: {  	s7 =	simm.s32 $0x8;
	s31 =	simm.s32 $0x9;
	s14 =	simm.s32 $0x0;
	[tilespmem:$0x50] =	vst v0  }
0x8: {  	s15 =	simm.s32 $0x100;
	s17 =	simm.s32 $0x2FF;
	s18 =	simm.s32 $0x10;
	[tilespmem:$0x60] =	vst v1  }
0x9: {  	s19 =	simm.s32 $0x1300;
	s20 =	simm.s32 $0xF;
	s21 =	simm.s32 $0x50;
	[tilespmem:$0x70] =	vst v1  }
0xa: {  	s22 =	simm.s32 $0x8FF;
	s23 =	simm.s32 $0x20;
	s24 =	simm.s32 $0x30;
	[tilespmem:$0x80] =	vst v1  }
0xb: {  	s25 =	simm.s32 $0x10FF;
	s30 =	simm.s32 $0x0;
	s29 =	simm.s32 $0x0;
	v1 =	vimm.s32 $0x0;
	[tilespmem:$0xB0] =	vst v0  }
.Ltmp0:
0xc: {  	s1 =	sadd.s32 $0x103000, s0;
	s5 =	sadd.s32 $0x2C00, s0;
	[tilespmem:$0x90] =	vst v1;
	(pc) =	sbr.rel .LBB2_1-.Ltmp0, $4  }
0xd: {  	s8 =	sshll.u32 s26, $0x9;
	s10 =	sshll.u32 s26, $0x1;
	[tilespmem:$0xA0] =	vst v1;
	[sflag:s2] =	ssyncpa.u1 $0x0  }
0xe: {  	s12 =	sshllo.u32 s26, $0x1;
	s26 =	simm.s32 $0x80;
	[sflag:s6] =	ssyncpa.u1 $0x0  }
0xf: {  	vm0 =	vmmov $0xffff;
	v2 =	vlaneseq.u32;
	s9 =	sadd.s32 $0x200, s8;
	s11 =	sor.u32 $0x81, s10;
	[sflag:s7] =	ssyncpa.u1 $0x0  }
0x10: {  	vm1 =	vmxor vm1, vm1;
	vm2 =	vmmov $0x1;
	vm3 =	vcmask $0x3F3C;
	s13 =	sor.u32 $0x80, s10;
	s28 =	smov.u32 s8;
	[sflag:s31] =	ssyncpa.u1 $0x0  }
.LBB2_3:
0x11: {  	s0 =	sshrl.u32 s28, $0x3;
	s2 =	rddreg [dreg:$0x1]  }
0x12: {  	s31 =	sand.u32 $0x7, s28;
	s0 =	sadd.s32 s2, s0  }
0x13: {  	[tilespmem:s15], [sflag:$0x7] =	stream.linear.gather [hbm4b:s0+s31], $0x200, $0x38;
	[tilespmem:$0x1320] =	vst v63  }
.LBB2_4:
0x14: {  	s0 =	sadd.s32 $0x200, s28  }
0x15: {  	s2 =	smov.u32 s8;
	s29 =	sadd.s32 $0x1, s29;
	p0 =	slt.s32 s0, s9  }
0x16: {  	s2 =	smov.u32 @p0 s0;
	p0 =	sne.s32 s29, $0x4  }
.Ltmp1:
0x17: {  	_ = 	snop;
	(pc) =	sbr.rel @!p0 .LBB2_13-.Ltmp1, $2  }
0x18: {  	_ =	sdelay $0x2  }
0x19: {  	s30 =	smov.u32 s28;
	s28 =	smov.u32 s2  }
.LBB2_1:
0x1a: {  	p0 =	sgt.s32 s29, $0x1  }
.Ltmp2:
0x1b: {  	_ = 	snop;
	(pc) =	sbr.rel @p0 .LBB2_11-.Ltmp2, $1  }
0x1c: {  	_ =	sdelay $0x3  }
0x1d: {  	p0 =	seq.s32 s29, $0x0  }
.Ltmp3:
0x1e: {  	_ = 	snop;
	(pc) =	sbr.rel @p0 .LBB2_3-.Ltmp3, $1  }
0x1f: {  	_ =	sdelay $0x3  }
0x20: {  	_ =	swait.ge [sflag:s6], $0x200  }
0x21: {  	[sflag:s6] =	ssyncset.done $0x0  }
0x22: {  	[sflag:s6] =	ssyncadd.s32 $0xFFFFFE00;
	(ifvalue) =	ssetifvalue $0xFFFFFFFF;
	v3 =	vld.msk [tilespmem:s15+$0x0 ss:$0x1], $0xffff;
	_ =	sdelay $0x4  }
0x23: {  	v4 =	vperm.xlane v3, v1  }
0x24: {  	vm4 =	vlt.u32 v3, $0x40000  }
0x25: {  	v3 =	vnsel vm4, $0xFFFFFFFE, v3;
	vm4 =	vlt.u32 v4, $0x40000  }
0x26: {  	[tilespmem:$0x70] =	vst v3;
	v3 =	vnsel vm4, $0xFFFFFFFE, v4  }
0x27: {  	s16 =	simm.s32 $0x2F0;
	[tilespmem:$0x80] =	vst v3  }
0x28: {  	v3 =	vld.msk [tilespmem:s16+$0x0 ss:$0x1], $0xffff;
	_ =	sdelay $0x4  }
0x29: {  	(xrf1) =	vunique.msk.u32 $0xffff, v3;
	_ =	sdelay $0xd  }
0x2a: {  	v4 =	vimm.s32 $0xFFFFFFFF;
	v5, _, _ =	vpop (xrf1)  }
0x2b: {  	vm5 =	vne.s32 v3, v4;
	vm4 =	veq.s32 v5, v2  }
0x2c: {  	vm6 =	vlt.u32 v3, $0x40000;
	vm4 =	vmand vm5, vm4  }
0x2d: {  	vm4 =	vmand vm6, vm4  }
0x2e: {  	v4 =	vnsel vm4, $0xFFFFFFFF, v3;
	_ =	sdelay $0x3  }
0x2f: {  	s0 =	simm.s32 $0x8F0;
	(ifvalue) =	ssetifvalue $0xFFFFFFFF  }
0x30: {  	v3 =	vperm.xlane v3, v1;
	[tilespmem:s0], [sflag:$0x8] =	stream.indirect_vreg.gather [hbm4b:s1+s14], $0x1, v4, vm0, $0x4038;
	v4 =	vnsel vm6, $0xFFFFFFFE, v4;
	[tilespmem:$0x1320] =	vst v63  }
0x31: {  	s2 =	simm.s32 $0x0;
	s3 =	simm.s32 $0x2E0;
	[tilespmem:s16+$0x0] =	vst v4  }
.LBB2_6:
0x32: {  	v4 =	vld.msk [tilespmem:s3+$0x0 ss:$0x1], $0xffff;
	s2 =	sadd.s32 $0x10, s2;
	v5 =	vmov v3;
	s16 =	smov.u32 s3  }
0x33: {  	p0 =	slt.u32 s2, $0x1F0;
	_ =	sdelay $0x4  }
0x34: {  	v3 =	vperm.xlane v4, v1;
	(xrf1) =	vunique.msk.u32 $0xffff, v4;
	_ =	sdelay $0xd  }
0x35: {  	v6, _, _ =	vpop (xrf1)  }
0x36: {  	vm5 =	vne.s32 v4, v5;
	vm4 =	veq.s32 v6, v2  }
0x37: {  	vm6 =	vlt.u32 v4, $0x40000;
	vm4 =	vmand vm5, vm4  }
0x38: {  	vm4 =	vmand vm6, vm4  }
0x39: {  	v4 =	vnsel vm4, $0xFFFFFFFF, v4  }
.Ltmp4:
0x3a: {  	v5 =	vnsel vm6, $0xFFFFFFFE, v4;
	(pc) =	sbr.rel @p0 .LBB2_6-.Ltmp4, $3  }
0x3b: {  	_ =	sdelay $0x1  }
0x3c: {  	s3 =	sadd.s32 $0xFFFFFFF0, s3;
	s0 =	sadd.s32 $0xFFFFFFF0, s0;
	(ifvalue) =	ssetifvalue $0xFFFFFFFF  }
0x3d: {  	[tilespmem:s0], [sflag:$0x8] =	stream.indirect_vreg.gather [hbm4b:s1+s14], $0x1, v4, vm0, $0x4038;
	[tilespmem:s16+$0x0] =	vst v5  }
.Ltmp5:
0x3e: {  	(pc) =	sbr.rel .LBB2_4-.Ltmp5, $4  }
0x3f: {  	_ = 	snop  }
0x40: {  	s0 =	sshrl.u32 s30, $0x3  }
0x41: {  	s2 =	simm.s32 $0xB00;
	s0 =	sadd.s32 s5, s0  }
0x42: {  	[tilespmem:s2], [sflag:$0x8] =	stream.linear.gather [hbm:s0], $0x200, $0x38;
	[tilespmem:$0x1320] =	vst v63  }
.LBB2_11:
0x43: {  	p0 =	seq.s32 s29, $0x2  }
.Ltmp6:
0x44: {  	_ = 	snop;
	(pc) =	sbr.rel @!p0 .LBB2_12-.Ltmp6, $1  }
0x45: {  	_ =	sdelay $0x3  }
0x46: {  	_ =	swait.ge [sflag:s7], $0x400  }
0x47: {  	[sflag:s7] =	ssyncset.done $0x0  }
0x48: {  	[sflag:s7] =	ssyncadd.s32 $0xFFFFFC00  }
0x49: {  	[spmem:s11] =	stream.linear.scatter [tilespmem:s17], [sflag:$0x1], $0x1, $0x38;
	[tilespmem:$0x1320] =	vst v63  }
0x4a: {  	_ =	swait.ge [sflag:s4], $0x1  }
0x4b: {  	[sflag:s4] =	ssyncset.done $0x0  }
0x4c: {  	[sflag:s4] =	ssyncadd.s32 $0xFFFFFFFF  }
0x4d: {  	v4 =	vld [tilespmem:$0x10]  }
0x4e: {  	v5 =	vld [tilespmem:$0x70]  }
0x4f: {  	v3 =	vld [tilespmem:$0x80];
	_ =	sdelay $0x2  }
0x50: {  	(v2sf) =	vpush v4, $0x0  }
0x51: {  	(v2sf) =	vpush v5, $0x0  }
0x52: {  	(v2sf) =	vpush v3, $0x0;
	_ =	sdelay $0xc  }
0x53: {  	s0 =	spop (v2sf)  }
0x54: {  	s2 =	spop (v2sf)  }
0x55: {  	s30 =	spop (v2sf)  }
0x56: {  	p0 =	seq.s32 s0, s2;
	p1 =	seq.s32 s30, s0  }
0x57: {  	p1 =	por p0, p1  }
0x58: {  	v4 =	vpsel p1, $0xFFFFFFFF, v4  }
0x59: {  	[tilespmem:s18+$0x0] =	vst.msk $0x1, v4  }
0x5a: {  	v4 =	vld [tilespmem:$0x30]  }
0x5b: {  	v5 =	vld [tilespmem:$0xB00]  }
0x5c: {  	v6 =	vld [tilespmem:$0x40];
	_ =	sdelay $0x3  }
0x5d: {  	vm4 =	vmmov vm1;
	v5 =	vadd.f32 v5, v4  }
0x5e: {  	vm5 =	vmmov vm2;
	s31 =	simm.s32 $0xB00;
	vm4 =	vmmov @p0 vm2;
	v4 =	vadd.f32 v6, v4  }
0x5f: {  	vm5 =	vmmov @p1 vm1;
	[tilespmem:s31+$0x0] =	vst.msk vm4, v5  }
0x60: {  	[tilespmem:s19+$0x0] =	vst.msk vm5, v4  }
0x61: {  	v4 =	vld [tilespmem:$0x8F0];
	_ =	sdelay $0x3  }
0x62: {  	v5 =	vimm.f32 $0.0e+00  }
0x63: {  	v4 =	vshift.insert v4, v5, s20;
	_ =	sdelay $0x1  }
0x64: {  	[tilespmem:s21+$0x0] =	vst.msk $0x1, v4  }
0x65: {  	[tilespmem:s22+$0x0] =	vst.msk $0x1, v5  }
0x66: {  	v4 =	vld [tilespmem:$0x2F0];
	_ =	sdelay $0x4  }
0x67: {  	v4 =	vshift.insert v4, v1, s20;
	_ =	sdelay $0x1  }
0x68: {  	[tilespmem:s23+$0x0] =	vst.msk $0x1, v4  }
0x69: {  	s16 =	simm.s32 $0x100;
	v6 =	vld [tilespmem:s31+$0x0]  }
0x6a: {  	v7 =	vld [tilespmem:s16+$0x0];
	_ =	sdelay $0x3  }
0x6b: {  	v5 =	vadd.f32 v6, v5  }
0x6c: {  	vm4 =	vne.s32 v7, $0xFFFFFFFF  }
0x6d: {  	(xrf2) =	vadd.seg.scan.f32 vm4, v5;
	_ =	sdelay $0x3  }
0x6e: {  	s0 =	simm.s32 $0x700;
	v5 =	vperm.xlane v4, v1  }
0x6f: {  	v6 =	vld [tilespmem:s0+$0x0]  }
0x70: {  	vm5 =	veq.s32 v7, v3;
	vm6 =	veq.s32 v7, v5  }
0x71: {  	vm7 =	vgt.u32 v7, $0xFFFFFFFD;
	vm6 =	vmor vm6, vm5  }
0x72: {  	vm6 =	vmor vm6, vm7  }
0x73: {  	v9 =	vld [tilespmem:$0xA0];
	v7 =	vsel vm6, $0xFFFFFFFF, v7  }
0x74: {  	v10 =	vld [tilespmem:$0x90];
	v6 =	vsel vm5, $0x0, v6;
	v8, _, _ =	vpop (xrf2)  }
0x75: {  	v6 =	vadd.f32 v8, v6  }
0x76: {  	s2 =	simm.s32 $0xF00  }
0x77: {  	vm4 =	vmand vm4, vm3;
	[tilespmem:s2+$0x0] =	vst v6;
	(ifvalue) =	ssetifvalue $0xFFFFFFFF  }
0x78: {  	vm6 =	veq.s32 v9, $0x1;
	[hbm4b:s1+s14] =	stream.indirect_vreg.scatter [tilespmem:s2], [sflag:$0x2], $0x1, v7, vm0, $0x4038;
	v7 =	vsel vm4, $0x0, v8;
	[tilespmem:$0x1320] =	vst v63  }
0x79: {  	s3 =	simm.s32 $0x0;
	s16 =	simm.s32 $0x110;
	vm4 =	vmor vm6, vm5;
	v6 =	vsel vm5, v8, v10;
	v7 =	vshift.insert v7, v0, s20  }
.LBB2_9:
0x7a: {  	v8 =	vld [tilespmem:s16+$0x0];
	s31 =	sadd.s32 $0x10, s31  }
0x7b: {  	s0 =	sadd.s32 $0x10, s0;
	v9 =	vld [tilespmem:s31+$0x0]  }
0x7c: {  	s3 =	sadd.s32 $0x10, s3;
	v10 =	vld [tilespmem:s0+$0x0]  }
0x7d: {  	p0 =	slt.u32 s3, $0x1F0;
	_ =	sdelay $0x2  }
0x7e: {  	v7 =	vadd.f32 v9, v7  }
0x7f: {  	vm5 =	vne.s32 v8, $0xFFFFFFFF  }
0x80: {  	vm6 =	vmand vm5, vm3;
	(xrf2) =	vadd.seg.scan.f32 vm5, v7;
	_ =	sdelay $0x5  }
0x81: {  	vm7 =	veq.s32 v8, v5;
	vm5 =	veq.s32 v8, v3  }
0x82: {  	vm8 =	vgt.u32 v8, $0xFFFFFFFD;
	vm4 =	vmor vm4, vm5;
	vm7 =	vmor vm7, vm5  }
0x83: {  	vm7 =	vmor vm7, vm8  }
0x84: {  	v8 =	vsel vm7, $0xFFFFFFFF, v8  }
.Ltmp7:
0x85: {  	v7 =	vsel vm5, $0x0, v10;
	v9, _, _ =	vpop (xrf2);
	(pc) =	sbr.rel @p0 .LBB2_9-.Ltmp7, $4  }
0x86: {  	v6 =	vsel vm5, v9, v6;
	v10 =	vadd.f32 v9, v7;
	v7 =	vsel vm6, $0x0, v9  }
0x87: {  	s2 =	sadd.s32 $0x10, s2;
	v7 =	vshift.insert v7, v0, s20  }
0x88: {  	s16 =	sadd.s32 $0x10, s16;
	[tilespmem:s2+$0x0] =	vst v10;
	(ifvalue) =	ssetifvalue $0xFFFFFFFF  }
0x89: {  	[hbm4b:s1+s14] =	stream.indirect_vreg.scatter [tilespmem:s2], [sflag:$0x2], $0x1, v8, vm0, $0x4038;
	[tilespmem:$0x1320] =	vst v63  }
0x8a: {  	v3 =	vld [tilespmem:$0x10F0];
	_ =	sdelay $0x4  }
0x8b: {  	v3 =	vshift.insert v3, v0, s20;
	_ =	sdelay $0x1  }
0x8c: {  	[tilespmem:s24+$0x0] =	vst.msk $0x1, v3  }
0x8d: {  	v3 =	vsel vm4, $0x1, v1;
	[tilespmem:$0x90] =	vst v6  }
0x8e: {  	[tilespmem:$0xA0] =	vst v3  }
0x8f: {  	[spmem:s12] =	stream.linear.scatter [tilespmem:s25], [sflag:$0x1], $0x1, $0x38;
	[tilespmem:$0x1320] =	vst v63  }
0x90: {  	v3 =	vmctz.xlane vm4;
	_ =	swait.ge [sflag:s4], $0x1  }
0x91: {  	(v2sf) =	vpush v4, $0x0  }
0x92: {  	(v2sf) =	vpush v3, $0x0;
	_ =	sdelay $0xd  }
0x93: {  	s0 =	spop (v2sf)  }
0x94: {  	s2 =	spop (v2sf)  }
0x95: {  	[sflag:s4] =	ssyncset.done $0x0;
	p0 =	sne.s32 s30, s0;
	p1 =	slt.s32 s2, $0xF  }
0x96: {  	[sflag:s4] =	ssyncadd.s32 $0xFFFFFFFF;
	v3 =	vimm.s32 @!p0 $0xFFFFFFFF;
	s2 =	simm.s32 @!p1 $0xF  }
0x97: {  	[tilespmem:$0x80] =	vst @!p0 v3;
	s31 =	sadd.s32 $0x90, s2  }
0x98: {  	[spmem:s10] =	stream.linear.scatter [tilespmem:s31], [sflag:$0x1], $0x1, $0x38;
	[tilespmem:$0x1320] =	vst v63  }
0x99: {  	_ =	swait.ge [sflag:s4], $0x1  }
0x9a: {  	[sflag:s4] =	ssyncset.done $0x0  }
0x9b: {  	[sflag:s4] =	ssyncadd.s32 $0xFFFFFFFF  }
0x9c: {  	[spmem:s13] =	stream.linear.scatter [tilespmem:s26], [sflag:$0x1], $0x1, $0x38;
	[tilespmem:$0x1320] =	vst v63  }
0x9d: {  	_ =	swait.ge [sflag:s4], $0x1  }
0x9e: {  	[sflag:s4] =	ssyncset.done $0x0  }
0x9f: {  	[sflag:s4] =	ssyncadd.s32 $0xFFFFFFFF;
	(ifvalue) =	ssetifvalue $0xFFFFFFFF;
	v3 =	vld [tilespmem:$0x10];
	_ =	sdelay $0x3  }
.Ltmp8:
0xa0: {  	_ = 	snop;
	(pc) =	sbr.rel .LBB2_4-.Ltmp8, $3  }
0xa1: {  	_ =	sdelay $0x1  }
0xa2: {  	(ifvalue) =	ssetifvalue $0xFFFFFFFF  }
0xa3: {  	[hbm4b:s1+s14] =	stream.indirect_vreg.scatter [tilespmem:s19], [sflag:$0x9], $0x1, v3, vm0, $0x4038;
	[tilespmem:$0x1320] =	vst v63  }
.LBB2_12:
0xa4: {  	s0 =	simm.s32 $0x2  }
0xa5: {  	_ =	swait.ge [sflag:s0], $0x200  }
0xa6: {  	[sflag:s0] =	ssyncset.done $0x0  }
0xa7: {  	s31 =	simm.s32 $0x9;
	[sflag:s0] =	ssyncadd.s32 $0xFFFFFE00  }
0xa8: {  	_ =	swait.ge [sflag:s31], $0x10  }
0xa9: {  	[sflag:s31] =	ssyncset.done $0x0  }
0xaa: {  	[sflag:s31] =	ssyncadd.s32 $0xFFFFFFF0  }
.LBB2_13:
0xab: {  	_ =	sfence.sel $0x180000  }
0xac: {  	s0 =	simm.s32 $0x7;
	[bflag:$0x0] =	sbarrier.arrive $0xFFFF  }
0xad: {  	s26 =	simm.s32 $0x8;
	[sflag:s0] =	ssyncpa.u1 $0x1  }
0xae: {  	s28 =	simm.s32 $0x9;
	[sflag:s26] =	ssyncpa.u1 $0x1  }
0xaf: {  	[sflag:s28] =	ssyncpa.u1 $0x1  }
0xb0: {  	_ =	sfence.stream.spmem  }
0xb1: {  	s29 =	simm.s32 $0x3;
	[bflag:$0x0] =	sbarrier.arrive $0xFFFF  }
0xb2: {  	s30 =	simm.s32 $0x4;
	[sflag:s29] =	ssyncpa.u1 $0x1  }
0xb3: {  	s31 =	simm.s32 $0x3C;
	s2 =	stileid.u32;
	[sflag:s30] =	ssyncpa.u1 $0x1  }
0xb4: {  	p0 =	sne.s32 s2, $0x0;
	[sflag:s31] =	ssyncpa.u1 $0x1  }
0xb5: {  	s0 =	simm.s32 @p0 $0x1;
	_ =	sfence @p0  }
0xb6: {  	[sflag:s0] =	ssyncpa.u1 @p0 $0x1;
	s0 =	simm.s32 @p0 $0x2  }
0xb7: {  	[sflag:s0] =	ssyncpa.u1 @p0 $0x1  }
0xb8: {  	_ =	strace @p0 $0x90000047  }
0xb9: {  	[bflag:$0x2] =	sbarrier.arrive @p0 $0xFFFF  }
0xba: {  	_ =	shalt @p0  }
.LBB2_14:
0xbb: {  	_ =	sfence.stream.spmem;
	s0 =	simm.s32 $0x5  }
0xbc: {  	s2 =	simm.s32 $0x80;
	s3 =	simm.s32 $0xC0;
	[sflag:s0] =	ssyncpa.u1 $0x0  }
0xbd: {  	[tilespmem:s3], [sflag:$0x5] =	stream.linear.gather [spmem:s2], $0x20, $0x38;
	[tilespmem:$0x1320] =	vst v63  }
0xbe: {  	s2 =	simm.s32 $0x0;
	s3 =	simm.s32 $0xE0  }
0xbf: {  	[tilespmem:s3], [sflag:$0x5] =	stream.linear.gather [spmem:s2], $0x20, $0x38;
	[tilespmem:$0x1320] =	vst v63  }
.Ltmp9:
0xc0: {  	_ = 	snop;
	(pc) =	sbr.rel .LBB2_15-.Ltmp9, $4  }
0xc1: {  	_ =	swait.ge [sflag:s0], $0x40  }
0xc2: {  	[sflag:s0] =	ssyncset.done $0x0  }
0xc3: {  	s31 =	simm.s32 $0x6;
	[sflag:s0] =	ssyncadd.s32 $0xFFFFFFC0  }
0xc4: {  	s4 =	simm.s32 $0x0;
	[sflag:s31] =	ssyncpa.u1 $0x0  }
.LBB2_20:
0xc5: {  	p0 =	sgt.u32 s0, $0x3FFFF  }
0xc6: {  	s5 =	sshrl.u32 @!p0 s0, $0x3  }
0xc7: {  	s0 =	sand.u32 @!p0 $0x7, s0;
	s6 =	simm.s32 @!p0 $0xB0;
	s5 =	sadd.s32 @!p0 s1, s5  }
0xc8: {  	[tilespmem:s6], [sflag:$0x6] =	stream.linear.gather @!p0 [hbm4b:s5+s0], $0x1, $0x38;
	[tilespmem:$0x1320] =	vst v63  }
0xc9: {  	s0 =	simm.s32 @!p0 $0x6  }
0xca: {  	_ =	swait.ge @!p0 [sflag:s0], $0x1  }
0xcb: {  	[sflag:s0] =	ssyncset.done @!p0 $0x0  }
0xcc: {  	[sflag:s0] =	ssyncadd.s32 @!p0 $0xFFFFFFFF  }
0xcd: {  	v2 =	vmov @!p0 s4;
	v1 =	vld.msk @!p0 [tilespmem:$0xB0], $0x1;
	_ =	sdelay $0x3  }
0xce: {  	s0 =	simm.s32 @!p0 $0xE0  }
0xcf: {  	[tilespmem:v2+s0+$0x0], v1 =	vst.idx.ret.add.f32.msk @!p0 $0x1, v1  }
0xd0: {  	[tilespmem:s2+$0xC0] =	vst.msk $0x1, v0  }
0xd1: {  	v0 =	vld.msk [tilespmem:s4+$0xE0], $0x1;
	_ =	sdelay $0x4  }
0xd2: {  	[tilespmem:s2+$0xE0] =	vst.msk $0x1, v0;
	s2 =	sadd.s32 $0x1, s2  }
.LBB2_22:
0xd3: {  	s4 =	sadd.s32 $0x1, s4  }
0xd4: {  	p0 =	sne.s32 s4, $0x20  }
.Ltmp10:
0xd5: {  	_ = 	snop;
	(pc) =	sbr.rel @!p0 .LBB2_23-.Ltmp10, $1  }
0xd6: {  	_ =	sdelay $0x3  }
.LBB2_15:
0xd7: {  	v0 =	vld.msk [tilespmem:s4+$0xC0], $0x1;
	_ =	sdelay $0x4  }
0xd8: {  	(v2sf) =	vpush v0, $0x0;
	_ =	sdelay $0xe  }
0xd9: {  	s0 =	spop (v2sf)  }
0xda: {  	p0 =	seq.s32 s0, $0xFFFFFFFF  }
.Ltmp11:
0xdb: {  	_ = 	snop;
	(pc) =	sbr.rel @p0 .LBB2_22-.Ltmp11, $1  }
0xdc: {  	_ =	sdelay $0x3  }
0xdd: {  	p0 =	slt.s32 s2, $0x1  }
.Ltmp12:
0xde: {  	_ = 	snop;
	(pc) =	sbr.rel @p0 .LBB2_20-.Ltmp12, $1  }
0xdf: {  	_ =	sdelay $0x3  }
0xe0: {  	s5 =	simm.s32 $0xC0;
	p0 =	por $0x0, $0x0  }
0xe1: {  	v1 =	vld.msk @!p0 [tilespmem:s5+$0x0], $0x1;
	_ =	sdelay $0x4  }
0xe2: {  	(v2sf) =	vpush @!p0 v1, $0x0;
	_ =	sdelay $0xd  }
0xe3: {  	p2 =	sne.s32 s2, $0x1  }
.Ltmp13:
0xe4: {  	s6 =	spop @!p0 (v2sf);
	(pc) =	sbr.rel @!p2 .LBB2_19-.Ltmp13, $4  }
0xe5: {  	p1 =	seq.s32 @!p0 s0, s6  }
0xe6: {  	s6 =	simm.s32 $0x0;
	p1 =	por !p1, p0  }
0xe7: {  	s8 =	simm.s32 $0xFFFFFFFF;
	s6 =	simm.s32 @p1 $0xFFFFFFFF  }
0xe8: {  	s7 =	simm.s32 $0x1;
	s6 =	smov.u32 @p0 s8  }
.LBB2_18:
0xe9: {  	s8 =	smov.u32 s6;
	p0 =	sne.s32 s6, $0xFFFFFFFF  }
0xea: {  	s5 =	sadd.s32 $0x1, s5;
	s6 =	smov.u32 s7;
	s7 =	sadd.s32 $0x1, s7  }
0xeb: {  	p1 =	sne.s32 s2, s7;
	v1 =	vld.msk @!p0 [tilespmem:s5+$0x0], $0x1;
	_ =	sdelay $0x4  }
0xec: {  	(v2sf) =	vpush @!p0 v1, $0x0;
	_ =	sdelay $0xe  }
.Ltmp14:
0xed: {  	s9 =	spop @!p0 (v2sf);
	(pc) =	sbr.rel @p1 .LBB2_18-.Ltmp14, $4  }
0xee: {  	p2 =	seq.s32 @!p0 s0, s9  }
0xef: {  	p2 =	por !p2, p0  }
0xf0: {  	s6 =	simm.s32 @p2 $0xFFFFFFFF  }
0xf1: {  	s6 =	smov.u32 @p0 s8  }
.LBB2_19:
0xf2: {  	p0 =	sne.s32 s6, $0xFFFFFFFF  }
.Ltmp15:
0xf3: {  	_ = 	snop;
	(pc) =	sbr.rel @!p0 .LBB2_20-.Ltmp15, $1  }
0xf4: {  	_ =	sdelay $0x3  }
0xf5: {  	v0 =	vld.msk [tilespmem:s4+$0xE0], $0x1;
	v1 =	vmov s6  }
.Ltmp16:
0xf6: {  	_ = 	snop;
	(pc) =	sbr.rel .LBB2_22-.Ltmp16, $2  }
0xf7: {  	_ =	sdelay $0x2  }
0xf8: {  	[tilespmem:v1+s3+$0x0], v0 =	vst.idx.ret.add.f32.msk $0x1, v0  }
.LBB2_23:
0xf9: {  	p0 =	slt.s32 s2, $0x1  }
.Ltmp17:
0xfa: {  	_ = 	snop;
	(pc) =	sbr.rel @p0 .LBB2_27-.Ltmp17, $3  }
0xfb: {  	_ =	sdelay $0x1  }
0xfc: {  	s0 =	simm.s32 $0x6  }
0xfd: {  	[sflag:s0] =	ssyncpa.u1 $0x1;
	s0 =	simm.s32 $0x0  }
0xfe: {  	s3 =	simm.s32 $0xC0  }
0xff: {  	v0 =	vld.msk [tilespmem:s3+$0x0], $0x1;
	_ =	sdelay $0x4  }
0x100: {  	(v2sf) =	vpush v0, $0x0;
	_ =	sdelay $0xe  }
0x101: {  	s2 =	sadd.s32 $0xFFFFFFFF, s2;
	s4 =	spop (v2sf)  }
0x102: {  	p1 =	sne.s32 s2, $0x0;
	p0 =	sgt.u32 s4, $0x3FFFF  }
.Ltmp18:
0x103: {  	s5 =	sshrl.u32 @!p0 s4, $0x3;
	(pc) =	sbr.rel @!p1 .LBB2_26-.Ltmp18, $4  }
0x104: {  	s3 =	simm.s32 $0xE0;
	s4 =	sand.u32 @!p0 $0x7, s4;
	s5 =	sadd.s32 @!p0 s1, s5  }
0x105: {  	[hbm4b:s5+s4] =	stream.linear.scatter @!p0 [tilespmem:s3], [sflag:$0x5], $0x1, $0x38;
	[tilespmem:$0x1320] =	vst v63  }
0x106: {  	s5 =	simm.s32 $0x0  }
0x107: {  	s4 =	simm.s32 $0xC1;
	s5 =	simm.s32 @!p0 $0x4  }
.LBB2_25:
0x108: {  	v0 =	vld.msk [tilespmem:s4+$0x0], $0x1;
	s2 =	sadd.s32 $0xFFFFFFFF, s2;
	s0 =	sadd.s32 s0, s5  }
0x109: {  	p0 =	sne.s32 s2, $0x0;
	_ =	sdelay $0x3  }
0x10a: {  	(v2sf) =	vpush v0, $0x0;
	_ =	sdelay $0xe  }
.Ltmp19:
0x10b: {  	s6 =	spop (v2sf);
	(pc) =	sbr.rel @p0 .LBB2_25-.Ltmp19, $4  }
0x10c: {  	s5 =	simm.s32 $0x0;
	p1 =	sgt.u32 s6, $0x3FFFF  }
0x10d: {  	s3 =	sadd.s32 $0x1, s3;
	s5 =	simm.s32 @!p1 $0x4;
	s7 =	sshrl.u32 @!p1 s6, $0x3  }
0x10e: {  	s4 =	sadd.s32 $0x1, s4;
	s6 =	sand.u32 @!p1 $0x7, s6;
	s7 =	sadd.s32 @!p1 s1, s7  }
0x10f: {  	[hbm4b:s7+s6] =	stream.linear.scatter @!p1 [tilespmem:s3], [sflag:$0x5], $0x1, $0x38;
	[tilespmem:$0x1320] =	vst v63  }
.LBB2_26:
0x110: {  	s0 =	sadd.s32 s0, s5  }
0x111: {  	s0 =	sshrl.u32 s0, $0x2  }
.LBB2_27:
0x112: {  	s1 =	simm.s32 $0x5  }
0x113: {  	_ =	swait.ge [sflag:s1], s0  }
0x114: {  	s28 =	ssub.s32 $0x0, s0;
	[sflag:s1] =	ssyncset.done $0x0  }
0x115: {  	[sflag:s1] =	ssyncadd.s32 s28  }
0x116: {  	[sflag:s1] =	ssyncpa.u1 $0x1  }
0x117: {  	s29 =	simm.s32 $0x1;
	_ =	sfence  }
0x118: {  	s30 =	simm.s32 $0x2;
	[sflag:s29] =	ssyncpa.u1 $0x1  }
0x119: {  	[sflag:s30] =	ssyncpa.u1 $0x1  }
0x11a: {  	_ =	strace $0x90000047  }
0x11b: {  	[bflag:$0x2] =	sbarrier.arrive $0xFFFF  }
0x11c: {  	s31 =	rddreg [dreg:$0x2]  }
0x11d: {  	s0 =	sadd.s32 $0x100000, s31  }
0x11e: {  	[sflag:s0] =	ssyncadd.tile.s32 $0x1;
	_ =	shalt  }
.Lfunc_end2:
_tile_overlayer_lowered:
.L_overlay_start_2:
0x11f: {  	(tag) =	ssettag $0x2  }
0x120: {  	s0 =	rddreg [dreg:$0x0];
	s2 =	stileid.u32  }
0x121: {  	s1 =	rddreg [dreg:$0x1];
	p0 =	sne.s32 s2, $0x0  }
0x122: {  	s3 =	rddreg [dreg:$0x2];
	[bflag:$0x3] =	sbarrier.arrive $0xFFFF;
	s2 =	simm.s32 @!p0 $0x1C01  }
0x123: {  	[timem:s3], [sflag:s2] =	dma.local @!p0 [hbm:s0], s1  }
0x124: {  	s0 =	simm.s32 @!p0 $0x1  }
0x125: {  	_ =	swait.ge @!p0 [sflag:s0], s1  }
0x126: {  	s1 =	ssub.s32 @!p0 $0x0, s1;
	[sflag:s0] =	ssyncset.done @!p0 $0x0  }
0x127: {  	[sflag:s0] =	ssyncadd.s32 @!p0 s1  }
0x128: {  	[bflag:$0x3] =	sbarrier.arrive $0xFFFF  }
0x129: {  	_ =	shalt  }

</sc_bundles>
